<compile_context>
chip_gen: v7x
topology: tpu7x:2x2x1
jax: 0.10.2.dev20260603
libtpu: 0.0.44.dev20260713+nightly
codegen_flags: <defaults>
</compile_context>

<pallas_src>
import jax
import jax.numpy as jnp
from jax import lax
from jax.experimental import pallas as pl
from jax.experimental.pallas import tpu as pltpu
from jax.experimental.pallas import tpu_sc as plsc

N = 50000
E = 800000
N8 = 51200
NT = N8 // 16
PT = 25600
EP = 32 * PT

K1 = 6400
K3 = 256
K5 = 3200
KS = 512
NB = 7
RNG = 12800
RPT = RNG // 16

_MESH = plsc.VectorSubcoreMesh(core_axis_name="c", subcore_axis_name="s",
                               num_cores=2, num_subcores=16)


def _wid():
    return lax.axis_index("s") * 2 + lax.axis_index("c")


def _iota16():
    return lax.iota(jnp.int32, 16)


def _lrelu(v):
    return jnp.where(v > 0, v, 0.2 * v)


def _p1_body(edge_ref, in0_ref, in1_ref, out0_ref, out1_ref,
             acc_in, acc_out, ones_v, src_v, dst_v, tmp_v):
    cid = lax.axis_index("c")
    sid = lax.axis_index("s")
    w = _wid()

    def fill(i, _):
        ones_v[pl.ds(i * 16, 16)] = jnp.ones((16,), jnp.float32)
        return 0
    lax.fori_loop(0, K1 // 16, fill, 0)

    def zfill(i, _):
        tmp_v[pl.ds(i * 16, 16)] = jnp.zeros((16,), jnp.float32)
        return 0
    lax.fori_loop(0, NT // 16, zfill, 0)

    pltpu.sync_copy(tmp_v, acc_in.at[pl.ds(sid * NT, NT)])
    pltpu.sync_copy(tmp_v, acc_out.at[pl.ds(sid * NT, NT)])
    plsc.subcore_barrier()

    def chunk(i, _):
        base = pl.multiple_of(w * PT + i * K1, 128)
        pltpu.sync_copy(edge_ref.at[0, pl.ds(base, K1)], src_v)
        pltpu.sync_copy(edge_ref.at[1, pl.ds(base, K1)], dst_v)
        pltpu.sync_copy(ones_v, acc_in.at[dst_v], add=True)
        pltpu.sync_copy(ones_v, acc_out.at[src_v], add=True)
        return 0
    lax.fori_loop(0, PT // K1, chunk, 0)
    plsc.subcore_barrier()

    pltpu.sync_copy(acc_in.at[pl.ds(sid * NT, NT)], tmp_v)

    @pl.when(cid == 0)
    def _():
        pltpu.sync_copy(tmp_v, in0_ref.at[pl.ds(sid * NT, NT)])

    @pl.when(cid == 1)
    def _():
        pltpu.sync_copy(tmp_v, in1_ref.at[pl.ds(sid * NT, NT)])
    pltpu.sync_copy(acc_out.at[pl.ds(sid * NT, NT)], tmp_v)

    @pl.when(cid == 0)
    def _():
        pltpu.sync_copy(tmp_v, out0_ref.at[pl.ds(sid * NT, NT)])

    @pl.when(cid == 1)
    def _():
        pltpu.sync_copy(tmp_v, out1_ref.at[pl.ds(sid * NT, NT)])


_p1 = pl.kernel(
    _p1_body, mesh=_MESH,
    out_type=[jax.ShapeDtypeStruct((N8,), jnp.float32)] * 4,
    scratch_types=[
        pltpu.VMEM_SHARED((N8,), jnp.float32),
        pltpu.VMEM_SHARED((N8,), jnp.float32),
        pltpu.VMEM((K1,), jnp.float32),
        pltpu.VMEM((K1,), jnp.int32),
        pltpu.VMEM((K1,), jnp.int32),
        pltpu.VMEM((NT,), jnp.float32),
    ],
)


def _gat_conv(x, src, dst, W, al, ar, b, H, D):
    feat = (x @ W).reshape(-1, H, D)
    el = jnp.sum(feat * al[None, :, :], axis=-1)
    er = jnp.sum(feat * ar[None, :, :], axis=-1)
    e = el[src] + er[dst]
    e = jnp.where(e > 0, e, 0.2 * e)
    emax = jax.ops.segment_max(e, dst, num_segments=N)
    ee = jnp.exp(e - emax[dst])
    denom = jax.ops.segment_sum(ee, dst, num_segments=N)
    alpha = ee / denom[dst]
    msg = feat[src] * alpha[:, :, None]
    out = jax.ops.segment_sum(msg, dst, num_segments=N)
    return out + b.reshape(1, H, D)


def kernel(edge_index, schedule, W1, al1, ar1, b1, W2, al2, ar2, b2,
           fc1_W, fc1_b, dir_tab, par_tab, fro_tab, ssg_tab,
           sW1, sb1, sW2, sb2, fW1, fb1, fW2, fb2, fW3, fb3):
    pad = jnp.full((2, EP - E), N, jnp.int32)
    edge_pad = jnp.concatenate([edge_index, pad], axis=1)
    in0, in1, out0, out1 = _p1(edge_pad)
    indeg = (in0 + in1 + 1.0)[:N]
    outdeg = (out0 + out1 + 1.0)[:N]
    src0 = edge_index[0]
    dst0 = edge_index[1]
    loops = jnp.arange(N, dtype=src0.dtype)
    src = jnp.concatenate([src0, loops])
    dst = jnp.concatenate([dst0, loops])
    h = jnp.stack([indeg, outdeg], axis=1)
    h = _gat_conv(h, src, dst, W1, al1, ar1, b1, 2, 64).reshape(N, 128)
    h = jax.nn.elu(h)
    h = _gat_conv(h, src, dst, W2, al2, ar2, b2, 1, 128).reshape(N, 128)
    h = jax.nn.elu(h)
    hg = jnp.mean(h, axis=0, keepdims=True)
    gfeat = hg @ fc1_W + fc1_b
    y = jnp.concatenate([
        dir_tab[schedule[:, 0]], par_tab[schedule[:, 1]],
        fro_tab[schedule[:, 2]], ssg_tab[schedule[:, 3]]], axis=1)
    y = jax.nn.relu(y @ sW1 + sb1) @ sW2 + sb2
    xy = jnp.concatenate([gfeat, y], axis=1)
    out = jax.nn.relu(xy @ fW1 + fb1)
    out = jax.nn.relu(out @ fW2 + fb2)
    return out @ fW3 + fb3

# --- scband reference (transcript-rebuilt; emitter-appended) ---
"""Pipeline reference for scband-auto-graph-model-gat-17514876633767 (READ-ONLY COPY).

The authoritative reference and input builder live on the scoring server;
editing this copy changes nothing except your own understanding.
"""

import jax, jax.numpy as jnp
import numpy as np

N = 50000
E = 800000


def setup_inputs(seed: int = 0) -> dict:
    key = jax.random.key(seed)
    ks = jax.random.split(key, 32)
    def p(i, shape, s=0.1):
        return jax.random.normal(ks[i], shape, dtype=jnp.float32) * s
    inp = {
        "edge_index": jax.random.randint(ks[0], (2, E), 0, N, dtype=jnp.int32),
        "schedule": jax.random.randint(ks[1], (1, 4), 0, 2, dtype=jnp.int32),
        # GATConv 1: in=2, out=64, heads=2
        "W1": p(2, (2, 128), 0.5),
        "al1": p(3, (2, 64)),
        "ar1": p(4, (2, 64)),
        "b1": jnp.zeros((128,), dtype=jnp.float32),
        # GATConv 2: in=128, out=128, heads=1
        "W2": p(5, (128, 128)),
        "al2": p(6, (1, 128)),
        "ar2": p(7, (1, 128)),
        "b2": jnp.zeros((128,), dtype=jnp.float32),
        # fc1
        "fc1_W": p(8, (128, 128)),
        "fc1_b": jnp.zeros((128,), dtype=jnp.float32),
        # schedule embedding tables
        "dir_tab": p(9, (5, 32), 1.0),
        "par_tab": p(10, (4, 32), 1.0),
        "fro_tab": p(11, (2, 32), 1.0),
        "ssg_tab": p(12, (5, 32), 1.0),
        # schedule_embedding MLP
        "sW1": p(13, (128, 128)),
        "sb1": jnp.zeros((128,), dtype=jnp.float32),
        "sW2": p(14, (128, 128)),
        "sb2": jnp.zeros((128,), dtype=jnp.float32),
        # final MLP
        "fW1": p(15, (256, 128)),
        "fb1": jnp.zeros((128,), dtype=jnp.float32),
        "fW2": p(16, (128, 64)),
        "fb2": jnp.zeros((64,), dtype=jnp.float32),
        "fW3": p(17, (64, 1)),
        "fb3": jnp.zeros((1,), dtype=jnp.float32),
    }
    return inp


def _gat_conv(x, src, dst, W, al, ar, b, H, D):
    feat = (x @ W).reshape(-1, H, D)              # [N, H, D]
    el = jnp.sum(feat * al[None, :, :], axis=-1)  # [N, H]
    er = jnp.sum(feat * ar[None, :, :], axis=-1)  # [N, H]
    e = el[src] + er[dst]                         # gather: [Etot, H]
    e = jnp.where(e > 0, e, 0.2 * e)              # LeakyReLU(0.2)
    emax = jax.ops.segment_max(e, dst, num_segments=N)
    ee = jnp.exp(e - emax[dst])
    denom = jax.ops.segment_sum(ee, dst, num_segments=N)
    alpha = ee / denom[dst]                       # edge softmax over incoming edges
    msg = feat[src] * alpha[:, :, None]           # gather + weight: [Etot, H, D]
    out = jax.ops.segment_sum(msg, dst, num_segments=N)  # scatter-add
    return out + b.reshape(1, H, D)


def reference(edge_index, schedule, W1, al1, ar1, b1, W2, al2, ar2, b2,
              fc1_W, fc1_b, dir_tab, par_tab, fro_tab, ssg_tab,
              sW1, sb1, sW2, sb2, fW1, fb1, fW2, fb2, fW3, fb3):
    src0 = edge_index[0]
    dst0 = edge_index[1]
    loops = jnp.arange(N, dtype=src0.dtype)
    src = jnp.concatenate([src0, loops])   # dgl.add_self_loop
    dst = jnp.concatenate([dst0, loops])
    indeg = jnp.bincount(dst, length=N).astype(jnp.float32)
    outdeg = jnp.bincount(src, length=N).astype(jnp.float32)
    h = jnp.stack([indeg, outdeg], axis=1)              # [N, 2]
    h = _gat_conv(h, src, dst, W1, al1, ar1, b1, 2, 64).reshape(N, 128)
    h = jax.nn.elu(h)
    h = _gat_conv(h, src, dst, W2, al2, ar2, b2, 1, 128).reshape(N, 128)
    h = jax.nn.elu(h)
    hg = jnp.mean(h, axis=0, keepdims=True)             # dgl.mean_nodes
    gfeat = hg @ fc1_W + fc1_b                          # [1, 128]
    y = jnp.concatenate([
        dir_tab[schedule[:, 0]],
        par_tab[schedule[:, 1]],
        fro_tab[schedule[:, 2]],
        ssg_tab[schedule[:, 3]],
    ], axis=1)                                          # [1, 128]
    y = jax.nn.relu(y @ sW1 + sb1) @ sW2 + sb2          # [1, 128]
    xy = jnp.concatenate([gfeat, y], axis=1)            # [1, 256]
    out = jax.nn.relu(xy @ fW1 + fb1)
    out = jax.nn.relu(out @ fW2 + fb2)
    out = out @ fW3 + fb3
    return out

if __name__ == "__main__":
    import jax
    _d = setup_inputs()
    print(jax.jit(kernel)(*tuple(_d.values())))

</pallas_src>

<mosaic_0001>
#map = affine_map<(d0, d1) -> (0, 0)>
#map1 = affine_map<(d0, d1) -> (0)>
module attributes {stable_mosaic.version = 14 : i64} {
  func.func @_p1_body(%arg0: i32, %arg1: i32, %arg2: memref<2x819200xi32, #tpu.memory_space<hbm>>, %arg3: memref<51200xf32, #tpu.memory_space<hbm>>, %arg4: memref<51200xf32, #tpu.memory_space<hbm>>, %arg5: memref<51200xf32, #tpu.memory_space<hbm>>, %arg6: memref<51200xf32, #tpu.memory_space<hbm>>, %arg7: memref<51200xf32, #tpu.memory_space<vmem_shared>>, %arg8: memref<51200xf32, #tpu.memory_space<vmem_shared>>, %arg9: memref<6400xf32, #tpu.memory_space<vmem>>, %arg10: memref<6400xi32, #tpu.memory_space<vmem>>, %arg11: memref<6400xi32, #tpu.memory_space<vmem>>, %arg12: memref<3200xf32, #tpu.memory_space<vmem>>) attributes {dimension_semantics = [#tpu.dimension_semantics<core_parallel>, #tpu.dimension_semantics<subcore_parallel>], iteration_bounds = array<i64: 2, 16>, scalar_prefetch = 0 : i64, scratch_operands = 6 : i64, tpu.core_type = #tpu.core_type<sc_vector_subcore>, window_params = [{transform_indices = #map}, {transform_indices = #map1}, {transform_indices = #map1}, {transform_indices = #map1}, {transform_indices = #map1}]} {
    %mul3A = arith.constant 2 : i32
    %mul3A_0 = arith.muli %arg1, %mul3A : i32
    %add3A = arith.addi %mul3A_0, %arg0 : i32
    %scan3A = arith.constant 0 : i32
    %scan3A_1 = arith.constant 0 : i32
    %scan3A_2 = arith.constant 400 : i32
    %scan3A_3 = arith.addi %scan3A_1, %scan3A_2 : i32
    %scan3A_4 = arith.constant 1 : i32
    %scan3A_5 = scf.for %scan3A_47 = %scan3A_1 to %scan3A_3 step %scan3A_4 iter_args(%scan3A_48 = %scan3A) -> (i32)  : i32 {
      %broadcast_in_dim3A = arith.constant 1.000000e+00 : f32
      %broadcast_in_dim3A_49 = vector.broadcast %broadcast_in_dim3A : f32 to vector<16xf32>
      %mul3A_50 = arith.constant 16 : i32
      %mul3A_51 = arith.muli %scan3A_47, %mul3A_50 : i32
      %swap3A = arith.index_cast %mul3A_51 : i32 to index
      %swap3A_52 = tpu.vector_load %arg9[%swap3A] {strides = array<i32>} : memref<6400xf32, #tpu.memory_space<vmem>>, vector<16xf32>,
      %swap3A_53 = vector.shape_cast %swap3A_52 : vector<16xf32> to vector<16xf32>
      %swap3A_54 = vector.shape_cast %broadcast_in_dim3A_49 : vector<16xf32> to vector<16xf32>
      tpu.vector_store %arg9[%swap3A], %swap3A_54 {strides = array<i32>} : memref<6400xf32, #tpu.memory_space<vmem>>, vector<16xf32>,
      %scan3A_55 = arith.constant 0 : i32
      scf.yield %scan3A_55 : i32
    }
    %scan3A_6 = arith.constant 400 : i32
    %scan3A_7 = arith.constant 0 : i32
    %scan3A_8 = arith.constant 0 : i32
    %scan3A_9 = arith.constant 200 : i32
    %scan3A_10 = arith.addi %scan3A_8, %scan3A_9 : i32
    %scan3A_11 = arith.constant 1 : i32
    %scan3A_12 = scf.for %scan3A_47 = %scan3A_8 to %scan3A_10 step %scan3A_11 iter_args(%scan3A_48 = %scan3A_7) -> (i32)  : i32 {
      %broadcast_in_dim3A = arith.constant 0.000000e+00 : f32
      %broadcast_in_dim3A_49 = vector.broadcast %broadcast_in_dim3A : f32 to vector<16xf32>
      %mul3A_50 = arith.constant 16 : i32
      %mul3A_51 = arith.muli %scan3A_47, %mul3A_50 : i32
      %swap3A = arith.index_cast %mul3A_51 : i32 to index
      %swap3A_52 = tpu.vector_load %arg12[%swap3A] {strides = array<i32>} : memref<3200xf32, #tpu.memory_space<vmem>>, vector<16xf32>,
      %swap3A_53 = vector.shape_cast %swap3A_52 : vector<16xf32> to vector<16xf32>
      %swap3A_54 = vector.shape_cast %broadcast_in_dim3A_49 : vector<16xf32> to vector<16xf32>
      tpu.vector_store %arg12[%swap3A], %swap3A_54 {strides = array<i32>} : memref<3200xf32, #tpu.memory_space<vmem>>, vector<16xf32>,
      %scan3A_55 = arith.constant 0 : i32
      scf.yield %scan3A_55 : i32
    }
    %scan3A_13 = arith.constant 200 : i32
    %mul3A_14 = arith.constant 3200 : i32
    %mul3A_15 = arith.muli %arg1, %mul3A_14 : i32
    "tpu.region"() ({
      %run_scoped3A = tpu.sem_alloc : memref<!tpu.dma_semaphore, #tpu.memory_space<semaphore_mem>>
      %dma_start3A = tpu.memref_slice %arg7[%mul3A_15] : memref<51200xf32, #tpu.memory_space<vmem_shared>> -> memref<3200xf32, #tpu.memory_space<vmem_shared>>
      %dma_start3A_47 = tpu.memref_slice %arg7[%mul3A_15] : memref<51200xf32, #tpu.memory_space<vmem_shared>> -> memref<3200xf32, #tpu.memory_space<vmem_shared>>
      tpu.enqueue_dma source(%arg12 : memref<3200xf32, #tpu.memory_space<vmem>>) target(%dma_start3A_47 : memref<3200xf32, #tpu.memory_space<vmem_shared>>) target_semaphore(%run_scoped3A : memref<!tpu.dma_semaphore, #tpu.memory_space<semaphore_mem>>)
      %dma_wait3A = tpu.memref_slice %arg7[%mul3A_15] : memref<51200xf32, #tpu.memory_space<vmem_shared>> -> memref<3200xf32, #tpu.memory_space<vmem_shared>>
      %dma_wait3A_48 = tpu.memref_slice %arg7[%mul3A_15] : memref<51200xf32, #tpu.memory_space<vmem_shared>> -> memref<3200xf32, #tpu.memory_space<vmem_shared>>
      tpu.wait_dma2 semaphore(%run_scoped3A : memref<!tpu.dma_semaphore, #tpu.memory_space<semaphore_mem>>) src(%arg12 : memref<3200xf32, #tpu.memory_space<vmem>>) dst(%dma_wait3A_48 : memref<3200xf32, #tpu.memory_space<vmem_shared>>)
      tpu.yield
    }) : () -> ()
    %mul3A_16 = arith.constant 3200 : i32
    %mul3A_17 = arith.muli %arg1, %mul3A_16 : i32
    "tpu.region"() ({
      %run_scoped3A = tpu.sem_alloc : memref<!tpu.dma_semaphore, #tpu.memory_space<semaphore_mem>>
      %dma_start3A = tpu.memref_slice %arg8[%mul3A_17] : memref<51200xf32, #tpu.memory_space<vmem_shared>> -> memref<3200xf32, #tpu.memory_space<vmem_shared>>
      %dma_start3A_47 = tpu.memref_slice %arg8[%mul3A_17] : memref<51200xf32, #tpu.memory_space<vmem_shared>> -> memref<3200xf32, #tpu.memory_space<vmem_shared>>
      tpu.enqueue_dma source(%arg12 : memref<3200xf32, #tpu.memory_space<vmem>>) target(%dma_start3A_47 : memref<3200xf32, #tpu.memory_space<vmem_shared>>) target_semaphore(%run_scoped3A : memref<!tpu.dma_semaphore, #tpu.memory_space<semaphore_mem>>)
      %dma_wait3A = tpu.memref_slice %arg8[%mul3A_17] : memref<51200xf32, #tpu.memory_space<vmem_shared>> -> memref<3200xf32, #tpu.memory_space<vmem_shared>>
      %dma_wait3A_48 = tpu.memref_slice %arg8[%mul3A_17] : memref<51200xf32, #tpu.memory_space<vmem_shared>> -> memref<3200xf32, #tpu.memory_space<vmem_shared>>
      tpu.wait_dma2 semaphore(%run_scoped3A : memref<!tpu.dma_semaphore, #tpu.memory_space<semaphore_mem>>) src(%arg12 : memref<3200xf32, #tpu.memory_space<vmem>>) dst(%dma_wait3A_48 : memref<3200xf32, #tpu.memory_space<vmem_shared>>)
      tpu.yield
    }) : () -> ()
    %barrier3A = arith.constant 0 : index
    tpu.barrier barrier_id(%barrier3A)
    %scan3A_18 = arith.constant 0 : i32
    %scan3A_19 = arith.constant 0 : i32
    %scan3A_20 = arith.constant 4 : i32
    %scan3A_21 = arith.addi %scan3A_19, %scan3A_20 : i32
    %scan3A_22 = arith.constant 1 : i32
    %scan3A_23 = scf.for %scan3A_47 = %scan3A_19 to %scan3A_21 step %scan3A_22 iter_args(%scan3A_48 = %scan3A_18) -> (i32)  : i32 {
      %mul3A_49 = arith.constant 25600 : i32
      %mul3A_50 = arith.muli %add3A, %mul3A_49 : i32
      %mul3A_51 = arith.constant 6400 : i32
      %mul3A_52 = arith.muli %scan3A_47, %mul3A_51 : i32
      %add3A_53 = arith.addi %mul3A_50, %mul3A_52 : i32
      %multiple_of3A = tpu.assume_multiple %add3A_53, 128 : i32
      %run_scoped3A = arith.constant 0 : i32
      "tpu.region"() ({
        %run_scoped3A_56 = tpu.sem_alloc : memref<!tpu.dma_semaphore, #tpu.memory_space<semaphore_mem>>
        %dma_start3A = tpu.memref_slice %arg2[%run_scoped3A, %multiple_of3A] : memref<2x819200xi32, #tpu.memory_space<hbm>> -> memref<1x6400xi32, #tpu.memory_space<hbm>>
        %dma_start3A_57 = tpu.memref_squeeze %dma_start3A : memref<1x6400xi32, #tpu.memory_space<hbm>> -> memref<6400xi32, #tpu.memory_space<hbm>>
        %dma_start3A_58 = tpu.memref_slice %arg2[%run_scoped3A, %multiple_of3A] : memref<2x819200xi32, #tpu.memory_space<hbm>> -> memref<1x6400xi32, #tpu.memory_space<hbm>>
        %dma_start3A_59 = tpu.memref_squeeze %dma_start3A_58 : memref<1x6400xi32, #tpu.memory_space<hbm>> -> memref<6400xi32, #tpu.memory_space<hbm>>
        tpu.enqueue_dma source(%dma_start3A_59 : memref<6400xi32, #tpu.memory_space<hbm>>) target(%arg10 : memref<6400xi32, #tpu.memory_space<vmem>>) target_semaphore(%run_scoped3A_56 : memref<!tpu.dma_semaphore, #tpu.memory_space<semaphore_mem>>)
        %dma_wait3A = tpu.memref_slice %arg2[%run_scoped3A, %multiple_of3A] : memref<2x819200xi32, #tpu.memory_space<hbm>> -> memref<1x6400xi32, #tpu.memory_space<hbm>>
        %dma_wait3A_60 = tpu.memref_squeeze %dma_wait3A : memref<1x6400xi32, #tpu.memory_space<hbm>> -> memref<6400xi32, #tpu.memory_space<hbm>>
        %dma_wait3A_61 = tpu.memref_slice %arg2[%run_scoped3A, %multiple_of3A] : memref<2x819200xi32, #tpu.memory_space<hbm>> -> memref<1x6400xi32, #tpu.memory_space<hbm>>
        %dma_wait3A_62 = tpu.memref_squeeze %dma_wait3A_61 : memref<1x6400xi32, #tpu.memory_space<hbm>> -> memref<6400xi32, #tpu.memory_space<hbm>>
        tpu.wait_dma2 semaphore(%run_scoped3A_56 : memref<!tpu.dma_semaphore, #tpu.memory_space<semaphore_mem>>) src(%dma_wait3A_62 : memref<6400xi32, #tpu.memory_space<hbm>>) dst(%arg10 : memref<6400xi32, #tpu.memory_space<vmem>>)
        tpu.yield
      }) : () -> ()
      %run_scoped3A_54 = arith.constant 1 : i32
      "tpu.region"() ({
        %run_scoped3A_56 = tpu.sem_alloc : memref<!tpu.dma_semaphore, #tpu.memory_space<semaphore_mem>>
        %dma_start3A = tpu.memref_slice %arg2[%run_scoped3A_54, %multiple_of3A] : memref<2x819200xi32, #tpu.memory_space<hbm>> -> memref<1x6400xi32, #tpu.memory_space<hbm>>
        %dma_start3A_57 = tpu.memref_squeeze %dma_start3A : memref<1x6400xi32, #tpu.memory_space<hbm>> -> memref<6400xi32, #tpu.memory_space<hbm>>
        %dma_start3A_58 = tpu.memref_slice %arg2[%run_scoped3A_54, %multiple_of3A] : memref<2x819200xi32, #tpu.memory_space<hbm>> -> memref<1x6400xi32, #tpu.memory_space<hbm>>
        %dma_start3A_59 = tpu.memref_squeeze %dma_start3A_58 : memref<1x6400xi32, #tpu.memory_space<hbm>> -> memref<6400xi32, #tpu.memory_space<hbm>>
        tpu.enqueue_dma source(%dma_start3A_59 : memref<6400xi32, #tpu.memory_space<hbm>>) target(%arg11 : memref<6400xi32, #tpu.memory_space<vmem>>) target_semaphore(%run_scoped3A_56 : memref<!tpu.dma_semaphore, #tpu.memory_space<semaphore_mem>>)
        %dma_wait3A = tpu.memref_slice %arg2[%run_scoped3A_54, %multiple_of3A] : memref<2x819200xi32, #tpu.memory_space<hbm>> -> memref<1x6400xi32, #tpu.memory_space<hbm>>
        %dma_wait3A_60 = tpu.memref_squeeze %dma_wait3A : memref<1x6400xi32, #tpu.memory_space<hbm>> -> memref<6400xi32, #tpu.memory_space<hbm>>
        %dma_wait3A_61 = tpu.memref_slice %arg2[%run_scoped3A_54, %multiple_of3A] : memref<2x819200xi32, #tpu.memory_space<hbm>> -> memref<1x6400xi32, #tpu.memory_space<hbm>>
        %dma_wait3A_62 = tpu.memref_squeeze %dma_wait3A_61 : memref<1x6400xi32, #tpu.memory_space<hbm>> -> memref<6400xi32, #tpu.memory_space<hbm>>
        tpu.wait_dma2 semaphore(%run_scoped3A_56 : memref<!tpu.dma_semaphore, #tpu.memory_space<semaphore_mem>>) src(%dma_wait3A_62 : memref<6400xi32, #tpu.memory_space<hbm>>) dst(%arg11 : memref<6400xi32, #tpu.memory_space<vmem>>)
        tpu.yield
      }) : () -> ()
      "tpu.region"() ({
        %run_scoped3A_56 = tpu.sem_alloc : memref<!tpu.dma_semaphore, #tpu.memory_space<semaphore_mem>>
        %dma_start3A = arith.constant 0 : i32
        %dma_start3A_57 = tpu.memref_slice %arg7[%dma_start3A] : memref<51200xf32, #tpu.memory_space<vmem_shared>> -> memref<51200xf32, #tpu.memory_space<vmem_shared>>
        tpu.enqueue_indirect_dma source(%arg9 : memref<6400xf32, #tpu.memory_space<vmem>>) target(%dma_start3A_57 : memref<51200xf32, #tpu.memory_space<vmem_shared>>) offsets(%arg11 : memref<6400xi32, #tpu.memory_space<vmem>>) semaphore(%run_scoped3A_56 : memref<!tpu.dma_semaphore, #tpu.memory_space<semaphore_mem>>) {add = true}
        %dma_wait3A = arith.constant 0 : i32
        %dma_wait3A_58 = tpu.memref_slice %arg7[%dma_wait3A] : memref<51200xf32, #tpu.memory_space<vmem_shared>> -> memref<51200xf32, #tpu.memory_space<vmem_shared>>
        tpu.wait_indirect_dma semaphore(%run_scoped3A_56 : memref<!tpu.dma_semaphore, #tpu.memory_space<semaphore_mem>>) src(%arg9 : memref<6400xf32, #tpu.memory_space<vmem>>) dst(%dma_wait3A_58 : memref<51200xf32, #tpu.memory_space<vmem_shared>>)
        tpu.yield
      }) : () -> ()
      "tpu.region"() ({
        %run_scoped3A_56 = tpu.sem_alloc : memref<!tpu.dma_semaphore, #tpu.memory_space<semaphore_mem>>
        %dma_start3A = arith.constant 0 : i32
        %dma_start3A_57 = tpu.memref_slice %arg8[%dma_start3A] : memref<51200xf32, #tpu.memory_space<vmem_shared>> -> memref<51200xf32, #tpu.memory_space<vmem_shared>>
        tpu.enqueue_indirect_dma source(%arg9 : memref<6400xf32, #tpu.memory_space<vmem>>) target(%dma_start3A_57 : memref<51200xf32, #tpu.memory_space<vmem_shared>>) offsets(%arg10 : memref<6400xi32, #tpu.memory_space<vmem>>) semaphore(%run_scoped3A_56 : memref<!tpu.dma_semaphore, #tpu.memory_space<semaphore_mem>>) {add = true}
        %dma_wait3A = arith.constant 0 : i32
        %dma_wait3A_58 = tpu.memref_slice %arg8[%dma_wait3A] : memref<51200xf32, #tpu.memory_space<vmem_shared>> -> memref<51200xf32, #tpu.memory_space<vmem_shared>>
        tpu.wait_indirect_dma semaphore(%run_scoped3A_56 : memref<!tpu.dma_semaphore, #tpu.memory_space<semaphore_mem>>) src(%arg9 : memref<6400xf32, #tpu.memory_space<vmem>>) dst(%dma_wait3A_58 : memref<51200xf32, #tpu.memory_space<vmem_shared>>)
        tpu.yield
      }) : () -> ()
      %scan3A_55 = arith.constant 0 : i32
      scf.yield %scan3A_55 : i32
    }
    %scan3A_24 = arith.constant 4 : i32
    %barrier3A_25 = arith.constant 0 : index
    tpu.barrier barrier_id(%barrier3A_25)
    %mul3A_26 = arith.constant 3200 : i32
    %mul3A_27 = arith.muli %arg1, %mul3A_26 : i32
    "tpu.region"() ({
      %run_scoped3A = tpu.sem_alloc : memref<!tpu.dma_semaphore, #tpu.memory_space<semaphore_mem>>
      %dma_start3A = tpu.memref_slice %arg7[%mul3A_27] : memref<51200xf32, #tpu.memory_space<vmem_shared>> -> memref<3200xf32, #tpu.memory_space<vmem_shared>>
      %dma_start3A_47 = tpu.memref_slice %arg7[%mul3A_27] : memref<51200xf32, #tpu.memory_space<vmem_shared>> -> memref<3200xf32, #tpu.memory_space<vmem_shared>>
      tpu.enqueue_dma source(%dma_start3A_47 : memref<3200xf32, #tpu.memory_space<vmem_shared>>) target(%arg12 : memref<3200xf32, #tpu.memory_space<vmem>>) target_semaphore(%run_scoped3A : memref<!tpu.dma_semaphore, #tpu.memory_space<semaphore_mem>>)
      %dma_wait3A = tpu.memref_slice %arg7[%mul3A_27] : memref<51200xf32, #tpu.memory_space<vmem_shared>> -> memref<3200xf32, #tpu.memory_space<vmem_shared>>
      %dma_wait3A_48 = tpu.memref_slice %arg7[%mul3A_27] : memref<51200xf32, #tpu.memory_space<vmem_shared>> -> memref<3200xf32, #tpu.memory_space<vmem_shared>>
      tpu.wait_dma2 semaphore(%run_scoped3A : memref<!tpu.dma_semaphore, #tpu.memory_space<semaphore_mem>>) src(%dma_wait3A_48 : memref<3200xf32, #tpu.memory_space<vmem_shared>>) dst(%arg12 : memref<3200xf32, #tpu.memory_space<vmem>>)
      tpu.yield
    }) : () -> ()
    %eq3A = arith.constant 0 : i32
    %eq3A_28 = arith.cmpi eq, %arg0, %eq3A : i32
    %convert_element_type3A = arith.extui %eq3A_28 : i1 to i32
    %cond3A = arith.constant 0 : i32
    %cond3A_29 = arith.cmpi ne, %convert_element_type3A, %cond3A : i32
    scf.if %cond3A_29 {
      %mul3A_47 = arith.constant 3200 : i32
      %mul3A_48 = arith.muli %arg1, %mul3A_47 : i32
      "tpu.region"() ({
        %run_scoped3A = tpu.sem_alloc : memref<!tpu.dma_semaphore, #tpu.memory_space<semaphore_mem>>
        %dma_start3A = tpu.memref_slice %arg3[%mul3A_48] : memref<51200xf32, #tpu.memory_space<hbm>> -> memref<3200xf32, #tpu.memory_space<hbm>>
        %dma_start3A_49 = tpu.memref_slice %arg3[%mul3A_48] : memref<51200xf32, #tpu.memory_space<hbm>> -> memref<3200xf32, #tpu.memory_space<hbm>>
        tpu.enqueue_dma source(%arg12 : memref<3200xf32, #tpu.memory_space<vmem>>) target(%dma_start3A_49 : memref<3200xf32, #tpu.memory_space<hbm>>) target_semaphore(%run_scoped3A : memref<!tpu.dma_semaphore, #tpu.memory_space<semaphore_mem>>)
        %dma_wait3A = tpu.memref_slice %arg3[%mul3A_48] : memref<51200xf32, #tpu.memory_space<hbm>> -> memref<3200xf32, #tpu.memory_space<hbm>>
        %dma_wait3A_50 = tpu.memref_slice %arg3[%mul3A_48] : memref<51200xf32, #tpu.memory_space<hbm>> -> memref<3200xf32, #tpu.memory_space<hbm>>
        tpu.wait_dma2 semaphore(%run_scoped3A : memref<!tpu.dma_semaphore, #tpu.memory_space<semaphore_mem>>) src(%arg12 : memref<3200xf32, #tpu.memory_space<vmem>>) dst(%dma_wait3A_50 : memref<3200xf32, #tpu.memory_space<hbm>>)
        tpu.yield
      }) : () -> ()
    } else {
    }
    %eq3A_30 = arith.constant 1 : i32
    %eq3A_31 = arith.cmpi eq, %arg0, %eq3A_30 : i32
    %convert_element_type3A_32 = arith.extui %eq3A_31 : i1 to i32
    %cond3A_33 = arith.constant 0 : i32
    %cond3A_34 = arith.cmpi ne, %convert_element_type3A_32, %cond3A_33 : i32
    scf.if %cond3A_34 {
      %mul3A_47 = arith.constant 3200 : i32
      %mul3A_48 = arith.muli %arg1, %mul3A_47 : i32
      "tpu.region"() ({
        %run_scoped3A = tpu.sem_alloc : memref<!tpu.dma_semaphore, #tpu.memory_space<semaphore_mem>>
        %dma_start3A = tpu.memref_slice %arg4[%mul3A_48] : memref<51200xf32, #tpu.memory_space<hbm>> -> memref<3200xf32, #tpu.memory_space<hbm>>
        %dma_start3A_49 = tpu.memref_slice %arg4[%mul3A_48] : memref<51200xf32, #tpu.memory_space<hbm>> -> memref<3200xf32, #tpu.memory_space<hbm>>
        tpu.enqueue_dma source(%arg12 : memref<3200xf32, #tpu.memory_space<vmem>>) target(%dma_start3A_49 : memref<3200xf32, #tpu.memory_space<hbm>>) target_semaphore(%run_scoped3A : memref<!tpu.dma_semaphore, #tpu.memory_space<semaphore_mem>>)
        %dma_wait3A = tpu.memref_slice %arg4[%mul3A_48] : memref<51200xf32, #tpu.memory_space<hbm>> -> memref<3200xf32, #tpu.memory_space<hbm>>
        %dma_wait3A_50 = tpu.memref_slice %arg4[%mul3A_48] : memref<51200xf32, #tpu.memory_space<hbm>> -> memref<3200xf32, #tpu.memory_space<hbm>>
        tpu.wait_dma2 semaphore(%run_scoped3A : memref<!tpu.dma_semaphore, #tpu.memory_space<semaphore_mem>>) src(%arg12 : memref<3200xf32, #tpu.memory_space<vmem>>) dst(%dma_wait3A_50 : memref<3200xf32, #tpu.memory_space<hbm>>)
        tpu.yield
      }) : () -> ()
    } else {
    }
    %mul3A_35 = arith.constant 3200 : i32
    %mul3A_36 = arith.muli %arg1, %mul3A_35 : i32
    "tpu.region"() ({
      %run_scoped3A = tpu.sem_alloc : memref<!tpu.dma_semaphore, #tpu.memory_space<semaphore_mem>>
      %dma_start3A = tpu.memref_slice %arg8[%mul3A_36] : memref<51200xf32, #tpu.memory_space<vmem_shared>> -> memref<3200xf32, #tpu.memory_space<vmem_shared>>
      %dma_start3A_47 = tpu.memref_slice %arg8[%mul3A_36] : memref<51200xf32, #tpu.memory_space<vmem_shared>> -> memref<3200xf32, #tpu.memory_space<vmem_shared>>
      tpu.enqueue_dma source(%dma_start3A_47 : memref<3200xf32, #tpu.memory_space<vmem_shared>>) target(%arg12 : memref<3200xf32, #tpu.memory_space<vmem>>) target_semaphore(%run_scoped3A : memref<!tpu.dma_semaphore, #tpu.memory_space<semaphore_mem>>)
      %dma_wait3A = tpu.memref_slice %arg8[%mul3A_36] : memref<51200xf32, #tpu.memory_space<vmem_shared>> -> memref<3200xf32, #tpu.memory_space<vmem_shared>>
      %dma_wait3A_48 = tpu.memref_slice %arg8[%mul3A_36] : memref<51200xf32, #tpu.memory_space<vmem_shared>> -> memref<3200xf32, #tpu.memory_space<vmem_shared>>
      tpu.wait_dma2 semaphore(%run_scoped3A : memref<!tpu.dma_semaphore, #tpu.memory_space<semaphore_mem>>) src(%dma_wait3A_48 : memref<3200xf32, #tpu.memory_space<vmem_shared>>) dst(%arg12 : memref<3200xf32, #tpu.memory_space<vmem>>)
      tpu.yield
    }) : () -> ()
    %eq3A_37 = arith.constant 0 : i32
    %eq3A_38 = arith.cmpi eq, %arg0, %eq3A_37 : i32
    %convert_element_type3A_39 = arith.extui %eq3A_38 : i1 to i32
    %cond3A_40 = arith.constant 0 : i32
    %cond3A_41 = arith.cmpi ne, %convert_element_type3A_39, %cond3A_40 : i32
    scf.if %cond3A_41 {
      %mul3A_47 = arith.constant 3200 : i32
      %mul3A_48 = arith.muli %arg1, %mul3A_47 : i32
      "tpu.region"() ({
        %run_scoped3A = tpu.sem_alloc : memref<!tpu.dma_semaphore, #tpu.memory_space<semaphore_mem>>
        %dma_start3A = tpu.memref_slice %arg5[%mul3A_48] : memref<51200xf32, #tpu.memory_space<hbm>> -> memref<3200xf32, #tpu.memory_space<hbm>>
        %dma_start3A_49 = tpu.memref_slice %arg5[%mul3A_48] : memref<51200xf32, #tpu.memory_space<hbm>> -> memref<3200xf32, #tpu.memory_space<hbm>>
        tpu.enqueue_dma source(%arg12 : memref<3200xf32, #tpu.memory_space<vmem>>) target(%dma_start3A_49 : memref<3200xf32, #tpu.memory_space<hbm>>) target_semaphore(%run_scoped3A : memref<!tpu.dma_semaphore, #tpu.memory_space<semaphore_mem>>)
        %dma_wait3A = tpu.memref_slice %arg5[%mul3A_48] : memref<51200xf32, #tpu.memory_space<hbm>> -> memref<3200xf32, #tpu.memory_space<hbm>>
        %dma_wait3A_50 = tpu.memref_slice %arg5[%mul3A_48] : memref<51200xf32, #tpu.memory_space<hbm>> -> memref<3200xf32, #tpu.memory_space<hbm>>
        tpu.wait_dma2 semaphore(%run_scoped3A : memref<!tpu.dma_semaphore, #tpu.memory_space<semaphore_mem>>) src(%arg12 : memref<3200xf32, #tpu.memory_space<vmem>>) dst(%dma_wait3A_50 : memref<3200xf32, #tpu.memory_space<hbm>>)
        tpu.yield
      }) : () -> ()
    } else {
    }
    %eq3A_42 = arith.constant 1 : i32
    %eq3A_43 = arith.cmpi eq, %arg0, %eq3A_42 : i32
    %convert_element_type3A_44 = arith.extui %eq3A_43 : i1 to i32
    %cond3A_45 = arith.constant 0 : i32
    %cond3A_46 = arith.cmpi ne, %convert_element_type3A_44, %cond3A_45 : i32
    scf.if %cond3A_46 {
      %mul3A_47 = arith.constant 3200 : i32
      %mul3A_48 = arith.muli %arg1, %mul3A_47 : i32
      "tpu.region"() ({
        %run_scoped3A = tpu.sem_alloc : memref<!tpu.dma_semaphore, #tpu.memory_space<semaphore_mem>>
        %dma_start3A = tpu.memref_slice %arg6[%mul3A_48] : memref<51200xf32, #tpu.memory_space<hbm>> -> memref<3200xf32, #tpu.memory_space<hbm>>
        %dma_start3A_49 = tpu.memref_slice %arg6[%mul3A_48] : memref<51200xf32, #tpu.memory_space<hbm>> -> memref<3200xf32, #tpu.memory_space<hbm>>
        tpu.enqueue_dma source(%arg12 : memref<3200xf32, #tpu.memory_space<vmem>>) target(%dma_start3A_49 : memref<3200xf32, #tpu.memory_space<hbm>>) target_semaphore(%run_scoped3A : memref<!tpu.dma_semaphore, #tpu.memory_space<semaphore_mem>>)
        %dma_wait3A = tpu.memref_slice %arg6[%mul3A_48] : memref<51200xf32, #tpu.memory_space<hbm>> -> memref<3200xf32, #tpu.memory_space<hbm>>
        %dma_wait3A_50 = tpu.memref_slice %arg6[%mul3A_48] : memref<51200xf32, #tpu.memory_space<hbm>> -> memref<3200xf32, #tpu.memory_space<hbm>>
        tpu.wait_dma2 semaphore(%run_scoped3A : memref<!tpu.dma_semaphore, #tpu.memory_space<semaphore_mem>>) src(%arg12 : memref<3200xf32, #tpu.memory_space<vmem>>) dst(%dma_wait3A_50 : memref<3200xf32, #tpu.memory_space<hbm>>)
        tpu.yield
      }) : () -> ()
    } else {
    }
    return
  }
}

</mosaic_0001>

<sc_bundles>
// kernel: kernel.3.cloned.1.call-start
scs
__scs_entry_jumppad:
0x0: {  	(pc) =	sbr.rel $0x88, $3  }
0x1: {  	(tag) =	ssettag $0x0;
	lr =	simm.s32 $0x1  }
0x2: {  	[smem:$0x3F87] =	sst lr;
	_ =	strace $0xD0000000  }
0x3: {  	_ = 	snop  }
0x4: {  	_ = 	snop  }
0x5: {  	_ = 	snop  }
0x6: {  	_ = 	snop  }
0x7: {  	_ = 	snop  }
__scs_overlays_trampoline_lowered:
0x8: {  	[smem:$0x3F96] =	sst s0  }
0x9: {  	[smem:$0x3F97] =	sst s1  }
0xa: {  	[smem:$0x3F98] =	sst s2  }
0xb: {  	[smem:$0x3F99] =	sst s3  }
0xc: {  	[smem:$0x3F9A] =	sst s4  }
0xd: {  	[smem:$0x3F9B] =	sst s5  }
0xe: {  	[smem:$0x3F9C] =	sst s6  }
0xf: {  	[smem:$0x3F9D] =	sst s7  }
0x10: {  	[smem:$0x3F9E] =	sst s8  }
0x11: {  	[smem:$0x3F9F] =	sst s9;
	s0 =	simm.s32 @!p0 $0x0  }
0x12: {  	s1 =	sld [smem:$0x3F85];
	s0 =	simm.s32 @p0 $0x1  }
0x13: {  	[smem:$0x3FA0] =	sst s0;
	s0 =	simm.s32 @!p1 $0x0  }
0x14: {  	s2 =	sld [smem:$0x3F84];
	s0 =	simm.s32 @p1 $0x1  }
0x15: {  	[smem:$0x3FA1] =	sst s0;
	s0 =	simm.s32 @!p2 $0x0  }
0x16: {  	s3 =	sld [smem:$0x3FDB];
	s0 =	simm.s32 @p2 $0x1  }
0x17: {  	s4 =	simm.s32 $0x1BF5;
	[smem:$0x3FA3] =	sst s0  }
0x18: {  	s0 =	sld [smem:$0x3F86];
	_ =	swait.ge [sflag:s4], $0x0  }
0x19: {  	s7 =	sld [smem:$0x3F87]  }
0x1a: {  	s8 =	sadd.s32 $0xFFFFE003, lr  }
0x1b: {  	s9 =	sadd.s32 $0xFFFFFEF7, lr;
	s5 =	simm.s32 $0xFFFFFFFF;
	p2 =	slt.u32 s8, $0xFFFFF086  }
0x1c: {  	p1 =	slt.u32 s9, $0xF7A;
	s5 =	simm.s32 @!p2 $0x0  }
0x1d: {  	s5 =	simm.s32 @p1 $0x1;
	p0 =	seq.s32 s7, s2  }
0x1e: {  	s7 =	smul.u32 @!p0 $0xF7A, s2;
	p2 =	seq.s32 @!p0 s5, $0x0  }
0x1f: {  	s9 =	smul.u32 $0xF7A, s1;
	s8 =	simm.s32 @!p0 $0x1BF5;
	p2 =	por !p2, p0  }
0x20: {  	[sflag:s8] =	ssyncset.s32 @!p0 $0xFFFFF086;
	s6 =	sadd.s32 @!p0 s3, s7;
	s7 =	simm.s32 @!p0 $0x108  }
0x21: {  	s3 =	sadd.s32 s3, s9;
	s6 =	sadd.s32 @!p0 $0x88, s6;
	s7 =	simm.s32 @p2 $0x1082  }
0x22: {  	[simem:s7], [sflag:s8] =	dma.local @!p0 [hbm:s6], $0xF7A  }
0x23: {  	s9 =	sor.u32 $0xD0000000, s2;
	s6 =	simm.s32 $0x108;
	_ =	swait.ge @!p0 [sflag:s8], $0x0  }
0x24: {  	s3 =	sadd.s32 $0x88, s3;
	s6 =	simm.s32 @!p1 $0x1082;
	[sflag:s4] =	ssyncset.s32 $0xFFFFF086  }
0x25: {  	[simem:s6], [sflag:s4] =	dma.local [hbm:s3], $0xF7A  }
0x26: {  	[smem:$0x3F87] =	sst s1;
	(tag) =	ssettag s2;
	_ =	strace s9  }
0x27: {  	s1 =	sld [smem:$0x3F97]  }
0x28: {  	s2 =	sld [smem:$0x3F98]  }
0x29: {  	s4 =	sld [smem:$0x3F9A]  }
0x2a: {  	p0 =	seq.s32 s5, $0x0;
	s5 =	sld [smem:$0x3F9B]  }
0x2b: {  	s6 =	sld [smem:$0x3F9C]  }
0x2c: {  	s7 =	sld [smem:$0x3F9D]  }
0x2d: {  	s3 =	simm.s32 $0x108;
	s8 =	sld [smem:$0x3F9E]  }
0x2e: {  	s3 =	simm.s32 @!p0 $0x1082;
	s9 =	sld [smem:$0x3F9F]  }
0x2f: {  	lr =	sadd.s32 s0, s3;
	s0 =	sld [smem:$0x3F96]  }
0x30: {  	s3 =	sld [smem:$0x3F99]  }
0x31: {  	[smem:$0x3FA2] =	sst s10  }
0x32: {  	s10 =	sld [smem:$0x3FA0];
	_ =	sdelay $0x3  }
0x33: {  	p0 =	seq.s32 s10, $0x1;
	s10 =	sld [smem:$0x3FA2];
	_ =	sdelay $0x3  }
0x34: {  	[smem:$0x3FA2] =	sst s10  }
0x35: {  	s10 =	sld [smem:$0x3FA1];
	_ =	sdelay $0x3  }
0x36: {  	p1 =	seq.s32 s10, $0x1;
	s10 =	sld [smem:$0x3FA2];
	_ =	sdelay $0x3  }
0x37: {  	[smem:$0x3FA2] =	sst s10  }
0x38: {  	s10 =	sld [smem:$0x3FA3]  }
0x39: {  	_ = 	snop;
	(pc) =	sbr.ind lr, $3  }
0x3a: {  	_ = 	snop  }
0x3b: {  	_ = 	snop  }
0x3c: {  	p2 =	seq.s32 s10, $0x1;
	s10 =	sld [smem:$0x3FA2]  }
0x3d: {  	_ =	shalt  }
0x3e: {  	_ =	shalt  }
0x3f: {  	_ =	shalt  }
0x40: {  	_ =	shalt  }
0x41: {  	_ =	shalt  }
0x42: {  	_ =	shalt  }
0x43: {  	_ =	shalt  }
0x44: {  	_ =	shalt  }
0x45: {  	_ =	shalt  }
0x46: {  	_ =	shalt  }
0x47: {  	_ =	shalt  }
0x48: {  	_ =	shalt  }
0x49: {  	_ =	shalt  }
0x4a: {  	_ =	shalt  }
0x4b: {  	_ =	shalt  }
0x4c: {  	_ =	shalt  }
0x4d: {  	_ =	shalt  }
0x4e: {  	_ =	shalt  }
0x4f: {  	_ =	shalt  }
0x50: {  	_ =	shalt  }
0x51: {  	_ =	shalt  }
0x52: {  	_ =	shalt  }
0x53: {  	_ =	shalt  }
0x54: {  	_ =	shalt  }
0x55: {  	_ =	shalt  }
0x56: {  	_ =	shalt  }
0x57: {  	_ =	shalt  }
0x58: {  	_ =	shalt  }
0x59: {  	_ =	shalt  }
0x5a: {  	_ =	shalt  }
0x5b: {  	_ =	shalt  }
0x5c: {  	_ =	shalt  }
0x5d: {  	_ =	shalt  }
0x5e: {  	_ =	shalt  }
0x5f: {  	_ =	shalt  }
0x60: {  	_ =	shalt  }
0x61: {  	_ =	shalt  }
0x62: {  	_ =	shalt  }
0x63: {  	_ =	shalt  }
0x64: {  	_ =	shalt  }
0x65: {  	_ =	shalt  }
0x66: {  	_ =	shalt  }
0x67: {  	_ =	shalt  }
0x68: {  	_ =	shalt  }
0x69: {  	_ =	shalt  }
0x6a: {  	_ =	shalt  }
0x6b: {  	_ =	shalt  }
0x6c: {  	_ =	shalt  }
0x6d: {  	_ =	shalt  }
0x6e: {  	_ =	shalt  }
0x6f: {  	_ =	shalt  }
0x70: {  	_ =	shalt  }
0x71: {  	_ =	shalt  }
0x72: {  	_ =	shalt  }
0x73: {  	_ =	shalt  }
0x74: {  	_ =	shalt  }
0x75: {  	_ =	shalt  }
0x76: {  	_ =	shalt  }
0x77: {  	_ =	shalt  }
0x78: {  	_ =	shalt  }
0x79: {  	_ =	shalt  }
0x7a: {  	_ =	shalt  }
0x7b: {  	_ =	shalt  }
0x7c: {  	_ =	shalt  }
0x7d: {  	_ =	shalt  }
0x7e: {  	_ =	shalt  }
0x7f: {  	_ =	shalt  }
0x80: {  	_ =	shalt  }
0x81: {  	_ =	shalt  }
0x82: {  	_ =	shalt  }
0x83: {  	_ =	shalt  }
0x84: {  	_ =	shalt  }
0x85: {  	_ =	shalt  }
0x86: {  	_ =	shalt  }
0x87: {  	_ =	shalt  }
.Lfunc_end0:
.L_simem_size_0:
called_computation.5_lowered:
.L_overlay_start_0:
0x88: {  	s2 =	sld [smem:$0x3FD9]  }
0x89: {  	s3 =	sld [smem:$0x3FFE];
	_ =	sdelay $0x1  }
0x8a: {  	s1 =	srdreg.scid  }
0x8b: {  	s0 =	sand.u32 $0x1, s1  }
0x8c: {  	s16 =	sshll.u32 s0, $0xA;
	s2 =	sadd.s32 s3, s2  }
0x8d: {  	s2 =	sadd.s32 s2, s16  }
0x8e: {  	[smem:$0x3FAE] =	sst s2  }
0x8f: {  	_ = 	snop  }
0x90: {  	(tm) =	ssettm $0x1  }
0x91: {  	s17 =	sld [smem:$0x3FFB];
	_ =	sdelay $0x3  }
0x92: {  	_ =	strace s17  }
0x93: {  	s2 =	sld [smem:$0x3FFC];
	_ =	sdelay $0x3  }
0x94: {  	_ =	strace s2  }
0x95: {  	s2 =	sld [smem:$0x3FFD];
	_ =	sdelay $0x3  }
0x96: {  	_ =	strace s2  }
0x97: {  	_ =	strace $0x8FFFFFFF  }
0x98: {  	s18 =	sld [smem:$0x3FDB];
	_ =	sdelay $0x1  }
0x99: {  	s19 =	simm.s32 $_scs_section_size  }
0x9a: {  	s4 =	simm.s32 $_size__tile_overlayer_lowered;
	s5 =	simm.s32 $_tile_overlayer_lowered  }
0x9b: {  	s22 =	simm.s32 $0x1BFF;
	s21 =	sshll.u32 s5, $0x1;
	s2 =	sadd.s32 s19, s18  }
0x9c: {  	s6 =	simm.s32 $0x0;
	s20 =	sshll.u32 s4, $0x1;
	s4 =	sadd.s32 s21, s2  }
0x9d: {  	[timem:s6], [sflag:s22] =	dma.local [hbm:s4], s20  }
0x9e: {  	_ =	swait.ge [sflag:s22], s20  }
0x9f: {  	s3 =	ssub.s32 $0x0, s20;
	[sflag:s22] =	ssyncset.done $0x0  }
0xa0: {  	[sflag:s22] =	ssyncadd.s32 s3;
	_ =	sdelay $0x1  }
0xa1: {  	s23 =	simm.s32 $0x1B8B  }
0xa2: {  	_ =	swait.ge [sflag:s23], $0x1  }
0xa3: {  	[sflag:s23] =	ssyncset.done $0x0  }
0xa4: {  	s25 =	simm.s32 $0x1B8E;
	s24 =	sld [smem:$0x3FFE];
	[sflag:s23] =	ssyncadd.s32 $0xFFFFFFFF  }
0xa5: {  	s26 =	simm.s32 $execute0_lowered;
	[smem:$0x3FD2] =	sst s25  }
0xa6: {  	s4 =	sshll.u32 s26, $0x1;
	_ =	strace $0x80000046;
	[dreg:$0x1] =	wrdreg $0xFFFFFFFF  }
0xa7: {  	s28 =	simm.s32 $_size_execute0_lowered;
	s2 =	sadd.s32 s2, s4;
	[dreg:$0x0] =	wrdreg $0x0  }
0xa8: {  	s4 =	sshll.u32 s28, $0x1;
	[dreg:$0x2] =	wrdreg s2  }
0xa9: {  	[dreg:$0x3] =	wrdreg s4  }
0xaa: {  	[dreg:$0x4] =	wrdreg $0xC0  }
0xab: {  	_ =	task [dreg:s6], $0x5FFFF  }
0xac: {  	[dreg:$0x1] =	wrdreg $0xFFFFFFFF  }
0xad: {  	[dreg:$0x0] =	wrdreg $0x60  }
0xae: {  	[dreg:$0x2] =	wrdreg s24  }
0xaf: {  	[dreg:$0x3] =	wrdreg $0x0  }
0xb0: {  	[dreg:$0x4] =	wrdreg $0xC800  }
0xb1: {  	[dreg:$0x5] =	wrdreg $0x9  }
0xb2: {  	_ =	task.clear_ibuf [dreg:s6], $0x6FFFF;
	_ =	strace $0x90000046  }
0xb3: {  	s29 =	simm.s32 $0x9;
	_ =	strace $0x80000048  }
0xb4: {  	_ =	swait.ge [sflag:s29], $0x1  }
0xb5: {  	[sflag:s29] =	ssyncadd.s32 $0xFFFFFFFF  }
0xb6: {  	_ =	strace $0x90000048  }
0xb7: {  	_ =	sfence  }
0xb8: {  	s30 =	sld [smem:$0x0];
	_ =	sdelay $0x2  }
0xb9: {  	s31 =	sshll.u32 s1, $0xD;
	s1 =	sshrl.u32 s1, $0x2  }
0xba: {  	s3 =	sand.u32 $0x4000, s31;
	s1 =	sadd.s32 s1, s30  }
0xbb: {  	s0 =	sor.u32 s3, s0;
	s1 =	sshll.u32 s1, $0x11  }
0xbc: {  	s0 =	sor.u32 s1, s0  }
0xbd: {  	s0 =	sadd.s32 $0x8F2B, s0  }
0xbe: {  	[sflag:s0] =	ssyncadd.remote.s32 $0x1  }
0xbf: {  	_ =	sfence.sel $0xFFFF  }
0xc0: {  	[dreg:$0x0] =	wrdreg $0xFFFFFFFF;
	(pc) =	sbr.abs _section_cstart, $3  }
0xc1: {  	[dreg:$0x1] =	wrdreg $0xFFFFFFFF  }
0xc2: {  	_ =	task.clear_ibuf [dreg:s6], $0x2FFFF;
	_ =	strace $0x9FFFFFFF  }
0xc3: {  	(tm) =	ssettm $0x7FFFFFFF  }
tec
execute0_lowered:
.L_overlay_start_1:
0x0: {  	(tag) =	ssettag $0x1  }
0x1: {  	s7 =	rddreg [dreg:$0x0]  }
0x2: {  	s1 =	rddreg [dreg:$0x1]  }
0x3: {  	s2 =	rddreg [dreg:$0x2]  }
0x4: {  	s0 =	rddreg [dreg:$0x3]  }
0x5: {  	s3 =	simm.s32 $0x0;
	s5 =	srdreg.scid;
	s4 =	stileid.u32  }
0x6: {  	s23 =	simm.s32 $0x4B00;
	s24 =	simm.s32 $0x1900;
	s25 =	simm.s32 $0x0  }
0x7: {  	[smem:$0x7FF] =	sst s3;
	s14 =	sadd.s32 $0xA00, s7;
	s15 =	sadd.s32 $0x32A00, s7  }
0x8: {  	s16 =	sadd.s32 $0x34400, s7;
	s8 =	sand.u32 $0x1, s5;
	s17 =	sadd.s32 $0x35E00, s7  }
0x9: {  	s6 =	sshll.u32 s4, $0x1;
	s10 =	smul.u32 $0xC80, s4;
	s18 =	sadd.s32 $0x37800, s7  }
0xa: {  	s19 =	sadd.s32 $0xA10, s7;
	_ =	strace $0x80000047;
	s5 =	ssub.s32 $0x2, s8  }
0xb: {  	s6 =	sor.u32 s8, s6;
	p0 =	seq.s32 s8, $0x0;
	s9 =	sshrl.u32 s5, $0x1  }
0xc: {  	s11 =	smul.u32 $0x6400, s6;
	s6 =	sadd.s32 s10, s2;
	s20 =	sshrl.u32 s10, $0x3  }
0xd: {  	s16 =	smov.u32 @p0 s15;
	s18 =	smov.u32 @p0 s17;
	s9 =	ssub.s32 s5, s9  }
0xe: {  	s5 =	sadd.s32 s10, s1;
	s16 =	sadd.s32 s16, s20;
	s17 =	sadd.s32 s18, s20  }
0xf: {  	s18 =	simm.s32 $0x6400;
	s20 =	simm.s32 $0x80;
	s13 =	sshrl.u32 s11, $0x2  }
0x10: {  	s7 =	smax.u32 s9, $0x1;
	s8 =	sadd.s32 s14, s13;
	s11 =	sadd.s32 $0x640, s13  }
0x11: {  	s9 =	sadd.s32 s13, s19;
	s21 =	sadd.s32 $0xC80, s13;
	s22 =	sadd.s32 $0x12C0, s13  }
0x12: {  	s10 =	sadd.s32 s14, s11;
	s11 =	sadd.s32 s11, s19;
	s12 =	sadd.s32 s14, s21  }
0x13: {  	s13 =	sadd.s32 s21, s19;
	s14 =	sadd.s32 s14, s22;
	s15 =	sadd.s32 s22, s19  }
0x14: {  	v0 =	vimm.f32 $1.000000000e+00;
	v1 =	vimm.f32 $0.0e+00;
	s19 =	simm.s32 $0x1;
	s21 =	simm.s32 $0x100;
	s22 =	simm.s32 $0x3200  }
.LBB2_1:
0x15: {  	s26 =	simm.s32 $0x0  }
.LBB2_2:
0x16: {  	p0 =	sne.s32 s26, $0x63C0  }
.Ltmp0:
0x17: {  	_ = 	snop;
	(pc) =	sbr.rel @p0 .LBB2_2-.Ltmp0, $3  }
0x18: {  	_ =	sdelay $0x1  }
0x19: {  	s28 =	sshra.s32 s26, $0x2  }
0x1a: {  	s26 =	sadd.s32 $0x40, s26;
	[tilespmem:s28+$0x1900] =	vst v0  }
0x1b: {  	s26 =	simm.s32 $0x40;
	s28 =	simm.s32 $0x0  }
.LBB2_4:
0x1c: {  	p0 =	sne.s32 s26, $0x31C0;
	[tilespmem:s28+$0x6400] =	vst v1;
	s28 =	smov.u32 s26;
	s26 =	sadd.s32 $0x40, s26  }
.Ltmp1:
0x1d: {  	(pc) =	sbr.rel @p0 .LBB2_4-.Ltmp1, $2  }
0x1e: {  	_ =	sdelay $0x2  }
0x1f: {  	s28 =	sshra.s32 s28, $0x2  }
0x20: {  	[tilespmem:s28+$0x6400] =	vst v1  }
0x21: {  	[spmem:s5] =	stream.linear.scatter [tilespmem:s18], [sflag:$0x1], $0xC80, $0x38;
	[tilespmem:$0x7080] =	vst v63  }
0x22: {  	_ =	swait.ge [sflag:s19], $0xC80  }
0x23: {  	[sflag:s19] =	ssyncset.done $0x0  }
0x24: {  	[sflag:s19] =	ssyncadd.s32 $0xFFFFF380  }
0x25: {  	[spmem:s6] =	stream.linear.scatter [tilespmem:s18], [sflag:$0x1], $0xC80, $0x38;
	[tilespmem:$0x7080] =	vst v63  }
0x26: {  	_ =	swait.ge [sflag:s19], $0xC80  }
0x27: {  	[sflag:s19] =	ssyncset.done $0x0  }
0x28: {  	[sflag:s19] =	ssyncadd.s32 $0xFFFFF380  }
0x29: {  	[bflag:$0x0] =	sbarrier.arrive $0xFFFF  }
0x2a: {  	[tilespmem:s22], [sflag:$0x1] =	stream.strided.gather [hbm4b:s8+s20], $0x1900, s21, s20, $0x38;
	[tilespmem:$0x7080] =	vst v63  }
0x2b: {  	_ =	swait.ge [sflag:s19], $0x1900  }
0x2c: {  	[sflag:s19] =	ssyncset.done $0x0  }
0x2d: {  	[sflag:s19] =	ssyncadd.s32 $0xFFFFE700  }
0x2e: {  	[tilespmem:s23], [sflag:$0x1] =	stream.strided.gather [hbm4b:s9+s20], $0x1900, s21, s20, $0x38;
	[tilespmem:$0x7080] =	vst v63  }
0x2f: {  	_ =	swait.ge [sflag:s19], $0x1900  }
0x30: {  	[sflag:s19] =	ssyncset.done $0x0  }
0x31: {  	[sflag:s19] =	ssyncadd.s32 $0xFFFFE700  }
0x32: {  	[spmem:s1] =	stream.indirect.scatter.add.f32 [tilespmem:s24], [sflag:$0x1], $0x1, s23, s24, $0xb8;
	[tilespmem:$0x7080] =	vst v63  }
0x33: {  	_ =	swait.ge [sflag:s19], $0x1900  }
0x34: {  	[sflag:s19] =	ssyncset.done $0x0  }
0x35: {  	[sflag:s19] =	ssyncadd.s32 $0xFFFFE700  }
0x36: {  	[spmem:s2] =	stream.indirect.scatter.add.f32 [tilespmem:s24], [sflag:$0x1], $0x1, s22, s24, $0xb8;
	[tilespmem:$0x7080] =	vst v63  }
0x37: {  	_ =	swait.ge [sflag:s19], $0x1900  }
0x38: {  	[sflag:s19] =	ssyncset.done $0x0  }
0x39: {  	[sflag:s19] =	ssyncadd.s32 $0xFFFFE700  }
0x3a: {  	[tilespmem:s22], [sflag:$0x1] =	stream.strided.gather [hbm4b:s10+s20], $0x1900, s21, s20, $0x38;
	[tilespmem:$0x7080] =	vst v63  }
0x3b: {  	_ =	swait.ge [sflag:s19], $0x1900  }
0x3c: {  	[sflag:s19] =	ssyncset.done $0x0  }
0x3d: {  	[sflag:s19] =	ssyncadd.s32 $0xFFFFE700  }
0x3e: {  	[tilespmem:s23], [sflag:$0x1] =	stream.strided.gather [hbm4b:s11+s20], $0x1900, s21, s20, $0x38;
	[tilespmem:$0x7080] =	vst v63  }
0x3f: {  	_ =	swait.ge [sflag:s19], $0x1900  }
0x40: {  	[sflag:s19] =	ssyncset.done $0x0  }
0x41: {  	[sflag:s19] =	ssyncadd.s32 $0xFFFFE700  }
0x42: {  	[spmem:s1] =	stream.indirect.scatter.add.f32 [tilespmem:s24], [sflag:$0x1], $0x1, s23, s24, $0xb8;
	[tilespmem:$0x7080] =	vst v63  }
0x43: {  	_ =	swait.ge [sflag:s19], $0x1900  }
0x44: {  	[sflag:s19] =	ssyncset.done $0x0  }
0x45: {  	[sflag:s19] =	ssyncadd.s32 $0xFFFFE700  }
0x46: {  	[spmem:s2] =	stream.indirect.scatter.add.f32 [tilespmem:s24], [sflag:$0x1], $0x1, s22, s24, $0xb8;
	[tilespmem:$0x7080] =	vst v63  }
0x47: {  	_ =	swait.ge [sflag:s19], $0x1900  }
0x48: {  	[sflag:s19] =	ssyncset.done $0x0  }
0x49: {  	[sflag:s19] =	ssyncadd.s32 $0xFFFFE700  }
0x4a: {  	[tilespmem:s22], [sflag:$0x1] =	stream.strided.gather [hbm4b:s12+s20], $0x1900, s21, s20, $0x38;
	[tilespmem:$0x7080] =	vst v63  }
0x4b: {  	_ =	swait.ge [sflag:s19], $0x1900  }
0x4c: {  	[sflag:s19] =	ssyncset.done $0x0  }
0x4d: {  	[sflag:s19] =	ssyncadd.s32 $0xFFFFE700  }
0x4e: {  	[tilespmem:s23], [sflag:$0x1] =	stream.strided.gather [hbm4b:s13+s20], $0x1900, s21, s20, $0x38;
	[tilespmem:$0x7080] =	vst v63  }
0x4f: {  	_ =	swait.ge [sflag:s19], $0x1900  }
0x50: {  	[sflag:s19] =	ssyncset.done $0x0  }
0x51: {  	[sflag:s19] =	ssyncadd.s32 $0xFFFFE700  }
0x52: {  	[spmem:s1] =	stream.indirect.scatter.add.f32 [tilespmem:s24], [sflag:$0x1], $0x1, s23, s24, $0xb8;
	[tilespmem:$0x7080] =	vst v63  }
0x53: {  	_ =	swait.ge [sflag:s19], $0x1900  }
0x54: {  	[sflag:s19] =	ssyncset.done $0x0  }
0x55: {  	[sflag:s19] =	ssyncadd.s32 $0xFFFFE700  }
0x56: {  	[spmem:s2] =	stream.indirect.scatter.add.f32 [tilespmem:s24], [sflag:$0x1], $0x1, s22, s24, $0xb8;
	[tilespmem:$0x7080] =	vst v63  }
0x57: {  	_ =	swait.ge [sflag:s19], $0x1900  }
0x58: {  	[sflag:s19] =	ssyncset.done $0x0  }
0x59: {  	[sflag:s19] =	ssyncadd.s32 $0xFFFFE700  }
0x5a: {  	[tilespmem:s22], [sflag:$0x1] =	stream.strided.gather [hbm4b:s14+s20], $0x1900, s21, s20, $0x38;
	[tilespmem:$0x7080] =	vst v63  }
0x5b: {  	_ =	swait.ge [sflag:s19], $0x1900  }
0x5c: {  	[sflag:s19] =	ssyncset.done $0x0  }
0x5d: {  	[sflag:s19] =	ssyncadd.s32 $0xFFFFE700  }
0x5e: {  	[tilespmem:s23], [sflag:$0x1] =	stream.strided.gather [hbm4b:s15+s20], $0x1900, s21, s20, $0x38;
	[tilespmem:$0x7080] =	vst v63  }
0x5f: {  	_ =	swait.ge [sflag:s19], $0x1900  }
0x60: {  	[sflag:s19] =	ssyncset.done $0x0  }
0x61: {  	[sflag:s19] =	ssyncadd.s32 $0xFFFFE700  }
0x62: {  	[spmem:s1] =	stream.indirect.scatter.add.f32 [tilespmem:s24], [sflag:$0x1], $0x1, s23, s24, $0xb8;
	[tilespmem:$0x7080] =	vst v63  }
0x63: {  	_ =	swait.ge [sflag:s19], $0x1900  }
0x64: {  	[sflag:s19] =	ssyncset.done $0x0  }
0x65: {  	[sflag:s19] =	ssyncadd.s32 $0xFFFFE700  }
0x66: {  	[spmem:s2] =	stream.indirect.scatter.add.f32 [tilespmem:s24], [sflag:$0x1], $0x1, s22, s24, $0xb8;
	[tilespmem:$0x7080] =	vst v63  }
0x67: {  	_ =	swait.ge [sflag:s19], $0x1900  }
0x68: {  	[sflag:s19] =	ssyncset.done $0x0  }
0x69: {  	[sflag:s19] =	ssyncadd.s32 $0xFFFFE700  }
0x6a: {  	[bflag:$0x0] =	sbarrier.arrive $0xFFFF  }
0x6b: {  	[tilespmem:s18], [sflag:$0x1] =	stream.linear.gather [spmem:s5], $0xC80, $0x38;
	[tilespmem:$0x7080] =	vst v63  }
0x6c: {  	_ =	swait.ge [sflag:s19], $0xC80  }
0x6d: {  	[sflag:s19] =	ssyncset.done $0x0  }
0x6e: {  	[sflag:s19] =	ssyncadd.s32 $0xFFFFF380  }
0x6f: {  	[hbm4b:s16+s3] =	stream.linear.scatter [tilespmem:s18], [sflag:$0x1], $0xC80, $0x38;
	[tilespmem:$0x7080] =	vst v63  }
0x70: {  	_ =	swait.ge [sflag:s19], $0xC80  }
0x71: {  	[sflag:s19] =	ssyncset.done $0x0  }
0x72: {  	[sflag:s19] =	ssyncadd.s32 $0xFFFFF380  }
0x73: {  	[tilespmem:s18], [sflag:$0x1] =	stream.linear.gather [spmem:s6], $0xC80, $0x38;
	[tilespmem:$0x7080] =	vst v63  }
0x74: {  	s25 =	sadd.s32 $0x1, s25;
	_ =	swait.ge [sflag:s19], $0xC80  }
0x75: {  	p0 =	sne.s32 s25, s7;
	[sflag:s19] =	ssyncset.done $0x0  }
.Ltmp2:
0x76: {  	[sflag:s19] =	ssyncadd.s32 $0xFFFFF380;
	(pc) =	sbr.rel @p0 .LBB2_1-.Ltmp2, $4  }
0x77: {  	[hbm4b:s17+s3] =	stream.linear.scatter [tilespmem:s18], [sflag:$0x1], $0xC80, $0x38;
	[tilespmem:$0x7080] =	vst v63  }
0x78: {  	_ =	swait.ge [sflag:s19], $0xC80  }
0x79: {  	[sflag:s19] =	ssyncset.done $0x0  }
0x7a: {  	[sflag:s19] =	ssyncadd.s32 $0xFFFFF380  }
0x7b: {  	_ =	sfence.sel $0x180000  }
0x7c: {  	[bflag:$0x0] =	sbarrier.arrive $0xFFFF  }
0x7d: {  	p0 =	sne.s32 s4, $0x0;
	_ =	strace $0x90000047  }
0x7e: {  	s0 =	sadd.s32 @!p0 $0x100000, s0;
	[bflag:$0x2] =	sbarrier.arrive $0xFFFF  }
0x7f: {  	[sflag:s0] =	ssyncadd.tile.s32 @!p0 $0x1;
	_ =	shalt  }
.Lfunc_end2:
_tile_overlayer_lowered:
.L_overlay_start_2:
0x80: {  	(tag) =	ssettag $0x2  }
0x81: {  	s0 =	rddreg [dreg:$0x0];
	s2 =	stileid.u32  }
0x82: {  	s1 =	rddreg [dreg:$0x1];
	p0 =	sne.s32 s2, $0x0  }
0x83: {  	s3 =	rddreg [dreg:$0x2];
	[bflag:$0x3] =	sbarrier.arrive $0xFFFF;
	s2 =	simm.s32 @!p0 $0x1C01  }
0x84: {  	[timem:s3], [sflag:s2] =	dma.local @!p0 [hbm:s0], s1  }
0x85: {  	s0 =	simm.s32 @!p0 $0x1  }
0x86: {  	_ =	swait.ge @!p0 [sflag:s0], s1  }
0x87: {  	s1 =	ssub.s32 @!p0 $0x0, s1;
	[sflag:s0] =	ssyncset.done @!p0 $0x0  }
0x88: {  	[sflag:s0] =	ssyncadd.s32 @!p0 s1  }
0x89: {  	[bflag:$0x3] =	sbarrier.arrive $0xFFFF  }
0x8a: {  	_ =	shalt  }

// kernel: scatter_offload_async_start.1
scs
__scs_entry_jumppad:
0x0: {  	(pc) =	sbr.rel $0x88, $3  }
0x1: {  	(tag) =	ssettag $0x0;
	lr =	simm.s32 $0x1  }
0x2: {  	[smem:$0x3F87] =	sst lr;
	_ =	strace $0xD0000000  }
0x3: {  	_ = 	snop  }
0x4: {  	_ = 	snop  }
0x5: {  	_ = 	snop  }
0x6: {  	_ = 	snop  }
0x7: {  	_ = 	snop  }
__scs_overlays_trampoline_lowered:
0x8: {  	[smem:$0x3F96] =	sst s0  }
0x9: {  	[smem:$0x3F97] =	sst s1  }
0xa: {  	[smem:$0x3F98] =	sst s2  }
0xb: {  	[smem:$0x3F99] =	sst s3  }
0xc: {  	[smem:$0x3F9A] =	sst s4  }
0xd: {  	[smem:$0x3F9B] =	sst s5  }
0xe: {  	[smem:$0x3F9C] =	sst s6  }
0xf: {  	[smem:$0x3F9D] =	sst s7  }
0x10: {  	[smem:$0x3F9E] =	sst s8  }
0x11: {  	[smem:$0x3F9F] =	sst s9;
	s0 =	simm.s32 @!p0 $0x0  }
0x12: {  	s1 =	sld [smem:$0x3F85];
	s0 =	simm.s32 @p0 $0x1  }
0x13: {  	[smem:$0x3FA0] =	sst s0;
	s0 =	simm.s32 @!p1 $0x0  }
0x14: {  	s2 =	sld [smem:$0x3F84];
	s0 =	simm.s32 @p1 $0x1  }
0x15: {  	[smem:$0x3FA1] =	sst s0;
	s0 =	simm.s32 @!p2 $0x0  }
0x16: {  	s3 =	sld [smem:$0x3FDB];
	s0 =	simm.s32 @p2 $0x1  }
0x17: {  	s4 =	simm.s32 $0x1BF5;
	[smem:$0x3FA3] =	sst s0  }
0x18: {  	s0 =	sld [smem:$0x3F86];
	_ =	swait.ge [sflag:s4], $0x0  }
0x19: {  	s7 =	sld [smem:$0x3F87]  }
0x1a: {  	s8 =	sadd.s32 $0xFFFFE003, lr  }
0x1b: {  	s9 =	sadd.s32 $0xFFFFFEF7, lr;
	s5 =	simm.s32 $0xFFFFFFFF;
	p2 =	slt.u32 s8, $0xFFFFF086  }
0x1c: {  	p1 =	slt.u32 s9, $0xF7A;
	s5 =	simm.s32 @!p2 $0x0  }
0x1d: {  	s5 =	simm.s32 @p1 $0x1;
	p0 =	seq.s32 s7, s2  }
0x1e: {  	s7 =	smul.u32 @!p0 $0xF7A, s2;
	p2 =	seq.s32 @!p0 s5, $0x0  }
0x1f: {  	s9 =	smul.u32 $0xF7A, s1;
	s8 =	simm.s32 @!p0 $0x1BF5;
	p2 =	por !p2, p0  }
0x20: {  	[sflag:s8] =	ssyncset.s32 @!p0 $0xFFFFF086;
	s6 =	sadd.s32 @!p0 s3, s7;
	s7 =	simm.s32 @!p0 $0x108  }
0x21: {  	s3 =	sadd.s32 s3, s9;
	s6 =	sadd.s32 @!p0 $0x88, s6;
	s7 =	simm.s32 @p2 $0x1082  }
0x22: {  	[simem:s7], [sflag:s8] =	dma.local @!p0 [hbm:s6], $0xF7A  }
0x23: {  	s9 =	sor.u32 $0xD0000000, s2;
	s6 =	simm.s32 $0x108;
	_ =	swait.ge @!p0 [sflag:s8], $0x0  }
0x24: {  	s3 =	sadd.s32 $0x88, s3;
	s6 =	simm.s32 @!p1 $0x1082;
	[sflag:s4] =	ssyncset.s32 $0xFFFFF086  }
0x25: {  	[simem:s6], [sflag:s4] =	dma.local [hbm:s3], $0xF7A  }
0x26: {  	[smem:$0x3F87] =	sst s1;
	(tag) =	ssettag s2;
	_ =	strace s9  }
0x27: {  	s1 =	sld [smem:$0x3F97]  }
0x28: {  	s2 =	sld [smem:$0x3F98]  }
0x29: {  	s4 =	sld [smem:$0x3F9A]  }
0x2a: {  	p0 =	seq.s32 s5, $0x0;
	s5 =	sld [smem:$0x3F9B]  }
0x2b: {  	s6 =	sld [smem:$0x3F9C]  }
0x2c: {  	s7 =	sld [smem:$0x3F9D]  }
0x2d: {  	s3 =	simm.s32 $0x108;
	s8 =	sld [smem:$0x3F9E]  }
0x2e: {  	s3 =	simm.s32 @!p0 $0x1082;
	s9 =	sld [smem:$0x3F9F]  }
0x2f: {  	lr =	sadd.s32 s0, s3;
	s0 =	sld [smem:$0x3F96]  }
0x30: {  	s3 =	sld [smem:$0x3F99]  }
0x31: {  	[smem:$0x3FA2] =	sst s10  }
0x32: {  	s10 =	sld [smem:$0x3FA0];
	_ =	sdelay $0x3  }
0x33: {  	p0 =	seq.s32 s10, $0x1;
	s10 =	sld [smem:$0x3FA2];
	_ =	sdelay $0x3  }
0x34: {  	[smem:$0x3FA2] =	sst s10  }
0x35: {  	s10 =	sld [smem:$0x3FA1];
	_ =	sdelay $0x3  }
0x36: {  	p1 =	seq.s32 s10, $0x1;
	s10 =	sld [smem:$0x3FA2];
	_ =	sdelay $0x3  }
0x37: {  	[smem:$0x3FA2] =	sst s10  }
0x38: {  	s10 =	sld [smem:$0x3FA3]  }
0x39: {  	_ = 	snop;
	(pc) =	sbr.ind lr, $3  }
0x3a: {  	_ = 	snop  }
0x3b: {  	_ = 	snop  }
0x3c: {  	p2 =	seq.s32 s10, $0x1;
	s10 =	sld [smem:$0x3FA2]  }
0x3d: {  	_ =	shalt  }
0x3e: {  	_ =	shalt  }
0x3f: {  	_ =	shalt  }
0x40: {  	_ =	shalt  }
0x41: {  	_ =	shalt  }
0x42: {  	_ =	shalt  }
0x43: {  	_ =	shalt  }
0x44: {  	_ =	shalt  }
0x45: {  	_ =	shalt  }
0x46: {  	_ =	shalt  }
0x47: {  	_ =	shalt  }
0x48: {  	_ =	shalt  }
0x49: {  	_ =	shalt  }
0x4a: {  	_ =	shalt  }
0x4b: {  	_ =	shalt  }
0x4c: {  	_ =	shalt  }
0x4d: {  	_ =	shalt  }
0x4e: {  	_ =	shalt  }
0x4f: {  	_ =	shalt  }
0x50: {  	_ =	shalt  }
0x51: {  	_ =	shalt  }
0x52: {  	_ =	shalt  }
0x53: {  	_ =	shalt  }
0x54: {  	_ =	shalt  }
0x55: {  	_ =	shalt  }
0x56: {  	_ =	shalt  }
0x57: {  	_ =	shalt  }
0x58: {  	_ =	shalt  }
0x59: {  	_ =	shalt  }
0x5a: {  	_ =	shalt  }
0x5b: {  	_ =	shalt  }
0x5c: {  	_ =	shalt  }
0x5d: {  	_ =	shalt  }
0x5e: {  	_ =	shalt  }
0x5f: {  	_ =	shalt  }
0x60: {  	_ =	shalt  }
0x61: {  	_ =	shalt  }
0x62: {  	_ =	shalt  }
0x63: {  	_ =	shalt  }
0x64: {  	_ =	shalt  }
0x65: {  	_ =	shalt  }
0x66: {  	_ =	shalt  }
0x67: {  	_ =	shalt  }
0x68: {  	_ =	shalt  }
0x69: {  	_ =	shalt  }
0x6a: {  	_ =	shalt  }
0x6b: {  	_ =	shalt  }
0x6c: {  	_ =	shalt  }
0x6d: {  	_ =	shalt  }
0x6e: {  	_ =	shalt  }
0x6f: {  	_ =	shalt  }
0x70: {  	_ =	shalt  }
0x71: {  	_ =	shalt  }
0x72: {  	_ =	shalt  }
0x73: {  	_ =	shalt  }
0x74: {  	_ =	shalt  }
0x75: {  	_ =	shalt  }
0x76: {  	_ =	shalt  }
0x77: {  	_ =	shalt  }
0x78: {  	_ =	shalt  }
0x79: {  	_ =	shalt  }
0x7a: {  	_ =	shalt  }
0x7b: {  	_ =	shalt  }
0x7c: {  	_ =	shalt  }
0x7d: {  	_ =	shalt  }
0x7e: {  	_ =	shalt  }
0x7f: {  	_ =	shalt  }
0x80: {  	_ =	shalt  }
0x81: {  	_ =	shalt  }
0x82: {  	_ =	shalt  }
0x83: {  	_ =	shalt  }
0x84: {  	_ =	shalt  }
0x85: {  	_ =	shalt  }
0x86: {  	_ =	shalt  }
0x87: {  	_ =	shalt  }
.Lfunc_end0:
.L_simem_size_0:
called_computation.1_lowered:
.L_overlay_start_0:
0x88: {  	s0 =	sld [smem:$0x3FD9]  }
0x89: {  	s1 =	sld [smem:$0x3FFE];
	_ =	sdelay $0x3  }
0x8a: {  	s0 =	sadd.s32 s1, s0  }
0x8b: {  	[smem:$0x3FAE] =	sst s0  }
0x8c: {  	_ = 	snop  }
0x8d: {  	(tm) =	ssettm $0x1  }
0x8e: {  	s15 =	sld [smem:$0x3FFB];
	_ =	sdelay $0x3  }
0x8f: {  	_ =	strace s15  }
0x90: {  	s0 =	sld [smem:$0x3FFC];
	_ =	sdelay $0x3  }
0x91: {  	_ =	strace s0  }
0x92: {  	s0 =	sld [smem:$0x3FFD];
	_ =	sdelay $0x3  }
0x93: {  	_ =	strace s0  }
0x94: {  	_ =	strace $0x8FFFFFFF  }
0x95: {  	s16 =	sld [smem:$0x3FDB];
	_ =	sdelay $0x1  }
0x96: {  	s17 =	simm.s32 $_scs_section_size  }
0x97: {  	s2 =	simm.s32 $_size__tile_overlayer_lowered;
	s3 =	simm.s32 $_tile_overlayer_lowered  }
0x98: {  	s20 =	simm.s32 $0x1BFF;
	s19 =	sshll.u32 s3, $0x1;
	s0 =	sadd.s32 s17, s16  }
0x99: {  	s4 =	simm.s32 $0x0;
	s18 =	sshll.u32 s2, $0x1;
	s2 =	sadd.s32 s19, s0  }
0x9a: {  	[timem:s4], [sflag:s20] =	dma.local [hbm:s2], s18  }
0x9b: {  	_ =	swait.ge [sflag:s20], s18  }
0x9c: {  	s1 =	ssub.s32 $0x0, s18;
	[sflag:s20] =	ssyncset.done $0x0  }
0x9d: {  	[sflag:s20] =	ssyncadd.s32 s1;
	_ =	sdelay $0x1  }
0x9e: {  	s21 =	simm.s32 $0x1B8B  }
0x9f: {  	_ =	swait.ge [sflag:s21], $0x1  }
0xa0: {  	[sflag:s21] =	ssyncset.done $0x0  }
0xa1: {  	s23 =	simm.s32 $0x1B8E;
	s22 =	sld [smem:$0x3FFE];
	[sflag:s21] =	ssyncadd.s32 $0xFFFFFFFF  }
0xa2: {  	s24 =	simm.s32 $execute0_lowered;
	[smem:$0x3FD2] =	sst s23  }
0xa3: {  	s2 =	sshll.u32 s24, $0x1;
	_ =	strace $0x8000004C;
	[dreg:$0x1] =	wrdreg $0xFFFFFFFF  }
0xa4: {  	s25 =	simm.s32 $_size_execute0_lowered;
	s0 =	sadd.s32 s0, s2;
	[dreg:$0x0] =	wrdreg $0x0  }
0xa5: {  	s2 =	sshll.u32 s25, $0x1;
	[dreg:$0x2] =	wrdreg s0  }
0xa6: {  	[dreg:$0x3] =	wrdreg s2  }
0xa7: {  	[dreg:$0x4] =	wrdreg $0xC0  }
0xa8: {  	_ =	task [dreg:s4], $0x5FFFF  }
0xa9: {  	[dreg:$0x1] =	wrdreg $0xFFFFFFFF  }
0xaa: {  	[dreg:$0x0] =	wrdreg $0x60  }
0xab: {  	[dreg:$0x2] =	wrdreg s22  }
0xac: {  	[dreg:$0x3] =	wrdreg $0x9  }
0xad: {  	_ =	task.clear_ibuf [dreg:s4], $0x4FFFF;
	_ =	strace $0x9000004C  }
0xae: {  	s26 =	simm.s32 $0x9;
	_ =	strace $0x8000004E  }
0xaf: {  	_ =	swait.ge [sflag:s26], $0x1  }
0xb0: {  	[sflag:s26] =	ssyncadd.s32 $0xFFFFFFFF  }
0xb1: {  	_ =	strace $0x9000004E  }
0xb2: {  	_ =	sfence  }
0xb3: {  	s28 =	sld [smem:$0x0];
	_ =	sdelay $0x1  }
0xb4: {  	s29 =	srdreg.scid  }
0xb5: {  	s30 =	sshll.u32 s29, $0xD;
	s31 =	sshrl.u32 s29, $0x2  }
0xb6: {  	s1 =	sand.u32 $0x1, s29;
	s2 =	sand.u32 $0x4000, s30;
	s0 =	sadd.s32 s31, s28  }
0xb7: {  	s1 =	sor.u32 s2, s1;
	s0 =	sshll.u32 s0, $0x11  }
0xb8: {  	s0 =	sor.u32 s0, s1  }
0xb9: {  	s0 =	sadd.s32 $0x8F2B, s0  }
0xba: {  	[sflag:s0] =	ssyncadd.remote.s32 $0x1  }
0xbb: {  	_ =	sfence.sel $0xFFFF  }
0xbc: {  	[dreg:$0x0] =	wrdreg $0xFFFFFFFF;
	(pc) =	sbr.abs _section_cstart, $3  }
0xbd: {  	[dreg:$0x1] =	wrdreg $0xFFFFFFFF  }
0xbe: {  	_ =	task.clear_ibuf [dreg:s4], $0x2FFFF;
	_ =	strace $0x9FFFFFFF  }
0xbf: {  	(tm) =	ssettm $0x7FFFFFFF  }
tec
execute0_lowered:
.L_overlay_start_1:
0x0: {  	(tag) =	ssettag $0x1  }
0x1: {  	s8 =	rddreg [dreg:$0x0];
	_ =	strace $0x8000004D;
	s11 =	simm.s32 $0x1  }
0x2: {  	v0 =	vimm.s32 $0x0;
	[sflag:s11] =	ssyncpa.u1 $0x0  }
0x3: {  	[tilespmem:$0x28] =	vst v0  }
0x4: {  	[tilespmem:$0x38] =	vst v0  }
0x5: {  	[tilespmem:$0x48] =	vst v0  }
0x6: {  	[tilespmem:$0x58] =	vst v0  }
0x7: {  	[tilespmem:$0x68] =	vst v0  }
0x8: {  	[tilespmem:$0x78] =	vst v0  }
0x9: {  	[tilespmem:$0x88] =	vst v0  }
0xa: {  	[tilespmem:$0x98] =	vst v0  }
0xb: {  	[tilespmem:$0xA8] =	vst v0  }
0xc: {  	[tilespmem:$0xB8] =	vst v0  }
0xd: {  	[tilespmem:$0xC8] =	vst v0  }
0xe: {  	[tilespmem:$0xD8] =	vst v0  }
0xf: {  	[tilespmem:$0xE8] =	vst v0  }
0x10: {  	[tilespmem:$0xF8] =	vst v0  }
0x11: {  	[tilespmem:$0x108] =	vst v0  }
0x12: {  	[tilespmem:$0x118] =	vst v0  }
0x13: {  	[tilespmem:$0x128] =	vst v0  }
0x14: {  	[tilespmem:$0x138] =	vst v0  }
0x15: {  	[tilespmem:$0x148] =	vst v0  }
0x16: {  	[tilespmem:$0x158] =	vst v0  }
0x17: {  	[tilespmem:$0x168] =	vst v0  }
0x18: {  	[tilespmem:$0x178] =	vst v0  }
0x19: {  	[tilespmem:$0x188] =	vst v0  }
0x1a: {  	[tilespmem:$0x198] =	vst v0  }
0x1b: {  	[tilespmem:$0x1A8] =	vst v0  }
0x1c: {  	[tilespmem:$0x1B8] =	vst v0  }
0x1d: {  	[tilespmem:$0x1C8] =	vst v0  }
0x1e: {  	[tilespmem:$0x1D8] =	vst v0  }
0x1f: {  	[tilespmem:$0x1E8] =	vst v0  }
0x20: {  	[tilespmem:$0x1F8] =	vst v0  }
0x21: {  	[tilespmem:$0x208] =	vst v0  }
0x22: {  	[tilespmem:$0x218] =	vst v0  }
0x23: {  	[tilespmem:$0x228] =	vst v0  }
0x24: {  	[tilespmem:$0x238] =	vst v0  }
0x25: {  	[tilespmem:$0x248] =	vst v0  }
0x26: {  	[tilespmem:$0x258] =	vst v0  }
0x27: {  	[tilespmem:$0x268] =	vst v0  }
0x28: {  	[tilespmem:$0x278] =	vst v0  }
0x29: {  	[tilespmem:$0x288] =	vst v0  }
0x2a: {  	[tilespmem:$0x298] =	vst v0  }
0x2b: {  	[tilespmem:$0x2A8] =	vst v0  }
0x2c: {  	[tilespmem:$0x2B8] =	vst v0  }
0x2d: {  	[tilespmem:$0x2C8] =	vst v0  }
0x2e: {  	[tilespmem:$0x2D8] =	vst v0  }
0x2f: {  	[tilespmem:$0x2E8] =	vst v0  }
0x30: {  	[tilespmem:$0x2F8] =	vst v0  }
0x31: {  	[tilespmem:$0x308] =	vst v0  }
0x32: {  	[tilespmem:$0x318] =	vst v0  }
0x33: {  	[tilespmem:$0x328] =	vst v0  }
0x34: {  	[tilespmem:$0x338] =	vst v0  }
0x35: {  	[tilespmem:$0x348] =	vst v0  }
0x36: {  	[tilespmem:$0x358] =	vst v0  }
0x37: {  	[tilespmem:$0x368] =	vst v0  }
0x38: {  	[tilespmem:$0x378] =	vst v0  }
0x39: {  	[tilespmem:$0x388] =	vst v0  }
0x3a: {  	[tilespmem:$0x398] =	vst v0  }
0x3b: {  	[tilespmem:$0x3A8] =	vst v0  }
0x3c: {  	[tilespmem:$0x3B8] =	vst v0  }
0x3d: {  	[tilespmem:$0x3C8] =	vst v0  }
0x3e: {  	[tilespmem:$0x3D8] =	vst v0  }
0x3f: {  	[tilespmem:$0x3E8] =	vst v0  }
0x40: {  	[tilespmem:$0x3F8] =	vst v0  }
0x41: {  	[tilespmem:$0x408] =	vst v0  }
0x42: {  	[tilespmem:$0x418] =	vst v0  }
0x43: {  	[tilespmem:$0x428] =	vst v0  }
0x44: {  	[tilespmem:$0x438] =	vst v0  }
0x45: {  	[tilespmem:$0x448] =	vst v0  }
0x46: {  	[tilespmem:$0x458] =	vst v0  }
0x47: {  	[tilespmem:$0x468] =	vst v0  }
0x48: {  	[tilespmem:$0x478] =	vst v0  }
0x49: {  	[tilespmem:$0x488] =	vst v0  }
0x4a: {  	[tilespmem:$0x498] =	vst v0  }
0x4b: {  	[tilespmem:$0x4A8] =	vst v0  }
0x4c: {  	[tilespmem:$0x4B8] =	vst v0  }
0x4d: {  	[tilespmem:$0x4C8] =	vst v0  }
0x4e: {  	[tilespmem:$0x4D8] =	vst v0  }
0x4f: {  	[tilespmem:$0x4E8] =	vst v0  }
0x50: {  	[tilespmem:$0x4F8] =	vst v0  }
0x51: {  	[tilespmem:$0x508] =	vst v0  }
0x52: {  	[tilespmem:$0x518] =	vst v0  }
0x53: {  	[tilespmem:$0x528] =	vst v0  }
0x54: {  	[tilespmem:$0x538] =	vst v0  }
0x55: {  	[tilespmem:$0x548] =	vst v0  }
0x56: {  	[tilespmem:$0x558] =	vst v0  }
0x57: {  	[tilespmem:$0x568] =	vst v0  }
0x58: {  	[tilespmem:$0x578] =	vst v0  }
0x59: {  	[tilespmem:$0x588] =	vst v0  }
0x5a: {  	[tilespmem:$0x598] =	vst v0  }
0x5b: {  	[tilespmem:$0x5A8] =	vst v0  }
0x5c: {  	[tilespmem:$0x5B8] =	vst v0  }
0x5d: {  	[tilespmem:$0x5C8] =	vst v0  }
0x5e: {  	[tilespmem:$0x5D8] =	vst v0  }
0x5f: {  	[tilespmem:$0x5E8] =	vst v0  }
0x60: {  	[tilespmem:$0x5F8] =	vst v0  }
0x61: {  	[tilespmem:$0x608] =	vst v0  }
0x62: {  	[tilespmem:$0x618] =	vst v0  }
0x63: {  	[tilespmem:$0x628] =	vst v0  }
0x64: {  	[tilespmem:$0x638] =	vst v0  }
0x65: {  	[tilespmem:$0x648] =	vst v0  }
0x66: {  	[tilespmem:$0x658] =	vst v0  }
0x67: {  	[tilespmem:$0x668] =	vst v0  }
0x68: {  	[tilespmem:$0x678] =	vst v0  }
0x69: {  	[tilespmem:$0x688] =	vst v0  }
0x6a: {  	[tilespmem:$0x698] =	vst v0  }
0x6b: {  	[tilespmem:$0x6A8] =	vst v0  }
0x6c: {  	[tilespmem:$0x6B8] =	vst v0  }
0x6d: {  	[tilespmem:$0x6C8] =	vst v0  }
0x6e: {  	[tilespmem:$0x6D8] =	vst v0  }
0x6f: {  	[tilespmem:$0x6E8] =	vst v0  }
0x70: {  	[tilespmem:$0x6F8] =	vst v0  }
0x71: {  	[tilespmem:$0x708] =	vst v0  }
0x72: {  	[tilespmem:$0x718] =	vst v0  }
0x73: {  	[tilespmem:$0x728] =	vst v0  }
0x74: {  	[tilespmem:$0x738] =	vst v0  }
0x75: {  	[tilespmem:$0x748] =	vst v0  }
0x76: {  	[tilespmem:$0x758] =	vst v0  }
0x77: {  	[tilespmem:$0x768] =	vst v0  }
0x78: {  	[tilespmem:$0x778] =	vst v0  }
0x79: {  	[tilespmem:$0x788] =	vst v0  }
0x7a: {  	[tilespmem:$0x798] =	vst v0  }
0x7b: {  	[tilespmem:$0x7A8] =	vst v0  }
0x7c: {  	[tilespmem:$0x7B8] =	vst v0  }
0x7d: {  	[tilespmem:$0x7C8] =	vst v0  }
0x7e: {  	[tilespmem:$0x7D8] =	vst v0  }
0x7f: {  	[tilespmem:$0x7E8] =	vst v0  }
0x80: {  	[tilespmem:$0x7F8] =	vst v0  }
0x81: {  	[tilespmem:$0x808] =	vst v0  }
0x82: {  	[tilespmem:$0x818] =	vst v0  }
0x83: {  	[tilespmem:$0x828] =	vst v0  }
0x84: {  	[tilespmem:$0x838] =	vst v0  }
0x85: {  	[tilespmem:$0x848] =	vst v0  }
0x86: {  	[tilespmem:$0x858] =	vst v0  }
0x87: {  	[tilespmem:$0x868] =	vst v0  }
0x88: {  	[tilespmem:$0x878] =	vst v0  }
0x89: {  	[tilespmem:$0x888] =	vst v0  }
0x8a: {  	[tilespmem:$0x898] =	vst v0  }
0x8b: {  	[tilespmem:$0x8A8] =	vst v0  }
0x8c: {  	[tilespmem:$0x8B8] =	vst v0  }
0x8d: {  	[tilespmem:$0x8C8] =	vst v0  }
0x8e: {  	[tilespmem:$0x8D8] =	vst v0  }
0x8f: {  	[tilespmem:$0x8E8] =	vst v0  }
0x90: {  	[tilespmem:$0x8F8] =	vst v0  }
0x91: {  	[tilespmem:$0x908] =	vst v0  }
0x92: {  	[tilespmem:$0x918] =	vst v0  }
0x93: {  	[tilespmem:$0x928] =	vst v0  }
0x94: {  	[tilespmem:$0x938] =	vst v0  }
0x95: {  	[tilespmem:$0x948] =	vst v0  }
0x96: {  	[tilespmem:$0x958] =	vst v0  }
0x97: {  	[tilespmem:$0x968] =	vst v0  }
0x98: {  	[tilespmem:$0x978] =	vst v0  }
0x99: {  	[tilespmem:$0x988] =	vst v0  }
0x9a: {  	[tilespmem:$0x998] =	vst v0  }
0x9b: {  	[tilespmem:$0x9A8] =	vst v0  }
0x9c: {  	[tilespmem:$0x9B8] =	vst v0  }
0x9d: {  	[tilespmem:$0x9C8] =	vst v0  }
0x9e: {  	[tilespmem:$0x9D8] =	vst v0  }
0x9f: {  	[tilespmem:$0x9E8] =	vst v0  }
0xa0: {  	[tilespmem:$0x9F8] =	vst v0  }
0xa1: {  	[tilespmem:$0xA08] =	vst v0  }
0xa2: {  	[tilespmem:$0xA18] =	vst v0  }
0xa3: {  	[tilespmem:$0xA28] =	vst v0  }
0xa4: {  	[tilespmem:$0xA38] =	vst v0  }
0xa5: {  	[tilespmem:$0xA48] =	vst v0  }
0xa6: {  	[tilespmem:$0xA58] =	vst v0  }
0xa7: {  	[tilespmem:$0xA68] =	vst v0  }
0xa8: {  	[tilespmem:$0xA78] =	vst v0  }
0xa9: {  	[tilespmem:$0xA88] =	vst v0  }
0xaa: {  	[tilespmem:$0xA98] =	vst v0  }
0xab: {  	[tilespmem:$0xAA8] =	vst v0  }
0xac: {  	[tilespmem:$0xAB8] =	vst v0  }
0xad: {  	[tilespmem:$0xAC8] =	vst v0  }
0xae: {  	[tilespmem:$0xAD8] =	vst v0  }
0xaf: {  	[tilespmem:$0xAE8] =	vst v0  }
0xb0: {  	[tilespmem:$0xAF8] =	vst v0  }
0xb1: {  	[tilespmem:$0xB08] =	vst v0  }
0xb2: {  	[tilespmem:$0xB18] =	vst v0  }
0xb3: {  	[tilespmem:$0xB28] =	vst v0  }
0xb4: {  	[tilespmem:$0xB38] =	vst v0  }
0xb5: {  	[tilespmem:$0xB48] =	vst v0  }
0xb6: {  	[tilespmem:$0xB58] =	vst v0  }
0xb7: {  	[tilespmem:$0xB68] =	vst v0  }
0xb8: {  	[tilespmem:$0xB78] =	vst v0  }
0xb9: {  	[tilespmem:$0xB88] =	vst v0  }
0xba: {  	[tilespmem:$0xB98] =	vst v0  }
0xbb: {  	[tilespmem:$0xBA8] =	vst v0  }
0xbc: {  	[tilespmem:$0xBB8] =	vst v0  }
0xbd: {  	[tilespmem:$0xBC8] =	vst v0  }
0xbe: {  	[tilespmem:$0xBD8] =	vst v0  }
0xbf: {  	[tilespmem:$0xBE8] =	vst v0  }
0xc0: {  	[tilespmem:$0xBF8] =	vst v0  }
0xc1: {  	[tilespmem:$0xC08] =	vst v0  }
0xc2: {  	[tilespmem:$0xC18] =	vst v0  }
0xc3: {  	[tilespmem:$0xC28] =	vst v0  }
0xc4: {  	[tilespmem:$0xC38] =	vst v0  }
0xc5: {  	[tilespmem:$0xC48] =	vst v0  }
0xc6: {  	[tilespmem:$0xC58] =	vst v0  }
0xc7: {  	[tilespmem:$0xC68] =	vst v0  }
0xc8: {  	[tilespmem:$0xC78] =	vst v0  }
0xc9: {  	[tilespmem:$0xC88] =	vst v0  }
0xca: {  	[tilespmem:$0xC98] =	vst v0  }
0xcb: {  	[tilespmem:$0xCA8] =	vst v0  }
0xcc: {  	[tilespmem:$0xCB8] =	vst v0  }
0xcd: {  	[tilespmem:$0xCC8] =	vst v0  }
0xce: {  	[tilespmem:$0xCD8] =	vst v0  }
0xcf: {  	[tilespmem:$0xCE8] =	vst v0  }
0xd0: {  	[tilespmem:$0xCF8] =	vst v0  }
0xd1: {  	[tilespmem:$0xD08] =	vst v0  }
0xd2: {  	[tilespmem:$0xD18] =	vst v0  }
0xd3: {  	[tilespmem:$0xD28] =	vst v0  }
0xd4: {  	[tilespmem:$0xD38] =	vst v0  }
0xd5: {  	[tilespmem:$0xD48] =	vst v0  }
0xd6: {  	[tilespmem:$0xD58] =	vst v0  }
0xd7: {  	[tilespmem:$0xD68] =	vst v0  }
0xd8: {  	[tilespmem:$0xD78] =	vst v0  }
0xd9: {  	[tilespmem:$0xD88] =	vst v0  }
0xda: {  	[tilespmem:$0xD98] =	vst v0  }
0xdb: {  	[tilespmem:$0xDA8] =	vst v0  }
0xdc: {  	[tilespmem:$0xDB8] =	vst v0  }
0xdd: {  	[tilespmem:$0xDC8] =	vst v0  }
0xde: {  	[tilespmem:$0xDD8] =	vst v0  }
0xdf: {  	[tilespmem:$0xDE8] =	vst v0  }
0xe0: {  	[tilespmem:$0xDF8] =	vst v0  }
0xe1: {  	[tilespmem:$0xE08] =	vst v0  }
0xe2: {  	[tilespmem:$0xE18] =	vst v0  }
0xe3: {  	[tilespmem:$0xE28] =	vst v0  }
0xe4: {  	[tilespmem:$0xE38] =	vst v0  }
0xe5: {  	[tilespmem:$0xE48] =	vst v0  }
0xe6: {  	[tilespmem:$0xE58] =	vst v0  }
0xe7: {  	[tilespmem:$0xE68] =	vst v0  }
0xe8: {  	[tilespmem:$0xE78] =	vst v0  }
0xe9: {  	[tilespmem:$0xE88] =	vst v0  }
0xea: {  	[tilespmem:$0xE98] =	vst v0  }
0xeb: {  	[tilespmem:$0xEA8] =	vst v0  }
0xec: {  	[tilespmem:$0xEB8] =	vst v0  }
0xed: {  	[tilespmem:$0xEC8] =	vst v0  }
0xee: {  	[tilespmem:$0xED8] =	vst v0  }
0xef: {  	[tilespmem:$0xEE8] =	vst v0  }
0xf0: {  	[tilespmem:$0xEF8] =	vst v0  }
0xf1: {  	[tilespmem:$0xF08] =	vst v0  }
0xf2: {  	[tilespmem:$0xF18] =	vst v0  }
0xf3: {  	[tilespmem:$0xF28] =	vst v0  }
0xf4: {  	[tilespmem:$0xF38] =	vst v0  }
0xf5: {  	[tilespmem:$0xF48] =	vst v0  }
0xf6: {  	[tilespmem:$0xF58] =	vst v0  }
0xf7: {  	[tilespmem:$0xF68] =	vst v0  }
0xf8: {  	[tilespmem:$0xF78] =	vst v0  }
0xf9: {  	[tilespmem:$0xF88] =	vst v0  }
0xfa: {  	[tilespmem:$0xF98] =	vst v0  }
0xfb: {  	[tilespmem:$0xFA8] =	vst v0  }
0xfc: {  	[tilespmem:$0xFB8] =	vst v0  }
0xfd: {  	[tilespmem:$0xFC8] =	vst v0  }
0xfe: {  	[tilespmem:$0xFD8] =	vst v0  }
0xff: {  	[tilespmem:$0xFE8] =	vst v0  }
0x100: {  	[tilespmem:$0xFF8] =	vst v0  }
0x101: {  	[tilespmem:$0x1018] =	vst v0  }
0x102: {  	[tilespmem:$0x1098] =	vst v0  }
0x103: {  	[tilespmem:$0x1B28] =	vst v0  }
0x104: {  	[tilespmem:$0x1B18] =	vst v0  }
0x105: {  	[tilespmem:$0x1B08] =	vst v0  }
0x106: {  	[tilespmem:$0x1AF8] =	vst v0  }
0x107: {  	[tilespmem:$0x1AE8] =	vst v0  }
0x108: {  	[tilespmem:$0x1AD8] =	vst v0  }
0x109: {  	[tilespmem:$0x1AC8] =	vst v0  }
0x10a: {  	[tilespmem:$0x1AB8] =	vst v0  }
0x10b: {  	[tilespmem:$0x1AA8] =	vst v0  }
0x10c: {  	[tilespmem:$0x1A98] =	vst v0  }
0x10d: {  	[tilespmem:$0x1A88] =	vst v0  }
0x10e: {  	[tilespmem:$0x1A78] =	vst v0  }
0x10f: {  	[tilespmem:$0x1A68] =	vst v0  }
0x110: {  	[tilespmem:$0x1A58] =	vst v0  }
0x111: {  	[tilespmem:$0x1A48] =	vst v0  }
0x112: {  	[tilespmem:$0x1A38] =	vst v0  }
0x113: {  	[tilespmem:$0x1A28] =	vst v0  }
0x114: {  	[tilespmem:$0x1A18] =	vst v0  }
0x115: {  	[tilespmem:$0x1A08] =	vst v0  }
0x116: {  	[tilespmem:$0x19F8] =	vst v0  }
0x117: {  	[tilespmem:$0x19E8] =	vst v0  }
0x118: {  	[tilespmem:$0x19D8] =	vst v0  }
0x119: {  	[tilespmem:$0x19C8] =	vst v0  }
0x11a: {  	[tilespmem:$0x19B8] =	vst v0  }
0x11b: {  	[tilespmem:$0x19A8] =	vst v0  }
0x11c: {  	[tilespmem:$0x1998] =	vst v0  }
0x11d: {  	[tilespmem:$0x1988] =	vst v0  }
0x11e: {  	[tilespmem:$0x1978] =	vst v0  }
0x11f: {  	[tilespmem:$0x1968] =	vst v0  }
0x120: {  	[tilespmem:$0x1958] =	vst v0  }
0x121: {  	[tilespmem:$0x1948] =	vst v0  }
0x122: {  	[tilespmem:$0x1938] =	vst v0  }
0x123: {  	[tilespmem:$0x1928] =	vst v0  }
0x124: {  	[tilespmem:$0x1918] =	vst v0  }
0x125: {  	[tilespmem:$0x1908] =	vst v0  }
0x126: {  	[tilespmem:$0x18F8] =	vst v0  }
0x127: {  	[tilespmem:$0x18E8] =	vst v0  }
0x128: {  	[tilespmem:$0x18D8] =	vst v0  }
0x129: {  	[tilespmem:$0x18C8] =	vst v0  }
0x12a: {  	[tilespmem:$0x18B8] =	vst v0  }
0x12b: {  	[tilespmem:$0x18A8] =	vst v0  }
0x12c: {  	[tilespmem:$0x1898] =	vst v0  }
0x12d: {  	[tilespmem:$0x1888] =	vst v0  }
0x12e: {  	[tilespmem:$0x1878] =	vst v0  }
0x12f: {  	[tilespmem:$0x1868] =	vst v0  }
0x130: {  	[tilespmem:$0x1858] =	vst v0  }
0x131: {  	[tilespmem:$0x1848] =	vst v0  }
0x132: {  	[tilespmem:$0x1838] =	vst v0  }
0x133: {  	[tilespmem:$0x1828] =	vst v0  }
0x134: {  	[tilespmem:$0x1818] =	vst v0  }
0x135: {  	[tilespmem:$0x1808] =	vst v0  }
0x136: {  	[tilespmem:$0x17F8] =	vst v0  }
0x137: {  	[tilespmem:$0x17E8] =	vst v0  }
0x138: {  	[tilespmem:$0x17D8] =	vst v0  }
0x139: {  	[tilespmem:$0x17C8] =	vst v0  }
0x13a: {  	[tilespmem:$0x17B8] =	vst v0  }
0x13b: {  	[tilespmem:$0x17A8] =	vst v0  }
0x13c: {  	[tilespmem:$0x1798] =	vst v0  }
0x13d: {  	[tilespmem:$0x1788] =	vst v0  }
0x13e: {  	[tilespmem:$0x1778] =	vst v0  }
0x13f: {  	[tilespmem:$0x1768] =	vst v0  }
0x140: {  	[tilespmem:$0x1758] =	vst v0  }
0x141: {  	[tilespmem:$0x1748] =	vst v0  }
0x142: {  	[tilespmem:$0x1738] =	vst v0  }
0x143: {  	[tilespmem:$0x1728] =	vst v0  }
0x144: {  	[tilespmem:$0x1718] =	vst v0  }
0x145: {  	[tilespmem:$0x1708] =	vst v0  }
0x146: {  	[tilespmem:$0x16F8] =	vst v0  }
0x147: {  	[tilespmem:$0x16E8] =	vst v0  }
0x148: {  	[tilespmem:$0x16D8] =	vst v0  }
0x149: {  	[tilespmem:$0x16C8] =	vst v0  }
0x14a: {  	[tilespmem:$0x16B8] =	vst v0  }
0x14b: {  	[tilespmem:$0x16A8] =	vst v0  }
0x14c: {  	[tilespmem:$0x1698] =	vst v0  }
0x14d: {  	[tilespmem:$0x1688] =	vst v0  }
0x14e: {  	[tilespmem:$0x1678] =	vst v0  }
0x14f: {  	[tilespmem:$0x1668] =	vst v0  }
0x150: {  	[tilespmem:$0x1658] =	vst v0  }
0x151: {  	[tilespmem:$0x1648] =	vst v0  }
0x152: {  	[tilespmem:$0x1638] =	vst v0  }
0x153: {  	[tilespmem:$0x1628] =	vst v0  }
0x154: {  	[tilespmem:$0x1618] =	vst v0  }
0x155: {  	[tilespmem:$0x1608] =	vst v0  }
0x156: {  	[tilespmem:$0x15F8] =	vst v0  }
0x157: {  	[tilespmem:$0x15E8] =	vst v0  }
0x158: {  	[tilespmem:$0x15D8] =	vst v0  }
0x159: {  	[tilespmem:$0x15C8] =	vst v0  }
0x15a: {  	[tilespmem:$0x15B8] =	vst v0  }
0x15b: {  	[tilespmem:$0x15A8] =	vst v0  }
0x15c: {  	[tilespmem:$0x1598] =	vst v0  }
0x15d: {  	[tilespmem:$0x1588] =	vst v0  }
0x15e: {  	[tilespmem:$0x1578] =	vst v0  }
0x15f: {  	[tilespmem:$0x1568] =	vst v0  }
0x160: {  	[tilespmem:$0x1558] =	vst v0  }
0x161: {  	[tilespmem:$0x1548] =	vst v0  }
0x162: {  	[tilespmem:$0x1538] =	vst v0  }
0x163: {  	[tilespmem:$0x1528] =	vst v0  }
0x164: {  	[tilespmem:$0x1518] =	vst v0  }
0x165: {  	[tilespmem:$0x1508] =	vst v0  }
0x166: {  	[tilespmem:$0x14F8] =	vst v0  }
0x167: {  	[tilespmem:$0x14E8] =	vst v0  }
0x168: {  	[tilespmem:$0x14D8] =	vst v0  }
0x169: {  	[tilespmem:$0x14C8] =	vst v0  }
0x16a: {  	[tilespmem:$0x14B8] =	vst v0  }
0x16b: {  	[tilespmem:$0x14A8] =	vst v0  }
0x16c: {  	[tilespmem:$0x1498] =	vst v0  }
0x16d: {  	[tilespmem:$0x1488] =	vst v0  }
0x16e: {  	[tilespmem:$0x1478] =	vst v0  }
0x16f: {  	[tilespmem:$0x1468] =	vst v0  }
0x170: {  	[tilespmem:$0x1458] =	vst v0  }
0x171: {  	[tilespmem:$0x1448] =	vst v0  }
0x172: {  	[tilespmem:$0x1438] =	vst v0  }
0x173: {  	[tilespmem:$0x1428] =	vst v0  }
0x174: {  	[tilespmem:$0x1418] =	vst v0  }
0x175: {  	[tilespmem:$0x1408] =	vst v0  }
0x176: {  	[tilespmem:$0x13F8] =	vst v0  }
0x177: {  	[tilespmem:$0x13E8] =	vst v0  }
0x178: {  	[tilespmem:$0x13D8] =	vst v0  }
0x179: {  	[tilespmem:$0x13C8] =	vst v0  }
0x17a: {  	[tilespmem:$0x13B8] =	vst v0  }
0x17b: {  	[tilespmem:$0x13A8] =	vst v0  }
0x17c: {  	[tilespmem:$0x1398] =	vst v0  }
0x17d: {  	[tilespmem:$0x1388] =	vst v0  }
0x17e: {  	[tilespmem:$0x1378] =	vst v0  }
0x17f: {  	[tilespmem:$0x1368] =	vst v0  }
0x180: {  	[tilespmem:$0x1358] =	vst v0  }
0x181: {  	[tilespmem:$0x1348] =	vst v0  }
0x182: {  	[tilespmem:$0x1338] =	vst v0  }
0x183: {  	[tilespmem:$0x1328] =	vst v0  }
0x184: {  	[tilespmem:$0x1318] =	vst v0  }
0x185: {  	[tilespmem:$0x1308] =	vst v0  }
0x186: {  	[tilespmem:$0x12F8] =	vst v0  }
0x187: {  	[tilespmem:$0x12E8] =	vst v0  }
0x188: {  	[tilespmem:$0x12D8] =	vst v0  }
0x189: {  	[tilespmem:$0x12C8] =	vst v0  }
0x18a: {  	[tilespmem:$0x12B8] =	vst v0  }
0x18b: {  	[tilespmem:$0x12A8] =	vst v0  }
0x18c: {  	[tilespmem:$0x1298] =	vst v0  }
0x18d: {  	[tilespmem:$0x1288] =	vst v0  }
0x18e: {  	[tilespmem:$0x1278] =	vst v0  }
0x18f: {  	[tilespmem:$0x1268] =	vst v0  }
0x190: {  	[tilespmem:$0x1258] =	vst v0  }
0x191: {  	[tilespmem:$0x1248] =	vst v0  }
0x192: {  	[tilespmem:$0x1238] =	vst v0  }
0x193: {  	[tilespmem:$0x1228] =	vst v0  }
0x194: {  	[tilespmem:$0x1218] =	vst v0  }
0x195: {  	[tilespmem:$0x1208] =	vst v0  }
0x196: {  	[tilespmem:$0x11F8] =	vst v0  }
0x197: {  	[tilespmem:$0x11E8] =	vst v0  }
0x198: {  	[tilespmem:$0x11D8] =	vst v0  }
0x199: {  	[tilespmem:$0x11C8] =	vst v0  }
0x19a: {  	[tilespmem:$0x11B8] =	vst v0  }
0x19b: {  	[tilespmem:$0x11A8] =	vst v0  }
0x19c: {  	[tilespmem:$0x1198] =	vst v0  }
0x19d: {  	[tilespmem:$0x1188] =	vst v0  }
0x19e: {  	[tilespmem:$0x1178] =	vst v0  }
0x19f: {  	[tilespmem:$0x1168] =	vst v0  }
0x1a0: {  	[tilespmem:$0x1158] =	vst v0  }
0x1a1: {  	[tilespmem:$0x1148] =	vst v0  }
0x1a2: {  	[tilespmem:$0x1138] =	vst v0  }
0x1a3: {  	[tilespmem:$0x1128] =	vst v0  }
0x1a4: {  	[tilespmem:$0x1118] =	vst v0  }
0x1a5: {  	[tilespmem:$0x1108] =	vst v0  }
0x1a6: {  	[tilespmem:$0x10F8] =	vst v0  }
0x1a7: {  	[tilespmem:$0x10E8] =	vst v0  }
0x1a8: {  	s2 =	stileid.u32;
	[tilespmem:$0x10D8] =	vst v0  }
0x1a9: {  	s3 =	smul.u32 $0xCF90, s2;
	[tilespmem:$0x10C8] =	vst v0  }
0x1aa: {  	[tilespmem:$0x10B8] =	vst v0  }
0x1ab: {  	[tilespmem:$0x10A8] =	vst v0;
	s0 =	smin.u32 s3, $0xC28C0  }
0x1ac: {  	[tilespmem:$0x1028] =	vst v0;
	s4 =	sadd.s32 $0xCF90, s0  }
0x1ad: {  	s5 =	simm.s32 $0x2;
	s29 =	simm.s32 $0x7;
	[tilespmem:$0x1088] =	vst v0;
	s0 =	ssub.s32 s4, s3  }
0x1ae: {  	s13 =	simm.s32 $0x8;
	s30 =	simm.s32 $0x9;
	[tilespmem:$0x1078] =	vst v0;
	p0 =	sgt.s32 s0, $0x0  }
0x1af: {  	p4 =	por $0x0, $0x0;
	s14 =	simm.s32 $0xA;
	[tilespmem:$0x1068] =	vst v0;
	s0 =	simm.s32 @!p0 $0x0  }
0x1b0: {  	s18 =	simm.s32 $0x0;
	s15 =	simm.s32 $0x0;
	[tilespmem:$0x1058] =	vst v0;
	s12 =	smulhi.u32 $0x97B426, s0  }
0x1b1: {  	s17 =	simm.s32 $0x0;
	s1 =	sadd.s32 $0x17EA00, s8;
	s6 =	sadd.s32 $0x53200, s8;
	[tilespmem:$0x1048] =	vst v0  }
0x1b2: {  	s7 =	sadd.s32 $0xF3A600, s8;
	s31 =	sshll.u32 s2, $0x5;
	[tilespmem:$0x1038] =	vst v0;
	s10 =	smul.u32 $0x1B0, s12  }
.Ltmp0:
0x1b3: {  	[tilespmem:$0x1008] =	vst v0;
	[sflag:s5] =	ssyncpa.u1 $0x0;
	v0 =	vimm.s32 $0xFFFFFFFF;
	s5 =	sadd.s32 $0x6D200, s8;
	(pc) =	sbr.rel .LBB2_1-.Ltmp0, $4  }
0x1b4: {  	[dreg:$0x2] =	wrdreg s31;
	[tilespmem:$0x3648] =	vst v0;
	[sflag:s29] =	ssyncpa.u1 $0x0;
	p0 =	sne.s32 s0, s10  }
0x1b5: {  	s16 =	smov.u32 s3;
	[dreg:$0x3] =	wrdreg s3;
	s11 =	simm.s32 @!p0 $0x0  }
0x1b6: {  	[sflag:s13] =	ssyncpa.u1 $0x0;
	s13 =	simm.s32 $0x0;
	s11 =	sadd.s32 s11, s12  }
0x1b7: {  	v0 =	vlaneseq.u32;
	[sflag:s30] =	ssyncpa.u1 $0x0;
	p0 =	por $0x1, $0x1;
	s8 =	sadd.s32 $0x1, s11  }
.LBB2_18:
0x1b8: {  	s0 =	simm.s32 $0x2  }
0x1b9: {  	_ =	swait.ge [sflag:s0], $0x0  }
0x1ba: {  	[sflag:s0] =	ssyncset.done $0x0;
	s0 =	simm.s32 $0x0  }
.LBB2_19:
0x1bb: {  	_ =	swait.ge [sflag:s14], s0  }
0x1bc: {  	s31 =	ssub.s32 $0x0, s0;
	v1 =	vmov s20;
	vm0 =	veq.s32 v0, $0x0;
	[sflag:s14] =	ssyncset.done $0x0  }
0x1bd: {  	vm15 =	veq.s32 v0, $0x2;
	v1 =	vsel vm0, s24, v1;
	[sflag:s14] =	ssyncadd.s32 s31  }
0x1be: {  	v1 =	vsel vm15, s18, v1;
	[sflag:s14] =	ssyncpa.u1 $0x1  }
0x1bf: {  	[tilespmem:$0x3648] =	vst v1  }
.LBB2_20:
0x1c0: {  	s0 =	sadd.s32 $0x1B0, s16  }
0x1c1: {  	s2 =	smov.u32 s3;
	p1 =	slt.s32 s0, s4  }
0x1c2: {  	s2 =	smov.u32 @p1 s0;
	p1 =	sne.s32 s17, s8  }
.Ltmp1:
0x1c3: {  	_ = 	snop;
	(pc) =	sbr.rel @!p1 .LBB2_21-.Ltmp1, $4  }
0x1c4: {  	_ = 	snop  }
0x1c5: {  	s18 =	smov.u32 s15  }
0x1c6: {  	s31 =	sadd.s32 $0x1, s17;
	s15 =	smov.u32 s16;
	p0 =	por !p0, !p0  }
0x1c7: {  	p4 =	por !p4, !p4;
	s17 =	smov.u32 s31;
	s16 =	smov.u32 s2  }
.LBB2_1:
0x1c8: {  	p2 =	sge.u32 s17, s11  }
0x1c9: {  	s0 =	smulhi.u32 @!p2 $0xAAAAAAAB, s17  }
0x1ca: {  	s19 =	smov.u32 s16;
	p3 =	sgt.s32 @!p2 s16, $0xCF6A0  }
0x1cb: {  	s20 =	sshra.s32 @!p2 s16, $0x1F;
	p3 =	por !p3, p2;
	s0 =	sshrl.u32 @!p2 s0, $0x1  }
0x1cc: {  	s20 =	sand.u32 @!p2 s20, s16;
	s19 =	simm.s32 @p3 $0xCF6A0;
	s0 =	smul.u32 @!p2 $0x3, s0  }
0x1cd: {  	s19 =	ssub.s32 @!p2 s19, s20  }
0x1ce: {  	s19 =	sadd.s32 @!p2 $0xFFF30960, s19;
	s0 =	ssub.s32 @!p2 s17, s0  }
0x1cf: {  	s20 =	sshll.u32 @!p2 s19, $0x2;
	p3 =	sgt.s32 @!p2 s19, $0x1AF;
	s0 =	smul.u32 @!p2 $0x6C0, s0  }
0x1d0: {  	s21 =	sand.u32 @!p2 $0x7, s16;
	s19 =	ssub.s32 @!p2 $0x6C0, s20;
	p3 =	por !p3, p2  }
0x1d1: {  	s20 =	sshrl.u32 @!p2 s16, $0x3;
	s19 =	sshrl.u32 @!p2 s19, $0x2;
	s0 =	sshrl.u32 @!p2 s0, $0x2  }
0x1d2: {  	s20 =	sadd.s32 @!p2 s5, s20;
	s19 =	simm.s32 @!p3 $0x0;
	s0 =	sadd.s32 @!p2 $0x3878, s0  }
0x1d3: {  	[tilespmem:s0], [sflag:$0x8] =	stream.linear.gather @!p2 [hbm4b:s20+s21], s19, $0x38;
	[tilespmem:$0x1F0E8] =	vst v63  }
0x1d4: {  	s20 =	sadd.s32 $0xFFFFFFFF, s17  }
0x1d5: {  	p2 =	sge.u32 s20, s11  }
0x1d6: {  	p3 =	sgt.s32 @!p2 s15, $0xCF6A0  }
0x1d7: {  	s0 =	smov.u32 s15;
	s19 =	sshra.s32 @!p2 s15, $0x1F;
	p3 =	por !p3, p2  }
0x1d8: {  	s19 =	sand.u32 @!p2 s19, s15;
	s0 =	simm.s32 @p3 $0xCF6A0  }
0x1d9: {  	s0 =	ssub.s32 @!p2 s0, s19  }
0x1da: {  	s0 =	sadd.s32 @!p2 $0xFFF30960, s0  }
0x1db: {  	s19 =	sshll.u32 @!p2 s0, $0x2  }
0x1dc: {  	p3 =	sgt.s32 @!p2 s0, $0x1AF;
	s0 =	ssub.s32 @!p2 $0x6C0, s19  }
0x1dd: {  	p3 =	por !p3, p2;
	s0 =	sshrl.u32 @!p2 s0, $0x2  }
0x1de: {  	s21 =	simm.s32 @!p2 $0x8;
	s19 =	sand.u32 @!p2 $0x1, s20;
	s0 =	simm.s32 @!p3 $0x0  }
0x1df: {  	s19 =	smul.u32 @!p2 $0x6C0, s19;
	_ =	swait.ge @!p2 [sflag:s21], s0  }
0x1e0: {  	s22 =	ssub.s32 @!p2 $0x0, s0;
	[sflag:s21] =	ssyncset.done @!p2 $0x0  }
0x1e1: {  	s19 =	sshrl.u32 @!p2 s19, $0x2;
	[sflag:s21] =	ssyncadd.s32 @!p2 s22;
	s21 =	sshrl.u32 @!p2 s15, $0x3  }
0x1e2: {  	s19 =	sadd.s32 @!p2 $0x3D88, s19;
	s22 =	sand.u32 @!p2 $0x7, s15;
	s21 =	sadd.s32 @!p2 s6, s21  }
0x1e3: {  	[tilespmem:s19], [sflag:$0x9] =	stream.linear.gather @!p2 [hbm4b:s21+s22], s0, $0x38;
	[tilespmem:$0x1F0E8] =	vst v63  }
0x1e4: {  	s19 =	ssub.s32 @!p2 $0xCF850, s15  }
0x1e5: {  	p3 =	slt.s32 @!p2 s19, $0x1  }
0x1e6: {  	p3 =	por p2, p3  }
.Ltmp2:
0x1e7: {  	_ = 	snop;
	(pc) =	sbr.rel @p3 .LBB2_7-.Ltmp2, $1  }
0x1e8: {  	_ =	sdelay $0x3  }
0x1e9: {  	s0 =	smulhi.u32 $0xAAAAAAAB, s20;
	_ =	sdelay $0x1  }
0x1ea: {  	s0 =	sshrl.u32 s0, $0x1  }
0x1eb: {  	s0 =	smul.u32 $0x3, s0;
	_ =	sdelay $0x1  }
0x1ec: {  	s0 =	ssub.s32 s20, s0  }
0x1ed: {  	s21 =	simm.s32 $0x1;
	s0 =	smul.u32 $0x6C0, s0  }
.Ltmp3:
0x1ee: {  	s21 =	simm.s32 @!p0 $0x0;
	(pc) =	sbr.rel .LBB2_4-.Ltmp3, $4  }
0x1ef: {  	s31 =	smul.u32 $0x36000, s21  }
0x1f0: {  	p3 =	slt.s32 @!p2 s19, $0x1B0;
	s0 =	sshrl.u32 s0, $0x2  }
0x1f1: {  	p2 =	por !p3, p2;
	s20 =	sshrl.u32 s31, $0x2;
	s0 =	sadd.s32 $0x3878, s0  }
0x1f2: {  	s19 =	simm.s32 @p2 $0x1B0;
	s21 =	simm.s32 $0x0;
	s20 =	sadd.s32 $0x40E8, s20;
	v1 =	vmov s0  }
.LBB2_3:
0x1f3: {  	p2 =	sge.s32 s21, s19  }
.Ltmp4:
0x1f4: {  	_ = 	snop;
	(pc) =	sbr.rel @p2 .LBB2_7-.Ltmp4, $2  }
0x1f5: {  	_ =	sdelay $0x2  }
0x1f6: {  	s20 =	sadd.s32 $0x800, s20  }
.LBB2_4:
0x1f7: {  	p2 =	sle.s32 s19, s21  }
.Ltmp5:
0x1f8: {  	_ = 	snop;
	(pc) =	sbr.rel @p2 .LBB2_3-.Ltmp5, $2  }
0x1f9: {  	_ =	sdelay $0x2  }
0x1fa: {  	s22 =	smov.u32 s21;
	s21 =	sadd.s32 $0x10, s21  }
0x1fb: {  	s0 =	ssub.s32 s19, s22  }
0x1fc: {  	p2 =	slt.s32 s0, $0x10  }
0x1fd: {  	s0 =	simm.s32 @!p2 $0x10  }
0x1fe: {  	v2 =	vmov s0  }
0x1ff: {  	vm0 =	vgt.s32 v2, v0;
	_ =	sdelay $0x5  }
0x200: {  	v2 =	vld.idx.msk [tilespmem:v1+s22+$0x0 ss:$0x1], vm0;
	_ =	sdelay $0x2  }
0x201: {  	s23 =	smov.u32 s19;
	p2 =	slt.s32 s21, s19  }
0x202: {  	s24 =	smov.u32 s20;
	s25 =	simm.s32 $0x0;
	s23 =	smov.u32 @p2 s21  }
.LBB2_6:
0x203: {  	(v2sf) =	vpush v2, s25;
	_ =	sdelay $0xc  }
0x204: {  	s25 =	sadd.s32 $0x1, s25  }
0x205: {  	s31 =	sadd.s32 s25, s22  }
0x206: {  	p2 =	slt.s32 s31, s23;
	s0 =	spop (v2sf)  }
.Ltmp6:
0x207: {  	s0 =	sshll.u32 s0, $0x4;
	(pc) =	sbr.rel @p2 .LBB2_6-.Ltmp6, $4  }
0x208: {  	s0 =	sand.u32 $0x1FFFFFF0, s0  }
0x209: {  	s0 =	sadd.s32 s7, s0  }
0x20a: {  	[tilespmem:s24], [sflag:$0x7] =	stream.linear.gather [hbm4b:s0+s13], $0x2, $0x38;
	[tilespmem:$0x1F0E8] =	vst v63  }
0x20b: {  	s24 =	sadd.s32 $0x80, s24  }
.Ltmp7:
0x20c: {  	_ = 	snop;
	(pc) =	sbr.rel .LBB2_3-.Ltmp7, $1  }
0x20d: {  	_ =	sdelay $0x3  }
.LBB2_7:
0x20e: {  	p2 =	slt.u32 s17, $0x2  }
.Ltmp8:
0x20f: {  	_ = 	snop;
	(pc) =	sbr.rel @p2 .LBB2_20-.Ltmp8, $1  }
0x210: {  	_ =	sdelay $0x3  }
0x211: {  	p2 =	sgt.s32 s18, $0xCF6A0;
	s0 =	smov.u32 s18  }
0x212: {  	s19 =	sshra.s32 s18, $0x1F;
	s20 =	ssub.s32 $0xCF850, s18;
	s0 =	simm.s32 @!p2 $0xCF6A0  }
0x213: {  	s19 =	sand.u32 s19, s18;
	p2 =	slt.s32 s20, $0x1B0;
	s21 =	smov.u32 s20  }
0x214: {  	s0 =	ssub.s32 s0, s19;
	s21 =	simm.s32 @!p2 $0x1B0  }
0x215: {  	s0 =	sadd.s32 $0xFFF30960, s0;
	s26 =	sshll.u32 s21, $0x1  }
0x216: {  	s2 =	simm.s32 $0x7;
	s28 =	sshll.u32 s0, $0x2;
	s19 =	sand.u32 $0x3FFFFFFE, s26  }
0x217: {  	p2 =	sgt.s32 s0, $0x1AF;
	s29 =	ssub.s32 $0x6C0, s28;
	_ =	swait.ge [sflag:s2], s19  }
0x218: {  	s19 =	ssub.s32 $0x0, s19;
	[sflag:s2] =	ssyncset.done $0x0;
	s0 =	sshrl.u32 s29, $0x2  }
0x219: {  	s30 =	simm.s32 $0x9;
	[sflag:s2] =	ssyncadd.s32 s19;
	s0 =	simm.s32 @p2 $0x0  }
0x21a: {  	_ =	swait.ge [sflag:s30], s0  }
0x21b: {  	s0 =	ssub.s32 $0x0, s0;
	[sflag:s30] =	ssyncset.done $0x0  }
0x21c: {  	[sflag:s30] =	ssyncadd.s32 s0  }
0x21d: {  	v1 =	vld [tilespmem:$0x3648];
	_ =	sdelay $0x4  }
0x21e: {  	(v2sf) =	vpush v1, $0x0  }
0x21f: {  	(v2sf) =	vpush v1, $0x1  }
0x220: {  	(v2sf) =	vpush v1, $0x2;
	_ =	sdelay $0x3  }
0x221: {  	s0 =	sadd.s32 $0x1B0, s18  }
0x222: {  	p2 =	slt.s32 s4, s0  }
0x223: {  	s0 =	smov.u32 @p2 s4;
	p2 =	sgt.s32 s20, $0x0  }
0x224: {  	s22 =	ssub.s32 s0, s18;
	s20 =	simm.s32 @!p2 $0x0  }
0x225: {  	p2 =	slt.s32 s20, s22  }
0x226: {  	s22 =	smov.u32 @p2 s20  }
0x227: {  	s21 =	simm.s32 $0x1;
	p2 =	slt.s32 s22, $0x1  }
.Ltmp9:
0x228: {  	s21 =	simm.s32 @!p4 $0x0;
	(pc) =	sbr.rel @p2 .LBB2_12-.Ltmp9, $4  }
0x229: {  	s31 =	smul.u32 $0x6C0, s21  }
0x22a: {  	s23 =	spop (v2sf)  }
0x22b: {  	s0 =	sshrl.u32 s31, $0x2;
	s25 =	spop (v2sf)  }
0x22c: {  	s19 =	sadd.s32 $0x3D88, s0;
	s18 =	spop (v2sf)  }
0x22d: {  	s0 =	smin.u32 s22, $0x10  }
0x22e: {  	v1 =	vmov s0  }
0x22f: {  	p3 =	sgt.s32 s22, $0x10;
	vm1 =	vgt.u32 v1, v0  }
.Ltmp10:
0x230: {  	_ = 	snop;
	(pc) =	sbr.rel @!p3 .LBB2_11-.Ltmp10, $2  }
0x231: {  	_ =	sdelay $0x2  }
0x232: {  	s24 =	simm.s32 $0x10;
	s26 =	sadd.s32 $0xFFFFFFF0, s22;
	s20 =	smov.u32 s19;
	vm0 =	vmmov vm1  }
.LBB2_10:
0x233: {  	s0 =	smin.u32 s26, $0x10;
	s24 =	sadd.s32 $0x10, s24;
	v1 =	vld.msk [tilespmem:s20+$0x0 ss:$0x1], vm1  }
0x234: {  	v2 =	vmov s0;
	p3 =	slt.s32 s24, s22  }
0x235: {  	vm1 =	vgt.u32 v2, v0  }
.Ltmp11:
0x236: {  	(pc) =	sbr.rel @p3 .LBB2_10-.Ltmp11, $3  }
0x237: {  	_ =	sdelay $0x1  }
0x238: {  	v1 =	vshll.u32 v1, $0x4  }
0x239: {  	s26 =	sadd.s32 $0xFFFFFFF0, s26;
	[tilespmem:s20+$0x0] =	vst.msk vm0, v1;
	s20 =	sadd.s32 $0x10, s20;
	vm0 =	vmmov vm1  }
.LBB2_11:
0x23a: {  	_ =	sdelay $0x4  }
0x23b: {  	v1 =	vld.msk [tilespmem:s20+$0x0 ss:$0x1], vm1;
	_ =	sdelay $0x4  }
0x23c: {  	v1 =	vshll.u32 v1, $0x4  }
0x23d: {  	[tilespmem:s20+$0x0] =	vst.msk vm0, v1  }
.LBB2_12:
0x23e: {  	s0 =	sand.u32 $0x1, s17  }
0x23f: {  	s0 =	smul.u32 $0x1B0, s0  }
0x240: {  	p3 =	sne.s32 s25, $0xFFFFFFFF  }
0x241: {  	v1 =	vld.msk @!p3 [tilespmem:s0+$0x3D88], $0x1;
	_ =	sdelay $0x4  }
0x242: {  	(v2sf) =	vpush @!p3 v1, $0x0;
	_ =	sdelay $0xc  }
.Ltmp12:
0x243: {  	_ = 	snop;
	(pc) =	sbr.rel @p2 .LBB2_18-.Ltmp12, $4  }
0x244: {  	_ = 	snop  }
0x245: {  	s24 =	spop @!p3 (v2sf)  }
0x246: {  	s18 =	simm.s32 @!p3 $0x0;
	s20 =	smov.u32 s24  }
0x247: {  	[sflag:s14] =	ssyncpa.u1 $0x0;
	s24 =	smov.u32 @p3 s23;
	s20 =	smov.u32 @p3 s25  }
0x248: {  	v1 =	vld.msk [tilespmem:s19+$0x0], $0x1;
	_ =	sdelay $0x4  }
0x249: {  	(v2sf) =	vpush v1, $0x0;
	_ =	sdelay $0xd  }
0x24a: {  	s0 =	simm.s32 @!p4 $0x0  }
0x24b: {  	s26 =	smul.u32 $0x36000, s21;
	s25 =	ssub.s32 $0x0, s22;
	s28 =	spop (v2sf)  }
0x24c: {  	s0 =	simm.s32 @p4 $0x1;
	s23 =	sadd.s32 $0x1, s25;
	p2 =	seq.s32 s24, s28  }
0x24d: {  	[smem:$0x7FD] =	sst s0;
	s0 =	sshrl.u32 s26, $0x2;
	p3 =	sgt.s32 @!p2 s24, $0x0  }
0x24e: {  	s21 =	sadd.s32 $0x40E8, s0;
	s0 =	smov.u32 s24;
	p3 =	por !p3, p2  }
0x24f: {  	s0 =	simm.s32 @p3 $0x0;
	p3 =	seq.s32 s23, $0x0  }
.Ltmp13:
0x250: {  	_ = 	snop;
	(pc) =	sbr.rel @p3 .LBB2_15-.Ltmp13, $4  }
0x251: {  	s3 =	smov.u32 s8;
	s12 =	smov.u32 s5;
	s8 =	smov.u32 s6  }
0x252: {  	s22 =	simm.s32 $0x0;
	s29 =	simm.s32 @!p2 $0x1;
	s0 =	smin.u32 @!p2 s0, $0xC34FF  }
0x253: {  	s30 =	simm.s32 @!p2 $0x1B38;
	s29 =	smov.u32 @p2 s22;
	s26 =	sand.u32 @!p2 $0xFFFF8, s0  }
0x254: {  	s31 =	sand.u32 @!p2 $0x7, s0;
	s0 =	sadd.s32 @!p2 s1, s26;
	s26 =	sadd.s32 $0x1, s19  }
.LBB2_14:
0x255: {  	s2 =	smov.u32 s29  }
0x256: {  	[tilespmem:s30], [sflag:$0x2] =	stream.linear.gather @!p2 [hbm4b:s0+s31], $0x2, $0x38;
	[tilespmem:$0x1F0E8] =	vst v63  }
0x257: {  	s23 =	sadd.s32 $0x1, s23;
	s0 =	smov.u32 s28;
	v1 =	vld.msk [tilespmem:s26+$0x0], $0x1  }
0x258: {  	p3 =	seq.s32 s23, $0x0;
	_ =	sdelay $0x3  }
0x259: {  	(v2sf) =	vpush v1, $0x0;
	_ =	sdelay $0xe  }
0x25a: {  	s28 =	spop (v2sf)  }
0x25b: {  	p2 =	seq.s32 s0, s28  }
0x25c: {  	p4 =	sgt.s32 @!p2 s0, $0x0;
	s30 =	sshll.u32 @!p2 s29, $0x6;
	s29 =	sadd.s32 @!p2 $0x1, s29  }
.Ltmp14:
0x25d: {  	p4 =	por !p4, p2;
	s30 =	sshra.s32 @!p2 s30, $0x2;
	(pc) =	sbr.rel @!p3 .LBB2_14-.Ltmp14, $4  }
0x25e: {  	s29 =	smov.u32 @p2 s2;
	s0 =	simm.s32 @p4 $0x0;
	s30 =	sadd.s32 @!p2 $0x1B38, s30  }
0x25f: {  	s0 =	smin.u32 @!p2 s0, $0xC34FF  }
0x260: {  	s2 =	sand.u32 @!p2 $0xFFFF8, s0;
	s31 =	sand.u32 @!p2 $0x7, s0  }
0x261: {  	s26 =	sadd.s32 $0x1, s26;
	s0 =	sadd.s32 @!p2 s1, s2  }
.LBB2_15:
0x262: {  	[tilespmem:s30], [sflag:$0x2] =	stream.linear.gather @!p2 [hbm4b:s0+s31], $0x2, $0x38;
	[tilespmem:$0x1F0E8] =	vst v63  }
0x263: {  	s31 =	sshll.u32 s29, $0x1  }
0x264: {  	s2 =	simm.s32 $0x2;
	s0 =	sand.u32 $0x3FFFFFFE, s31  }
0x265: {  	_ =	swait.ge [sflag:s2], s0  }
0x266: {  	s0 =	ssub.s32 $0x0, s0;
	[sflag:s2] =	ssyncset.done $0x0  }
0x267: {  	[sflag:s2] =	ssyncadd.s32 s0  }
0x268: {  	v1 =	vld.msk [tilespmem:s19+$0x0], $0x1;
	_ =	sdelay $0x4  }
0x269: {  	(v2sf) =	vpush v1, $0x0;
	_ =	sdelay $0xe  }
0x26a: {  	s23 =	spop (v2sf)  }
0x26b: {  	p2 =	sne.s32 s24, s23  }
0x26c: {  	p4 =	sne.s32 @p2 s24, s20  }
0x26d: {  	p3 =	por !p4, !p2  }
0x26e: {  	s0 =	simm.s32 @!p3 $0x0  }
0x26f: {  	v1 =	vld.msk @!p3 [tilespmem:s0+$0x1B38], $0x3  }
0x270: {  	p5 =	sgt.u32 @!p3 s24, $0xC34FF  }
0x271: {  	s2 =	sshll.u32 @!p3 s18, $0x6;
	p6 =	por @p2 p5, !p4  }
0x272: {  	s2 =	sshra.s32 @!p3 s2, $0x2;
	p1 =	por p6, !p2;
	p6 =	por p4, !p2  }
0x273: {  	s26 =	sadd.s32 @!p3 $0x28, s2;
	s28 =	sand.u32 @!p1 $0xFFFF8, s24;
	s29 =	sshll.u32 @!p6 s18, $0x6  }
0x274: {  	s24 =	sand.u32 @!p1 $0x7, s24;
	[tilespmem:s2+$0x28] =	vst.add.f32.msk @!p3 $0x3, v1;
	s2 =	sadd.s32 @!p1 s1, s28;
	s28 =	sshra.s32 @!p6 s29, $0x2  }
0x275: {  	[hbm4b:s2+s24] =	stream.linear.scatter @!p1 [tilespmem:s26], [sflag:$0xA], $0x2, $0x38;
	[tilespmem:$0x1F0E8] =	vst v63  }
0x276: {  	s0 =	rddreg [dreg:$0x2];
	s2 =	sadd.s32 @!p6 $0x28, s28;
	s24 =	simm.s32 @!p6 $0x1  }
0x277: {  	[spmem:s0] =	stream.linear.scatter @!p6 [tilespmem:s2], [sflag:$0x1], $0x2, $0x38;
	[tilespmem:$0x1F0E8] =	vst v63  }
0x278: {  	s0 =	sadd.s32 @p2 $0x1, s18;
	_ =	swait.ge @!p6 [sflag:s24], $0x2  }
0x279: {  	s2 =	sshrl.u32 @p2 s0, $0x4;
	[sflag:s24] =	ssyncset.done @!p6 $0x0  }
0x27a: {  	s2 =	smulhi.u32 @p2 $0x97B425F, s2;
	[sflag:s24] =	ssyncadd.s32 @!p6 $0xFFFFFFFE  }
0x27b: {  	s24 =	sadd.s32 $0x1, s25;
	v1 =	vld.msk @p2 [tilespmem:s21+$0x0], $0x3  }
0x27c: {  	p1 =	por @p2 !p5, !p4;
	s2 =	smul.u32 @p2 $0x1B0, s2;
	p4 =	seq.s32 s24, $0x0  }
.Ltmp15:
0x27d: {  	p1 =	por !p1, !p2;
	s25 =	simm.s32 @!p3 $0x0;
	(pc) =	sbr.rel @p4 .LBB2_17-.Ltmp15, $4  }
0x27e: {  	s26 =	sshll.u32 @!p2 s18, $0x6;
	s25 =	simm.s32 @!p1 $0x8;
	s0 =	ssub.s32 @p2 s0, s2  }
0x27f: {  	s26 =	sshra.s32 @!p2 s26, $0x2;
	s28 =	sadd.s32 @!p3 $0x0, s25;
	s29 =	sshll.u32 @p2 s0, $0x4  }
0x280: {  	s25 =	simm.s32 $0x0;
	s2 =	simm.s32 @p2 $0x1;
	s28 =	smov.u32 @p3 s22;
	[tilespmem:s29+$0x28] =	vst.msk @p2 $0x3, v1  }
0x281: {  	s18 =	smov.u32 @p2 s0;
	s25 =	smov.u32 @p2 s28;
	s22 =	smov.u32 @p2 s2;
	v1 =	vld.msk @!p2 [tilespmem:s21+$0x0], $0x3  }
.LBB2_16:
0x282: {  	_ =	sdelay $0x3  }
0x283: {  	s19 =	sadd.s32 $0x1, s19;
	[tilespmem:s26+$0x28] =	vst.add.f32.msk @!p2 $0x3, v1  }
0x284: {  	v1 =	vld.msk [tilespmem:s19+$0x0], $0x1;
	_ =	sdelay $0x4  }
0x285: {  	(v2sf) =	vpush v1, $0x0;
	_ =	sdelay $0xe  }
0x286: {  	s0 =	smov.u32 s23;
	s23 =	spop (v2sf)  }
0x287: {  	p2 =	sne.s32 s0, s23  }
0x288: {  	p5 =	sne.s32 @p2 s0, s20  }
0x289: {  	p4 =	por !p5, !p2  }
0x28a: {  	s30 =	sshll.u32 @!p4 s22, $0x6  }
0x28b: {  	s30 =	sshra.s32 @!p4 s30, $0x2  }
0x28c: {  	p1 =	sgt.u32 @!p4 s0, $0xC34FF;
	v1 =	vld.msk @!p4 [tilespmem:s30+$0x1B38], $0x3  }
0x28d: {  	s31 =	sshll.u32 @!p4 s18, $0x6;
	p6 =	por @p2 p1, !p5;
	p1 =	por @p2 !p1, !p5  }
0x28e: {  	s5 =	simm.s32 @!p4 $0x0;
	s31 =	sshra.s32 @!p4 s31, $0x2;
	p1 =	por !p1, !p2  }
0x28f: {  	p5 =	por p5, !p2;
	s5 =	simm.s32 @!p1 $0x8;
	p1 =	por p6, !p2  }
0x290: {  	s30 =	sadd.s32 @!p4 $0x28, s31;
	s6 =	sshll.u32 @!p5 s18, $0x6;
	s10 =	sand.u32 @!p1 $0xFFFF8, s0  }
0x291: {  	s6 =	sshra.s32 @!p5 s6, $0x2;
	s0 =	sand.u32 @!p1 $0x7, s0;
	s10 =	sadd.s32 @!p1 s1, s10;
	[tilespmem:s31+$0x28] =	vst.add.f32.msk @!p4 $0x3, v1  }
0x292: {  	[hbm4b:s10+s0] =	stream.linear.scatter @!p1 [tilespmem:s30], [sflag:$0xA], $0x2, $0x38;
	[tilespmem:$0x1F0E8] =	vst v63  }
0x293: {  	s2 =	rddreg [dreg:$0x2];
	s0 =	sadd.s32 @!p5 $0x28, s6;
	s6 =	simm.s32 @!p5 $0x1  }
0x294: {  	[spmem:s2] =	stream.linear.scatter @!p5 [tilespmem:s0], [sflag:$0x1], $0x2, $0x38;
	[tilespmem:$0x1F0E8] =	vst v63  }
0x295: {  	s28 =	sadd.s32 @p2 $0x1, s18;
	_ =	swait.ge @!p5 [sflag:s6], $0x2  }
0x296: {  	s29 =	sshrl.u32 @p2 s28, $0x4;
	[sflag:s6] =	ssyncset.done @!p5 $0x0  }
0x297: {  	s21 =	sadd.s32 $0x80, s21;
	s29 =	smulhi.u32 @p2 $0x97B425F, s29;
	[sflag:s6] =	ssyncadd.s32 @!p5 $0xFFFFFFFE  }
0x298: {  	s24 =	sadd.s32 $0x1, s24;
	v1 =	vld.msk @p2 [tilespmem:s21+$0x0], $0x3  }
0x299: {  	p3 =	seq.s32 s24, $0x0;
	s29 =	smul.u32 @p2 $0x1B0, s29  }
.Ltmp16:
0x29a: {  	_ = 	snop;
	(pc) =	sbr.rel @!p3 .LBB2_16-.Ltmp16, $4  }
0x29b: {  	s28 =	ssub.s32 @p2 s28, s29  }
0x29c: {  	s26 =	sshll.u32 @!p2 s18, $0x6;
	s5 =	sadd.s32 @!p4 s5, s25;
	s10 =	sshll.u32 @p2 s28, $0x4  }
0x29d: {  	s9 =	sadd.s32 @p2 $0x1, s22;
	s26 =	sshra.s32 @!p2 s26, $0x2;
	s5 =	smov.u32 @p4 s25;
	[tilespmem:s10+$0x28] =	vst.msk @p2 $0x3, v1  }
0x29e: {  	s22 =	smov.u32 @p2 s9;
	s18 =	smov.u32 @p2 s28;
	s25 =	smov.u32 @p2 s5;
	v1 =	vld.msk @!p2 [tilespmem:s21+$0x0], $0x3  }
.LBB2_17:
.Ltmp17:
0x29f: {  	_ = 	snop;
	(pc) =	sbr.rel .LBB2_19-.Ltmp17, $4  }
0x2a0: {  	s2 =	sld [smem:$0x7FD]  }
0x2a1: {  	s0 =	sshrl.u32 s25, $0x2  }
0x2a2: {  	s24 =	smov.u32 s23;
	s6 =	smov.u32 s8;
	s5 =	smov.u32 s12  }
0x2a3: {  	s8 =	smov.u32 s3;
	s3 =	rddreg [dreg:$0x3];
	p4 =	seq.s32 s2, $0x1;
	[tilespmem:s26+$0x28] =	vst.add.f32.msk @!p2 $0x3, v1  }
.LBB2_21:
0x2a4: {  	_ =	sfence.sel $0x180000  }
0x2a5: {  	s0 =	simm.s32 $0x7;
	[bflag:$0x0] =	sbarrier.arrive $0xFFFF  }
0x2a6: {  	s25 =	simm.s32 $0x8;
	[sflag:s0] =	ssyncpa.u1 $0x1  }
0x2a7: {  	s26 =	simm.s32 $0x9;
	[sflag:s25] =	ssyncpa.u1 $0x1  }
0x2a8: {  	s28 =	simm.s32 $0x2;
	[sflag:s26] =	ssyncpa.u1 $0x1  }
0x2a9: {  	[sflag:s28] =	ssyncpa.u1 $0x1  }
0x2aa: {  	v0 =	vld [tilespmem:$0x3648];
	_ =	sdelay $0x4  }
0x2ab: {  	(v2sf) =	vpush v0, $0x0  }
0x2ac: {  	(v2sf) =	vpush v0, $0x1;
	_ =	sdelay $0x1  }
0x2ad: {  	(v2sf) =	vpush v0, $0x2;
	_ =	sdelay $0xb  }
0x2ae: {  	s0 =	spop (v2sf)  }
0x2af: {  	s2 =	spop (v2sf)  }
0x2b0: {  	s3 =	smov.u32 s0;
	p0 =	sne.s32 s0, s2  }
0x2b1: {  	s4 =	spop (v2sf);
	s3 =	simm.s32 @!p0 $0xFFFFFFFF  }
0x2b2: {  	v2 =	vimm.s32 $0x1;
	v3 =	vlaneseq.u32;
	p0 =	seq.s32 s4, $0xFFFFFFFF;
	v1 =	vmov s3  }
0x2b3: {  	s7 =	stileid.u32;
	v0 =	vperm.xlane v0, v2;
	p1 =	sne.s32 @!p0 s0, s2;
	v1 =	vperm.xlane v1, v3  }
0x2b4: {  	vm0 =	vcmask $0x3F04;
	s6 =	simm.s32 $0x3648;
	s0 =	simm.s32 @!p0 $0x1;
	p1 =	por !p1, p0  }
0x2b5: {  	s3 =	sshll.u32 s7, $0x1;
	s2 =	sshll.u32 @!p0 s4, $0x6;
	s0 =	simm.s32 @p1 $0x0;
	v0 =	vsel vm0, v1, v0  }
0x2b6: {  	s5 =	sor.u32 $0x200, s3;
	s2 =	sshra.s32 @!p0 s2, $0x2;
	s0 =	sor.u32 @!p0 s0, s3;
	[tilespmem:$0x3648] =	vst v0  }
0x2b7: {  	[spmem:s5] =	stream.linear.scatter [tilespmem:s6], [sflag:$0x1], $0x2, $0x38;
	[tilespmem:$0x1F0E8] =	vst v63  }
0x2b8: {  	s2 =	sadd.s32 @!p0 $0x28, s2;
	s0 =	sshll.u32 @!p0 s0, $0x4  }
0x2b9: {  	[spmem:s0] =	stream.linear.scatter @!p0 [tilespmem:s2], [sflag:$0x1], $0x10, $0x38;
	[tilespmem:$0x1F0E8] =	vst v63  }
0x2ba: {  	s0 =	simm.s32 @!p0 $0x12  }
0x2bb: {  	s3 =	simm.s32 $0x1;
	s0 =	simm.s32 @p0 $0x2  }
0x2bc: {  	_ =	swait.ge [sflag:s3], s0  }
0x2bd: {  	s0 =	ssub.s32 $0x0, s0;
	[sflag:s3] =	ssyncset.done $0x0  }
0x2be: {  	[sflag:s3] =	ssyncadd.s32 s0  }
0x2bf: {  	_ =	sfence.stream.spmem  }
0x2c0: {  	s29 =	simm.s32 $0x3;
	[bflag:$0x0] =	sbarrier.arrive $0xFFFF  }
0x2c1: {  	s30 =	simm.s32 $0x4;
	[sflag:s29] =	ssyncpa.u1 $0x1  }
0x2c2: {  	s31 =	simm.s32 $0x3C;
	[sflag:s30] =	ssyncpa.u1 $0x1  }
0x2c3: {  	p0 =	sne.s32 s7, $0x0;
	[sflag:s31] =	ssyncpa.u1 $0x1  }
0x2c4: {  	_ =	sfence @p0  }
0x2c5: {  	[sflag:s3] =	ssyncpa.u1 @p0 $0x1  }
0x2c6: {  	_ =	strace @p0 $0x9000004D  }
0x2c7: {  	[bflag:$0x2] =	sbarrier.arrive @p0 $0xFFFF  }
0x2c8: {  	_ =	shalt @p0  }
.LBB2_22:
0x2c9: {  	_ =	sfence.stream.spmem;
	s0 =	simm.s32 $0x5  }
0x2ca: {  	s2 =	simm.s32 $0x200;
	s3 =	simm.s32 $0x3658;
	[sflag:s0] =	ssyncpa.u1 $0x0  }
0x2cb: {  	[tilespmem:s3], [sflag:$0x5] =	stream.linear.gather [spmem:s2], $0x20, $0x38;
	[tilespmem:$0x1F0E8] =	vst v63  }
0x2cc: {  	s30 =	simm.s32 $0x3678;
	s2 =	simm.s32 $0x0  }
0x2cd: {  	[tilespmem:s30], [sflag:$0x5] =	stream.linear.gather [spmem:s2], $0x200, $0x38;
	[tilespmem:$0x1F0E8] =	vst v63  }
.Ltmp18:
0x2ce: {  	_ = 	snop;
	(pc) =	sbr.rel .LBB2_23-.Ltmp18, $4  }
0x2cf: {  	_ =	swait.ge [sflag:s0], $0x220  }
0x2d0: {  	[sflag:s0] =	ssyncset.done $0x0  }
0x2d1: {  	s31 =	simm.s32 $0x6;
	[sflag:s0] =	ssyncadd.s32 $0xFFFFFDE0  }
0x2d2: {  	s3 =	simm.s32 $0x0;
	[sflag:s31] =	ssyncpa.u1 $0x0  }
.LBB2_28:
0x2d3: {  	p0 =	slt.u32 s4, $0xC3500  }
0x2d4: {  	s0 =	sand.u32 @p0 $0xFFFF8, s4  }
0x2d5: {  	s4 =	sand.u32 @p0 $0x7, s4;
	s5 =	simm.s32 @p0 $0x3638;
	s0 =	sadd.s32 @p0 s1, s0  }
0x2d6: {  	[tilespmem:s5], [sflag:$0x6] =	stream.linear.gather @p0 [hbm4b:s0+s4], $0x2, $0x38;
	[tilespmem:$0x1F0E8] =	vst v63  }
0x2d7: {  	s0 =	simm.s32 @p0 $0x6  }
0x2d8: {  	_ =	swait.ge @p0 [sflag:s0], $0x2  }
0x2d9: {  	[sflag:s0] =	ssyncset.done @p0 $0x0  }
0x2da: {  	[sflag:s0] =	ssyncadd.s32 @p0 $0xFFFFFFFE  }
0x2db: {  	v1 =	vld @p0 [tilespmem:$0x3638];
	_ =	sdelay $0x2  }
0x2dc: {  	s0 =	sshll.u32 @p0 s3, $0x6  }
0x2dd: {  	s5 =	sshll.u32 @!p0 s3, $0x6;
	s4 =	sshrl.u32 @p0 s0, $0x2  }
0x2de: {  	s5 =	smov.u32 @p0 s0;
	[tilespmem:s4+$0x3678] =	vst.add.f32.msk @p0 $0xffff, v1  }
0x2df: {  	s0 =	sshrl.u32 s5, $0x2;
	[tilespmem:s2+$0x3658] =	vst.msk $0x1, v0  }
0x2e0: {  	v0 =	vld [tilespmem:s0+$0x3678];
	_ =	sdelay $0x2  }
0x2e1: {  	s31 =	sshll.u32 s2, $0x6  }
0x2e2: {  	s0 =	sshra.s32 s31, $0x2  }
0x2e3: {  	s2 =	sadd.s32 $0x1, s2;
	[tilespmem:s0+$0x3678] =	vst v0  }
.LBB2_30:
0x2e4: {  	s3 =	sadd.s32 $0x1, s3  }
0x2e5: {  	p0 =	sne.s32 s3, $0x20  }
.Ltmp19:
0x2e6: {  	_ = 	snop;
	(pc) =	sbr.rel @!p0 .LBB2_31-.Ltmp19, $1  }
0x2e7: {  	_ =	sdelay $0x3  }
.LBB2_23:
0x2e8: {  	v0 =	vld.msk [tilespmem:s3+$0x3658], $0x1;
	_ =	sdelay $0x4  }
0x2e9: {  	(v2sf) =	vpush v0, $0x0;
	_ =	sdelay $0xe  }
0x2ea: {  	s4 =	spop (v2sf)  }
0x2eb: {  	p0 =	seq.s32 s4, $0xFFFFFFFF  }
.Ltmp20:
0x2ec: {  	_ = 	snop;
	(pc) =	sbr.rel @p0 .LBB2_30-.Ltmp20, $1  }
0x2ed: {  	_ =	sdelay $0x3  }
0x2ee: {  	p0 =	slt.s32 s2, $0x1  }
.Ltmp21:
0x2ef: {  	_ = 	snop;
	(pc) =	sbr.rel @p0 .LBB2_28-.Ltmp21, $1  }
0x2f0: {  	_ =	sdelay $0x3  }
0x2f1: {  	s5 =	simm.s32 $0x3658;
	p0 =	por $0x0, $0x0  }
0x2f2: {  	v1 =	vld.msk @!p0 [tilespmem:s5+$0x0], $0x1;
	_ =	sdelay $0x4  }
0x2f3: {  	(v2sf) =	vpush @!p0 v1, $0x0;
	_ =	sdelay $0xd  }
0x2f4: {  	p2 =	sne.s32 s2, $0x1  }
.Ltmp22:
0x2f5: {  	s0 =	spop @!p0 (v2sf);
	(pc) =	sbr.rel @!p2 .LBB2_27-.Ltmp22, $4  }
0x2f6: {  	p1 =	seq.s32 @!p0 s4, s0  }
0x2f7: {  	s6 =	simm.s32 $0x0;
	p1 =	por !p1, p0  }
0x2f8: {  	s0 =	simm.s32 $0xFFFFFFFF;
	s6 =	simm.s32 @p1 $0xFFFFFFFF  }
0x2f9: {  	s7 =	simm.s32 $0x1;
	s6 =	smov.u32 @p0 s0  }
.LBB2_26:
0x2fa: {  	s0 =	smov.u32 s6;
	p0 =	sne.s32 s6, $0xFFFFFFFF  }
0x2fb: {  	s5 =	sadd.s32 $0x1, s5;
	s6 =	smov.u32 s7;
	s7 =	sadd.s32 $0x1, s7  }
0x2fc: {  	p1 =	sne.s32 s2, s7;
	v1 =	vld.msk @!p0 [tilespmem:s5+$0x0], $0x1;
	_ =	sdelay $0x4  }
0x2fd: {  	(v2sf) =	vpush @!p0 v1, $0x0;
	_ =	sdelay $0xe  }
.Ltmp23:
0x2fe: {  	s8 =	spop @!p0 (v2sf);
	(pc) =	sbr.rel @p1 .LBB2_26-.Ltmp23, $4  }
0x2ff: {  	p2 =	seq.s32 @!p0 s4, s8  }
0x300: {  	p2 =	por !p2, p0  }
0x301: {  	s6 =	simm.s32 @p2 $0xFFFFFFFF  }
0x302: {  	s6 =	smov.u32 @p0 s0  }
.LBB2_27:
0x303: {  	p0 =	sne.s32 s6, $0xFFFFFFFF  }
.Ltmp24:
0x304: {  	_ = 	snop;
	(pc) =	sbr.rel @!p0 .LBB2_28-.Ltmp24, $1  }
0x305: {  	_ =	sdelay $0x3  }
0x306: {  	s0 =	sshll.u32 s3, $0x4  }
0x307: {  	s0 =	sand.u32 $0x3FFFFFF0, s0  }
0x308: {  	v0 =	vld [tilespmem:s0+$0x3678]  }
.Ltmp25:
0x309: {  	_ = 	snop;
	(pc) =	sbr.rel .LBB2_30-.Ltmp25, $4  }
0x30a: {  	_ = 	snop  }
0x30b: {  	s31 =	sshll.u32 s6, $0x6  }
0x30c: {  	s0 =	sshra.s32 s31, $0x2  }
0x30d: {  	[tilespmem:s0+$0x3678] =	vst.add.f32.msk $0xffff, v0  }
.LBB2_31:
0x30e: {  	p0 =	slt.s32 s2, $0x1  }
.Ltmp26:
0x30f: {  	_ = 	snop;
	(pc) =	sbr.rel @p0 .LBB2_35-.Ltmp26, $3  }
0x310: {  	_ =	sdelay $0x1  }
0x311: {  	s0 =	simm.s32 $0x6  }
0x312: {  	s3 =	simm.s32 $0x0;
	[sflag:s0] =	ssyncpa.u1 $0x1  }
0x313: {  	s0 =	simm.s32 $0x3658  }
0x314: {  	v0 =	vld.msk [tilespmem:s0+$0x0], $0x1;
	_ =	sdelay $0x4  }
0x315: {  	(v2sf) =	vpush v0, $0x0;
	_ =	sdelay $0xd  }
0x316: {  	s2 =	sadd.s32 $0xFFFFFFFF, s2  }
0x317: {  	p1 =	sne.s32 s2, $0x0;
	s0 =	spop (v2sf)  }
.Ltmp27:
0x318: {  	p0 =	sgt.u32 s0, $0xC34FF;
	(pc) =	sbr.rel @!p1 .LBB2_34-.Ltmp27, $4  }
0x319: {  	s4 =	simm.s32 $0x3678;
	s5 =	sand.u32 @!p0 $0xFFFF8, s0  }
0x31a: {  	s6 =	simm.s32 $0x0;
	s0 =	sand.u32 @!p0 $0x7, s0;
	s5 =	sadd.s32 @!p0 s1, s5  }
0x31b: {  	[hbm4b:s5+s0] =	stream.linear.scatter @!p0 [tilespmem:s4], [sflag:$0x5], $0x2, $0x38;
	[tilespmem:$0x1F0E8] =	vst v63  }
0x31c: {  	s6 =	simm.s32 @!p0 $0x8;
	s5 =	simm.s32 $0x3659  }
.LBB2_33:
0x31d: {  	v0 =	vld.msk [tilespmem:s5+$0x0], $0x1;
	s2 =	sadd.s32 $0xFFFFFFFF, s2;
	s3 =	sadd.s32 s3, s6  }
0x31e: {  	p0 =	sne.s32 s2, $0x0;
	_ =	sdelay $0x3  }
0x31f: {  	(v2sf) =	vpush v0, $0x0;
	_ =	sdelay $0xe  }
.Ltmp28:
0x320: {  	s0 =	spop (v2sf);
	(pc) =	sbr.rel @p0 .LBB2_33-.Ltmp28, $4  }
0x321: {  	s6 =	simm.s32 $0x0;
	p1 =	sgt.u32 s0, $0xC34FF  }
0x322: {  	s4 =	sadd.s32 $0x10, s4;
	s6 =	simm.s32 @!p1 $0x8;
	s7 =	sand.u32 @!p1 $0xFFFF8, s0  }
0x323: {  	s5 =	sadd.s32 $0x1, s5;
	s0 =	sand.u32 @!p1 $0x7, s0;
	s7 =	sadd.s32 @!p1 s1, s7  }
0x324: {  	[hbm4b:s7+s0] =	stream.linear.scatter @!p1 [tilespmem:s4], [sflag:$0x5], $0x2, $0x38;
	[tilespmem:$0x1F0E8] =	vst v63  }
.LBB2_34:
0x325: {  	s0 =	sadd.s32 s3, s6  }
0x326: {  	s3 =	sshrl.u32 s0, $0x2  }
.LBB2_35:
0x327: {  	s0 =	simm.s32 $0x5  }
0x328: {  	_ =	swait.ge [sflag:s0], s3  }
0x329: {  	s1 =	ssub.s32 $0x0, s3;
	[sflag:s0] =	ssyncset.done $0x0  }
0x32a: {  	[sflag:s0] =	ssyncadd.s32 s1  }
0x32b: {  	[sflag:s0] =	ssyncpa.u1 $0x1  }
0x32c: {  	s30 =	simm.s32 $0x1;
	_ =	sfence  }
0x32d: {  	[sflag:s30] =	ssyncpa.u1 $0x1  }
0x32e: {  	_ =	strace $0x9000004D  }
0x32f: {  	[bflag:$0x2] =	sbarrier.arrive $0xFFFF  }
0x330: {  	s31 =	rddreg [dreg:$0x1]  }
0x331: {  	s0 =	sadd.s32 $0x100000, s31  }
0x332: {  	[sflag:s0] =	ssyncadd.tile.s32 $0x1;
	_ =	shalt  }
.Lfunc_end2:
_tile_overlayer_lowered:
.L_overlay_start_2:
0x333: {  	(tag) =	ssettag $0x2  }
0x334: {  	s0 =	rddreg [dreg:$0x0];
	s2 =	stileid.u32  }
0x335: {  	s1 =	rddreg [dreg:$0x1];
	p0 =	sne.s32 s2, $0x0  }
0x336: {  	s3 =	rddreg [dreg:$0x2];
	[bflag:$0x3] =	sbarrier.arrive $0xFFFF;
	s2 =	simm.s32 @!p0 $0x1C01  }
0x337: {  	[timem:s3], [sflag:s2] =	dma.local @!p0 [hbm:s0], s1  }
0x338: {  	s0 =	simm.s32 @!p0 $0x1  }
0x339: {  	_ =	swait.ge @!p0 [sflag:s0], s1  }
0x33a: {  	s1 =	ssub.s32 @!p0 $0x0, s1;
	[sflag:s0] =	ssyncset.done @!p0 $0x0  }
0x33b: {  	[sflag:s0] =	ssyncadd.s32 @!p0 s1  }
0x33c: {  	[bflag:$0x3] =	sbarrier.arrive $0xFFFF  }
0x33d: {  	_ =	shalt  }

// kernel: scatter_offload_async_start.2
scs
__scs_entry_jumppad:
0x0: {  	(pc) =	sbr.rel $0x88, $3  }
0x1: {  	(tag) =	ssettag $0x0;
	lr =	simm.s32 $0x1  }
0x2: {  	[smem:$0x3F87] =	sst lr;
	_ =	strace $0xD0000000  }
0x3: {  	_ = 	snop  }
0x4: {  	_ = 	snop  }
0x5: {  	_ = 	snop  }
0x6: {  	_ = 	snop  }
0x7: {  	_ = 	snop  }
__scs_overlays_trampoline_lowered:
0x8: {  	[smem:$0x3F96] =	sst s0  }
0x9: {  	[smem:$0x3F97] =	sst s1  }
0xa: {  	[smem:$0x3F98] =	sst s2  }
0xb: {  	[smem:$0x3F99] =	sst s3  }
0xc: {  	[smem:$0x3F9A] =	sst s4  }
0xd: {  	[smem:$0x3F9B] =	sst s5  }
0xe: {  	[smem:$0x3F9C] =	sst s6  }
0xf: {  	[smem:$0x3F9D] =	sst s7  }
0x10: {  	[smem:$0x3F9E] =	sst s8  }
0x11: {  	[smem:$0x3F9F] =	sst s9;
	s0 =	simm.s32 @!p0 $0x0  }
0x12: {  	s1 =	sld [smem:$0x3F85];
	s0 =	simm.s32 @p0 $0x1  }
0x13: {  	[smem:$0x3FA0] =	sst s0;
	s0 =	simm.s32 @!p1 $0x0  }
0x14: {  	s2 =	sld [smem:$0x3F84];
	s0 =	simm.s32 @p1 $0x1  }
0x15: {  	[smem:$0x3FA1] =	sst s0;
	s0 =	simm.s32 @!p2 $0x0  }
0x16: {  	s3 =	sld [smem:$0x3FDB];
	s0 =	simm.s32 @p2 $0x1  }
0x17: {  	s4 =	simm.s32 $0x1BF5;
	[smem:$0x3FA3] =	sst s0  }
0x18: {  	s0 =	sld [smem:$0x3F86];
	_ =	swait.ge [sflag:s4], $0x0  }
0x19: {  	s7 =	sld [smem:$0x3F87]  }
0x1a: {  	s8 =	sadd.s32 $0xFFFFE003, lr  }
0x1b: {  	s9 =	sadd.s32 $0xFFFFFEF7, lr;
	s5 =	simm.s32 $0xFFFFFFFF;
	p2 =	slt.u32 s8, $0xFFFFF086  }
0x1c: {  	p1 =	slt.u32 s9, $0xF7A;
	s5 =	simm.s32 @!p2 $0x0  }
0x1d: {  	s5 =	simm.s32 @p1 $0x1;
	p0 =	seq.s32 s7, s2  }
0x1e: {  	s7 =	smul.u32 @!p0 $0xF7A, s2;
	p2 =	seq.s32 @!p0 s5, $0x0  }
0x1f: {  	s9 =	smul.u32 $0xF7A, s1;
	s8 =	simm.s32 @!p0 $0x1BF5;
	p2 =	por !p2, p0  }
0x20: {  	[sflag:s8] =	ssyncset.s32 @!p0 $0xFFFFF086;
	s6 =	sadd.s32 @!p0 s3, s7;
	s7 =	simm.s32 @!p0 $0x108  }
0x21: {  	s3 =	sadd.s32 s3, s9;
	s6 =	sadd.s32 @!p0 $0x88, s6;
	s7 =	simm.s32 @p2 $0x1082  }
0x22: {  	[simem:s7], [sflag:s8] =	dma.local @!p0 [hbm:s6], $0xF7A  }
0x23: {  	s9 =	sor.u32 $0xD0000000, s2;
	s6 =	simm.s32 $0x108;
	_ =	swait.ge @!p0 [sflag:s8], $0x0  }
0x24: {  	s3 =	sadd.s32 $0x88, s3;
	s6 =	simm.s32 @!p1 $0x1082;
	[sflag:s4] =	ssyncset.s32 $0xFFFFF086  }
0x25: {  	[simem:s6], [sflag:s4] =	dma.local [hbm:s3], $0xF7A  }
0x26: {  	[smem:$0x3F87] =	sst s1;
	(tag) =	ssettag s2;
	_ =	strace s9  }
0x27: {  	s1 =	sld [smem:$0x3F97]  }
0x28: {  	s2 =	sld [smem:$0x3F98]  }
0x29: {  	s4 =	sld [smem:$0x3F9A]  }
0x2a: {  	p0 =	seq.s32 s5, $0x0;
	s5 =	sld [smem:$0x3F9B]  }
0x2b: {  	s6 =	sld [smem:$0x3F9C]  }
0x2c: {  	s7 =	sld [smem:$0x3F9D]  }
0x2d: {  	s3 =	simm.s32 $0x108;
	s8 =	sld [smem:$0x3F9E]  }
0x2e: {  	s3 =	simm.s32 @!p0 $0x1082;
	s9 =	sld [smem:$0x3F9F]  }
0x2f: {  	lr =	sadd.s32 s0, s3;
	s0 =	sld [smem:$0x3F96]  }
0x30: {  	s3 =	sld [smem:$0x3F99]  }
0x31: {  	[smem:$0x3FA2] =	sst s10  }
0x32: {  	s10 =	sld [smem:$0x3FA0];
	_ =	sdelay $0x3  }
0x33: {  	p0 =	seq.s32 s10, $0x1;
	s10 =	sld [smem:$0x3FA2];
	_ =	sdelay $0x3  }
0x34: {  	[smem:$0x3FA2] =	sst s10  }
0x35: {  	s10 =	sld [smem:$0x3FA1];
	_ =	sdelay $0x3  }
0x36: {  	p1 =	seq.s32 s10, $0x1;
	s10 =	sld [smem:$0x3FA2];
	_ =	sdelay $0x3  }
0x37: {  	[smem:$0x3FA2] =	sst s10  }
0x38: {  	s10 =	sld [smem:$0x3FA3]  }
0x39: {  	_ = 	snop;
	(pc) =	sbr.ind lr, $3  }
0x3a: {  	_ = 	snop  }
0x3b: {  	_ = 	snop  }
0x3c: {  	p2 =	seq.s32 s10, $0x1;
	s10 =	sld [smem:$0x3FA2]  }
0x3d: {  	_ =	shalt  }
0x3e: {  	_ =	shalt  }
0x3f: {  	_ =	shalt  }
0x40: {  	_ =	shalt  }
0x41: {  	_ =	shalt  }
0x42: {  	_ =	shalt  }
0x43: {  	_ =	shalt  }
0x44: {  	_ =	shalt  }
0x45: {  	_ =	shalt  }
0x46: {  	_ =	shalt  }
0x47: {  	_ =	shalt  }
0x48: {  	_ =	shalt  }
0x49: {  	_ =	shalt  }
0x4a: {  	_ =	shalt  }
0x4b: {  	_ =	shalt  }
0x4c: {  	_ =	shalt  }
0x4d: {  	_ =	shalt  }
0x4e: {  	_ =	shalt  }
0x4f: {  	_ =	shalt  }
0x50: {  	_ =	shalt  }
0x51: {  	_ =	shalt  }
0x52: {  	_ =	shalt  }
0x53: {  	_ =	shalt  }
0x54: {  	_ =	shalt  }
0x55: {  	_ =	shalt  }
0x56: {  	_ =	shalt  }
0x57: {  	_ =	shalt  }
0x58: {  	_ =	shalt  }
0x59: {  	_ =	shalt  }
0x5a: {  	_ =	shalt  }
0x5b: {  	_ =	shalt  }
0x5c: {  	_ =	shalt  }
0x5d: {  	_ =	shalt  }
0x5e: {  	_ =	shalt  }
0x5f: {  	_ =	shalt  }
0x60: {  	_ =	shalt  }
0x61: {  	_ =	shalt  }
0x62: {  	_ =	shalt  }
0x63: {  	_ =	shalt  }
0x64: {  	_ =	shalt  }
0x65: {  	_ =	shalt  }
0x66: {  	_ =	shalt  }
0x67: {  	_ =	shalt  }
0x68: {  	_ =	shalt  }
0x69: {  	_ =	shalt  }
0x6a: {  	_ =	shalt  }
0x6b: {  	_ =	shalt  }
0x6c: {  	_ =	shalt  }
0x6d: {  	_ =	shalt  }
0x6e: {  	_ =	shalt  }
0x6f: {  	_ =	shalt  }
0x70: {  	_ =	shalt  }
0x71: {  	_ =	shalt  }
0x72: {  	_ =	shalt  }
0x73: {  	_ =	shalt  }
0x74: {  	_ =	shalt  }
0x75: {  	_ =	shalt  }
0x76: {  	_ =	shalt  }
0x77: {  	_ =	shalt  }
0x78: {  	_ =	shalt  }
0x79: {  	_ =	shalt  }
0x7a: {  	_ =	shalt  }
0x7b: {  	_ =	shalt  }
0x7c: {  	_ =	shalt  }
0x7d: {  	_ =	shalt  }
0x7e: {  	_ =	shalt  }
0x7f: {  	_ =	shalt  }
0x80: {  	_ =	shalt  }
0x81: {  	_ =	shalt  }
0x82: {  	_ =	shalt  }
0x83: {  	_ =	shalt  }
0x84: {  	_ =	shalt  }
0x85: {  	_ =	shalt  }
0x86: {  	_ =	shalt  }
0x87: {  	_ =	shalt  }
.Lfunc_end0:
.L_simem_size_0:
called_computation.2_lowered:
.L_overlay_start_0:
0x88: {  	s0 =	sld [smem:$0x3FD9]  }
0x89: {  	s1 =	sld [smem:$0x3FFE];
	_ =	sdelay $0x3  }
0x8a: {  	s0 =	sadd.s32 s1, s0  }
0x8b: {  	[smem:$0x3FAE] =	sst s0  }
0x8c: {  	_ = 	snop  }
0x8d: {  	(tm) =	ssettm $0x1  }
0x8e: {  	s15 =	sld [smem:$0x3FFB];
	_ =	sdelay $0x3  }
0x8f: {  	_ =	strace s15  }
0x90: {  	s0 =	sld [smem:$0x3FFC];
	_ =	sdelay $0x3  }
0x91: {  	_ =	strace s0  }
0x92: {  	s0 =	sld [smem:$0x3FFD];
	_ =	sdelay $0x3  }
0x93: {  	_ =	strace s0  }
0x94: {  	_ =	strace $0x8FFFFFFF  }
0x95: {  	s16 =	sld [smem:$0x3FDB];
	_ =	sdelay $0x1  }
0x96: {  	s17 =	simm.s32 $_scs_section_size  }
0x97: {  	s2 =	simm.s32 $_size__tile_overlayer_lowered;
	s3 =	simm.s32 $_tile_overlayer_lowered  }
0x98: {  	s20 =	simm.s32 $0x1BFF;
	s19 =	sshll.u32 s3, $0x1;
	s0 =	sadd.s32 s17, s16  }
0x99: {  	s4 =	simm.s32 $0x0;
	s18 =	sshll.u32 s2, $0x1;
	s2 =	sadd.s32 s19, s0  }
0x9a: {  	[timem:s4], [sflag:s20] =	dma.local [hbm:s2], s18  }
0x9b: {  	_ =	swait.ge [sflag:s20], s18  }
0x9c: {  	s1 =	ssub.s32 $0x0, s18;
	[sflag:s20] =	ssyncset.done $0x0  }
0x9d: {  	[sflag:s20] =	ssyncadd.s32 s1;
	_ =	sdelay $0x1  }
0x9e: {  	s21 =	simm.s32 $0x1B8B  }
0x9f: {  	_ =	swait.ge [sflag:s21], $0x1  }
0xa0: {  	[sflag:s21] =	ssyncset.done $0x0  }
0xa1: {  	s23 =	simm.s32 $0x1B8E;
	s22 =	sld [smem:$0x3FFE];
	[sflag:s21] =	ssyncadd.s32 $0xFFFFFFFF  }
0xa2: {  	s24 =	simm.s32 $execute0_lowered;
	[smem:$0x3FD2] =	sst s23  }
0xa3: {  	s2 =	sshll.u32 s24, $0x1;
	_ =	strace $0x8000004F;
	[dreg:$0x1] =	wrdreg $0xFFFFFFFF  }
0xa4: {  	s25 =	simm.s32 $_size_execute0_lowered;
	s0 =	sadd.s32 s0, s2;
	[dreg:$0x0] =	wrdreg $0x0  }
0xa5: {  	s2 =	sshll.u32 s25, $0x1;
	[dreg:$0x2] =	wrdreg s0  }
0xa6: {  	[dreg:$0x3] =	wrdreg s2  }
0xa7: {  	[dreg:$0x4] =	wrdreg $0xC0  }
0xa8: {  	_ =	task [dreg:s4], $0x5FFFF  }
0xa9: {  	[dreg:$0x1] =	wrdreg $0xFFFFFFFF  }
0xaa: {  	[dreg:$0x0] =	wrdreg $0x60  }
0xab: {  	[dreg:$0x2] =	wrdreg s22  }
0xac: {  	[dreg:$0x3] =	wrdreg $0x9  }
0xad: {  	_ =	task.clear_ibuf [dreg:s4], $0x4FFFF;
	_ =	strace $0x9000004F  }
0xae: {  	s26 =	simm.s32 $0x9;
	_ =	strace $0x80000051  }
0xaf: {  	_ =	swait.ge [sflag:s26], $0x1  }
0xb0: {  	[sflag:s26] =	ssyncadd.s32 $0xFFFFFFFF  }
0xb1: {  	_ =	strace $0x90000051  }
0xb2: {  	_ =	sfence  }
0xb3: {  	s28 =	sld [smem:$0x0];
	_ =	sdelay $0x1  }
0xb4: {  	s29 =	srdreg.scid  }
0xb5: {  	s30 =	sshll.u32 s29, $0xD;
	s31 =	sshrl.u32 s29, $0x2  }
0xb6: {  	s1 =	sand.u32 $0x1, s29;
	s2 =	sand.u32 $0x4000, s30;
	s0 =	sadd.s32 s31, s28  }
0xb7: {  	s1 =	sor.u32 s2, s1;
	s0 =	sshll.u32 s0, $0x11  }
0xb8: {  	s0 =	sor.u32 s0, s1  }
0xb9: {  	s0 =	sadd.s32 $0x8F2B, s0  }
0xba: {  	[sflag:s0] =	ssyncadd.remote.s32 $0x1  }
0xbb: {  	_ =	sfence.sel $0xFFFF  }
0xbc: {  	[dreg:$0x0] =	wrdreg $0xFFFFFFFF;
	(pc) =	sbr.abs _section_cstart, $3  }
0xbd: {  	[dreg:$0x1] =	wrdreg $0xFFFFFFFF  }
0xbe: {  	_ =	task.clear_ibuf [dreg:s4], $0x2FFFF;
	_ =	strace $0x9FFFFFFF  }
0xbf: {  	(tm) =	ssettm $0x7FFFFFFF  }
tec
execute0_lowered:
.L_overlay_start_1:
0x0: {  	(tag) =	ssettag $0x1  }
0x1: {  	s0 =	rddreg [dreg:$0x0]  }
0x2: {  	s11 =	stileid.u32;
	_ =	strace $0x80000050;
	s2 =	simm.s32 $0x1  }
0x3: {  	v1 =	vimm.s32 $0xFFFFFFFF;
	s1 =	smul.u32 $0x7, s11;
	[sflag:s2] =	ssyncpa.u1 $0x0  }
0x4: {  	s3 =	smin.u32 s11, $0xD;
	[tilespmem:$0x10] =	vst v1  }
0x5: {  	v0 =	vimm.f32 $-Inf;
	[tilespmem:$0x20] =	vst v1;
	s1 =	sadd.s32 s3, s1  }
0x6: {  	p0 =	slt.u32 s11, $0xD;
	[tilespmem:$0x30] =	vst v0;
	s3 =	smul.u32 $0x1A90, s1;
	s1 =	simm.s32 $0xD480  }
0x7: {  	[tilespmem:$0x40] =	vst v0;
	s1 =	simm.s32 @!p0 $0xB9F0  }
0x8: {  	[tilespmem:$0x50] =	vst v0;
	s1 =	sadd.s32 s1, s3  }
0x9: {  	s7 =	simm.s32 $0x2;
	[tilespmem:$0x60] =	vst v1;
	s4 =	smin.u32 s1, $0xCF850  }
0xa: {  	s8 =	simm.s32 $0x8;
	s29 =	simm.s32 $0x9;
	[tilespmem:$0x70] =	vst v1;
	s6 =	ssub.s32 s4, s3  }
0xb: {  	s16 =	simm.s32 $0x0;
	s17 =	simm.s32 $0xF0;
	[tilespmem:$0x80] =	vst v1;
	p0 =	sgt.s32 s6, $0x0  }
0xc: {  	s18 =	simm.s32 $0xFFFFFFFF;
	s19 =	simm.s32 $0xFFFFCBE0;
	v1 =	vimm.s32 $0x0;
	[tilespmem:$0xB0] =	vst v0;
	s6 =	simm.s32 @!p0 $0x0  }
0xd: {  	s20 =	simm.s32 $0xFFFFFFFE;
	s21 =	simm.s32 $0xF;
	[tilespmem:$0x90] =	vst v1;
	s5 =	smulhi.u32 $0x134679AD, s6  }
0xe: {  	s25 =	simm.s32 $0x0;
	[tilespmem:$0xA0] =	vst v1;
	[sflag:s7] =	ssyncpa.u1 $0x0;
	s7 =	simm.s32 $0x7  }
0xf: {  	s24 =	simm.s32 $0x0;
	[sflag:s7] =	ssyncpa.u1 $0x0;
	s9 =	sshrl.u32 s5, $0x9  }
0x10: {  	s14 =	sshllo.u32 s11, $0x1;
	[sflag:s8] =	ssyncpa.u1 $0x0;
	s10 =	smul.u32 $0x1A90, s9  }
0x11: {  	[sflag:s29] =	ssyncpa.u1 $0x0;
	s23 =	smov.u32 s3;
	s1 =	sadd.s32 $0x34A00, s0  }
.Ltmp0:
0x12: {  	s5 =	sadd.s32 $0x1AA00, s0;
	p0 =	sne.s32 s6, s10;
	(pc) =	sbr.rel .LBB2_1-.Ltmp0, $4  }
0x13: {  	s0 =	sadd.s32 $0xBB200, s0;
	s10 =	sshll.u32 s11, $0x1;
	s2 =	simm.s32 @!p0 $0x0  }
0x14: {  	[dreg:$0x2] =	wrdreg s0;
	s31 =	sor.u32 $0x81, s10;
	s9 =	sadd.s32 s2, s9  }
0x15: {  	vm0 =	vmmov $0xffff;
	v2 =	vlaneseq.u32;
	vm1 =	vmxor vm1, vm1;
	s15 =	sor.u32 $0x80, s10;
	[dreg:$0x4] =	wrdreg s31;
	s30 =	sadd.s32 $0x1, s9  }
0x16: {  	vm2 =	vmmov $0x1;
	v3 =	vimm.f32 $0.0e+00;
	vm3 =	vcmask $0x3F3C;
	p0 =	por $0x0, $0x0;
	s12 =	sadd.s32 $0x2, s9;
	[dreg:$0x3] =	wrdreg s30  }
.LBB2_9:
0x17: {  	p1 =	slt.u32 s24, $0x3  }
0x18: {  	s0 =	simm.s32 @!p1 $0x2  }
0x19: {  	_ =	swait.ge @!p1 [sflag:s0], $0x1A90  }
0x1a: {  	[sflag:s0] =	ssyncset.done @!p1 $0x0  }
0x1b: {  	[sflag:s0] =	ssyncadd.s32 @!p1 $0xFFFFE570;
	s0 =	simm.s32 @!p1 $0x9  }
0x1c: {  	_ =	swait.ge @!p1 [sflag:s0], $0x10  }
0x1d: {  	[sflag:s0] =	ssyncset.done @!p1 $0x0  }
0x1e: {  	[sflag:s0] =	ssyncadd.s32 @!p1 $0xFFFFFFF0;
	p1 =	sne.s32 s24, s12  }
.Ltmp1:
0x1f: {  	s2 =	sadd.s32 $0x1A90, s23;
	(pc) =	sbr.rel @!p1 .LBB2_10-.Ltmp1, $4  }
0x20: {  	s6 =	smov.u32 s3;
	s31 =	sadd.s32 $0x1, s24;
	s17 =	sadd.s32 $0x1A90, s17  }
0x21: {  	s18 =	sadd.s32 $0x1, s18;
	s25 =	smov.u32 s23;
	p2 =	slt.s32 s2, s4  }
0x22: {  	p0 =	por !p0, !p0;
	s19 =	sadd.s32 $0x1A90, s19;
	s6 =	smov.u32 @p2 s2  }
0x23: {  	s20 =	sadd.s32 $0x1, s20;
	s23 =	smov.u32 s6;
	s24 =	smov.u32 s31  }
.LBB2_1:
0x24: {  	p1 =	sge.u32 s24, s9  }
0x25: {  	s0 =	smulhi.u32 @!p1 $0xAAAAAAAB, s24;
	_ =	sdelay $0x1  }
0x26: {  	s0 =	sshrl.u32 @!p1 s0, $0x1  }
0x27: {  	s0 =	smul.u32 @!p1 $0x3, s0;
	_ =	sdelay $0x1  }
0x28: {  	s0 =	ssub.s32 @!p1 s24, s0  }
0x29: {  	s0 =	smul.u32 @!p1 $0x6A40, s0;
	_ =	sdelay $0x1  }
0x2a: {  	s2 =	sshrl.u32 @!p1 s23, $0x3;
	s0 =	sshrl.u32 @!p1 s0, $0x2  }
0x2b: {  	s6 =	sand.u32 @!p1 $0x7, s23;
	s2 =	sadd.s32 @!p1 s5, s2;
	s0 =	sadd.s32 @!p1 $0x100, s0  }
0x2c: {  	[tilespmem:s0], [sflag:$0x7] =	stream.linear.gather @!p1 [hbm4b:s2+s6], $0x1A90, $0x38;
	[tilespmem:$0xF030] =	vst v63  }
0x2d: {  	s0 =	sadd.s32 $0xFFFFFFFF, s24  }
0x2e: {  	p1 =	sge.u32 s0, s9  }
.Ltmp2:
0x2f: {  	_ = 	snop;
	(pc) =	sbr.rel @p1 .LBB2_5-.Ltmp2, $1  }
0x30: {  	_ =	sdelay $0x3  }
0x31: {  	s2 =	smulhi.u32 $0xAAAAAAAB, s0;
	_ =	sdelay $0x1  }
0x32: {  	s2 =	sshrl.u32 s2, $0x1  }
0x33: {  	s2 =	smul.u32 $0x3, s2;
	_ =	sdelay $0x1  }
0x34: {  	s2 =	ssub.s32 s0, s2  }
0x35: {  	s2 =	smul.u32 $0x6A40, s2  }
0x36: {  	_ =	swait.ge [sflag:s7], $0x1A90  }
0x37: {  	[sflag:s7] =	ssyncset.done $0x0;
	s2 =	sshrl.u32 s2, $0x2  }
0x38: {  	[sflag:s7] =	ssyncadd.s32 $0xFFFFE570;
	(ifvalue) =	ssetifvalue $0xFFFFFFFF;
	v4 =	vld.msk [tilespmem:s2+$0x100 ss:$0x1], $0xffff;
	_ =	sdelay $0x2  }
0x39: {  	s29 =	smulhi.u32 $0xAAAAAAAB, s18;
	p1 =	sne.s32 s24, $0x1  }
0x3a: {  	v5 =	vimm.s32 @!p1 $0x0  }
0x3b: {  	s2 =	sshrl.u32 s29, $0x1;
	v5 =	vperm.xlane @!p1 v4, v5  }
0x3c: {  	s6 =	sshll.u32 s24, $0x4;
	s2 =	smul.u32 $0xFFFEC140, s2;
	vm4 =	vlt.u32 v4, $0xC400  }
0x3d: {  	s6 =	sand.u32 $0x10, s6;
	v4 =	vnsel vm4, $0xFFFFFFFE, v4;
	vm4 =	vlt.u32 @!p1 v5, $0xC400  }
0x3e: {  	s2 =	sshra.s32 s2, $0x2;
	[tilespmem:s6+$0x60] =	vst v4;
	v4 =	vnsel @!p1 vm4, $0xFFFFFFFE, v5  }
0x3f: {  	s30 =	sadd.s32 s2, s17;
	[tilespmem:$0x80] =	vst @!p1 v4  }
0x40: {  	v4 =	vld.msk [tilespmem:s30+$0x0 ss:$0x1], $0xffff;
	_ =	sdelay $0x4  }
0x41: {  	(xrf1) =	vunique.msk.u32 $0xffff, v4;
	_ =	sdelay $0xd  }
0x42: {  	v5 =	vimm.s32 $0xFFFFFFFF;
	v6, _, _ =	vpop (xrf1)  }
0x43: {  	vm5 =	vne.s32 v4, v5;
	vm4 =	veq.s32 v6, v2  }
0x44: {  	vm6 =	vlt.u32 v4, $0xC400;
	vm4 =	vmand vm5, vm4  }
0x45: {  	vm4 =	vmand vm6, vm4  }
0x46: {  	v5 =	vnsel vm4, $0xFFFFFFFF, v4  }
0x47: {  	s31 =	sand.u32 $0x1, s0  }
0x48: {  	s26 =	simm.s32 $0x1A90;
	p1 =	seq.s32 s31, $0x1  }
0x49: {  	s26 =	simm.s32 @!p1 $0x0  }
0x4a: {  	s28 =	sadd.s32 $0x6B30, s26;
	(ifvalue) =	ssetifvalue $0xFFFFFFFF  }
0x4b: {  	v4 =	vperm.xlane v4, v1;
	[tilespmem:s28], [sflag:$0x8] =	stream.indirect_vreg.gather [hbm4b:s1+s16], $0x1, v5, vm0, $0x4038;
	v5 =	vnsel vm6, $0xFFFFFFFE, v5;
	[tilespmem:$0xF030] =	vst v63  }
0x4c: {  	s0 =	simm.s32 $0x0;
	s2 =	sadd.s32 $0xFFFFFFF0, s30;
	[tilespmem:s30+$0x0] =	vst v5  }
.LBB2_3:
0x4d: {  	v5 =	vld.msk [tilespmem:s2+$0x0 ss:$0x1], $0xffff;
	s0 =	sadd.s32 $0x10, s0;
	v6 =	vmov v4;
	s6 =	smov.u32 s2  }
0x4e: {  	p1 =	slt.u32 s0, $0x1A80;
	_ =	sdelay $0x4  }
0x4f: {  	v4 =	vperm.xlane v5, v1;
	(xrf1) =	vunique.msk.u32 $0xffff, v5;
	_ =	sdelay $0xd  }
0x50: {  	v7, _, _ =	vpop (xrf1)  }
0x51: {  	vm5 =	vne.s32 v5, v6;
	vm4 =	veq.s32 v7, v2  }
0x52: {  	vm6 =	vlt.u32 v5, $0xC400;
	vm4 =	vmand vm5, vm4  }
0x53: {  	vm4 =	vmand vm6, vm4  }
0x54: {  	v5 =	vnsel vm4, $0xFFFFFFFF, v5  }
.Ltmp3:
0x55: {  	v6 =	vnsel vm6, $0xFFFFFFFE, v5;
	(pc) =	sbr.rel @p1 .LBB2_3-.Ltmp3, $3  }
0x56: {  	_ =	sdelay $0x1  }
0x57: {  	s2 =	sadd.s32 $0xFFFFFFF0, s2;
	s28 =	sadd.s32 $0xFFFFFFF0, s28;
	(ifvalue) =	ssetifvalue $0xFFFFFFFF  }
0x58: {  	[tilespmem:s28], [sflag:$0x8] =	stream.indirect_vreg.gather [hbm4b:s1+s16], $0x1, v5, vm0, $0x4038;
	[tilespmem:s6+$0x0] =	vst v6  }
0x59: {  	s0 =	sshrl.u32 s25, $0x3;
	s2 =	rddreg [dreg:$0x2]  }
0x5a: {  	s31 =	sadd.s32 $0x85D0, s26;
	s0 =	sadd.s32 s2, s0  }
0x5b: {  	[tilespmem:s31], [sflag:$0x8] =	stream.linear.gather [hbm:s0], $0x1A90, $0x38;
	[tilespmem:$0xF030] =	vst v63  }
.LBB2_5:
0x5c: {  	p1 =	slt.u32 s24, $0x2  }
0x5d: {  	p2 =	sge.u32 @!p1 s24, s12  }
0x5e: {  	p1 =	por p1, p2  }
.Ltmp4:
0x5f: {  	_ = 	snop;
	(pc) =	sbr.rel @p1 .LBB2_9-.Ltmp4, $1  }
0x60: {  	_ =	sdelay $0x3  }
0x61: {  	s0 =	sadd.s32 $0xFFFFFFFE, s24  }
0x62: {  	s2 =	smulhi.u32 $0xAAAAAAAB, s0;
	_ =	sdelay $0x1  }
0x63: {  	s2 =	sshrl.u32 s2, $0x1  }
0x64: {  	s2 =	smul.u32 $0x3, s2;
	_ =	sdelay $0x1  }
0x65: {  	_ =	swait.ge [sflag:s8], $0x3520;
	s0 =	ssub.s32 s0, s2  }
0x66: {  	s6 =	rddreg [dreg:$0x3];
	s0 =	smul.u32 $0x1A90, s0  }
0x67: {  	[sflag:s8] =	ssyncset.done $0x0;
	p1 =	sne.s32 s24, s6  }
0x68: {  	[sflag:s8] =	ssyncadd.s32 $0xFFFFCAE0;
	s6 =	rddreg [dreg:$0x4];
	s2 =	sadd.s32 @!p1 $0x1B8F, s0  }
0x69: {  	[spmem:s6] =	stream.linear.scatter @!p1 [tilespmem:s2], [sflag:$0x1], $0x1, $0x38;
	[tilespmem:$0xF030] =	vst v63  }
0x6a: {  	s2 =	simm.s32 @!p1 $0x1  }
0x6b: {  	_ =	swait.ge @!p1 [sflag:s2], $0x1  }
0x6c: {  	s11 =	sshll.u32 s24, $0x4;
	[sflag:s2] =	ssyncset.done @!p1 $0x0  }
0x6d: {  	s25 =	sand.u32 $0x10, s11;
	[sflag:s2] =	ssyncadd.s32 @!p1 $0xFFFFFFFF  }
0x6e: {  	s2 =	sxor.u32 $0x10, s25;
	v5 =	vld [tilespmem:s25+$0x10]  }
0x6f: {  	v6 =	vld [tilespmem:s2+$0x60]  }
0x70: {  	v4 =	vld [tilespmem:$0x80];
	_ =	sdelay $0x2  }
0x71: {  	(v2sf) =	vpush v5, $0x0  }
0x72: {  	(v2sf) =	vpush v6, $0x0  }
0x73: {  	(v2sf) =	vpush v4, $0x0;
	_ =	sdelay $0xc  }
0x74: {  	s13 =	spop (v2sf)  }
0x75: {  	s22 =	spop (v2sf)  }
0x76: {  	s26 =	spop (v2sf)  }
0x77: {  	p2 =	seq.s32 s13, s22;
	p3 =	seq.s32 s26, s13  }
0x78: {  	p3 =	por p2, p3  }
0x79: {  	s22 =	sand.u32 $0x1, s24;
	v5 =	vpsel p3, $0xFFFFFFFF, v5  }
0x7a: {  	s28 =	smul.u32 $0x1A90, s22;
	[tilespmem:s25+$0x10] =	vst.msk $0x1, v5  }
0x7b: {  	v5 =	vld [tilespmem:$0x30]  }
0x7c: {  	v6 =	vld [tilespmem:s28+$0x85D0]  }
0x7d: {  	v7 =	vld [tilespmem:s25+$0x40];
	_ =	sdelay $0x2  }
0x7e: {  	vm4 =	vmmov vm1  }
0x7f: {  	vm5 =	vmmov vm2;
	vm4 =	vmmov @p2 vm2;
	v6 =	vmax.f32 v5, v6  }
0x80: {  	s6 =	sshll.u32 s22, $0x4;
	vm5 =	vmmov @p3 vm1;
	v5 =	vmax.f32 v5, v7;
	[tilespmem:s28+$0x85D0] =	vst.msk vm4, v6  }
0x81: {  	[tilespmem:s6+$0xF010] =	vst.msk vm5, v5  }
0x82: {  	v5 =	vld [tilespmem:s28+$0x6B30];
	_ =	sdelay $0x4  }
0x83: {  	v5 =	vshift.insert v5, v3, s21  }
0x84: {  	s11 =	sor.u32 $0x40, s2  }
0x85: {  	v6 =	vimm.f32 $-Inf;
	[tilespmem:s11+$0x0] =	vst.msk $0x1, v5  }
0x86: {  	[tilespmem:s28+$0x6B3F] =	vst.msk $0x1, v6  }
0x87: {  	v5 =	vld [tilespmem:s0+$0x1B80]  }
0x88: {  	s13 =	smulhi.u32 $0xAAAAAAAB, s20;
	_ =	sdelay $0x1  }
0x89: {  	s22 =	simm.s32 $0x1;
	s0 =	sshrl.u32 s13, $0x1  }
0x8a: {  	s22 =	simm.s32 @!p0 $0x0;
	s0 =	smul.u32 $0xFFFEC140, s0  }
0x8b: {  	s22 =	smul.u32 $0x6A40, s22;
	v5 =	vshift.insert v5, v1, s21  }
0x8c: {  	s0 =	sshra.s32 s0, $0x2  }
0x8d: {  	s22 =	sshrl.u32 s22, $0x2;
	s11 =	sadd.s32 s0, s19;
	[tilespmem:s2+$0x10] =	vst.msk $0x1, v5  }
0x8e: {  	s2 =	sadd.s32 $0x85D0, s22;
	v7 =	vld [tilespmem:s11+$0x0]  }
0x8f: {  	v8 =	vld [tilespmem:s2+$0x0];
	_ =	sdelay $0x4  }
0x90: {  	vm4 =	vne.s32 v7, $0xFFFFFFFF;
	v6 =	vmax.f32 v8, v6  }
0x91: {  	(xrf0) =	vmax.seg.scan.f32 vm4, v6  }
0x92: {  	s13 =	sadd.s32 $0x50B0, s22;
	v8 =	vld [tilespmem:$0xA0]  }
0x93: {  	v9 =	vld [tilespmem:s13+$0x0];
	_ =	sdelay $0x1  }
0x94: {  	v6 =	vperm.xlane v5, v1;
	_ =	sdelay $0x1  }
0x95: {  	vm6 =	veq.s32 v7, v4;
	vm7 =	veq.s32 v7, v6;
	vm5 =	veq.s32 v8, $0x1;
	v8, _, _ =	vpop (xrf0)  }
0x96: {  	vm8 =	vgt.u32 v7, $0xFFFFFFFD;
	vm7 =	vmor vm7, vm6;
	v9 =	vmax.f32 v8, v9  }
0x97: {  	s30 =	sadd.s32 $0xBAF0, s22;
	v10 =	vld [tilespmem:$0x90];
	vm7 =	vmor vm7, vm8;
	v9 =	vsel vm6, v8, v9  }
0x98: {  	[tilespmem:s30+$0x0] =	vst v9;
	v9 =	vsel vm7, $0xFFFFFFFF, v7;
	_ =	sdelay $0x1  }
0x99: {  	s31 =	simm.s32 $0x0;
	vm9 =	vmand vm4, vm3  }
0x9a: {  	s29 =	sadd.s32 $0xF010, s6;
	s6 =	sadd.s32 $0x10, s13;
	s22 =	sadd.s32 $0x10, s30;
	v11 =	vsel vm9, $0xFF800000, v8  }
0x9b: {  	s0 =	sadd.s32 $0x10, s2;
	s2 =	sadd.s32 $0x10, s11;
	vm4 =	vmor vm5, vm6;
	v7 =	vsel vm6, v8, v10;
	v8 =	vshift.insert v11, v0, s21;
	(ifvalue) =	ssetifvalue $0xFFFFFFFF  }
.LBB2_7:
0x9c: {  	[hbm4b:s1+s16] =	stream.indirect_vreg.scatter [tilespmem:s30], [sflag:$0x2], $0x1, v9, vm0, $0x4038;
	[tilespmem:$0xF030] =	vst v63  }
0x9d: {  	s31 =	sadd.s32 $0x10, s31;
	s30 =	smov.u32 s22;
	v9 =	vld [tilespmem:s2+$0x0]  }
0x9e: {  	p2 =	slt.u32 s31, $0x1A80;
	v10 =	vld [tilespmem:s0+$0x0];
	_ =	sdelay $0x4  }
0x9f: {  	vm5 =	vne.s32 v9, $0xFFFFFFFF;
	v8 =	vmax.f32 v10, v8  }
0xa0: {  	(xrf0) =	vmax.seg.scan.f32 vm5, v8;
	_ =	sdelay $0x1  }
0xa1: {  	v8 =	vld [tilespmem:s6+$0x0]  }
0xa2: {  	vm6 =	veq.s32 v9, v4;
	vm7 =	veq.s32 v9, v6  }
0xa3: {  	vm8 =	vgt.u32 v9, $0xFFFFFFFD;
	vm4 =	vmor vm4, vm6;
	vm7 =	vmor vm7, vm6  }
0xa4: {  	vm7 =	vmor vm7, vm8  }
.Ltmp5:
0xa5: {  	vm5 =	vmand vm5, vm3;
	v9 =	vsel vm7, $0xFFFFFFFF, v9;
	v10, _, _ =	vpop (xrf0);
	(pc) =	sbr.rel @p2 .LBB2_7-.Ltmp5, $4  }
0xa6: {  	v7 =	vsel vm6, v10, v7;
	v8 =	vmax.f32 v10, v8;
	v11 =	vsel vm5, $0xFF800000, v10  }
0xa7: {  	v10 =	vsel vm6, v10, v8;
	v8 =	vshift.insert v11, v0, s21  }
0xa8: {  	s2 =	sadd.s32 $0x10, s2;
	s0 =	sadd.s32 $0x10, s0;
	[tilespmem:s22+$0x0] =	vst v10  }
0xa9: {  	s6 =	sadd.s32 $0x10, s6;
	s22 =	sadd.s32 $0x10, s22;
	(ifvalue) =	ssetifvalue $0xFFFFFFFF  }
0xaa: {  	_ =	sdelay $0x3  }
0xab: {  	[hbm4b:s1+s16] =	stream.indirect_vreg.scatter [tilespmem:s30], [sflag:$0x2], $0x1, v9, vm0, $0x4038;
	[tilespmem:$0xF030] =	vst v63  }
0xac: {  	v4 =	vld [tilespmem:s28+$0xD570];
	_ =	sdelay $0x4  }
0xad: {  	v4 =	vshift.insert v4, v3, s21  }
0xae: {  	s0 =	simm.s32 $0x30  }
0xaf: {  	[tilespmem:s0+$0x0] =	vst.msk $0x1, v4  }
0xb0: {  	v4 =	vsel vm4, $0x1, v1;
	[tilespmem:$0x90] =	vst v7  }
0xb1: {  	s0 =	sadd.s32 @!p1 $0xD57F, s28;
	[tilespmem:$0xA0] =	vst v4  }
0xb2: {  	[spmem:s14] =	stream.linear.scatter @!p1 [tilespmem:s0], [sflag:$0x1], $0x1, $0x38;
	[tilespmem:$0xF030] =	vst v63  }
0xb3: {  	s0 =	simm.s32 @!p1 $0x1  }
0xb4: {  	v4 =	vmctz.xlane @!p1 vm4;
	_ =	swait.ge @!p1 [sflag:s0], $0x1  }
0xb5: {  	(v2sf) =	vpush @!p1 v5, $0x0  }
0xb6: {  	(v2sf) =	vpush @!p1 v4, $0x0;
	_ =	sdelay $0xd  }
0xb7: {  	s2 =	spop @!p1 (v2sf)  }
0xb8: {  	s6 =	spop @!p1 (v2sf)  }
0xb9: {  	p2 =	sne.s32 @!p1 s26, s2;
	p3 =	slt.s32 @!p1 s6, $0xF  }
0xba: {  	[sflag:s0] =	ssyncset.done @!p1 $0x0;
	p2 =	por p2, p1;
	p3 =	por !p3, p1  }
0xbb: {  	[sflag:s0] =	ssyncadd.s32 @!p1 $0xFFFFFFFF;
	v4 =	vimm.s32 @!p2 $0xFFFFFFFF;
	s6 =	simm.s32 @p3 $0xF  }
0xbc: {  	[tilespmem:$0x80] =	vst @!p2 v4;
	s2 =	sadd.s32 @!p1 $0x90, s6  }
0xbd: {  	[spmem:s10] =	stream.linear.scatter @!p1 [tilespmem:s2], [sflag:$0x1], $0x1, $0x38;
	[tilespmem:$0xF030] =	vst v63  }
0xbe: {  	_ =	swait.ge @!p1 [sflag:s0], $0x1  }
0xbf: {  	[sflag:s0] =	ssyncset.done @!p1 $0x0  }
0xc0: {  	s2 =	simm.s32 @!p1 $0x80;
	[sflag:s0] =	ssyncadd.s32 @!p1 $0xFFFFFFFF  }
0xc1: {  	[spmem:s15] =	stream.linear.scatter @!p1 [tilespmem:s2], [sflag:$0x1], $0x1, $0x38;
	[tilespmem:$0xF030] =	vst v63  }
0xc2: {  	_ =	swait.ge @!p1 [sflag:s0], $0x1  }
0xc3: {  	[sflag:s0] =	ssyncset.done @!p1 $0x0  }
0xc4: {  	[sflag:s0] =	ssyncadd.s32 @!p1 $0xFFFFFFFF;
	(ifvalue) =	ssetifvalue $0xFFFFFFFF;
	v4 =	vld [tilespmem:s25+$0x10];
	_ =	sdelay $0x3  }
.Ltmp6:
0xc5: {  	_ = 	snop;
	(pc) =	sbr.rel .LBB2_9-.Ltmp6, $3  }
0xc6: {  	_ =	sdelay $0x1  }
0xc7: {  	(ifvalue) =	ssetifvalue $0xFFFFFFFF  }
0xc8: {  	[hbm4b:s1+s16] =	stream.indirect_vreg.scatter [tilespmem:s29], [sflag:$0x9], $0x1, v4, vm0, $0x4038;
	[tilespmem:$0xF030] =	vst v63  }
.LBB2_10:
0xc9: {  	_ =	sfence.sel $0x180000  }
0xca: {  	s0 =	simm.s32 $0x7;
	[bflag:$0x0] =	sbarrier.arrive $0xFFFF  }
0xcb: {  	s26 =	simm.s32 $0x8;
	[sflag:s0] =	ssyncpa.u1 $0x1  }
0xcc: {  	s28 =	simm.s32 $0x9;
	[sflag:s26] =	ssyncpa.u1 $0x1  }
0xcd: {  	[sflag:s28] =	ssyncpa.u1 $0x1  }
0xce: {  	_ =	sfence.stream.spmem  }
0xcf: {  	s29 =	simm.s32 $0x3;
	[bflag:$0x0] =	sbarrier.arrive $0xFFFF  }
0xd0: {  	s30 =	simm.s32 $0x4;
	[sflag:s29] =	ssyncpa.u1 $0x1  }
0xd1: {  	s31 =	simm.s32 $0x3C;
	s2 =	stileid.u32;
	[sflag:s30] =	ssyncpa.u1 $0x1  }
0xd2: {  	p0 =	sne.s32 s2, $0x0;
	[sflag:s31] =	ssyncpa.u1 $0x1  }
0xd3: {  	s0 =	simm.s32 @p0 $0x1;
	_ =	sfence @p0  }
0xd4: {  	[sflag:s0] =	ssyncpa.u1 @p0 $0x1;
	s0 =	simm.s32 @p0 $0x2  }
0xd5: {  	[sflag:s0] =	ssyncpa.u1 @p0 $0x1  }
0xd6: {  	_ =	strace @p0 $0x90000050  }
0xd7: {  	[bflag:$0x2] =	sbarrier.arrive @p0 $0xFFFF  }
0xd8: {  	_ =	shalt @p0  }
.LBB2_11:
0xd9: {  	_ =	sfence.stream.spmem;
	s0 =	simm.s32 $0x5  }
0xda: {  	s2 =	simm.s32 $0x80;
	s3 =	simm.s32 $0xC0;
	[sflag:s0] =	ssyncpa.u1 $0x0  }
0xdb: {  	[tilespmem:s3], [sflag:$0x5] =	stream.linear.gather [spmem:s2], $0x20, $0x38;
	[tilespmem:$0xF030] =	vst v63  }
0xdc: {  	s30 =	simm.s32 $0xE0;
	s2 =	simm.s32 $0x0  }
0xdd: {  	[tilespmem:s30], [sflag:$0x5] =	stream.linear.gather [spmem:s2], $0x20, $0x38;
	[tilespmem:$0xF030] =	vst v63  }
.Ltmp7:
0xde: {  	_ = 	snop;
	(pc) =	sbr.rel .LBB2_12-.Ltmp7, $4  }
0xdf: {  	_ =	swait.ge [sflag:s0], $0x40  }
0xe0: {  	[sflag:s0] =	ssyncset.done $0x0  }
0xe1: {  	s31 =	simm.s32 $0x6;
	[sflag:s0] =	ssyncadd.s32 $0xFFFFFFC0  }
0xe2: {  	s3 =	simm.s32 $0x0;
	[sflag:s31] =	ssyncpa.u1 $0x0  }
.LBB2_17:
0xe3: {  	p0 =	sgt.u32 s4, $0xC3FF  }
0xe4: {  	s0 =	sshrl.u32 @!p0 s4, $0x3  }
0xe5: {  	s4 =	sand.u32 @!p0 $0x7, s4;
	s5 =	simm.s32 @!p0 $0xB0;
	s0 =	sadd.s32 @!p0 s1, s0  }
0xe6: {  	[tilespmem:s5], [sflag:$0x6] =	stream.linear.gather @!p0 [hbm4b:s0+s4], $0x1, $0x38;
	[tilespmem:$0xF030] =	vst v63  }
0xe7: {  	s0 =	simm.s32 @!p0 $0x6  }
0xe8: {  	_ =	swait.ge @!p0 [sflag:s0], $0x1  }
0xe9: {  	[sflag:s0] =	ssyncset.done @!p0 $0x0  }
0xea: {  	[sflag:s0] =	ssyncadd.s32 @!p0 $0xFFFFFFFF  }
0xeb: {  	v1 =	vld.msk @!p0 [tilespmem:$0xB0], $0x1  }
0xec: {  	v2 =	vld.msk @!p0 [tilespmem:s3+$0xE0], $0x1;
	_ =	sdelay $0x4  }
0xed: {  	v1 =	vmax.f32 @!p0 v2, v1  }
0xee: {  	[tilespmem:s3+$0xE0] =	vst.msk @!p0 $0x1, v1  }
0xef: {  	[tilespmem:s2+$0xC0] =	vst.msk $0x1, v0  }
0xf0: {  	v0 =	vld.msk [tilespmem:s3+$0xE0], $0x1;
	_ =	sdelay $0x4  }
0xf1: {  	[tilespmem:s2+$0xE0] =	vst.msk $0x1, v0;
	s2 =	sadd.s32 $0x1, s2  }
.LBB2_19:
0xf2: {  	s3 =	sadd.s32 $0x1, s3  }
0xf3: {  	p0 =	sne.s32 s3, $0x20  }
.Ltmp8:
0xf4: {  	_ = 	snop;
	(pc) =	sbr.rel @!p0 .LBB2_20-.Ltmp8, $1  }
0xf5: {  	_ =	sdelay $0x3  }
.LBB2_12:
0xf6: {  	v0 =	vld.msk [tilespmem:s3+$0xC0], $0x1;
	_ =	sdelay $0x4  }
0xf7: {  	(v2sf) =	vpush v0, $0x0;
	_ =	sdelay $0xe  }
0xf8: {  	s4 =	spop (v2sf)  }
0xf9: {  	p0 =	seq.s32 s4, $0xFFFFFFFF  }
.Ltmp9:
0xfa: {  	_ = 	snop;
	(pc) =	sbr.rel @p0 .LBB2_19-.Ltmp9, $1  }
0xfb: {  	_ =	sdelay $0x3  }
0xfc: {  	p0 =	slt.s32 s2, $0x1  }
.Ltmp10:
0xfd: {  	_ = 	snop;
	(pc) =	sbr.rel @p0 .LBB2_17-.Ltmp10, $1  }
0xfe: {  	_ =	sdelay $0x3  }
0xff: {  	s0 =	simm.s32 $0xC0;
	p0 =	por $0x0, $0x0  }
0x100: {  	v1 =	vld.msk @!p0 [tilespmem:s0+$0x0], $0x1;
	_ =	sdelay $0x4  }
0x101: {  	(v2sf) =	vpush @!p0 v1, $0x0;
	_ =	sdelay $0xd  }
0x102: {  	p2 =	sne.s32 s2, $0x1  }
.Ltmp11:
0x103: {  	s5 =	spop @!p0 (v2sf);
	(pc) =	sbr.rel @!p2 .LBB2_16-.Ltmp11, $4  }
0x104: {  	p1 =	seq.s32 @!p0 s4, s5  }
0x105: {  	s5 =	simm.s32 $0x0;
	p1 =	por !p1, p0  }
0x106: {  	s7 =	simm.s32 $0xFFFFFFFF;
	s5 =	simm.s32 @p1 $0xFFFFFFFF  }
0x107: {  	s6 =	simm.s32 $0x1;
	s5 =	smov.u32 @p0 s7  }
.LBB2_15:
0x108: {  	s7 =	smov.u32 s5;
	p0 =	sne.s32 s5, $0xFFFFFFFF  }
0x109: {  	s0 =	sadd.s32 $0x1, s0;
	s5 =	smov.u32 s6;
	s6 =	sadd.s32 $0x1, s6  }
0x10a: {  	p1 =	sne.s32 s2, s6;
	v1 =	vld.msk @!p0 [tilespmem:s0+$0x0], $0x1;
	_ =	sdelay $0x4  }
0x10b: {  	(v2sf) =	vpush @!p0 v1, $0x0;
	_ =	sdelay $0xe  }
.Ltmp12:
0x10c: {  	s8 =	spop @!p0 (v2sf);
	(pc) =	sbr.rel @p1 .LBB2_15-.Ltmp12, $4  }
0x10d: {  	p2 =	seq.s32 @!p0 s4, s8  }
0x10e: {  	p2 =	por !p2, p0  }
0x10f: {  	s5 =	simm.s32 @p2 $0xFFFFFFFF  }
0x110: {  	s5 =	smov.u32 @p0 s7  }
.LBB2_16:
0x111: {  	p0 =	sne.s32 s5, $0xFFFFFFFF  }
.Ltmp13:
0x112: {  	_ = 	snop;
	(pc) =	sbr.rel @!p0 .LBB2_17-.Ltmp13, $1  }
0x113: {  	_ =	sdelay $0x3  }
0x114: {  	v0 =	vld.msk [tilespmem:s3+$0xE0], $0x1  }
0x115: {  	v1 =	vld.msk [tilespmem:s5+$0xE0], $0x1;
	_ =	sdelay $0x1  }
.Ltmp14:
0x116: {  	_ = 	snop;
	(pc) =	sbr.rel .LBB2_19-.Ltmp14, $3  }
0x117: {  	_ =	sdelay $0x1  }
0x118: {  	v0 =	vmax.f32 v1, v0  }
0x119: {  	[tilespmem:s5+$0xE0] =	vst.msk $0x1, v0  }
.LBB2_20:
0x11a: {  	p0 =	slt.s32 s2, $0x1  }
.Ltmp15:
0x11b: {  	_ = 	snop;
	(pc) =	sbr.rel @p0 .LBB2_24-.Ltmp15, $3  }
0x11c: {  	_ =	sdelay $0x1  }
0x11d: {  	s0 =	simm.s32 $0x6  }
0x11e: {  	s3 =	simm.s32 $0x0;
	[sflag:s0] =	ssyncpa.u1 $0x1  }
0x11f: {  	s0 =	simm.s32 $0xC0  }
0x120: {  	v0 =	vld.msk [tilespmem:s0+$0x0], $0x1;
	_ =	sdelay $0x4  }
0x121: {  	(v2sf) =	vpush v0, $0x0;
	_ =	sdelay $0xe  }
0x122: {  	s2 =	sadd.s32 $0xFFFFFFFF, s2;
	s4 =	spop (v2sf)  }
0x123: {  	p1 =	sne.s32 s2, $0x0;
	p0 =	sgt.u32 s4, $0xC3FF  }
.Ltmp16:
0x124: {  	s5 =	sshrl.u32 @!p0 s4, $0x3;
	(pc) =	sbr.rel @!p1 .LBB2_23-.Ltmp16, $4  }
0x125: {  	s0 =	simm.s32 $0xE0;
	s4 =	sand.u32 @!p0 $0x7, s4;
	s5 =	sadd.s32 @!p0 s1, s5  }
0x126: {  	[hbm4b:s5+s4] =	stream.linear.scatter @!p0 [tilespmem:s0], [sflag:$0x5], $0x1, $0x38;
	[tilespmem:$0xF030] =	vst v63  }
0x127: {  	s5 =	simm.s32 $0x0  }
0x128: {  	s4 =	simm.s32 $0xC1;
	s5 =	simm.s32 @!p0 $0x4  }
.LBB2_22:
0x129: {  	v0 =	vld.msk [tilespmem:s4+$0x0], $0x1;
	s2 =	sadd.s32 $0xFFFFFFFF, s2;
	s3 =	sadd.s32 s3, s5  }
0x12a: {  	p0 =	sne.s32 s2, $0x0;
	_ =	sdelay $0x3  }
0x12b: {  	(v2sf) =	vpush v0, $0x0;
	_ =	sdelay $0xe  }
.Ltmp17:
0x12c: {  	s6 =	spop (v2sf);
	(pc) =	sbr.rel @p0 .LBB2_22-.Ltmp17, $4  }
0x12d: {  	s5 =	simm.s32 $0x0;
	p1 =	sgt.u32 s6, $0xC3FF  }
0x12e: {  	s0 =	sadd.s32 $0x1, s0;
	s5 =	simm.s32 @!p1 $0x4;
	s7 =	sshrl.u32 @!p1 s6, $0x3  }
0x12f: {  	s4 =	sadd.s32 $0x1, s4;
	s6 =	sand.u32 @!p1 $0x7, s6;
	s7 =	sadd.s32 @!p1 s1, s7  }
0x130: {  	[hbm4b:s7+s6] =	stream.linear.scatter @!p1 [tilespmem:s0], [sflag:$0x5], $0x1, $0x38;
	[tilespmem:$0xF030] =	vst v63  }
.LBB2_23:
0x131: {  	s0 =	sadd.s32 s3, s5  }
0x132: {  	s3 =	sshrl.u32 s0, $0x2  }
.LBB2_24:
0x133: {  	s0 =	simm.s32 $0x5  }
0x134: {  	_ =	swait.ge [sflag:s0], s3  }
0x135: {  	s1 =	ssub.s32 $0x0, s3;
	[sflag:s0] =	ssyncset.done $0x0  }
0x136: {  	[sflag:s0] =	ssyncadd.s32 s1  }
0x137: {  	[sflag:s0] =	ssyncpa.u1 $0x1  }
0x138: {  	s29 =	simm.s32 $0x1;
	_ =	sfence  }
0x139: {  	s30 =	simm.s32 $0x2;
	[sflag:s29] =	ssyncpa.u1 $0x1  }
0x13a: {  	[sflag:s30] =	ssyncpa.u1 $0x1  }
0x13b: {  	_ =	strace $0x90000050  }
0x13c: {  	[bflag:$0x2] =	sbarrier.arrive $0xFFFF  }
0x13d: {  	s31 =	rddreg [dreg:$0x1]  }
0x13e: {  	s0 =	sadd.s32 $0x100000, s31  }
0x13f: {  	[sflag:s0] =	ssyncadd.tile.s32 $0x1;
	_ =	shalt  }
.Lfunc_end2:
_tile_overlayer_lowered:
.L_overlay_start_2:
0x140: {  	(tag) =	ssettag $0x2  }
0x141: {  	s0 =	rddreg [dreg:$0x0];
	s2 =	stileid.u32  }
0x142: {  	s1 =	rddreg [dreg:$0x1];
	p0 =	sne.s32 s2, $0x0  }
0x143: {  	s3 =	rddreg [dreg:$0x2];
	[bflag:$0x3] =	sbarrier.arrive $0xFFFF;
	s2 =	simm.s32 @!p0 $0x1C01  }
0x144: {  	[timem:s3], [sflag:s2] =	dma.local @!p0 [hbm:s0], s1  }
0x145: {  	s0 =	simm.s32 @!p0 $0x1  }
0x146: {  	_ =	swait.ge @!p0 [sflag:s0], s1  }
0x147: {  	s1 =	ssub.s32 @!p0 $0x0, s1;
	[sflag:s0] =	ssyncset.done @!p0 $0x0  }
0x148: {  	[sflag:s0] =	ssyncadd.s32 @!p0 s1  }
0x149: {  	[bflag:$0x3] =	sbarrier.arrive $0xFFFF  }
0x14a: {  	_ =	shalt  }

// kernel: scatter_offload_async_start.3
scs
__scs_entry_jumppad:
0x0: {  	(pc) =	sbr.rel $0x88, $3  }
0x1: {  	(tag) =	ssettag $0x0;
	lr =	simm.s32 $0x1  }
0x2: {  	[smem:$0x3F87] =	sst lr;
	_ =	strace $0xD0000000  }
0x3: {  	_ = 	snop  }
0x4: {  	_ = 	snop  }
0x5: {  	_ = 	snop  }
0x6: {  	_ = 	snop  }
0x7: {  	_ = 	snop  }
__scs_overlays_trampoline_lowered:
0x8: {  	[smem:$0x3F96] =	sst s0  }
0x9: {  	[smem:$0x3F97] =	sst s1  }
0xa: {  	[smem:$0x3F98] =	sst s2  }
0xb: {  	[smem:$0x3F99] =	sst s3  }
0xc: {  	[smem:$0x3F9A] =	sst s4  }
0xd: {  	[smem:$0x3F9B] =	sst s5  }
0xe: {  	[smem:$0x3F9C] =	sst s6  }
0xf: {  	[smem:$0x3F9D] =	sst s7  }
0x10: {  	[smem:$0x3F9E] =	sst s8  }
0x11: {  	[smem:$0x3F9F] =	sst s9;
	s0 =	simm.s32 @!p0 $0x0  }
0x12: {  	s1 =	sld [smem:$0x3F85];
	s0 =	simm.s32 @p0 $0x1  }
0x13: {  	[smem:$0x3FA0] =	sst s0;
	s0 =	simm.s32 @!p1 $0x0  }
0x14: {  	s2 =	sld [smem:$0x3F84];
	s0 =	simm.s32 @p1 $0x1  }
0x15: {  	[smem:$0x3FA1] =	sst s0;
	s0 =	simm.s32 @!p2 $0x0  }
0x16: {  	s3 =	sld [smem:$0x3FDB];
	s0 =	simm.s32 @p2 $0x1  }
0x17: {  	s4 =	simm.s32 $0x1BF5;
	[smem:$0x3FA3] =	sst s0  }
0x18: {  	s0 =	sld [smem:$0x3F86];
	_ =	swait.ge [sflag:s4], $0x0  }
0x19: {  	s7 =	sld [smem:$0x3F87]  }
0x1a: {  	s8 =	sadd.s32 $0xFFFFE003, lr  }
0x1b: {  	s9 =	sadd.s32 $0xFFFFFEF7, lr;
	s5 =	simm.s32 $0xFFFFFFFF;
	p2 =	slt.u32 s8, $0xFFFFF086  }
0x1c: {  	p1 =	slt.u32 s9, $0xF7A;
	s5 =	simm.s32 @!p2 $0x0  }
0x1d: {  	s5 =	simm.s32 @p1 $0x1;
	p0 =	seq.s32 s7, s2  }
0x1e: {  	s7 =	smul.u32 @!p0 $0xF7A, s2;
	p2 =	seq.s32 @!p0 s5, $0x0  }
0x1f: {  	s9 =	smul.u32 $0xF7A, s1;
	s8 =	simm.s32 @!p0 $0x1BF5;
	p2 =	por !p2, p0  }
0x20: {  	[sflag:s8] =	ssyncset.s32 @!p0 $0xFFFFF086;
	s6 =	sadd.s32 @!p0 s3, s7;
	s7 =	simm.s32 @!p0 $0x108  }
0x21: {  	s3 =	sadd.s32 s3, s9;
	s6 =	sadd.s32 @!p0 $0x88, s6;
	s7 =	simm.s32 @p2 $0x1082  }
0x22: {  	[simem:s7], [sflag:s8] =	dma.local @!p0 [hbm:s6], $0xF7A  }
0x23: {  	s9 =	sor.u32 $0xD0000000, s2;
	s6 =	simm.s32 $0x108;
	_ =	swait.ge @!p0 [sflag:s8], $0x0  }
0x24: {  	s3 =	sadd.s32 $0x88, s3;
	s6 =	simm.s32 @!p1 $0x1082;
	[sflag:s4] =	ssyncset.s32 $0xFFFFF086  }
0x25: {  	[simem:s6], [sflag:s4] =	dma.local [hbm:s3], $0xF7A  }
0x26: {  	[smem:$0x3F87] =	sst s1;
	(tag) =	ssettag s2;
	_ =	strace s9  }
0x27: {  	s1 =	sld [smem:$0x3F97]  }
0x28: {  	s2 =	sld [smem:$0x3F98]  }
0x29: {  	s4 =	sld [smem:$0x3F9A]  }
0x2a: {  	p0 =	seq.s32 s5, $0x0;
	s5 =	sld [smem:$0x3F9B]  }
0x2b: {  	s6 =	sld [smem:$0x3F9C]  }
0x2c: {  	s7 =	sld [smem:$0x3F9D]  }
0x2d: {  	s3 =	simm.s32 $0x108;
	s8 =	sld [smem:$0x3F9E]  }
0x2e: {  	s3 =	simm.s32 @!p0 $0x1082;
	s9 =	sld [smem:$0x3F9F]  }
0x2f: {  	lr =	sadd.s32 s0, s3;
	s0 =	sld [smem:$0x3F96]  }
0x30: {  	s3 =	sld [smem:$0x3F99]  }
0x31: {  	[smem:$0x3FA2] =	sst s10  }
0x32: {  	s10 =	sld [smem:$0x3FA0];
	_ =	sdelay $0x3  }
0x33: {  	p0 =	seq.s32 s10, $0x1;
	s10 =	sld [smem:$0x3FA2];
	_ =	sdelay $0x3  }
0x34: {  	[smem:$0x3FA2] =	sst s10  }
0x35: {  	s10 =	sld [smem:$0x3FA1];
	_ =	sdelay $0x3  }
0x36: {  	p1 =	seq.s32 s10, $0x1;
	s10 =	sld [smem:$0x3FA2];
	_ =	sdelay $0x3  }
0x37: {  	[smem:$0x3FA2] =	sst s10  }
0x38: {  	s10 =	sld [smem:$0x3FA3]  }
0x39: {  	_ = 	snop;
	(pc) =	sbr.ind lr, $3  }
0x3a: {  	_ = 	snop  }
0x3b: {  	_ = 	snop  }
0x3c: {  	p2 =	seq.s32 s10, $0x1;
	s10 =	sld [smem:$0x3FA2]  }
0x3d: {  	_ =	shalt  }
0x3e: {  	_ =	shalt  }
0x3f: {  	_ =	shalt  }
0x40: {  	_ =	shalt  }
0x41: {  	_ =	shalt  }
0x42: {  	_ =	shalt  }
0x43: {  	_ =	shalt  }
0x44: {  	_ =	shalt  }
0x45: {  	_ =	shalt  }
0x46: {  	_ =	shalt  }
0x47: {  	_ =	shalt  }
0x48: {  	_ =	shalt  }
0x49: {  	_ =	shalt  }
0x4a: {  	_ =	shalt  }
0x4b: {  	_ =	shalt  }
0x4c: {  	_ =	shalt  }
0x4d: {  	_ =	shalt  }
0x4e: {  	_ =	shalt  }
0x4f: {  	_ =	shalt  }
0x50: {  	_ =	shalt  }
0x51: {  	_ =	shalt  }
0x52: {  	_ =	shalt  }
0x53: {  	_ =	shalt  }
0x54: {  	_ =	shalt  }
0x55: {  	_ =	shalt  }
0x56: {  	_ =	shalt  }
0x57: {  	_ =	shalt  }
0x58: {  	_ =	shalt  }
0x59: {  	_ =	shalt  }
0x5a: {  	_ =	shalt  }
0x5b: {  	_ =	shalt  }
0x5c: {  	_ =	shalt  }
0x5d: {  	_ =	shalt  }
0x5e: {  	_ =	shalt  }
0x5f: {  	_ =	shalt  }
0x60: {  	_ =	shalt  }
0x61: {  	_ =	shalt  }
0x62: {  	_ =	shalt  }
0x63: {  	_ =	shalt  }
0x64: {  	_ =	shalt  }
0x65: {  	_ =	shalt  }
0x66: {  	_ =	shalt  }
0x67: {  	_ =	shalt  }
0x68: {  	_ =	shalt  }
0x69: {  	_ =	shalt  }
0x6a: {  	_ =	shalt  }
0x6b: {  	_ =	shalt  }
0x6c: {  	_ =	shalt  }
0x6d: {  	_ =	shalt  }
0x6e: {  	_ =	shalt  }
0x6f: {  	_ =	shalt  }
0x70: {  	_ =	shalt  }
0x71: {  	_ =	shalt  }
0x72: {  	_ =	shalt  }
0x73: {  	_ =	shalt  }
0x74: {  	_ =	shalt  }
0x75: {  	_ =	shalt  }
0x76: {  	_ =	shalt  }
0x77: {  	_ =	shalt  }
0x78: {  	_ =	shalt  }
0x79: {  	_ =	shalt  }
0x7a: {  	_ =	shalt  }
0x7b: {  	_ =	shalt  }
0x7c: {  	_ =	shalt  }
0x7d: {  	_ =	shalt  }
0x7e: {  	_ =	shalt  }
0x7f: {  	_ =	shalt  }
0x80: {  	_ =	shalt  }
0x81: {  	_ =	shalt  }
0x82: {  	_ =	shalt  }
0x83: {  	_ =	shalt  }
0x84: {  	_ =	shalt  }
0x85: {  	_ =	shalt  }
0x86: {  	_ =	shalt  }
0x87: {  	_ =	shalt  }
.Lfunc_end0:
.L_simem_size_0:
called_computation.3_lowered:
.L_overlay_start_0:
0x88: {  	s0 =	sld [smem:$0x3FD9]  }
0x89: {  	s1 =	sld [smem:$0x3FFE];
	_ =	sdelay $0x3  }
0x8a: {  	s0 =	sadd.s32 s1, s0  }
0x8b: {  	[smem:$0x3FAE] =	sst s0  }
0x8c: {  	_ = 	snop  }
0x8d: {  	(tm) =	ssettm $0x1  }
0x8e: {  	s15 =	sld [smem:$0x3FFB];
	_ =	sdelay $0x3  }
0x8f: {  	_ =	strace s15  }
0x90: {  	s0 =	sld [smem:$0x3FFC];
	_ =	sdelay $0x3  }
0x91: {  	_ =	strace s0  }
0x92: {  	s0 =	sld [smem:$0x3FFD];
	_ =	sdelay $0x3  }
0x93: {  	_ =	strace s0  }
0x94: {  	_ =	strace $0x8FFFFFFF  }
0x95: {  	s16 =	sld [smem:$0x3FDB];
	_ =	sdelay $0x1  }
0x96: {  	s17 =	simm.s32 $_scs_section_size  }
0x97: {  	s2 =	simm.s32 $_size__tile_overlayer_lowered;
	s3 =	simm.s32 $_tile_overlayer_lowered  }
0x98: {  	s20 =	simm.s32 $0x1BFF;
	s19 =	sshll.u32 s3, $0x1;
	s0 =	sadd.s32 s17, s16  }
0x99: {  	s4 =	simm.s32 $0x0;
	s18 =	sshll.u32 s2, $0x1;
	s2 =	sadd.s32 s19, s0  }
0x9a: {  	[timem:s4], [sflag:s20] =	dma.local [hbm:s2], s18  }
0x9b: {  	_ =	swait.ge [sflag:s20], s18  }
0x9c: {  	s1 =	ssub.s32 $0x0, s18;
	[sflag:s20] =	ssyncset.done $0x0  }
0x9d: {  	[sflag:s20] =	ssyncadd.s32 s1;
	_ =	sdelay $0x1  }
0x9e: {  	s21 =	simm.s32 $0x1B8B  }
0x9f: {  	_ =	swait.ge [sflag:s21], $0x1  }
0xa0: {  	[sflag:s21] =	ssyncset.done $0x0  }
0xa1: {  	s23 =	simm.s32 $0x1B8E;
	s22 =	sld [smem:$0x3FFE];
	[sflag:s21] =	ssyncadd.s32 $0xFFFFFFFF  }
0xa2: {  	s24 =	simm.s32 $execute0_lowered;
	[smem:$0x3FD2] =	sst s23  }
0xa3: {  	s2 =	sshll.u32 s24, $0x1;
	_ =	strace $0x80000052;
	[dreg:$0x1] =	wrdreg $0xFFFFFFFF  }
0xa4: {  	s25 =	simm.s32 $_size_execute0_lowered;
	s0 =	sadd.s32 s0, s2;
	[dreg:$0x0] =	wrdreg $0x0  }
0xa5: {  	s2 =	sshll.u32 s25, $0x1;
	[dreg:$0x2] =	wrdreg s0  }
0xa6: {  	[dreg:$0x3] =	wrdreg s2  }
0xa7: {  	[dreg:$0x4] =	wrdreg $0xC0  }
0xa8: {  	_ =	task [dreg:s4], $0x5FFFF  }
0xa9: {  	[dreg:$0x1] =	wrdreg $0xFFFFFFFF  }
0xaa: {  	[dreg:$0x0] =	wrdreg $0x60  }
0xab: {  	[dreg:$0x2] =	wrdreg s22  }
0xac: {  	[dreg:$0x3] =	wrdreg $0x9  }
0xad: {  	_ =	task.clear_ibuf [dreg:s4], $0x4FFFF;
	_ =	strace $0x90000052  }
0xae: {  	s26 =	simm.s32 $0x9;
	_ =	strace $0x80000054  }
0xaf: {  	_ =	swait.ge [sflag:s26], $0x1  }
0xb0: {  	[sflag:s26] =	ssyncadd.s32 $0xFFFFFFFF  }
0xb1: {  	_ =	strace $0x90000054  }
0xb2: {  	_ =	sfence  }
0xb3: {  	s28 =	sld [smem:$0x0];
	_ =	sdelay $0x1  }
0xb4: {  	s29 =	srdreg.scid  }
0xb5: {  	s30 =	sshll.u32 s29, $0xD;
	s31 =	sshrl.u32 s29, $0x2  }
0xb6: {  	s1 =	sand.u32 $0x1, s29;
	s2 =	sand.u32 $0x4000, s30;
	s0 =	sadd.s32 s31, s28  }
0xb7: {  	s1 =	sor.u32 s2, s1;
	s0 =	sshll.u32 s0, $0x11  }
0xb8: {  	s0 =	sor.u32 s0, s1  }
0xb9: {  	s0 =	sadd.s32 $0x8F2B, s0  }
0xba: {  	[sflag:s0] =	ssyncadd.remote.s32 $0x1  }
0xbb: {  	_ =	sfence.sel $0xFFFF  }
0xbc: {  	[dreg:$0x0] =	wrdreg $0xFFFFFFFF;
	(pc) =	sbr.abs _section_cstart, $3  }
0xbd: {  	[dreg:$0x1] =	wrdreg $0xFFFFFFFF  }
0xbe: {  	_ =	task.clear_ibuf [dreg:s4], $0x2FFFF;
	_ =	strace $0x9FFFFFFF  }
0xbf: {  	(tm) =	ssettm $0x7FFFFFFF  }
tec
execute0_lowered:
.L_overlay_start_1:
0x0: {  	(tag) =	ssettag $0x1  }
0x1: {  	s0 =	rddreg [dreg:$0x0]  }
0x2: {  	s6 =	stileid.u32;
	_ =	strace $0x80000053;
	s2 =	simm.s32 $0x1  }
0x3: {  	v1 =	vimm.s32 $0xFFFFFFFF;
	s1 =	smul.u32 $0x7, s6;
	[sflag:s2] =	ssyncpa.u1 $0x0  }
0x4: {  	s3 =	smin.u32 s6, $0xD;
	[tilespmem:$0x10] =	vst v1  }
0x5: {  	v0 =	vimm.f32 $0.0e+00;
	[tilespmem:$0x20] =	vst v1;
	s1 =	sadd.s32 s3, s1  }
0x6: {  	p0 =	slt.u32 s6, $0xD;
	[tilespmem:$0x30] =	vst v0;
	s3 =	smul.u32 $0x1A90, s1;
	s1 =	simm.s32 $0xD480  }
0x7: {  	[tilespmem:$0x40] =	vst v0;
	s1 =	simm.s32 @!p0 $0xB9F0  }
0x8: {  	[tilespmem:$0x50] =	vst v0;
	s1 =	sadd.s32 s1, s3  }
0x9: {  	[tilespmem:$0x60] =	vst v1;
	s4 =	smin.u32 s1, $0xCF850  }
0xa: {  	s7 =	simm.s32 $0x2;
	[tilespmem:$0x70] =	vst v1;
	s9 =	ssub.s32 s4, s3  }
0xb: {  	s8 =	simm.s32 $0x8;
	s31 =	simm.s32 $0x9;
	[tilespmem:$0x80] =	vst v1;
	p0 =	sgt.s32 s9, $0x0  }
0xc: {  	s16 =	simm.s32 $0x0;
	s17 =	simm.s32 $0xF0;
	v1 =	vimm.s32 $0x0;
	[tilespmem:$0xB0] =	vst v0;
	s9 =	simm.s32 @!p0 $0x0  }
0xd: {  	s18 =	simm.s32 $0xFFFFFFFF;
	s19 =	simm.s32 $0xFFFFCBE0;
	[tilespmem:$0x90] =	vst v1;
	s5 =	smulhi.u32 $0x134679AD, s9  }
0xe: {  	s20 =	simm.s32 $0xFFFFFFFE;
	[tilespmem:$0xA0] =	vst v1;
	[sflag:s7] =	ssyncpa.u1 $0x0;
	s7 =	simm.s32 $0x7  }
0xf: {  	s21 =	simm.s32 $0xF;
	[sflag:s7] =	ssyncpa.u1 $0x0;
	s10 =	sshrl.u32 s5, $0x9  }
0x10: {  	s25 =	simm.s32 $0x0;
	[sflag:s8] =	ssyncpa.u1 $0x0;
	s11 =	smul.u32 $0x1A90, s10  }
0x11: {  	s24 =	simm.s32 $0x0;
	s14 =	sshllo.u32 s6, $0x1;
	[sflag:s31] =	ssyncpa.u1 $0x0  }
.Ltmp0:
0x12: {  	s1 =	sadd.s32 $0x4EA00, s0;
	p0 =	sne.s32 s9, s11;
	(pc) =	sbr.rel .LBB2_1-.Ltmp0, $4  }
0x13: {  	s5 =	sadd.s32 $0x1AA00, s0;
	s0 =	sadd.s32 $0x34A00, s0;
	s2 =	simm.s32 @!p0 $0x0  }
0x14: {  	s23 =	smov.u32 s3;
	[dreg:$0x2] =	wrdreg s0;
	s9 =	sadd.s32 s2, s10  }
0x15: {  	vm0 =	vmmov $0xffff;
	v2 =	vlaneseq.u32;
	p0 =	por $0x0, $0x0;
	s10 =	sshll.u32 s6, $0x1;
	s11 =	sadd.s32 $0x1, s9  }
0x16: {  	vm1 =	vmxor vm1, vm1;
	vm2 =	vmmov $0x1;
	vm3 =	vcmask $0x3F3C;
	s12 =	sadd.s32 $0x2, s9;
	s13 =	sor.u32 $0x81, s10;
	s15 =	sor.u32 $0x80, s10  }
.LBB2_9:
0x17: {  	p1 =	slt.u32 s24, $0x3  }
0x18: {  	s0 =	simm.s32 @!p1 $0x2  }
0x19: {  	_ =	swait.ge @!p1 [sflag:s0], $0x1A90  }
0x1a: {  	[sflag:s0] =	ssyncset.done @!p1 $0x0  }
0x1b: {  	[sflag:s0] =	ssyncadd.s32 @!p1 $0xFFFFE570;
	s0 =	simm.s32 @!p1 $0x9  }
0x1c: {  	_ =	swait.ge @!p1 [sflag:s0], $0x10  }
0x1d: {  	[sflag:s0] =	ssyncset.done @!p1 $0x0  }
0x1e: {  	[sflag:s0] =	ssyncadd.s32 @!p1 $0xFFFFFFF0;
	p1 =	sne.s32 s24, s12  }
.Ltmp1:
0x1f: {  	s2 =	sadd.s32 $0x1A90, s23;
	(pc) =	sbr.rel @!p1 .LBB2_10-.Ltmp1, $4  }
0x20: {  	s6 =	smov.u32 s3;
	s31 =	sadd.s32 $0x1, s24;
	s17 =	sadd.s32 $0x1A90, s17  }
0x21: {  	s18 =	sadd.s32 $0x1, s18;
	s25 =	smov.u32 s23;
	p2 =	slt.s32 s2, s4  }
0x22: {  	p0 =	por !p0, !p0;
	s19 =	sadd.s32 $0x1A90, s19;
	s6 =	smov.u32 @p2 s2  }
0x23: {  	s20 =	sadd.s32 $0x1, s20;
	s23 =	smov.u32 s6;
	s24 =	smov.u32 s31  }
.LBB2_1:
0x24: {  	p1 =	sge.u32 s24, s9  }
0x25: {  	s0 =	smulhi.u32 @!p1 $0xAAAAAAAB, s24;
	_ =	sdelay $0x1  }
0x26: {  	s0 =	sshrl.u32 @!p1 s0, $0x1  }
0x27: {  	s0 =	smul.u32 @!p1 $0x3, s0;
	_ =	sdelay $0x1  }
0x28: {  	s0 =	ssub.s32 @!p1 s24, s0  }
0x29: {  	s0 =	smul.u32 @!p1 $0x6A40, s0;
	_ =	sdelay $0x1  }
0x2a: {  	s2 =	sshrl.u32 @!p1 s23, $0x3;
	s0 =	sshrl.u32 @!p1 s0, $0x2  }
0x2b: {  	s22 =	sand.u32 @!p1 $0x7, s23;
	s2 =	sadd.s32 @!p1 s5, s2;
	s0 =	sadd.s32 @!p1 $0x100, s0  }
0x2c: {  	[tilespmem:s0], [sflag:$0x7] =	stream.linear.gather @!p1 [hbm4b:s2+s22], $0x1A90, $0x38;
	[tilespmem:$0xF030] =	vst v63  }
0x2d: {  	s0 =	sadd.s32 $0xFFFFFFFF, s24  }
0x2e: {  	p1 =	sge.u32 s0, s9  }
.Ltmp2:
0x2f: {  	_ = 	snop;
	(pc) =	sbr.rel @p1 .LBB2_5-.Ltmp2, $1  }
0x30: {  	_ =	sdelay $0x3  }
0x31: {  	s2 =	smulhi.u32 $0xAAAAAAAB, s0;
	_ =	sdelay $0x1  }
0x32: {  	s2 =	sshrl.u32 s2, $0x1  }
0x33: {  	s2 =	smul.u32 $0x3, s2;
	_ =	sdelay $0x1  }
0x34: {  	s2 =	ssub.s32 s0, s2  }
0x35: {  	s2 =	smul.u32 $0x6A40, s2  }
0x36: {  	_ =	swait.ge [sflag:s7], $0x1A90  }
0x37: {  	[sflag:s7] =	ssyncset.done $0x0;
	s2 =	sshrl.u32 s2, $0x2  }
0x38: {  	[sflag:s7] =	ssyncadd.s32 $0xFFFFE570;
	(ifvalue) =	ssetifvalue $0xFFFFFFFF;
	v3 =	vld.msk [tilespmem:s2+$0x100 ss:$0x1], $0xffff;
	_ =	sdelay $0x2  }
0x39: {  	s30 =	smulhi.u32 $0xAAAAAAAB, s18;
	p1 =	sne.s32 s24, $0x1  }
0x3a: {  	v4 =	vimm.s32 @!p1 $0x0  }
0x3b: {  	s2 =	sshrl.u32 s30, $0x1;
	v4 =	vperm.xlane @!p1 v3, v4  }
0x3c: {  	s22 =	sshll.u32 s24, $0x4;
	s2 =	smul.u32 $0xFFFEC140, s2;
	vm4 =	vlt.u32 v3, $0xC400  }
0x3d: {  	s22 =	sand.u32 $0x10, s22;
	v3 =	vnsel vm4, $0xFFFFFFFE, v3;
	vm4 =	vlt.u32 @!p1 v4, $0xC400  }
0x3e: {  	s2 =	sshra.s32 s2, $0x2;
	[tilespmem:s22+$0x60] =	vst v3;
	v3 =	vnsel @!p1 vm4, $0xFFFFFFFE, v4  }
0x3f: {  	s28 =	sadd.s32 s2, s17;
	[tilespmem:$0x80] =	vst @!p1 v3  }
0x40: {  	v3 =	vld.msk [tilespmem:s28+$0x0 ss:$0x1], $0xffff;
	_ =	sdelay $0x4  }
0x41: {  	(xrf1) =	vunique.msk.u32 $0xffff, v3;
	_ =	sdelay $0xd  }
0x42: {  	v4 =	vimm.s32 $0xFFFFFFFF;
	v5, _, _ =	vpop (xrf1)  }
0x43: {  	vm5 =	vne.s32 v3, v4;
	vm4 =	veq.s32 v5, v2  }
0x44: {  	vm6 =	vlt.u32 v3, $0xC400;
	vm4 =	vmand vm5, vm4  }
0x45: {  	vm4 =	vmand vm6, vm4  }
0x46: {  	v4 =	vnsel vm4, $0xFFFFFFFF, v3  }
0x47: {  	s31 =	sand.u32 $0x1, s0  }
0x48: {  	s0 =	simm.s32 $0x1A90;
	p1 =	seq.s32 s31, $0x1  }
0x49: {  	s0 =	simm.s32 @!p1 $0x0  }
0x4a: {  	s26 =	sadd.s32 $0x6B30, s0;
	(ifvalue) =	ssetifvalue $0xFFFFFFFF  }
0x4b: {  	v3 =	vperm.xlane v3, v1;
	[tilespmem:s26], [sflag:$0x8] =	stream.indirect_vreg.gather [hbm4b:s1+s16], $0x1, v4, vm0, $0x4038;
	v4 =	vnsel vm6, $0xFFFFFFFE, v4;
	[tilespmem:$0xF030] =	vst v63  }
0x4c: {  	s2 =	simm.s32 $0x0;
	s22 =	sadd.s32 $0xFFFFFFF0, s28;
	[tilespmem:s28+$0x0] =	vst v4  }
.LBB2_3:
0x4d: {  	v4 =	vld.msk [tilespmem:s22+$0x0 ss:$0x1], $0xffff;
	s2 =	sadd.s32 $0x10, s2;
	v5 =	vmov v3;
	s28 =	smov.u32 s22  }
0x4e: {  	p1 =	slt.u32 s2, $0x1A80;
	_ =	sdelay $0x4  }
0x4f: {  	v3 =	vperm.xlane v4, v1;
	(xrf1) =	vunique.msk.u32 $0xffff, v4;
	_ =	sdelay $0xd  }
0x50: {  	v6, _, _ =	vpop (xrf1)  }
0x51: {  	vm5 =	vne.s32 v4, v5;
	vm4 =	veq.s32 v6, v2  }
0x52: {  	vm6 =	vlt.u32 v4, $0xC400;
	vm4 =	vmand vm5, vm4  }
0x53: {  	vm4 =	vmand vm6, vm4  }
0x54: {  	v4 =	vnsel vm4, $0xFFFFFFFF, v4  }
.Ltmp3:
0x55: {  	v5 =	vnsel vm6, $0xFFFFFFFE, v4;
	(pc) =	sbr.rel @p1 .LBB2_3-.Ltmp3, $3  }
0x56: {  	_ =	sdelay $0x1  }
0x57: {  	s22 =	sadd.s32 $0xFFFFFFF0, s22;
	s26 =	sadd.s32 $0xFFFFFFF0, s26;
	(ifvalue) =	ssetifvalue $0xFFFFFFFF  }
0x58: {  	[tilespmem:s26], [sflag:$0x8] =	stream.indirect_vreg.gather [hbm4b:s1+s16], $0x1, v4, vm0, $0x4038;
	[tilespmem:s28+$0x0] =	vst v5  }
0x59: {  	s2 =	sshrl.u32 s25, $0x3;
	s6 =	rddreg [dreg:$0x2]  }
0x5a: {  	s0 =	sadd.s32 $0x85D0, s0;
	s2 =	sadd.s32 s6, s2  }
0x5b: {  	[tilespmem:s0], [sflag:$0x8] =	stream.linear.gather [hbm:s2], $0x1A90, $0x38;
	[tilespmem:$0xF030] =	vst v63  }
.LBB2_5:
0x5c: {  	p1 =	slt.u32 s24, $0x2  }
0x5d: {  	p2 =	sge.u32 @!p1 s24, s12  }
0x5e: {  	p1 =	por p1, p2  }
.Ltmp4:
0x5f: {  	_ = 	snop;
	(pc) =	sbr.rel @p1 .LBB2_9-.Ltmp4, $1  }
0x60: {  	_ =	sdelay $0x3  }
0x61: {  	s0 =	sadd.s32 $0xFFFFFFFE, s24  }
0x62: {  	s2 =	smulhi.u32 $0xAAAAAAAB, s0;
	_ =	sdelay $0x1  }
0x63: {  	s2 =	sshrl.u32 s2, $0x1  }
0x64: {  	s2 =	smul.u32 $0x3, s2;
	_ =	sdelay $0x1  }
0x65: {  	s0 =	ssub.s32 s0, s2  }
0x66: {  	_ =	swait.ge [sflag:s8], $0x3520;
	s0 =	smul.u32 $0x1A90, s0  }
0x67: {  	p1 =	sne.s32 s24, s11;
	[sflag:s8] =	ssyncset.done $0x0  }
0x68: {  	[sflag:s8] =	ssyncadd.s32 $0xFFFFCAE0;
	s2 =	sadd.s32 @!p1 $0x1B8F, s0  }
0x69: {  	[spmem:s13] =	stream.linear.scatter @!p1 [tilespmem:s2], [sflag:$0x1], $0x1, $0x38;
	[tilespmem:$0xF030] =	vst v63  }
0x6a: {  	s2 =	simm.s32 @!p1 $0x1  }
0x6b: {  	_ =	swait.ge @!p1 [sflag:s2], $0x1  }
0x6c: {  	s22 =	sshll.u32 s24, $0x4;
	[sflag:s2] =	ssyncset.done @!p1 $0x0  }
0x6d: {  	s25 =	sand.u32 $0x10, s22;
	[sflag:s2] =	ssyncadd.s32 @!p1 $0xFFFFFFFF  }
0x6e: {  	s2 =	sxor.u32 $0x10, s25;
	v4 =	vld [tilespmem:s25+$0x10]  }
0x6f: {  	v5 =	vld [tilespmem:s2+$0x60]  }
0x70: {  	v3 =	vld [tilespmem:$0x80];
	_ =	sdelay $0x2  }
0x71: {  	(v2sf) =	vpush v4, $0x0  }
0x72: {  	(v2sf) =	vpush v5, $0x0  }
0x73: {  	(v2sf) =	vpush v3, $0x0;
	_ =	sdelay $0xc  }
0x74: {  	s6 =	spop (v2sf)  }
0x75: {  	s28 =	spop (v2sf)  }
0x76: {  	s26 =	spop (v2sf)  }
0x77: {  	p2 =	seq.s32 s6, s28;
	p3 =	seq.s32 s26, s6  }
0x78: {  	p3 =	por p2, p3  }
0x79: {  	s6 =	sand.u32 $0x1, s24;
	v4 =	vpsel p3, $0xFFFFFFFF, v4  }
0x7a: {  	s28 =	smul.u32 $0x1A90, s6;
	[tilespmem:s25+$0x10] =	vst.msk $0x1, v4  }
0x7b: {  	v4 =	vld [tilespmem:$0x30]  }
0x7c: {  	v5 =	vld [tilespmem:s28+$0x85D0]  }
0x7d: {  	v6 =	vld [tilespmem:s25+$0x40];
	_ =	sdelay $0x3  }
0x7e: {  	vm4 =	vmmov vm1;
	v5 =	vadd.f32 v5, v4  }
0x7f: {  	vm5 =	vmmov vm2;
	vm4 =	vmmov @p2 vm2;
	v4 =	vadd.f32 v6, v4  }
0x80: {  	s22 =	sshll.u32 s6, $0x4;
	vm5 =	vmmov @p3 vm1;
	[tilespmem:s28+$0x85D0] =	vst.msk vm4, v5  }
0x81: {  	[tilespmem:s22+$0xF010] =	vst.msk vm5, v4  }
0x82: {  	v4 =	vld [tilespmem:s28+$0x6B30];
	_ =	sdelay $0x3  }
0x83: {  	v5 =	vimm.f32 $0.0e+00  }
0x84: {  	v4 =	vshift.insert v4, v5, s21  }
0x85: {  	s29 =	sor.u32 $0x40, s2  }
0x86: {  	[tilespmem:s29+$0x0] =	vst.msk $0x1, v4  }
0x87: {  	[tilespmem:s28+$0x6B3F] =	vst.msk $0x1, v5  }
0x88: {  	v4 =	vld [tilespmem:s0+$0x1B80];
	_ =	sdelay $0x1  }
0x89: {  	s29 =	smulhi.u32 $0xAAAAAAAB, s20;
	s0 =	simm.s32 $0x1  }
0x8a: {  	s0 =	simm.s32 @!p0 $0x0  }
0x8b: {  	s29 =	sshrl.u32 s29, $0x1;
	s0 =	smul.u32 $0x6A40, s0  }
0x8c: {  	s29 =	smul.u32 $0xFFFEC140, s29;
	v4 =	vshift.insert v4, v1, s21  }
0x8d: {  	s0 =	sshrl.u32 s0, $0x2  }
0x8e: {  	s29 =	sshra.s32 s29, $0x2;
	s30 =	sadd.s32 $0x85D0, s0;
	[tilespmem:s2+$0x10] =	vst.msk $0x1, v4  }
0x8f: {  	s6 =	sadd.s32 s29, s19;
	v6 =	vld [tilespmem:s30+$0x0]  }
0x90: {  	v7 =	vld [tilespmem:s6+$0x0];
	_ =	sdelay $0x3  }
0x91: {  	v5 =	vadd.f32 v6, v5  }
0x92: {  	vm4 =	vne.s32 v7, $0xFFFFFFFF  }
0x93: {  	(xrf2) =	vadd.seg.scan.f32 vm4, v5;
	_ =	sdelay $0x3  }
0x94: {  	s31 =	sadd.s32 $0x50B0, s0;
	v5 =	vperm.xlane v4, v1  }
0x95: {  	v6 =	vld [tilespmem:s31+$0x0]  }
0x96: {  	vm5 =	veq.s32 v7, v3;
	vm6 =	veq.s32 v7, v5  }
0x97: {  	vm7 =	vgt.u32 v7, $0xFFFFFFFD;
	vm6 =	vmor vm6, vm5  }
0x98: {  	vm6 =	vmor vm6, vm7  }
0x99: {  	v9 =	vld [tilespmem:$0xA0];
	v7 =	vsel vm6, $0xFFFFFFFF, v7  }
0x9a: {  	v10 =	vld [tilespmem:$0x90];
	v6 =	vsel vm5, $0x0, v6;
	v8, _, _ =	vpop (xrf2)  }
0x9b: {  	v6 =	vadd.f32 v8, v6  }
0x9c: {  	s0 =	sadd.s32 $0xBAF0, s0  }
0x9d: {  	vm4 =	vmand vm4, vm3;
	[tilespmem:s0+$0x0] =	vst v6;
	(ifvalue) =	ssetifvalue $0xFFFFFFFF  }
0x9e: {  	vm6 =	veq.s32 v9, $0x1;
	[hbm4b:s1+s16] =	stream.indirect_vreg.scatter [tilespmem:s0], [sflag:$0x2], $0x1, v7, vm0, $0x4038;
	v7 =	vsel vm4, $0x0, v8;
	[tilespmem:$0xF030] =	vst v63  }
0x9f: {  	s29 =	sadd.s32 $0xF010, s22;
	s22 =	sadd.s32 $0x10, s6;
	s2 =	simm.s32 $0x0;
	vm4 =	vmor vm6, vm5;
	v6 =	vsel vm5, v8, v10;
	v7 =	vshift.insert v7, v0, s21  }
.LBB2_7:
0xa0: {  	v8 =	vld [tilespmem:s22+$0x0];
	s30 =	sadd.s32 $0x10, s30  }
0xa1: {  	s31 =	sadd.s32 $0x10, s31;
	v9 =	vld [tilespmem:s30+$0x0]  }
0xa2: {  	s2 =	sadd.s32 $0x10, s2;
	v10 =	vld [tilespmem:s31+$0x0]  }
0xa3: {  	p2 =	slt.u32 s2, $0x1A80;
	_ =	sdelay $0x2  }
0xa4: {  	v7 =	vadd.f32 v9, v7  }
0xa5: {  	vm5 =	vne.s32 v8, $0xFFFFFFFF  }
0xa6: {  	vm6 =	vmand vm5, vm3;
	(xrf2) =	vadd.seg.scan.f32 vm5, v7;
	_ =	sdelay $0x5  }
0xa7: {  	vm7 =	veq.s32 v8, v5;
	vm5 =	veq.s32 v8, v3  }
0xa8: {  	vm8 =	vgt.u32 v8, $0xFFFFFFFD;
	vm4 =	vmor vm4, vm5;
	vm7 =	vmor vm7, vm5  }
0xa9: {  	vm7 =	vmor vm7, vm8  }
0xaa: {  	v8 =	vsel vm7, $0xFFFFFFFF, v8  }
.Ltmp5:
0xab: {  	v7 =	vsel vm5, $0x0, v10;
	v9, _, _ =	vpop (xrf2);
	(pc) =	sbr.rel @p2 .LBB2_7-.Ltmp5, $4  }
0xac: {  	v6 =	vsel vm5, v9, v6;
	v10 =	vadd.f32 v9, v7;
	v7 =	vsel vm6, $0x0, v9  }
0xad: {  	s0 =	sadd.s32 $0x10, s0;
	v7 =	vshift.insert v7, v0, s21  }
0xae: {  	s22 =	sadd.s32 $0x10, s22;
	[tilespmem:s0+$0x0] =	vst v10;
	(ifvalue) =	ssetifvalue $0xFFFFFFFF  }
0xaf: {  	[hbm4b:s1+s16] =	stream.indirect_vreg.scatter [tilespmem:s0], [sflag:$0x2], $0x1, v8, vm0, $0x4038;
	[tilespmem:$0xF030] =	vst v63  }
0xb0: {  	v3 =	vld [tilespmem:s28+$0xD570];
	_ =	sdelay $0x4  }
0xb1: {  	v3 =	vshift.insert v3, v0, s21  }
0xb2: {  	s0 =	simm.s32 $0x30  }
0xb3: {  	[tilespmem:s0+$0x0] =	vst.msk $0x1, v3  }
0xb4: {  	v3 =	vsel vm4, $0x1, v1;
	[tilespmem:$0x90] =	vst v6  }
0xb5: {  	s0 =	sadd.s32 @!p1 $0xD57F, s28;
	[tilespmem:$0xA0] =	vst v3  }
0xb6: {  	[spmem:s14] =	stream.linear.scatter @!p1 [tilespmem:s0], [sflag:$0x1], $0x1, $0x38;
	[tilespmem:$0xF030] =	vst v63  }
0xb7: {  	s0 =	simm.s32 @!p1 $0x1  }
0xb8: {  	v3 =	vmctz.xlane @!p1 vm4;
	_ =	swait.ge @!p1 [sflag:s0], $0x1  }
0xb9: {  	(v2sf) =	vpush @!p1 v4, $0x0  }
0xba: {  	(v2sf) =	vpush @!p1 v3, $0x0;
	_ =	sdelay $0xd  }
0xbb: {  	s2 =	spop @!p1 (v2sf)  }
0xbc: {  	s6 =	spop @!p1 (v2sf)  }
0xbd: {  	p2 =	sne.s32 @!p1 s26, s2;
	p3 =	slt.s32 @!p1 s6, $0xF  }
0xbe: {  	[sflag:s0] =	ssyncset.done @!p1 $0x0;
	p2 =	por p2, p1;
	p3 =	por !p3, p1  }
0xbf: {  	[sflag:s0] =	ssyncadd.s32 @!p1 $0xFFFFFFFF;
	v3 =	vimm.s32 @!p2 $0xFFFFFFFF;
	s6 =	simm.s32 @p3 $0xF  }
0xc0: {  	[tilespmem:$0x80] =	vst @!p2 v3;
	s2 =	sadd.s32 @!p1 $0x90, s6  }
0xc1: {  	[spmem:s10] =	stream.linear.scatter @!p1 [tilespmem:s2], [sflag:$0x1], $0x1, $0x38;
	[tilespmem:$0xF030] =	vst v63  }
0xc2: {  	_ =	swait.ge @!p1 [sflag:s0], $0x1  }
0xc3: {  	[sflag:s0] =	ssyncset.done @!p1 $0x0  }
0xc4: {  	s2 =	simm.s32 @!p1 $0x80;
	[sflag:s0] =	ssyncadd.s32 @!p1 $0xFFFFFFFF  }
0xc5: {  	[spmem:s15] =	stream.linear.scatter @!p1 [tilespmem:s2], [sflag:$0x1], $0x1, $0x38;
	[tilespmem:$0xF030] =	vst v63  }
0xc6: {  	_ =	swait.ge @!p1 [sflag:s0], $0x1  }
0xc7: {  	[sflag:s0] =	ssyncset.done @!p1 $0x0  }
0xc8: {  	[sflag:s0] =	ssyncadd.s32 @!p1 $0xFFFFFFFF;
	(ifvalue) =	ssetifvalue $0xFFFFFFFF;
	v3 =	vld [tilespmem:s25+$0x10];
	_ =	sdelay $0x3  }
.Ltmp6:
0xc9: {  	_ = 	snop;
	(pc) =	sbr.rel .LBB2_9-.Ltmp6, $3  }
0xca: {  	_ =	sdelay $0x1  }
0xcb: {  	(ifvalue) =	ssetifvalue $0xFFFFFFFF  }
0xcc: {  	[hbm4b:s1+s16] =	stream.indirect_vreg.scatter [tilespmem:s29], [sflag:$0x9], $0x1, v3, vm0, $0x4038;
	[tilespmem:$0xF030] =	vst v63  }
.LBB2_10:
0xcd: {  	_ =	sfence.sel $0x180000  }
0xce: {  	s0 =	simm.s32 $0x7;
	[bflag:$0x0] =	sbarrier.arrive $0xFFFF  }
0xcf: {  	s26 =	simm.s32 $0x8;
	[sflag:s0] =	ssyncpa.u1 $0x1  }
0xd0: {  	s28 =	simm.s32 $0x9;
	[sflag:s26] =	ssyncpa.u1 $0x1  }
0xd1: {  	[sflag:s28] =	ssyncpa.u1 $0x1  }
0xd2: {  	_ =	sfence.stream.spmem  }
0xd3: {  	s29 =	simm.s32 $0x3;
	[bflag:$0x0] =	sbarrier.arrive $0xFFFF  }
0xd4: {  	s30 =	simm.s32 $0x4;
	[sflag:s29] =	ssyncpa.u1 $0x1  }
0xd5: {  	s31 =	simm.s32 $0x3C;
	s2 =	stileid.u32;
	[sflag:s30] =	ssyncpa.u1 $0x1  }
0xd6: {  	p0 =	sne.s32 s2, $0x0;
	[sflag:s31] =	ssyncpa.u1 $0x1  }
0xd7: {  	s0 =	simm.s32 @p0 $0x1;
	_ =	sfence @p0  }
0xd8: {  	[sflag:s0] =	ssyncpa.u1 @p0 $0x1;
	s0 =	simm.s32 @p0 $0x2  }
0xd9: {  	[sflag:s0] =	ssyncpa.u1 @p0 $0x1  }
0xda: {  	_ =	strace @p0 $0x90000053  }
0xdb: {  	[bflag:$0x2] =	sbarrier.arrive @p0 $0xFFFF  }
0xdc: {  	_ =	shalt @p0  }
.LBB2_11:
0xdd: {  	_ =	sfence.stream.spmem;
	s0 =	simm.s32 $0x5  }
0xde: {  	s2 =	simm.s32 $0x80;
	s3 =	simm.s32 $0xC0;
	[sflag:s0] =	ssyncpa.u1 $0x0  }
0xdf: {  	[tilespmem:s3], [sflag:$0x5] =	stream.linear.gather [spmem:s2], $0x20, $0x38;
	[tilespmem:$0xF030] =	vst v63  }
0xe0: {  	s2 =	simm.s32 $0x0;
	s3 =	simm.s32 $0xE0  }
0xe1: {  	[tilespmem:s3], [sflag:$0x5] =	stream.linear.gather [spmem:s2], $0x20, $0x38;
	[tilespmem:$0xF030] =	vst v63  }
.Ltmp7:
0xe2: {  	_ = 	snop;
	(pc) =	sbr.rel .LBB2_12-.Ltmp7, $4  }
0xe3: {  	_ =	swait.ge [sflag:s0], $0x40  }
0xe4: {  	[sflag:s0] =	ssyncset.done $0x0  }
0xe5: {  	s31 =	simm.s32 $0x6;
	[sflag:s0] =	ssyncadd.s32 $0xFFFFFFC0  }
0xe6: {  	s4 =	simm.s32 $0x0;
	[sflag:s31] =	ssyncpa.u1 $0x0  }
.LBB2_17:
0xe7: {  	p0 =	sgt.u32 s5, $0xC3FF  }
0xe8: {  	s0 =	sshrl.u32 @!p0 s5, $0x3  }
0xe9: {  	s5 =	sand.u32 @!p0 $0x7, s5;
	s6 =	simm.s32 @!p0 $0xB0;
	s0 =	sadd.s32 @!p0 s1, s0  }
0xea: {  	[tilespmem:s6], [sflag:$0x6] =	stream.linear.gather @!p0 [hbm4b:s0+s5], $0x1, $0x38;
	[tilespmem:$0xF030] =	vst v63  }
0xeb: {  	s0 =	simm.s32 @!p0 $0x6  }
0xec: {  	_ =	swait.ge @!p0 [sflag:s0], $0x1  }
0xed: {  	[sflag:s0] =	ssyncset.done @!p0 $0x0  }
0xee: {  	[sflag:s0] =	ssyncadd.s32 @!p0 $0xFFFFFFFF  }
0xef: {  	v2 =	vmov @!p0 s4;
	v1 =	vld.msk @!p0 [tilespmem:$0xB0], $0x1;
	_ =	sdelay $0x3  }
0xf0: {  	s0 =	simm.s32 @!p0 $0xE0  }
0xf1: {  	[tilespmem:v2+s0+$0x0], v1 =	vst.idx.ret.add.f32.msk @!p0 $0x1, v1  }
0xf2: {  	[tilespmem:s2+$0xC0] =	vst.msk $0x1, v0  }
0xf3: {  	v0 =	vld.msk [tilespmem:s4+$0xE0], $0x1;
	_ =	sdelay $0x4  }
0xf4: {  	[tilespmem:s2+$0xE0] =	vst.msk $0x1, v0;
	s2 =	sadd.s32 $0x1, s2  }
.LBB2_19:
0xf5: {  	s4 =	sadd.s32 $0x1, s4  }
0xf6: {  	p0 =	sne.s32 s4, $0x20  }
.Ltmp8:
0xf7: {  	_ = 	snop;
	(pc) =	sbr.rel @!p0 .LBB2_20-.Ltmp8, $1  }
0xf8: {  	_ =	sdelay $0x3  }
.LBB2_12:
0xf9: {  	v0 =	vld.msk [tilespmem:s4+$0xC0], $0x1;
	_ =	sdelay $0x4  }
0xfa: {  	(v2sf) =	vpush v0, $0x0;
	_ =	sdelay $0xe  }
0xfb: {  	s5 =	spop (v2sf)  }
0xfc: {  	p0 =	seq.s32 s5, $0xFFFFFFFF  }
.Ltmp9:
0xfd: {  	_ = 	snop;
	(pc) =	sbr.rel @p0 .LBB2_19-.Ltmp9, $1  }
0xfe: {  	_ =	sdelay $0x3  }
0xff: {  	p0 =	slt.s32 s2, $0x1  }
.Ltmp10:
0x100: {  	_ = 	snop;
	(pc) =	sbr.rel @p0 .LBB2_17-.Ltmp10, $1  }
0x101: {  	_ =	sdelay $0x3  }
0x102: {  	s0 =	simm.s32 $0xC0;
	p0 =	por $0x0, $0x0  }
0x103: {  	v1 =	vld.msk @!p0 [tilespmem:s0+$0x0], $0x1;
	_ =	sdelay $0x4  }
0x104: {  	(v2sf) =	vpush @!p0 v1, $0x0;
	_ =	sdelay $0xd  }
0x105: {  	p2 =	sne.s32 s2, $0x1  }
.Ltmp11:
0x106: {  	s6 =	spop @!p0 (v2sf);
	(pc) =	sbr.rel @!p2 .LBB2_16-.Ltmp11, $4  }
0x107: {  	p1 =	seq.s32 @!p0 s5, s6  }
0x108: {  	s6 =	simm.s32 $0x0;
	p1 =	por !p1, p0  }
0x109: {  	s8 =	simm.s32 $0xFFFFFFFF;
	s6 =	simm.s32 @p1 $0xFFFFFFFF  }
0x10a: {  	s7 =	simm.s32 $0x1;
	s6 =	smov.u32 @p0 s8  }
.LBB2_15:
0x10b: {  	s8 =	smov.u32 s6;
	p0 =	sne.s32 s6, $0xFFFFFFFF  }
0x10c: {  	s0 =	sadd.s32 $0x1, s0;
	s6 =	smov.u32 s7;
	s7 =	sadd.s32 $0x1, s7  }
0x10d: {  	p1 =	sne.s32 s2, s7;
	v1 =	vld.msk @!p0 [tilespmem:s0+$0x0], $0x1;
	_ =	sdelay $0x4  }
0x10e: {  	(v2sf) =	vpush @!p0 v1, $0x0;
	_ =	sdelay $0xe  }
.Ltmp12:
0x10f: {  	s9 =	spop @!p0 (v2sf);
	(pc) =	sbr.rel @p1 .LBB2_15-.Ltmp12, $4  }
0x110: {  	p2 =	seq.s32 @!p0 s5, s9  }
0x111: {  	p2 =	por !p2, p0  }
0x112: {  	s6 =	simm.s32 @p2 $0xFFFFFFFF  }
0x113: {  	s6 =	smov.u32 @p0 s8  }
.LBB2_16:
0x114: {  	p0 =	sne.s32 s6, $0xFFFFFFFF  }
.Ltmp13:
0x115: {  	_ = 	snop;
	(pc) =	sbr.rel @!p0 .LBB2_17-.Ltmp13, $1  }
0x116: {  	_ =	sdelay $0x3  }
0x117: {  	v0 =	vld.msk [tilespmem:s4+$0xE0], $0x1;
	v1 =	vmov s6  }
.Ltmp14:
0x118: {  	_ = 	snop;
	(pc) =	sbr.rel .LBB2_19-.Ltmp14, $2  }
0x119: {  	_ =	sdelay $0x2  }
0x11a: {  	[tilespmem:v1+s3+$0x0], v0 =	vst.idx.ret.add.f32.msk $0x1, v0  }
.LBB2_20:
0x11b: {  	p0 =	slt.s32 s2, $0x1  }
.Ltmp15:
0x11c: {  	_ = 	snop;
	(pc) =	sbr.rel @p0 .LBB2_24-.Ltmp15, $3  }
0x11d: {  	_ =	sdelay $0x1  }
0x11e: {  	s0 =	simm.s32 $0x6  }
0x11f: {  	s3 =	simm.s32 $0x0;
	[sflag:s0] =	ssyncpa.u1 $0x1  }
0x120: {  	s0 =	simm.s32 $0xC0  }
0x121: {  	v0 =	vld.msk [tilespmem:s0+$0x0], $0x1;
	_ =	sdelay $0x4  }
0x122: {  	(v2sf) =	vpush v0, $0x0;
	_ =	sdelay $0xe  }
0x123: {  	s2 =	sadd.s32 $0xFFFFFFFF, s2;
	s4 =	spop (v2sf)  }
0x124: {  	p1 =	sne.s32 s2, $0x0;
	p0 =	sgt.u32 s4, $0xC3FF  }
.Ltmp16:
0x125: {  	s5 =	sshrl.u32 @!p0 s4, $0x3;
	(pc) =	sbr.rel @!p1 .LBB2_23-.Ltmp16, $4  }
0x126: {  	s0 =	simm.s32 $0xE0;
	s4 =	sand.u32 @!p0 $0x7, s4;
	s5 =	sadd.s32 @!p0 s1, s5  }
0x127: {  	[hbm4b:s5+s4] =	stream.linear.scatter @!p0 [tilespmem:s0], [sflag:$0x5], $0x1, $0x38;
	[tilespmem:$0xF030] =	vst v63  }
0x128: {  	s5 =	simm.s32 $0x0  }
0x129: {  	s4 =	simm.s32 $0xC1;
	s5 =	simm.s32 @!p0 $0x4  }
.LBB2_22:
0x12a: {  	v0 =	vld.msk [tilespmem:s4+$0x0], $0x1;
	s2 =	sadd.s32 $0xFFFFFFFF, s2;
	s3 =	sadd.s32 s3, s5  }
0x12b: {  	p0 =	sne.s32 s2, $0x0;
	_ =	sdelay $0x3  }
0x12c: {  	(v2sf) =	vpush v0, $0x0;
	_ =	sdelay $0xe  }
.Ltmp17:
0x12d: {  	s6 =	spop (v2sf);
	(pc) =	sbr.rel @p0 .LBB2_22-.Ltmp17, $4  }
0x12e: {  	s5 =	simm.s32 $0x0;
	p1 =	sgt.u32 s6, $0xC3FF  }
0x12f: {  	s0 =	sadd.s32 $0x1, s0;
	s5 =	simm.s32 @!p1 $0x4;
	s7 =	sshrl.u32 @!p1 s6, $0x3  }
0x130: {  	s4 =	sadd.s32 $0x1, s4;
	s6 =	sand.u32 @!p1 $0x7, s6;
	s7 =	sadd.s32 @!p1 s1, s7  }
0x131: {  	[hbm4b:s7+s6] =	stream.linear.scatter @!p1 [tilespmem:s0], [sflag:$0x5], $0x1, $0x38;
	[tilespmem:$0xF030] =	vst v63  }
.LBB2_23:
0x132: {  	s0 =	sadd.s32 s3, s5  }
0x133: {  	s3 =	sshrl.u32 s0, $0x2  }
.LBB2_24:
0x134: {  	s0 =	simm.s32 $0x5  }
0x135: {  	_ =	swait.ge [sflag:s0], s3  }
0x136: {  	s1 =	ssub.s32 $0x0, s3;
	[sflag:s0] =	ssyncset.done $0x0  }
0x137: {  	[sflag:s0] =	ssyncadd.s32 s1  }
0x138: {  	[sflag:s0] =	ssyncpa.u1 $0x1  }
0x139: {  	s29 =	simm.s32 $0x1;
	_ =	sfence  }
0x13a: {  	s30 =	simm.s32 $0x2;
	[sflag:s29] =	ssyncpa.u1 $0x1  }
0x13b: {  	[sflag:s30] =	ssyncpa.u1 $0x1  }
0x13c: {  	_ =	strace $0x90000053  }
0x13d: {  	[bflag:$0x2] =	sbarrier.arrive $0xFFFF  }
0x13e: {  	s31 =	rddreg [dreg:$0x1]  }
0x13f: {  	s0 =	sadd.s32 $0x100000, s31  }
0x140: {  	[sflag:s0] =	ssyncadd.tile.s32 $0x1;
	_ =	shalt  }
.Lfunc_end2:
_tile_overlayer_lowered:
.L_overlay_start_2:
0x141: {  	(tag) =	ssettag $0x2  }
0x142: {  	s0 =	rddreg [dreg:$0x0];
	s2 =	stileid.u32  }
0x143: {  	s1 =	rddreg [dreg:$0x1];
	p0 =	sne.s32 s2, $0x0  }
0x144: {  	s3 =	rddreg [dreg:$0x2];
	[bflag:$0x3] =	sbarrier.arrive $0xFFFF;
	s2 =	simm.s32 @!p0 $0x1C01  }
0x145: {  	[timem:s3], [sflag:s2] =	dma.local @!p0 [hbm:s0], s1  }
0x146: {  	s0 =	simm.s32 @!p0 $0x1  }
0x147: {  	_ =	swait.ge @!p0 [sflag:s0], s1  }
0x148: {  	s1 =	ssub.s32 @!p0 $0x0, s1;
	[sflag:s0] =	ssyncset.done @!p0 $0x0  }
0x149: {  	[sflag:s0] =	ssyncadd.s32 @!p0 s1  }
0x14a: {  	[bflag:$0x3] =	sbarrier.arrive $0xFFFF  }
0x14b: {  	_ =	shalt  }

// kernel: scatter_offload_async_start.4
scs
__scs_entry_jumppad:
0x0: {  	(pc) =	sbr.rel $0x88, $3  }
0x1: {  	(tag) =	ssettag $0x0;
	lr =	simm.s32 $0x1  }
0x2: {  	[smem:$0x3F87] =	sst lr;
	_ =	strace $0xD0000000  }
0x3: {  	_ = 	snop  }
0x4: {  	_ = 	snop  }
0x5: {  	_ = 	snop  }
0x6: {  	_ = 	snop  }
0x7: {  	_ = 	snop  }
__scs_overlays_trampoline_lowered:
0x8: {  	[smem:$0x3F96] =	sst s0  }
0x9: {  	[smem:$0x3F97] =	sst s1  }
0xa: {  	[smem:$0x3F98] =	sst s2  }
0xb: {  	[smem:$0x3F99] =	sst s3  }
0xc: {  	[smem:$0x3F9A] =	sst s4  }
0xd: {  	[smem:$0x3F9B] =	sst s5  }
0xe: {  	[smem:$0x3F9C] =	sst s6  }
0xf: {  	[smem:$0x3F9D] =	sst s7  }
0x10: {  	[smem:$0x3F9E] =	sst s8  }
0x11: {  	[smem:$0x3F9F] =	sst s9;
	s0 =	simm.s32 @!p0 $0x0  }
0x12: {  	s1 =	sld [smem:$0x3F85];
	s0 =	simm.s32 @p0 $0x1  }
0x13: {  	[smem:$0x3FA0] =	sst s0;
	s0 =	simm.s32 @!p1 $0x0  }
0x14: {  	s2 =	sld [smem:$0x3F84];
	s0 =	simm.s32 @p1 $0x1  }
0x15: {  	[smem:$0x3FA1] =	sst s0;
	s0 =	simm.s32 @!p2 $0x0  }
0x16: {  	s3 =	sld [smem:$0x3FDB];
	s0 =	simm.s32 @p2 $0x1  }
0x17: {  	s4 =	simm.s32 $0x1BF5;
	[smem:$0x3FA3] =	sst s0  }
0x18: {  	s0 =	sld [smem:$0x3F86];
	_ =	swait.ge [sflag:s4], $0x0  }
0x19: {  	s7 =	sld [smem:$0x3F87]  }
0x1a: {  	s8 =	sadd.s32 $0xFFFFE003, lr  }
0x1b: {  	s9 =	sadd.s32 $0xFFFFFEF7, lr;
	s5 =	simm.s32 $0xFFFFFFFF;
	p2 =	slt.u32 s8, $0xFFFFF086  }
0x1c: {  	p1 =	slt.u32 s9, $0xF7A;
	s5 =	simm.s32 @!p2 $0x0  }
0x1d: {  	s5 =	simm.s32 @p1 $0x1;
	p0 =	seq.s32 s7, s2  }
0x1e: {  	s7 =	smul.u32 @!p0 $0xF7A, s2;
	p2 =	seq.s32 @!p0 s5, $0x0  }
0x1f: {  	s9 =	smul.u32 $0xF7A, s1;
	s8 =	simm.s32 @!p0 $0x1BF5;
	p2 =	por !p2, p0  }
0x20: {  	[sflag:s8] =	ssyncset.s32 @!p0 $0xFFFFF086;
	s6 =	sadd.s32 @!p0 s3, s7;
	s7 =	simm.s32 @!p0 $0x108  }
0x21: {  	s3 =	sadd.s32 s3, s9;
	s6 =	sadd.s32 @!p0 $0x88, s6;
	s7 =	simm.s32 @p2 $0x1082  }
0x22: {  	[simem:s7], [sflag:s8] =	dma.local @!p0 [hbm:s6], $0xF7A  }
0x23: {  	s9 =	sor.u32 $0xD0000000, s2;
	s6 =	simm.s32 $0x108;
	_ =	swait.ge @!p0 [sflag:s8], $0x0  }
0x24: {  	s3 =	sadd.s32 $0x88, s3;
	s6 =	simm.s32 @!p1 $0x1082;
	[sflag:s4] =	ssyncset.s32 $0xFFFFF086  }
0x25: {  	[simem:s6], [sflag:s4] =	dma.local [hbm:s3], $0xF7A  }
0x26: {  	[smem:$0x3F87] =	sst s1;
	(tag) =	ssettag s2;
	_ =	strace s9  }
0x27: {  	s1 =	sld [smem:$0x3F97]  }
0x28: {  	s2 =	sld [smem:$0x3F98]  }
0x29: {  	s4 =	sld [smem:$0x3F9A]  }
0x2a: {  	p0 =	seq.s32 s5, $0x0;
	s5 =	sld [smem:$0x3F9B]  }
0x2b: {  	s6 =	sld [smem:$0x3F9C]  }
0x2c: {  	s7 =	sld [smem:$0x3F9D]  }
0x2d: {  	s3 =	simm.s32 $0x108;
	s8 =	sld [smem:$0x3F9E]  }
0x2e: {  	s3 =	simm.s32 @!p0 $0x1082;
	s9 =	sld [smem:$0x3F9F]  }
0x2f: {  	lr =	sadd.s32 s0, s3;
	s0 =	sld [smem:$0x3F96]  }
0x30: {  	s3 =	sld [smem:$0x3F99]  }
0x31: {  	[smem:$0x3FA2] =	sst s10  }
0x32: {  	s10 =	sld [smem:$0x3FA0];
	_ =	sdelay $0x3  }
0x33: {  	p0 =	seq.s32 s10, $0x1;
	s10 =	sld [smem:$0x3FA2];
	_ =	sdelay $0x3  }
0x34: {  	[smem:$0x3FA2] =	sst s10  }
0x35: {  	s10 =	sld [smem:$0x3FA1];
	_ =	sdelay $0x3  }
0x36: {  	p1 =	seq.s32 s10, $0x1;
	s10 =	sld [smem:$0x3FA2];
	_ =	sdelay $0x3  }
0x37: {  	[smem:$0x3FA2] =	sst s10  }
0x38: {  	s10 =	sld [smem:$0x3FA3]  }
0x39: {  	_ = 	snop;
	(pc) =	sbr.ind lr, $3  }
0x3a: {  	_ = 	snop  }
0x3b: {  	_ = 	snop  }
0x3c: {  	p2 =	seq.s32 s10, $0x1;
	s10 =	sld [smem:$0x3FA2]  }
0x3d: {  	_ =	shalt  }
0x3e: {  	_ =	shalt  }
0x3f: {  	_ =	shalt  }
0x40: {  	_ =	shalt  }
0x41: {  	_ =	shalt  }
0x42: {  	_ =	shalt  }
0x43: {  	_ =	shalt  }
0x44: {  	_ =	shalt  }
0x45: {  	_ =	shalt  }
0x46: {  	_ =	shalt  }
0x47: {  	_ =	shalt  }
0x48: {  	_ =	shalt  }
0x49: {  	_ =	shalt  }
0x4a: {  	_ =	shalt  }
0x4b: {  	_ =	shalt  }
0x4c: {  	_ =	shalt  }
0x4d: {  	_ =	shalt  }
0x4e: {  	_ =	shalt  }
0x4f: {  	_ =	shalt  }
0x50: {  	_ =	shalt  }
0x51: {  	_ =	shalt  }
0x52: {  	_ =	shalt  }
0x53: {  	_ =	shalt  }
0x54: {  	_ =	shalt  }
0x55: {  	_ =	shalt  }
0x56: {  	_ =	shalt  }
0x57: {  	_ =	shalt  }
0x58: {  	_ =	shalt  }
0x59: {  	_ =	shalt  }
0x5a: {  	_ =	shalt  }
0x5b: {  	_ =	shalt  }
0x5c: {  	_ =	shalt  }
0x5d: {  	_ =	shalt  }
0x5e: {  	_ =	shalt  }
0x5f: {  	_ =	shalt  }
0x60: {  	_ =	shalt  }
0x61: {  	_ =	shalt  }
0x62: {  	_ =	shalt  }
0x63: {  	_ =	shalt  }
0x64: {  	_ =	shalt  }
0x65: {  	_ =	shalt  }
0x66: {  	_ =	shalt  }
0x67: {  	_ =	shalt  }
0x68: {  	_ =	shalt  }
0x69: {  	_ =	shalt  }
0x6a: {  	_ =	shalt  }
0x6b: {  	_ =	shalt  }
0x6c: {  	_ =	shalt  }
0x6d: {  	_ =	shalt  }
0x6e: {  	_ =	shalt  }
0x6f: {  	_ =	shalt  }
0x70: {  	_ =	shalt  }
0x71: {  	_ =	shalt  }
0x72: {  	_ =	shalt  }
0x73: {  	_ =	shalt  }
0x74: {  	_ =	shalt  }
0x75: {  	_ =	shalt  }
0x76: {  	_ =	shalt  }
0x77: {  	_ =	shalt  }
0x78: {  	_ =	shalt  }
0x79: {  	_ =	shalt  }
0x7a: {  	_ =	shalt  }
0x7b: {  	_ =	shalt  }
0x7c: {  	_ =	shalt  }
0x7d: {  	_ =	shalt  }
0x7e: {  	_ =	shalt  }
0x7f: {  	_ =	shalt  }
0x80: {  	_ =	shalt  }
0x81: {  	_ =	shalt  }
0x82: {  	_ =	shalt  }
0x83: {  	_ =	shalt  }
0x84: {  	_ =	shalt  }
0x85: {  	_ =	shalt  }
0x86: {  	_ =	shalt  }
0x87: {  	_ =	shalt  }
.Lfunc_end0:
.L_simem_size_0:
called_computation.4_lowered:
.L_overlay_start_0:
0x88: {  	s0 =	sld [smem:$0x3FD9]  }
0x89: {  	s1 =	sld [smem:$0x3FFE];
	_ =	sdelay $0x3  }
0x8a: {  	s0 =	sadd.s32 s1, s0  }
0x8b: {  	[smem:$0x3FAE] =	sst s0  }
0x8c: {  	_ = 	snop  }
0x8d: {  	(tm) =	ssettm $0x1  }
0x8e: {  	s15 =	sld [smem:$0x3FFB];
	_ =	sdelay $0x3  }
0x8f: {  	_ =	strace s15  }
0x90: {  	s0 =	sld [smem:$0x3FFC];
	_ =	sdelay $0x3  }
0x91: {  	_ =	strace s0  }
0x92: {  	s0 =	sld [smem:$0x3FFD];
	_ =	sdelay $0x3  }
0x93: {  	_ =	strace s0  }
0x94: {  	_ =	strace $0x8FFFFFFF  }
0x95: {  	s16 =	sld [smem:$0x3FDB];
	_ =	sdelay $0x1  }
0x96: {  	s17 =	simm.s32 $_scs_section_size  }
0x97: {  	s2 =	simm.s32 $_size__tile_overlayer_lowered;
	s3 =	simm.s32 $_tile_overlayer_lowered  }
0x98: {  	s20 =	simm.s32 $0x1BFF;
	s19 =	sshll.u32 s3, $0x1;
	s0 =	sadd.s32 s17, s16  }
0x99: {  	s4 =	simm.s32 $0x0;
	s18 =	sshll.u32 s2, $0x1;
	s2 =	sadd.s32 s19, s0  }
0x9a: {  	[timem:s4], [sflag:s20] =	dma.local [hbm:s2], s18  }
0x9b: {  	_ =	swait.ge [sflag:s20], s18  }
0x9c: {  	s1 =	ssub.s32 $0x0, s18;
	[sflag:s20] =	ssyncset.done $0x0  }
0x9d: {  	[sflag:s20] =	ssyncadd.s32 s1;
	_ =	sdelay $0x1  }
0x9e: {  	s21 =	simm.s32 $0x1B8B  }
0x9f: {  	_ =	swait.ge [sflag:s21], $0x1  }
0xa0: {  	[sflag:s21] =	ssyncset.done $0x0  }
0xa1: {  	s23 =	simm.s32 $0x1B8E;
	s22 =	sld [smem:$0x3FFE];
	[sflag:s21] =	ssyncadd.s32 $0xFFFFFFFF  }
0xa2: {  	s24 =	simm.s32 $execute0_lowered;
	[smem:$0x3FD2] =	sst s23  }
0xa3: {  	s2 =	sshll.u32 s24, $0x1;
	_ =	strace $0x80000055;
	[dreg:$0x1] =	wrdreg $0xFFFFFFFF  }
0xa4: {  	s25 =	simm.s32 $_size_execute0_lowered;
	s0 =	sadd.s32 s0, s2;
	[dreg:$0x0] =	wrdreg $0x0  }
0xa5: {  	s2 =	sshll.u32 s25, $0x1;
	[dreg:$0x2] =	wrdreg s0  }
0xa6: {  	[dreg:$0x3] =	wrdreg s2  }
0xa7: {  	[dreg:$0x4] =	wrdreg $0xC0  }
0xa8: {  	_ =	task [dreg:s4], $0x5FFFF  }
0xa9: {  	[dreg:$0x1] =	wrdreg $0xFFFFFFFF  }
0xaa: {  	[dreg:$0x0] =	wrdreg $0x60  }
0xab: {  	[dreg:$0x2] =	wrdreg s22  }
0xac: {  	[dreg:$0x3] =	wrdreg $0x9  }
0xad: {  	_ =	task.clear_ibuf [dreg:s4], $0x4FFFF;
	_ =	strace $0x90000055  }
0xae: {  	s26 =	simm.s32 $0x9;
	_ =	strace $0x80000057  }
0xaf: {  	_ =	swait.ge [sflag:s26], $0x1  }
0xb0: {  	[sflag:s26] =	ssyncadd.s32 $0xFFFFFFFF  }
0xb1: {  	_ =	strace $0x90000057  }
0xb2: {  	_ =	sfence  }
0xb3: {  	s28 =	sld [smem:$0x0];
	_ =	sdelay $0x1  }
0xb4: {  	s29 =	srdreg.scid  }
0xb5: {  	s30 =	sshll.u32 s29, $0xD;
	s31 =	sshrl.u32 s29, $0x2  }
0xb6: {  	s1 =	sand.u32 $0x1, s29;
	s2 =	sand.u32 $0x4000, s30;
	s0 =	sadd.s32 s31, s28  }
0xb7: {  	s1 =	sor.u32 s2, s1;
	s0 =	sshll.u32 s0, $0x11  }
0xb8: {  	s0 =	sor.u32 s0, s1  }
0xb9: {  	s0 =	sadd.s32 $0x8F2B, s0  }
0xba: {  	[sflag:s0] =	ssyncadd.remote.s32 $0x1  }
0xbb: {  	_ =	sfence.sel $0xFFFF  }
0xbc: {  	[dreg:$0x0] =	wrdreg $0xFFFFFFFF;
	(pc) =	sbr.abs _section_cstart, $3  }
0xbd: {  	[dreg:$0x1] =	wrdreg $0xFFFFFFFF  }
0xbe: {  	_ =	task.clear_ibuf [dreg:s4], $0x2FFFF;
	_ =	strace $0x9FFFFFFF  }
0xbf: {  	(tm) =	ssettm $0x7FFFFFFF  }
tec
execute0_lowered:
.L_overlay_start_1:
0x0: {  	(tag) =	ssettag $0x1  }
0x1: {  	s0 =	rddreg [dreg:$0x0];
	_ =	strace $0x80000056;
	s1 =	simm.s32 $0x1  }
0x2: {  	s8 =	simm.s32 $0x108;
	v0 =	vimm.s32 $0x0;
	[sflag:s1] =	ssyncpa.u1 $0x0  }
0x3: {  	[tilespmem:s8+$0x70] =	vst v0  }
0x4: {  	[tilespmem:s8+$0x60] =	vst v0  }
0x5: {  	[tilespmem:s8+$0x50] =	vst v0  }
0x6: {  	[tilespmem:s8+$0x40] =	vst v0  }
0x7: {  	[tilespmem:s8+$0x30] =	vst v0  }
0x8: {  	s2 =	simm.s32 $0x40;
	s1 =	sadd.s32 $0x87200, s0;
	[tilespmem:s8+$0x20] =	vst v0  }
0x9: {  	s3 =	sadd.s32 $0x53200, s0;
	s4 =	sadd.s32 $0x241E00, s0;
	s5 =	sadd.s32 $0x6D200, s0;
	[tilespmem:s8+$0x10] =	vst v0  }
.LBB2_1:
0xa: {  	s2 =	sadd.s32 $0x40, s2;
	[tilespmem:s8+$0x0] =	vst v0;
	s8 =	sadd.s32 $0x80, s8  }
0xb: {  	p0 =	slt.u32 s2, $0x3C40;
	[tilespmem:s8+$0x70] =	vst v0  }
0xc: {  	[tilespmem:s8+$0x60] =	vst v0  }
.Ltmp0:
0xd: {  	[tilespmem:s8+$0x50] =	vst v0;
	(pc) =	sbr.rel @p0 .LBB2_1-.Ltmp0, $4  }
0xe: {  	[tilespmem:s8+$0x40] =	vst v0  }
0xf: {  	[tilespmem:s8+$0x30] =	vst v0  }
0x10: {  	[tilespmem:s8+$0x20] =	vst v0  }
0x11: {  	[tilespmem:s8+$0x10] =	vst v0  }
0x12: {  	s13 =	stileid.u32  }
0x13: {  	s0 =	smul.u32 $0xDD, s13  }
0x14: {  	s2 =	smin.u32 s13, $0x6  }
0x15: {  	s0 =	sadd.s32 s2, s0  }
0x16: {  	p0 =	slt.u32 s13, $0x6;
	s6 =	smul.u32 $0xF0, s0;
	s0 =	simm.s32 $0xD020  }
0x17: {  	s0 =	simm.s32 @!p0 $0xCF30  }
0x18: {  	s0 =	sadd.s32 s0, s6  }
0x19: {  	s7 =	smin.u32 s0, $0xCF850  }
0x1a: {  	s0 =	ssub.s32 s7, s6  }
0x1b: {  	p0 =	sgt.s32 s0, $0x0  }
0x1c: {  	s0 =	simm.s32 @!p0 $0x0  }
0x1d: {  	s31 =	smulhi.u32 $0x88888889, s0  }
0x1e: {  	s30 =	simm.s32 $0x2;
	s9 =	simm.s32 $0x7;
	s10 =	simm.s32 $0x8  }
0x1f: {  	s19 =	simm.s32 $0x0;
	s15 =	simm.s32 $0xA;
	s2 =	sshrl.u32 s31, $0x7  }
0x20: {  	s17 =	simm.s32 $0x0;
	s18 =	simm.s32 $0x0;
	s11 =	smul.u32 $0xF0, s2  }
.Ltmp1:
0x21: {  	[tilespmem:s8+$0x0] =	vst v0;
	v0 =	vimm.s32 $0xFFFFFFFF;
	[sflag:s30] =	ssyncpa.u1 $0x0;
	s13 =	sshll.u32 s13, $0x8;
	(pc) =	sbr.rel .LBB2_3-.Ltmp1, $4  }
0x22: {  	[tilespmem:$0xF208] =	vst v0;
	[sflag:s9] =	ssyncpa.u1 $0x0;
	p0 =	sne.s32 s0, s11;
	s0 =	simm.s32 $0x1  }
0x23: {  	[sflag:s10] =	ssyncpa.u1 $0x0;
	s10 =	simm.s32 $0x9;
	s0 =	simm.s32 @!p0 $0x0  }
0x24: {  	[sflag:s10] =	ssyncpa.u1 $0x0;
	s16 =	smov.u32 s6;
	s12 =	sadd.s32 s0, s2  }
0x25: {  	v0 =	vlaneseq.u32;
	s11 =	simm.s32 $0x1;
	p0 =	por $0x0, $0x0;
	s14 =	sadd.s32 $0x1, s12  }
.LBB2_18:
0x26: {  	s0 =	sshrl.u32 s28, $0x2  }
.LBB2_20:
0x27: {  	_ =	swait.ge [sflag:s15], s0  }
0x28: {  	s31 =	ssub.s32 $0x0, s0;
	v1 =	vmov s21;
	vm0 =	veq.s32 v0, $0x0;
	[sflag:s15] =	ssyncset.done $0x0  }
0x29: {  	vm15 =	veq.s32 v0, $0x2;
	v1 =	vsel vm0, s26, v1;
	[sflag:s15] =	ssyncadd.s32 s31  }
0x2a: {  	v1 =	vsel vm15, s19, v1;
	[sflag:s15] =	ssyncpa.u1 $0x1  }
0x2b: {  	[tilespmem:$0xF208] =	vst v1  }
.LBB2_21:
0x2c: {  	s0 =	sadd.s32 $0xF0, s16  }
0x2d: {  	s2 =	smov.u32 s6;
	p1 =	slt.s32 s0, s7  }
0x2e: {  	s2 =	smov.u32 @p1 s0;
	p1 =	sne.s32 s18, s14  }
.Ltmp2:
0x2f: {  	_ = 	snop;
	(pc) =	sbr.rel @!p1 .LBB2_22-.Ltmp2, $3  }
0x30: {  	_ =	sdelay $0x1  }
0x31: {  	s19 =	smov.u32 s17;
	s31 =	sadd.s32 $0x1, s18;
	s17 =	smov.u32 s16  }
0x32: {  	p0 =	por !p0, !p0;
	s18 =	smov.u32 s31;
	s16 =	smov.u32 s2  }
.LBB2_3:
0x33: {  	p1 =	sge.u32 s18, s12  }
0x34: {  	s0 =	smulhi.u32 @!p1 $0xAAAAAAAB, s18  }
0x35: {  	s2 =	smov.u32 s16;
	p2 =	sgt.s32 @!p1 s16, $0xCF760  }
0x36: {  	s20 =	sshra.s32 @!p1 s16, $0x1F;
	p2 =	por !p2, p1;
	s0 =	sshrl.u32 @!p1 s0, $0x1  }
0x37: {  	s20 =	sand.u32 @!p1 s20, s16;
	s2 =	simm.s32 @p2 $0xCF760;
	s0 =	smul.u32 @!p1 $0x3, s0  }
0x38: {  	s2 =	ssub.s32 @!p1 s2, s20  }
0x39: {  	s2 =	sadd.s32 @!p1 $0xFFF308A0, s2;
	s0 =	ssub.s32 @!p1 s18, s0  }
0x3a: {  	s20 =	sshll.u32 @!p1 s2, $0x2;
	p2 =	sgt.s32 @!p1 s2, $0xEF;
	s0 =	smul.u32 @!p1 $0x3C0, s0  }
0x3b: {  	s21 =	sand.u32 @!p1 $0x7, s16;
	s2 =	ssub.s32 @!p1 $0x3C0, s20;
	p2 =	por !p2, p1  }
0x3c: {  	s20 =	sshrl.u32 @!p1 s16, $0x3;
	s2 =	sshrl.u32 @!p1 s2, $0x2;
	s0 =	sshrl.u32 @!p1 s0, $0x2  }
0x3d: {  	s20 =	sadd.s32 @!p1 s5, s20;
	s2 =	simm.s32 @!p2 $0x0;
	s0 =	sadd.s32 @!p1 $0x10238, s0  }
0x3e: {  	[tilespmem:s0], [sflag:$0x8] =	stream.linear.gather @!p1 [hbm4b:s20+s21], s2, $0x38;
	[tilespmem:$0x1F6E8] =	vst v63  }
0x3f: {  	s0 =	sadd.s32 $0xFFFFFFFF, s18  }
0x40: {  	p1 =	sge.u32 s0, s12  }
0x41: {  	p2 =	sgt.s32 @!p1 s17, $0xCF760  }
0x42: {  	s2 =	smov.u32 s17;
	s20 =	sshra.s32 @!p1 s17, $0x1F;
	p2 =	por !p2, p1  }
0x43: {  	s20 =	sand.u32 @!p1 s20, s17;
	s2 =	simm.s32 @p2 $0xCF760  }
0x44: {  	s2 =	ssub.s32 @!p1 s2, s20  }
0x45: {  	s2 =	sadd.s32 @!p1 $0xFFF308A0, s2  }
0x46: {  	s21 =	sand.u32 @!p1 $0x1, s0;
	s20 =	sshll.u32 @!p1 s2, $0x2  }
0x47: {  	p2 =	sgt.s32 @!p1 s2, $0xEF;
	s2 =	ssub.s32 @!p1 $0x3C0, s20;
	s20 =	smulhi.u32 @!p1 $0xAAAAAAAB, s0  }
0x48: {  	s23 =	smul.u32 @!p1 $0x3C0, s21;
	p2 =	por !p2, p1;
	s2 =	sshrl.u32 @!p1 s2, $0x2  }
0x49: {  	s22 =	simm.s32 @!p1 $0x8;
	s2 =	simm.s32 @!p2 $0x0;
	s20 =	sshrl.u32 @!p1 s20, $0x1  }
0x4a: {  	s23 =	sshrl.u32 @!p1 s23, $0x2;
	_ =	swait.ge @!p1 [sflag:s22], s2;
	s20 =	smul.u32 @!p1 $0x3, s20  }
0x4b: {  	s23 =	sor.u32 @!p1 $0x10508, s23;
	s24 =	ssub.s32 @!p1 $0x0, s2;
	[sflag:s22] =	ssyncset.done @!p1 $0x0  }
0x4c: {  	[sflag:s22] =	ssyncadd.s32 @!p1 s24;
	s22 =	sshrl.u32 @!p1 s17, $0x3;
	s0 =	ssub.s32 @!p1 s0, s20  }
0x4d: {  	s24 =	sand.u32 @!p1 $0x7, s17;
	s22 =	sadd.s32 @!p1 s3, s22;
	s0 =	smul.u32 @!p1 $0x3C0, s0  }
0x4e: {  	[tilespmem:s23], [sflag:$0x9] =	stream.linear.gather @!p1 [hbm4b:s22+s24], s2, $0x38;
	[tilespmem:$0x1F6E8] =	vst v63  }
0x4f: {  	s20 =	ssub.s32 @!p1 $0xCF850, s17;
	s2 =	smul.u32 @!p1 $0x1E000, s21  }
0x50: {  	p2 =	slt.s32 @!p1 s20, $0xF0  }
0x51: {  	p2 =	por !p2, p1;
	s0 =	sshrl.u32 @!p1 s0, $0x2;
	s2 =	sshrl.u32 @!p1 s2, $0x2  }
0x52: {  	s20 =	simm.s32 @p2 $0xF0;
	s0 =	sadd.s32 @!p1 $0x10238, s0;
	s2 =	sor.u32 @!p1 $0x106E8, s2  }
0x53: {  	[tilespmem:s2], [sflag:$0x7] =	stream.indirect.gather @!p1 [hbm4b:s4+s20], $0x80, s0, s20, $0xb8;
	[tilespmem:$0x1F6E8] =	vst v63  }
0x54: {  	p1 =	slt.u32 s18, $0x2  }
.Ltmp3:
0x55: {  	_ = 	snop;
	(pc) =	sbr.rel @p1 .LBB2_21-.Ltmp3, $1  }
0x56: {  	_ =	sdelay $0x3  }
0x57: {  	p1 =	sgt.s32 s19, $0xCF760;
	s0 =	smov.u32 s19  }
0x58: {  	s2 =	sshra.s32 s19, $0x1F;
	s20 =	ssub.s32 $0xCF850, s19;
	s0 =	simm.s32 @!p1 $0xCF760  }
0x59: {  	s2 =	sand.u32 s2, s19;
	p1 =	slt.s32 s20, $0xF0;
	s21 =	smov.u32 s20  }
0x5a: {  	s0 =	ssub.s32 s0, s2;
	s21 =	simm.s32 @!p1 $0xF0  }
0x5b: {  	s0 =	sadd.s32 $0xFFF308A0, s0;
	s28 =	sshll.u32 s21, $0x7  }
0x5c: {  	s29 =	sshll.u32 s0, $0x2;
	s2 =	sand.u32 $0x3FFFFF80, s28  }
0x5d: {  	p1 =	sgt.s32 s0, $0xEF;
	s30 =	ssub.s32 $0x3C0, s29;
	_ =	swait.ge [sflag:s9], s2  }
0x5e: {  	s2 =	ssub.s32 $0x0, s2;
	[sflag:s9] =	ssyncset.done $0x0;
	s0 =	sshrl.u32 s30, $0x2  }
0x5f: {  	[sflag:s9] =	ssyncadd.s32 s2;
	s0 =	simm.s32 @p1 $0x0  }
0x60: {  	_ =	swait.ge [sflag:s10], s0  }
0x61: {  	s0 =	ssub.s32 $0x0, s0;
	[sflag:s10] =	ssyncset.done $0x0  }
0x62: {  	[sflag:s10] =	ssyncadd.s32 s0  }
0x63: {  	v1 =	vld [tilespmem:$0xF208];
	_ =	sdelay $0x4  }
0x64: {  	(v2sf) =	vpush v1, $0x0  }
0x65: {  	(v2sf) =	vpush v1, $0x1  }
0x66: {  	(v2sf) =	vpush v1, $0x2;
	_ =	sdelay $0x3  }
0x67: {  	s0 =	sadd.s32 $0xF0, s19  }
0x68: {  	p1 =	slt.s32 s7, s0  }
0x69: {  	s0 =	smov.u32 @p1 s7;
	p1 =	sgt.s32 s20, $0x0  }
0x6a: {  	s23 =	ssub.s32 s0, s19;
	s20 =	simm.s32 @!p1 $0x0  }
0x6b: {  	p1 =	slt.s32 s20, s23  }
0x6c: {  	s23 =	smov.u32 @p1 s20  }
0x6d: {  	s22 =	simm.s32 $0x1;
	p1 =	slt.s32 s23, $0x1  }
.Ltmp4:
0x6e: {  	s22 =	simm.s32 @!p0 $0x0;
	(pc) =	sbr.rel @p1 .LBB2_8-.Ltmp4, $4  }
0x6f: {  	s31 =	smul.u32 $0x3C0, s22  }
0x70: {  	s24 =	spop (v2sf)  }
0x71: {  	s0 =	sshrl.u32 s31, $0x2;
	s26 =	spop (v2sf)  }
0x72: {  	s20 =	sor.u32 $0x10508, s0;
	s19 =	spop (v2sf)  }
0x73: {  	s0 =	smin.u32 s23, $0x10  }
0x74: {  	v1 =	vmov s0  }
0x75: {  	p2 =	sgt.s32 s23, $0x10;
	vm1 =	vgt.u32 v1, v0  }
.Ltmp5:
0x76: {  	_ = 	snop;
	(pc) =	sbr.rel @!p2 .LBB2_7-.Ltmp5, $2  }
0x77: {  	_ =	sdelay $0x2  }
0x78: {  	s25 =	simm.s32 $0x10;
	s28 =	sadd.s32 $0xFFFFFFF0, s23;
	s21 =	smov.u32 s20;
	vm0 =	vmmov vm1  }
.LBB2_6:
0x79: {  	s0 =	smin.u32 s28, $0x10;
	s25 =	sadd.s32 $0x10, s25;
	v1 =	vld.msk [tilespmem:s21+$0x0 ss:$0x1], vm1  }
0x7a: {  	v2 =	vmov s0;
	p2 =	slt.s32 s25, s23  }
0x7b: {  	vm1 =	vgt.u32 v2, v0  }
.Ltmp6:
0x7c: {  	(pc) =	sbr.rel @p2 .LBB2_6-.Ltmp6, $3  }
0x7d: {  	_ =	sdelay $0x1  }
0x7e: {  	v1 =	vshll.u32 v1, $0x4  }
0x7f: {  	s28 =	sadd.s32 $0xFFFFFFF0, s28;
	[tilespmem:s21+$0x0] =	vst.msk vm0, v1;
	s21 =	sadd.s32 $0x10, s21;
	vm0 =	vmmov vm1  }
.LBB2_7:
0x80: {  	_ =	sdelay $0x4  }
0x81: {  	v1 =	vld.msk [tilespmem:s21+$0x0 ss:$0x1], vm1;
	_ =	sdelay $0x4  }
0x82: {  	v1 =	vshll.u32 v1, $0x4  }
0x83: {  	[tilespmem:s21+$0x0] =	vst.msk vm0, v1  }
.LBB2_8:
0x84: {  	s0 =	sand.u32 $0x1, s18  }
0x85: {  	s0 =	smul.u32 $0xF0, s0  }
0x86: {  	p2 =	sne.s32 s26, $0xFFFFFFFF  }
0x87: {  	v1 =	vld.msk @!p2 [tilespmem:s0+$0x10508], $0x1;
	_ =	sdelay $0x4  }
0x88: {  	(v2sf) =	vpush @!p2 v1, $0x0;
	_ =	sdelay $0xc  }
.Ltmp7:
0x89: {  	_ = 	snop;
	(pc) =	sbr.rel @p1 .LBB2_19-.Ltmp7, $4  }
0x8a: {  	_ = 	snop  }
0x8b: {  	s25 =	spop @!p2 (v2sf)  }
0x8c: {  	s19 =	simm.s32 @!p2 $0x0;
	s21 =	smov.u32 s25  }
0x8d: {  	[sflag:s15] =	ssyncpa.u1 $0x0;
	s25 =	smov.u32 @p2 s24;
	s21 =	smov.u32 @p2 s26  }
0x8e: {  	v1 =	vld.msk [tilespmem:s20+$0x0], $0x1;
	_ =	sdelay $0x4  }
0x8f: {  	(v2sf) =	vpush v1, $0x0;
	_ =	sdelay $0xe  }
0x90: {  	s0 =	smul.u32 $0x1E000, s22;
	s29 =	spop (v2sf)  }
0x91: {  	s23 =	ssub.s32 $0x0, s23;
	p1 =	seq.s32 s25, s29  }
0x92: {  	s26 =	sadd.s32 $0x1, s23;
	s0 =	sshrl.u32 s0, $0x2;
	p2 =	sgt.s32 @!p1 s25, $0x0  }
0x93: {  	s22 =	sor.u32 $0x10728, s0;
	s0 =	smov.u32 s25;
	p2 =	por !p2, p1  }
0x94: {  	s0 =	simm.s32 @p2 $0x0;
	p2 =	seq.s32 s26, $0x0  }
.Ltmp8:
0x95: {  	_ = 	snop;
	(pc) =	sbr.rel @p2 .LBB2_11-.Ltmp8, $4  }
0x96: {  	_ = 	snop  }
0x97: {  	s24 =	simm.s32 $0x0;
	s28 =	sadd.s32 $0x1, s20;
	s0 =	smin.u32 @!p1 s0, $0xC34F0  }
0x98: {  	s30 =	simm.s32 @!p1 $0x1;
	s31 =	simm.s32 @!p1 $0x7988;
	s2 =	sand.u32 @!p1 $0xFFFF8, s0  }
0x99: {  	s30 =	smov.u32 @p1 s24;
	s0 =	sand.u32 @!p1 $0x7, s0;
	s2 =	sadd.s32 @!p1 s1, s2  }
.LBB2_10:
0x9a: {  	s8 =	smov.u32 s30  }
0x9b: {  	[tilespmem:s31], [sflag:$0x2] =	stream.linear.gather @!p1 [hbm4b:s2+s0], $0x80, $0x38;
	[tilespmem:$0x1F6E8] =	vst v63  }
0x9c: {  	s26 =	sadd.s32 $0x1, s26;
	s0 =	smov.u32 s29;
	v1 =	vld.msk [tilespmem:s28+$0x0], $0x1  }
0x9d: {  	p2 =	seq.s32 s26, $0x0;
	_ =	sdelay $0x3  }
0x9e: {  	(v2sf) =	vpush v1, $0x0;
	_ =	sdelay $0xe  }
0x9f: {  	s29 =	spop (v2sf)  }
0xa0: {  	p1 =	seq.s32 s0, s29  }
0xa1: {  	p3 =	sgt.s32 @!p1 s0, $0x0;
	s2 =	sshll.u32 @!p1 s30, $0x9;
	s30 =	sadd.s32 @!p1 $0x1, s30  }
.Ltmp9:
0xa2: {  	p3 =	por !p3, p1;
	s2 =	sshra.s32 @!p1 s2, $0x2;
	(pc) =	sbr.rel @!p2 .LBB2_10-.Ltmp9, $4  }
0xa3: {  	s30 =	smov.u32 @p1 s8;
	s0 =	simm.s32 @p3 $0x0;
	s31 =	sadd.s32 @!p1 $0x7988, s2  }
0xa4: {  	s0 =	smin.u32 @!p1 s0, $0xC34F0  }
0xa5: {  	s2 =	sand.u32 @!p1 $0xFFFF8, s0;
	s0 =	sand.u32 @!p1 $0x7, s0  }
0xa6: {  	s28 =	sadd.s32 $0x1, s28;
	s2 =	sadd.s32 @!p1 s1, s2  }
.LBB2_11:
0xa7: {  	[tilespmem:s31], [sflag:$0x2] =	stream.linear.gather @!p1 [hbm4b:s2+s0], $0x80, $0x38;
	[tilespmem:$0x1F6E8] =	vst v63  }
.Ltmp10:
0xa8: {  	s30 =	sshll.u32 s30, $0x7;
	(pc) =	sbr.rel .LBB2_12-.Ltmp10, $4  }
0xa9: {  	s31 =	simm.s32 $0x2;
	s0 =	sand.u32 $0x3FFFFF80, s30  }
0xaa: {  	_ =	swait.ge [sflag:s31], s0  }
0xab: {  	s0 =	ssub.s32 $0x0, s0;
	[sflag:s31] =	ssyncset.done $0x0  }
0xac: {  	s28 =	simm.s32 $0x0;
	[sflag:s31] =	ssyncadd.s32 s0  }
.LBB2_13:
0xad: {  	v1 =	vld [tilespmem:s22+$0xFFFFFFC0];
	_ =	sdelay $0x3  }
0xae: {  	s0 =	sshra.s32 s0, $0x2  }
0xaf: {  	[tilespmem:s0+$0x108] =	vst.add.f32.msk $0xffff, v1  }
0xb0: {  	v1 =	vld [tilespmem:s22+$0xFFFFFFD0];
	_ =	sdelay $0x4  }
0xb1: {  	[tilespmem:s0+$0x118] =	vst.add.f32.msk $0xffff, v1  }
0xb2: {  	v1 =	vld [tilespmem:s22+$0xFFFFFFE0];
	_ =	sdelay $0x4  }
0xb3: {  	[tilespmem:s0+$0x128] =	vst.add.f32.msk $0xffff, v1  }
0xb4: {  	v1 =	vld [tilespmem:s22+$0xFFFFFFF0];
	_ =	sdelay $0x4  }
0xb5: {  	[tilespmem:s0+$0x138] =	vst.add.f32.msk $0xffff, v1  }
0xb6: {  	v1 =	vld [tilespmem:s22+$0x0];
	_ =	sdelay $0x4  }
0xb7: {  	[tilespmem:s0+$0x148] =	vst.add.f32.msk $0xffff, v1  }
0xb8: {  	v1 =	vld [tilespmem:s22+$0x10];
	_ =	sdelay $0x4  }
0xb9: {  	[tilespmem:s0+$0x158] =	vst.add.f32.msk $0xffff, v1  }
0xba: {  	v1 =	vld [tilespmem:s22+$0x20];
	_ =	sdelay $0x4  }
0xbb: {  	[tilespmem:s0+$0x168] =	vst.add.f32.msk $0xffff, v1  }
0xbc: {  	v1 =	vld [tilespmem:s22+$0x30];
	_ =	sdelay $0x4  }
0xbd: {  	[tilespmem:s0+$0x178] =	vst.add.f32.msk $0xffff, v1  }
.LBB2_17:
0xbe: {  	s23 =	sadd.s32 $0x1, s23  }
0xbf: {  	p1 =	seq.s32 s23, $0x0  }
.Ltmp11:
0xc0: {  	_ = 	snop;
	(pc) =	sbr.rel @p1 .LBB2_18-.Ltmp11, $2  }
0xc1: {  	_ =	sdelay $0x2  }
0xc2: {  	s20 =	sadd.s32 $0x1, s20;
	s22 =	sadd.s32 $0x80, s22;
	s25 =	smov.u32 s26  }
.LBB2_12:
0xc3: {  	v1 =	vld.msk [tilespmem:s20+$0x0], $0x1;
	_ =	sdelay $0x4  }
0xc4: {  	(v2sf) =	vpush v1, $0x0;
	_ =	sdelay $0xe  }
0xc5: {  	s26 =	spop (v2sf)  }
0xc6: {  	p1 =	sne.s32 s25, s26  }
.Ltmp12:
0xc7: {  	_ = 	snop;
	(pc) =	sbr.rel @!p1 .LBB2_13-.Ltmp12, $2  }
0xc8: {  	_ =	sdelay $0x2  }
0xc9: {  	s0 =	sshll.u32 s19, $0x9  }
0xca: {  	p1 =	seq.s32 s25, s21  }
.Ltmp13:
0xcb: {  	_ = 	snop;
	(pc) =	sbr.rel @!p1 .LBB2_15-.Ltmp13, $1  }
0xcc: {  	_ =	sdelay $0x3  }
0xcd: {  	s0 =	sshra.s32 s0, $0x2  }
.Ltmp14:
0xce: {  	s0 =	sadd.s32 $0x108, s0;
	(pc) =	sbr.rel .LBB2_16-.Ltmp14, $4  }
0xcf: {  	[spmem:s13] =	stream.linear.scatter [tilespmem:s0], [sflag:$0x1], $0x80, $0x38;
	[tilespmem:$0x1F6E8] =	vst v63  }
0xd0: {  	_ =	swait.ge [sflag:s11], $0x80  }
0xd1: {  	[sflag:s11] =	ssyncset.done $0x0  }
0xd2: {  	[sflag:s11] =	ssyncadd.s32 $0xFFFFFF80  }
.LBB2_15:
0xd3: {  	s2 =	sshll.u32 s24, $0x9  }
0xd4: {  	s2 =	sshra.s32 s2, $0x2  }
0xd5: {  	v1 =	vld [tilespmem:s2+$0x7988];
	_ =	sdelay $0x3  }
0xd6: {  	s0 =	sshra.s32 s0, $0x2  }
0xd7: {  	[tilespmem:s0+$0x108] =	vst.add.f32.msk $0xffff, v1  }
0xd8: {  	v1 =	vld [tilespmem:s2+$0x7998];
	_ =	sdelay $0x4  }
0xd9: {  	[tilespmem:s0+$0x118] =	vst.add.f32.msk $0xffff, v1  }
0xda: {  	v1 =	vld [tilespmem:s2+$0x79A8];
	_ =	sdelay $0x4  }
0xdb: {  	[tilespmem:s0+$0x128] =	vst.add.f32.msk $0xffff, v1  }
0xdc: {  	v1 =	vld [tilespmem:s2+$0x79B8];
	_ =	sdelay $0x4  }
0xdd: {  	[tilespmem:s0+$0x138] =	vst.add.f32.msk $0xffff, v1  }
0xde: {  	v1 =	vld [tilespmem:s2+$0x79C8];
	_ =	sdelay $0x4  }
0xdf: {  	[tilespmem:s0+$0x148] =	vst.add.f32.msk $0xffff, v1  }
0xe0: {  	v1 =	vld [tilespmem:s2+$0x79D8];
	_ =	sdelay $0x4  }
0xe1: {  	[tilespmem:s0+$0x158] =	vst.add.f32.msk $0xffff, v1  }
0xe2: {  	v1 =	vld [tilespmem:s2+$0x79E8];
	_ =	sdelay $0x4  }
0xe3: {  	[tilespmem:s0+$0x168] =	vst.add.f32.msk $0xffff, v1  }
0xe4: {  	v1 =	vld [tilespmem:s2+$0x79F8];
	_ =	sdelay $0x2  }
0xe5: {  	p1 =	sgt.u32 s25, $0xC34F0  }
0xe6: {  	s2 =	sand.u32 @!p1 $0xFFFF8, s25  }
0xe7: {  	s8 =	sadd.s32 $0x108, s0;
	[tilespmem:s0+$0x178] =	vst.add.f32.msk $0xffff, v1;
	s0 =	sadd.s32 @!p1 s1, s2;
	s2 =	sand.u32 @!p1 $0x7, s25  }
0xe8: {  	[hbm4b:s0+s2] =	stream.linear.scatter @!p1 [tilespmem:s8], [sflag:$0xA], $0x80, $0x38;
	[tilespmem:$0x1F6E8] =	vst v63  }
0xe9: {  	s0 =	simm.s32 $0x0  }
0xea: {  	s0 =	simm.s32 @!p1 $0x200  }
0xeb: {  	s28 =	sadd.s32 s0, s28  }
.LBB2_16:
0xec: {  	s0 =	sadd.s32 $0x1, s19  }
0xed: {  	s2 =	smulhi.u32 $0x88888889, s0;
	_ =	sdelay $0x1  }
0xee: {  	v1 =	vld [tilespmem:s22+$0xFFFFFFC0];
	s2 =	sshrl.u32 s2, $0x7  }
0xef: {  	s2 =	smul.u32 $0xF0, s2;
	_ =	sdelay $0x1  }
0xf0: {  	s19 =	ssub.s32 s0, s2  }
0xf1: {  	s0 =	sshll.u32 s19, $0x7  }
0xf2: {  	[tilespmem:s0+$0x108] =	vst v1  }
0xf3: {  	v1 =	vld [tilespmem:s22+$0xFFFFFFD0];
	_ =	sdelay $0x4  }
0xf4: {  	[tilespmem:s0+$0x118] =	vst v1  }
0xf5: {  	v1 =	vld [tilespmem:s22+$0xFFFFFFE0];
	_ =	sdelay $0x4  }
0xf6: {  	[tilespmem:s0+$0x128] =	vst v1  }
0xf7: {  	v1 =	vld [tilespmem:s22+$0xFFFFFFF0];
	_ =	sdelay $0x4  }
0xf8: {  	[tilespmem:s0+$0x138] =	vst v1  }
0xf9: {  	v1 =	vld [tilespmem:s22+$0x0];
	_ =	sdelay $0x4  }
0xfa: {  	[tilespmem:s0+$0x148] =	vst v1  }
0xfb: {  	v1 =	vld [tilespmem:s22+$0x10];
	_ =	sdelay $0x4  }
0xfc: {  	[tilespmem:s0+$0x158] =	vst v1  }
0xfd: {  	v1 =	vld [tilespmem:s22+$0x20];
	_ =	sdelay $0x4  }
0xfe: {  	[tilespmem:s0+$0x168] =	vst v1  }
0xff: {  	v1 =	vld [tilespmem:s22+$0x30]  }
.Ltmp15:
0x100: {  	_ = 	snop;
	(pc) =	sbr.rel .LBB2_17-.Ltmp15, $2  }
0x101: {  	_ =	sdelay $0x2  }
0x102: {  	s24 =	sadd.s32 $0x1, s24;
	[tilespmem:s0+$0x178] =	vst v1  }
.LBB2_19:
.Ltmp16:
0x103: {  	(pc) =	sbr.rel .LBB2_20-.Ltmp16, $4  }
0x104: {  	_ = 	snop  }
0x105: {  	s0 =	simm.s32 $0x2  }
0x106: {  	_ =	swait.ge [sflag:s0], $0x0  }
0x107: {  	s26 =	smov.u32 s25;
	[sflag:s0] =	ssyncset.done $0x0;
	s0 =	simm.s32 $0x0  }
.LBB2_22:
0x108: {  	_ =	sfence.sel $0x180000  }
0x109: {  	s0 =	simm.s32 $0x7;
	[bflag:$0x0] =	sbarrier.arrive $0xFFFF  }
0x10a: {  	s25 =	simm.s32 $0x8;
	[sflag:s0] =	ssyncpa.u1 $0x1  }
0x10b: {  	s26 =	simm.s32 $0x9;
	[sflag:s25] =	ssyncpa.u1 $0x1  }
0x10c: {  	s28 =	simm.s32 $0x2;
	[sflag:s26] =	ssyncpa.u1 $0x1  }
0x10d: {  	[sflag:s28] =	ssyncpa.u1 $0x1  }
0x10e: {  	v0 =	vld [tilespmem:$0xF208];
	_ =	sdelay $0x4  }
0x10f: {  	(v2sf) =	vpush v0, $0x0  }
0x110: {  	(v2sf) =	vpush v0, $0x1;
	_ =	sdelay $0x1  }
0x111: {  	(v2sf) =	vpush v0, $0x2;
	_ =	sdelay $0xb  }
0x112: {  	s0 =	spop (v2sf)  }
0x113: {  	s2 =	spop (v2sf)  }
0x114: {  	s3 =	smov.u32 s0;
	p0 =	sne.s32 s0, s2  }
0x115: {  	s4 =	spop (v2sf);
	s3 =	simm.s32 @!p0 $0xFFFFFFFF  }
0x116: {  	v2 =	vimm.s32 $0x1;
	v3 =	vlaneseq.u32;
	p0 =	seq.s32 s4, $0xFFFFFFFF;
	v1 =	vmov s3  }
0x117: {  	s7 =	stileid.u32;
	v0 =	vperm.xlane v0, v2;
	p1 =	sne.s32 @!p0 s0, s2;
	v1 =	vperm.xlane v1, v3  }
0x118: {  	vm0 =	vcmask $0x3F04;
	s6 =	simm.s32 $0xF208;
	s0 =	simm.s32 @!p0 $0x1;
	p1 =	por !p1, p0  }
0x119: {  	s3 =	sshll.u32 s7, $0x1;
	s2 =	sshll.u32 @!p0 s4, $0x9;
	s0 =	simm.s32 @p1 $0x0;
	v0 =	vsel vm0, v1, v0  }
0x11a: {  	s5 =	sor.u32 $0x1000, s3;
	s2 =	sshra.s32 @!p0 s2, $0x2;
	s0 =	sor.u32 @!p0 s0, s3;
	[tilespmem:$0xF208] =	vst v0  }
0x11b: {  	[spmem:s5] =	stream.linear.scatter [tilespmem:s6], [sflag:$0x1], $0x2, $0x38;
	[tilespmem:$0x1F6E8] =	vst v63  }
0x11c: {  	s2 =	sadd.s32 @!p0 $0x108, s2;
	s0 =	sshll.u32 @!p0 s0, $0x7  }
0x11d: {  	[spmem:s0] =	stream.linear.scatter @!p0 [tilespmem:s2], [sflag:$0x1], $0x80, $0x38;
	[tilespmem:$0x1F6E8] =	vst v63  }
0x11e: {  	s0 =	simm.s32 @!p0 $0x82  }
0x11f: {  	s3 =	simm.s32 $0x1;
	s0 =	simm.s32 @p0 $0x2  }
0x120: {  	_ =	swait.ge [sflag:s3], s0  }
0x121: {  	s0 =	ssub.s32 $0x0, s0;
	[sflag:s3] =	ssyncset.done $0x0  }
0x122: {  	[sflag:s3] =	ssyncadd.s32 s0  }
0x123: {  	_ =	sfence.stream.spmem  }
0x124: {  	s29 =	simm.s32 $0x3;
	[bflag:$0x0] =	sbarrier.arrive $0xFFFF  }
0x125: {  	s30 =	simm.s32 $0x4;
	[sflag:s29] =	ssyncpa.u1 $0x1  }
0x126: {  	s31 =	simm.s32 $0x3C;
	[sflag:s30] =	ssyncpa.u1 $0x1  }
0x127: {  	p0 =	sne.s32 s7, $0x0;
	[sflag:s31] =	ssyncpa.u1 $0x1  }
0x128: {  	_ =	sfence @p0  }
0x129: {  	[sflag:s3] =	ssyncpa.u1 @p0 $0x1  }
0x12a: {  	_ =	strace @p0 $0x90000056  }
0x12b: {  	[bflag:$0x2] =	sbarrier.arrive @p0 $0xFFFF  }
0x12c: {  	_ =	shalt @p0  }
.LBB2_23:
0x12d: {  	_ =	sfence.stream.spmem;
	s0 =	simm.s32 $0x5  }
0x12e: {  	s2 =	simm.s32 $0x1000;
	s3 =	simm.s32 $0xF218;
	[sflag:s0] =	ssyncpa.u1 $0x0  }
0x12f: {  	[tilespmem:s3], [sflag:$0x5] =	stream.linear.gather [spmem:s2], $0x20, $0x38;
	[tilespmem:$0x1F6E8] =	vst v63  }
0x130: {  	s30 =	simm.s32 $0xF238;
	s2 =	simm.s32 $0x0  }
0x131: {  	[tilespmem:s30], [sflag:$0x5] =	stream.linear.gather [spmem:s2], $0x1000, $0x38;
	[tilespmem:$0x1F6E8] =	vst v63  }
.Ltmp17:
0x132: {  	_ = 	snop;
	(pc) =	sbr.rel .LBB2_24-.Ltmp17, $4  }
0x133: {  	_ =	swait.ge [sflag:s0], $0x1020  }
0x134: {  	[sflag:s0] =	ssyncset.done $0x0  }
0x135: {  	s31 =	simm.s32 $0x6;
	[sflag:s0] =	ssyncadd.s32 $0xFFFFEFE0  }
0x136: {  	s3 =	simm.s32 $0x0;
	[sflag:s31] =	ssyncpa.u1 $0x0  }
.LBB2_30:
0x137: {  	p0 =	slt.u32 s4, $0xC34F1  }
0x138: {  	s0 =	sand.u32 @p0 $0xFFFF8, s4  }
0x139: {  	s4 =	sand.u32 @p0 $0x7, s4;
	s5 =	simm.s32 @p0 $0xF188;
	s0 =	sadd.s32 @p0 s1, s0  }
0x13a: {  	[tilespmem:s5], [sflag:$0x6] =	stream.linear.gather @p0 [hbm4b:s0+s4], $0x80, $0x38;
	[tilespmem:$0x1F6E8] =	vst v63  }
0x13b: {  	s0 =	simm.s32 @p0 $0x6  }
0x13c: {  	_ =	swait.ge @p0 [sflag:s0], $0x80  }
0x13d: {  	[sflag:s0] =	ssyncset.done @p0 $0x0  }
0x13e: {  	[sflag:s0] =	ssyncadd.s32 @p0 $0xFFFFFF80  }
0x13f: {  	v1 =	vld @p0 [tilespmem:$0xF188];
	_ =	sdelay $0x2  }
0x140: {  	s0 =	sshll.u32 @p0 s3, $0x9  }
0x141: {  	s4 =	sshrl.u32 @p0 s0, $0x2  }
0x142: {  	[tilespmem:s4+$0xF238] =	vst.add.f32.msk @p0 $0xffff, v1  }
0x143: {  	v1 =	vld @p0 [tilespmem:$0xF198];
	_ =	sdelay $0x4  }
0x144: {  	[tilespmem:s4+$0xF248] =	vst.add.f32.msk @p0 $0xffff, v1  }
0x145: {  	v1 =	vld @p0 [tilespmem:$0xF1A8];
	_ =	sdelay $0x4  }
0x146: {  	[tilespmem:s4+$0xF258] =	vst.add.f32.msk @p0 $0xffff, v1  }
0x147: {  	v1 =	vld @p0 [tilespmem:$0xF1B8];
	_ =	sdelay $0x4  }
0x148: {  	[tilespmem:s4+$0xF268] =	vst.add.f32.msk @p0 $0xffff, v1  }
0x149: {  	v1 =	vld @p0 [tilespmem:$0xF1C8];
	_ =	sdelay $0x4  }
0x14a: {  	[tilespmem:s4+$0xF278] =	vst.add.f32.msk @p0 $0xffff, v1  }
0x14b: {  	v1 =	vld @p0 [tilespmem:$0xF1D8];
	_ =	sdelay $0x4  }
0x14c: {  	[tilespmem:s4+$0xF288] =	vst.add.f32.msk @p0 $0xffff, v1  }
0x14d: {  	v1 =	vld @p0 [tilespmem:$0xF1E8];
	_ =	sdelay $0x4  }
0x14e: {  	[tilespmem:s4+$0xF298] =	vst.add.f32.msk @p0 $0xffff, v1  }
0x14f: {  	v1 =	vld @p0 [tilespmem:$0xF1F8];
	_ =	sdelay $0x3  }
0x150: {  	s5 =	sshll.u32 @!p0 s3, $0x9  }
0x151: {  	s5 =	smov.u32 @p0 s0;
	[tilespmem:s4+$0xF2A8] =	vst.add.f32.msk @p0 $0xffff, v1  }
0x152: {  	s0 =	sshrl.u32 s5, $0x2;
	[tilespmem:s2+$0xF218] =	vst.msk $0x1, v0  }
0x153: {  	v0 =	vld [tilespmem:s0+$0xF238];
	_ =	sdelay $0x2  }
0x154: {  	s31 =	sshll.u32 s2, $0x9  }
0x155: {  	s4 =	sshra.s32 s31, $0x2  }
0x156: {  	[tilespmem:s4+$0xF238] =	vst v0  }
0x157: {  	v0 =	vld [tilespmem:s0+$0xF248];
	_ =	sdelay $0x4  }
0x158: {  	[tilespmem:s4+$0xF248] =	vst v0  }
0x159: {  	v0 =	vld [tilespmem:s0+$0xF258];
	_ =	sdelay $0x4  }
0x15a: {  	[tilespmem:s4+$0xF258] =	vst v0  }
0x15b: {  	v0 =	vld [tilespmem:s0+$0xF268];
	_ =	sdelay $0x4  }
0x15c: {  	[tilespmem:s4+$0xF268] =	vst v0  }
0x15d: {  	v0 =	vld [tilespmem:s0+$0xF278];
	_ =	sdelay $0x4  }
0x15e: {  	[tilespmem:s4+$0xF278] =	vst v0  }
0x15f: {  	v0 =	vld [tilespmem:s0+$0xF288];
	_ =	sdelay $0x4  }
0x160: {  	[tilespmem:s4+$0xF288] =	vst v0  }
0x161: {  	v0 =	vld [tilespmem:s0+$0xF298];
	_ =	sdelay $0x4  }
0x162: {  	[tilespmem:s4+$0xF298] =	vst v0  }
0x163: {  	v0 =	vld [tilespmem:s0+$0xF2A8];
	_ =	sdelay $0x4  }
0x164: {  	s2 =	sadd.s32 $0x1, s2;
	[tilespmem:s4+$0xF2A8] =	vst v0  }
.LBB2_31:
0x165: {  	s3 =	sadd.s32 $0x1, s3  }
0x166: {  	p0 =	sne.s32 s3, $0x20  }
.Ltmp18:
0x167: {  	_ = 	snop;
	(pc) =	sbr.rel @!p0 .LBB2_32-.Ltmp18, $1  }
0x168: {  	_ =	sdelay $0x3  }
.LBB2_24:
0x169: {  	v0 =	vld.msk [tilespmem:s3+$0xF218], $0x1;
	_ =	sdelay $0x4  }
0x16a: {  	(v2sf) =	vpush v0, $0x0;
	_ =	sdelay $0xe  }
0x16b: {  	s4 =	spop (v2sf)  }
0x16c: {  	p0 =	seq.s32 s4, $0xFFFFFFFF  }
.Ltmp19:
0x16d: {  	_ = 	snop;
	(pc) =	sbr.rel @p0 .LBB2_31-.Ltmp19, $1  }
0x16e: {  	_ =	sdelay $0x3  }
0x16f: {  	p0 =	slt.s32 s2, $0x1  }
.Ltmp20:
0x170: {  	_ = 	snop;
	(pc) =	sbr.rel @p0 .LBB2_30-.Ltmp20, $1  }
0x171: {  	_ =	sdelay $0x3  }
0x172: {  	s5 =	simm.s32 $0xF218;
	p0 =	por $0x0, $0x0  }
0x173: {  	v1 =	vld.msk @!p0 [tilespmem:s5+$0x0], $0x1;
	_ =	sdelay $0x4  }
0x174: {  	(v2sf) =	vpush @!p0 v1, $0x0;
	_ =	sdelay $0xd  }
0x175: {  	p2 =	sne.s32 s2, $0x1  }
.Ltmp21:
0x176: {  	s0 =	spop @!p0 (v2sf);
	(pc) =	sbr.rel @!p2 .LBB2_28-.Ltmp21, $4  }
0x177: {  	p1 =	seq.s32 @!p0 s4, s0  }
0x178: {  	s6 =	simm.s32 $0x0;
	p1 =	por !p1, p0  }
0x179: {  	s0 =	simm.s32 $0xFFFFFFFF;
	s6 =	simm.s32 @p1 $0xFFFFFFFF  }
0x17a: {  	s7 =	simm.s32 $0x1;
	s6 =	smov.u32 @p0 s0  }
.LBB2_27:
0x17b: {  	s0 =	smov.u32 s6;
	p0 =	sne.s32 s6, $0xFFFFFFFF  }
0x17c: {  	s5 =	sadd.s32 $0x1, s5;
	s6 =	smov.u32 s7;
	s7 =	sadd.s32 $0x1, s7  }
0x17d: {  	p1 =	sne.s32 s2, s7;
	v1 =	vld.msk @!p0 [tilespmem:s5+$0x0], $0x1;
	_ =	sdelay $0x4  }
0x17e: {  	(v2sf) =	vpush @!p0 v1, $0x0;
	_ =	sdelay $0xe  }
.Ltmp22:
0x17f: {  	s8 =	spop @!p0 (v2sf);
	(pc) =	sbr.rel @p1 .LBB2_27-.Ltmp22, $4  }
0x180: {  	p2 =	seq.s32 @!p0 s4, s8  }
0x181: {  	p2 =	por !p2, p0  }
0x182: {  	s6 =	simm.s32 @p2 $0xFFFFFFFF  }
0x183: {  	s6 =	smov.u32 @p0 s0  }
.LBB2_28:
0x184: {  	p0 =	seq.s32 s6, $0xFFFFFFFF  }
.Ltmp23:
0x185: {  	_ = 	snop;
	(pc) =	sbr.rel @p0 .LBB2_30-.Ltmp23, $1  }
0x186: {  	_ =	sdelay $0x3  }
0x187: {  	s0 =	sshll.u32 s3, $0x7  }
0x188: {  	s0 =	sand.u32 $0x3FFFFF80, s0  }
0x189: {  	v0 =	vld [tilespmem:s0+$0xF238];
	_ =	sdelay $0x2  }
0x18a: {  	s4 =	sshll.u32 s6, $0x9  }
0x18b: {  	s4 =	sshra.s32 s4, $0x2  }
0x18c: {  	[tilespmem:s4+$0xF238] =	vst.add.f32.msk $0xffff, v0  }
0x18d: {  	v0 =	vld [tilespmem:s0+$0xF248];
	_ =	sdelay $0x4  }
0x18e: {  	[tilespmem:s4+$0xF248] =	vst.add.f32.msk $0xffff, v0  }
0x18f: {  	v0 =	vld [tilespmem:s0+$0xF258];
	_ =	sdelay $0x4  }
0x190: {  	[tilespmem:s4+$0xF258] =	vst.add.f32.msk $0xffff, v0  }
0x191: {  	v0 =	vld [tilespmem:s0+$0xF268];
	_ =	sdelay $0x4  }
0x192: {  	[tilespmem:s4+$0xF268] =	vst.add.f32.msk $0xffff, v0  }
0x193: {  	v0 =	vld [tilespmem:s0+$0xF278];
	_ =	sdelay $0x4  }
0x194: {  	[tilespmem:s4+$0xF278] =	vst.add.f32.msk $0xffff, v0  }
0x195: {  	v0 =	vld [tilespmem:s0+$0xF288];
	_ =	sdelay $0x4  }
0x196: {  	[tilespmem:s4+$0xF288] =	vst.add.f32.msk $0xffff, v0  }
0x197: {  	v0 =	vld [tilespmem:s0+$0xF298];
	_ =	sdelay $0x4  }
0x198: {  	[tilespmem:s4+$0xF298] =	vst.add.f32.msk $0xffff, v0  }
0x199: {  	v0 =	vld [tilespmem:s0+$0xF2A8]  }
.Ltmp24:
0x19a: {  	_ = 	snop;
	(pc) =	sbr.rel .LBB2_31-.Ltmp24, $2  }
0x19b: {  	_ =	sdelay $0x2  }
0x19c: {  	[tilespmem:s4+$0xF2A8] =	vst.add.f32.msk $0xffff, v0  }
.LBB2_32:
0x19d: {  	p0 =	slt.s32 s2, $0x1  }
.Ltmp25:
0x19e: {  	_ = 	snop;
	(pc) =	sbr.rel @p0 .LBB2_36-.Ltmp25, $3  }
0x19f: {  	_ =	sdelay $0x1  }
0x1a0: {  	s0 =	simm.s32 $0x6  }
0x1a1: {  	s3 =	simm.s32 $0x0;
	[sflag:s0] =	ssyncpa.u1 $0x1  }
0x1a2: {  	s0 =	simm.s32 $0xF218  }
0x1a3: {  	v0 =	vld.msk [tilespmem:s0+$0x0], $0x1;
	_ =	sdelay $0x4  }
0x1a4: {  	(v2sf) =	vpush v0, $0x0;
	_ =	sdelay $0xd  }
0x1a5: {  	s2 =	sadd.s32 $0xFFFFFFFF, s2  }
0x1a6: {  	p1 =	sne.s32 s2, $0x0;
	s0 =	spop (v2sf)  }
.Ltmp26:
0x1a7: {  	p0 =	sgt.u32 s0, $0xC34F0;
	(pc) =	sbr.rel @!p1 .LBB2_35-.Ltmp26, $4  }
0x1a8: {  	s4 =	simm.s32 $0xF238;
	s5 =	sand.u32 @!p0 $0xFFFF8, s0  }
0x1a9: {  	s6 =	simm.s32 $0x0;
	s0 =	sand.u32 @!p0 $0x7, s0;
	s5 =	sadd.s32 @!p0 s1, s5  }
0x1aa: {  	[hbm4b:s5+s0] =	stream.linear.scatter @!p0 [tilespmem:s4], [sflag:$0x5], $0x80, $0x38;
	[tilespmem:$0x1F6E8] =	vst v63  }
0x1ab: {  	s6 =	simm.s32 @!p0 $0x200;
	s5 =	simm.s32 $0xF219  }
.LBB2_34:
0x1ac: {  	v0 =	vld.msk [tilespmem:s5+$0x0], $0x1;
	s2 =	sadd.s32 $0xFFFFFFFF, s2;
	s3 =	sadd.s32 s3, s6  }
0x1ad: {  	p0 =	sne.s32 s2, $0x0;
	_ =	sdelay $0x3  }
0x1ae: {  	(v2sf) =	vpush v0, $0x0;
	_ =	sdelay $0xe  }
.Ltmp27:
0x1af: {  	s0 =	spop (v2sf);
	(pc) =	sbr.rel @p0 .LBB2_34-.Ltmp27, $4  }
0x1b0: {  	s6 =	simm.s32 $0x0;
	p1 =	sgt.u32 s0, $0xC34F0  }
0x1b1: {  	s4 =	sadd.s32 $0x80, s4;
	s6 =	simm.s32 @!p1 $0x200;
	s7 =	sand.u32 @!p1 $0xFFFF8, s0  }
0x1b2: {  	s5 =	sadd.s32 $0x1, s5;
	s0 =	sand.u32 @!p1 $0x7, s0;
	s7 =	sadd.s32 @!p1 s1, s7  }
0x1b3: {  	[hbm4b:s7+s0] =	stream.linear.scatter @!p1 [tilespmem:s4], [sflag:$0x5], $0x80, $0x38;
	[tilespmem:$0x1F6E8] =	vst v63  }
.LBB2_35:
0x1b4: {  	s0 =	sadd.s32 s3, s6  }
0x1b5: {  	s3 =	sshrl.u32 s0, $0x2  }
.LBB2_36:
0x1b6: {  	s0 =	simm.s32 $0x5  }
0x1b7: {  	_ =	swait.ge [sflag:s0], s3  }
0x1b8: {  	s1 =	ssub.s32 $0x0, s3;
	[sflag:s0] =	ssyncset.done $0x0  }
0x1b9: {  	[sflag:s0] =	ssyncadd.s32 s1  }
0x1ba: {  	[sflag:s0] =	ssyncpa.u1 $0x1  }
0x1bb: {  	s30 =	simm.s32 $0x1;
	_ =	sfence  }
0x1bc: {  	[sflag:s30] =	ssyncpa.u1 $0x1  }
0x1bd: {  	_ =	strace $0x90000056  }
0x1be: {  	[bflag:$0x2] =	sbarrier.arrive $0xFFFF  }
0x1bf: {  	s31 =	rddreg [dreg:$0x1]  }
0x1c0: {  	s0 =	sadd.s32 $0x100000, s31  }
0x1c1: {  	[sflag:s0] =	ssyncadd.tile.s32 $0x1;
	_ =	shalt  }
.Lfunc_end2:
_tile_overlayer_lowered:
.L_overlay_start_2:
0x1c2: {  	(tag) =	ssettag $0x2  }
0x1c3: {  	s0 =	rddreg [dreg:$0x0];
	s2 =	stileid.u32  }
0x1c4: {  	s1 =	rddreg [dreg:$0x1];
	p0 =	sne.s32 s2, $0x0  }
0x1c5: {  	s3 =	rddreg [dreg:$0x2];
	[bflag:$0x3] =	sbarrier.arrive $0xFFFF;
	s2 =	simm.s32 @!p0 $0x1C01  }
0x1c6: {  	[timem:s3], [sflag:s2] =	dma.local @!p0 [hbm:s0], s1  }
0x1c7: {  	s0 =	simm.s32 @!p0 $0x1  }
0x1c8: {  	_ =	swait.ge @!p0 [sflag:s0], s1  }
0x1c9: {  	s1 =	ssub.s32 @!p0 $0x0, s1;
	[sflag:s0] =	ssyncset.done @!p0 $0x0  }
0x1ca: {  	[sflag:s0] =	ssyncadd.s32 @!p0 s1  }
0x1cb: {  	[bflag:$0x3] =	sbarrier.arrive $0xFFFF  }
0x1cc: {  	_ =	shalt  }

// kernel: scatter_offload_async_start
scs
__scs_entry_jumppad:
0x0: {  	(pc) =	sbr.rel $0x88, $3  }
0x1: {  	(tag) =	ssettag $0x0;
	lr =	simm.s32 $0x1  }
0x2: {  	[smem:$0x3F87] =	sst lr;
	_ =	strace $0xD0000000  }
0x3: {  	_ = 	snop  }
0x4: {  	_ = 	snop  }
0x5: {  	_ = 	snop  }
0x6: {  	_ = 	snop  }
0x7: {  	_ = 	snop  }
__scs_overlays_trampoline_lowered:
0x8: {  	[smem:$0x3F96] =	sst s0  }
0x9: {  	[smem:$0x3F97] =	sst s1  }
0xa: {  	[smem:$0x3F98] =	sst s2  }
0xb: {  	[smem:$0x3F99] =	sst s3  }
0xc: {  	[smem:$0x3F9A] =	sst s4  }
0xd: {  	[smem:$0x3F9B] =	sst s5  }
0xe: {  	[smem:$0x3F9C] =	sst s6  }
0xf: {  	[smem:$0x3F9D] =	sst s7  }
0x10: {  	[smem:$0x3F9E] =	sst s8  }
0x11: {  	[smem:$0x3F9F] =	sst s9;
	s0 =	simm.s32 @!p0 $0x0  }
0x12: {  	s1 =	sld [smem:$0x3F85];
	s0 =	simm.s32 @p0 $0x1  }
0x13: {  	[smem:$0x3FA0] =	sst s0;
	s0 =	simm.s32 @!p1 $0x0  }
0x14: {  	s2 =	sld [smem:$0x3F84];
	s0 =	simm.s32 @p1 $0x1  }
0x15: {  	[smem:$0x3FA1] =	sst s0;
	s0 =	simm.s32 @!p2 $0x0  }
0x16: {  	s3 =	sld [smem:$0x3FDB];
	s0 =	simm.s32 @p2 $0x1  }
0x17: {  	s4 =	simm.s32 $0x1BF5;
	[smem:$0x3FA3] =	sst s0  }
0x18: {  	s0 =	sld [smem:$0x3F86];
	_ =	swait.ge [sflag:s4], $0x0  }
0x19: {  	s7 =	sld [smem:$0x3F87]  }
0x1a: {  	s8 =	sadd.s32 $0xFFFFE003, lr  }
0x1b: {  	s9 =	sadd.s32 $0xFFFFFEF7, lr;
	s5 =	simm.s32 $0xFFFFFFFF;
	p2 =	slt.u32 s8, $0xFFFFF086  }
0x1c: {  	p1 =	slt.u32 s9, $0xF7A;
	s5 =	simm.s32 @!p2 $0x0  }
0x1d: {  	s5 =	simm.s32 @p1 $0x1;
	p0 =	seq.s32 s7, s2  }
0x1e: {  	s7 =	smul.u32 @!p0 $0xF7A, s2;
	p2 =	seq.s32 @!p0 s5, $0x0  }
0x1f: {  	s9 =	smul.u32 $0xF7A, s1;
	s8 =	simm.s32 @!p0 $0x1BF5;
	p2 =	por !p2, p0  }
0x20: {  	[sflag:s8] =	ssyncset.s32 @!p0 $0xFFFFF086;
	s6 =	sadd.s32 @!p0 s3, s7;
	s7 =	simm.s32 @!p0 $0x108  }
0x21: {  	s3 =	sadd.s32 s3, s9;
	s6 =	sadd.s32 @!p0 $0x88, s6;
	s7 =	simm.s32 @p2 $0x1082  }
0x22: {  	[simem:s7], [sflag:s8] =	dma.local @!p0 [hbm:s6], $0xF7A  }
0x23: {  	s9 =	sor.u32 $0xD0000000, s2;
	s6 =	simm.s32 $0x108;
	_ =	swait.ge @!p0 [sflag:s8], $0x0  }
0x24: {  	s3 =	sadd.s32 $0x88, s3;
	s6 =	simm.s32 @!p1 $0x1082;
	[sflag:s4] =	ssyncset.s32 $0xFFFFF086  }
0x25: {  	[simem:s6], [sflag:s4] =	dma.local [hbm:s3], $0xF7A  }
0x26: {  	[smem:$0x3F87] =	sst s1;
	(tag) =	ssettag s2;
	_ =	strace s9  }
0x27: {  	s1 =	sld [smem:$0x3F97]  }
0x28: {  	s2 =	sld [smem:$0x3F98]  }
0x29: {  	s4 =	sld [smem:$0x3F9A]  }
0x2a: {  	p0 =	seq.s32 s5, $0x0;
	s5 =	sld [smem:$0x3F9B]  }
0x2b: {  	s6 =	sld [smem:$0x3F9C]  }
0x2c: {  	s7 =	sld [smem:$0x3F9D]  }
0x2d: {  	s3 =	simm.s32 $0x108;
	s8 =	sld [smem:$0x3F9E]  }
0x2e: {  	s3 =	simm.s32 @!p0 $0x1082;
	s9 =	sld [smem:$0x3F9F]  }
0x2f: {  	lr =	sadd.s32 s0, s3;
	s0 =	sld [smem:$0x3F96]  }
0x30: {  	s3 =	sld [smem:$0x3F99]  }
0x31: {  	[smem:$0x3FA2] =	sst s10  }
0x32: {  	s10 =	sld [smem:$0x3FA0];
	_ =	sdelay $0x3  }
0x33: {  	p0 =	seq.s32 s10, $0x1;
	s10 =	sld [smem:$0x3FA2];
	_ =	sdelay $0x3  }
0x34: {  	[smem:$0x3FA2] =	sst s10  }
0x35: {  	s10 =	sld [smem:$0x3FA1];
	_ =	sdelay $0x3  }
0x36: {  	p1 =	seq.s32 s10, $0x1;
	s10 =	sld [smem:$0x3FA2];
	_ =	sdelay $0x3  }
0x37: {  	[smem:$0x3FA2] =	sst s10  }
0x38: {  	s10 =	sld [smem:$0x3FA3]  }
0x39: {  	_ = 	snop;
	(pc) =	sbr.ind lr, $3  }
0x3a: {  	_ = 	snop  }
0x3b: {  	_ = 	snop  }
0x3c: {  	p2 =	seq.s32 s10, $0x1;
	s10 =	sld [smem:$0x3FA2]  }
0x3d: {  	_ =	shalt  }
0x3e: {  	_ =	shalt  }
0x3f: {  	_ =	shalt  }
0x40: {  	_ =	shalt  }
0x41: {  	_ =	shalt  }
0x42: {  	_ =	shalt  }
0x43: {  	_ =	shalt  }
0x44: {  	_ =	shalt  }
0x45: {  	_ =	shalt  }
0x46: {  	_ =	shalt  }
0x47: {  	_ =	shalt  }
0x48: {  	_ =	shalt  }
0x49: {  	_ =	shalt  }
0x4a: {  	_ =	shalt  }
0x4b: {  	_ =	shalt  }
0x4c: {  	_ =	shalt  }
0x4d: {  	_ =	shalt  }
0x4e: {  	_ =	shalt  }
0x4f: {  	_ =	shalt  }
0x50: {  	_ =	shalt  }
0x51: {  	_ =	shalt  }
0x52: {  	_ =	shalt  }
0x53: {  	_ =	shalt  }
0x54: {  	_ =	shalt  }
0x55: {  	_ =	shalt  }
0x56: {  	_ =	shalt  }
0x57: {  	_ =	shalt  }
0x58: {  	_ =	shalt  }
0x59: {  	_ =	shalt  }
0x5a: {  	_ =	shalt  }
0x5b: {  	_ =	shalt  }
0x5c: {  	_ =	shalt  }
0x5d: {  	_ =	shalt  }
0x5e: {  	_ =	shalt  }
0x5f: {  	_ =	shalt  }
0x60: {  	_ =	shalt  }
0x61: {  	_ =	shalt  }
0x62: {  	_ =	shalt  }
0x63: {  	_ =	shalt  }
0x64: {  	_ =	shalt  }
0x65: {  	_ =	shalt  }
0x66: {  	_ =	shalt  }
0x67: {  	_ =	shalt  }
0x68: {  	_ =	shalt  }
0x69: {  	_ =	shalt  }
0x6a: {  	_ =	shalt  }
0x6b: {  	_ =	shalt  }
0x6c: {  	_ =	shalt  }
0x6d: {  	_ =	shalt  }
0x6e: {  	_ =	shalt  }
0x6f: {  	_ =	shalt  }
0x70: {  	_ =	shalt  }
0x71: {  	_ =	shalt  }
0x72: {  	_ =	shalt  }
0x73: {  	_ =	shalt  }
0x74: {  	_ =	shalt  }
0x75: {  	_ =	shalt  }
0x76: {  	_ =	shalt  }
0x77: {  	_ =	shalt  }
0x78: {  	_ =	shalt  }
0x79: {  	_ =	shalt  }
0x7a: {  	_ =	shalt  }
0x7b: {  	_ =	shalt  }
0x7c: {  	_ =	shalt  }
0x7d: {  	_ =	shalt  }
0x7e: {  	_ =	shalt  }
0x7f: {  	_ =	shalt  }
0x80: {  	_ =	shalt  }
0x81: {  	_ =	shalt  }
0x82: {  	_ =	shalt  }
0x83: {  	_ =	shalt  }
0x84: {  	_ =	shalt  }
0x85: {  	_ =	shalt  }
0x86: {  	_ =	shalt  }
0x87: {  	_ =	shalt  }
.Lfunc_end0:
.L_simem_size_0:
called_computation_lowered:
.L_overlay_start_0:
0x88: {  	s0 =	sld [smem:$0x3FD9]  }
0x89: {  	s1 =	sld [smem:$0x3FFE];
	_ =	sdelay $0x3  }
0x8a: {  	s0 =	sadd.s32 s1, s0  }
0x8b: {  	[smem:$0x3FAE] =	sst s0  }
0x8c: {  	_ = 	snop  }
0x8d: {  	(tm) =	ssettm $0x1  }
0x8e: {  	s15 =	sld [smem:$0x3FFB];
	_ =	sdelay $0x3  }
0x8f: {  	_ =	strace s15  }
0x90: {  	s0 =	sld [smem:$0x3FFC];
	_ =	sdelay $0x3  }
0x91: {  	_ =	strace s0  }
0x92: {  	s0 =	sld [smem:$0x3FFD];
	_ =	sdelay $0x3  }
0x93: {  	_ =	strace s0  }
0x94: {  	_ =	strace $0x8FFFFFFF  }
0x95: {  	s16 =	sld [smem:$0x3FDB];
	_ =	sdelay $0x1  }
0x96: {  	s17 =	simm.s32 $_scs_section_size  }
0x97: {  	s2 =	simm.s32 $_size__tile_overlayer_lowered;
	s3 =	simm.s32 $_tile_overlayer_lowered  }
0x98: {  	s20 =	simm.s32 $0x1BFF;
	s19 =	sshll.u32 s3, $0x1;
	s0 =	sadd.s32 s17, s16  }
0x99: {  	s4 =	simm.s32 $0x0;
	s18 =	sshll.u32 s2, $0x1;
	s2 =	sadd.s32 s19, s0  }
0x9a: {  	[timem:s4], [sflag:s20] =	dma.local [hbm:s2], s18  }
0x9b: {  	_ =	swait.ge [sflag:s20], s18  }
0x9c: {  	s1 =	ssub.s32 $0x0, s18;
	[sflag:s20] =	ssyncset.done $0x0  }
0x9d: {  	[sflag:s20] =	ssyncadd.s32 s1;
	_ =	sdelay $0x1  }
0x9e: {  	s21 =	simm.s32 $0x1B8B  }
0x9f: {  	_ =	swait.ge [sflag:s21], $0x1  }
0xa0: {  	[sflag:s21] =	ssyncset.done $0x0  }
0xa1: {  	s23 =	simm.s32 $0x1B8E;
	s22 =	sld [smem:$0x3FFE];
	[sflag:s21] =	ssyncadd.s32 $0xFFFFFFFF  }
0xa2: {  	s24 =	simm.s32 $execute0_lowered;
	[smem:$0x3FD2] =	sst s23  }
0xa3: {  	s2 =	sshll.u32 s24, $0x1;
	_ =	strace $0x80000049;
	[dreg:$0x1] =	wrdreg $0xFFFFFFFF  }
0xa4: {  	s25 =	simm.s32 $_size_execute0_lowered;
	s0 =	sadd.s32 s0, s2;
	[dreg:$0x0] =	wrdreg $0x0  }
0xa5: {  	s2 =	sshll.u32 s25, $0x1;
	[dreg:$0x2] =	wrdreg s0  }
0xa6: {  	[dreg:$0x3] =	wrdreg s2  }
0xa7: {  	[dreg:$0x4] =	wrdreg $0xC0  }
0xa8: {  	_ =	task [dreg:s4], $0x5FFFF  }
0xa9: {  	[dreg:$0x1] =	wrdreg $0xFFFFFFFF  }
0xaa: {  	[dreg:$0x0] =	wrdreg $0x60  }
0xab: {  	[dreg:$0x2] =	wrdreg s22  }
0xac: {  	[dreg:$0x3] =	wrdreg $0x9  }
0xad: {  	_ =	task.clear_ibuf [dreg:s4], $0x4FFFF;
	_ =	strace $0x90000049  }
0xae: {  	s26 =	simm.s32 $0x9;
	_ =	strace $0x8000004B  }
0xaf: {  	_ =	swait.ge [sflag:s26], $0x1  }
0xb0: {  	[sflag:s26] =	ssyncadd.s32 $0xFFFFFFFF  }
0xb1: {  	_ =	strace $0x9000004B  }
0xb2: {  	_ =	sfence  }
0xb3: {  	s28 =	sld [smem:$0x0];
	_ =	sdelay $0x1  }
0xb4: {  	s29 =	srdreg.scid  }
0xb5: {  	s30 =	sshll.u32 s29, $0xD;
	s31 =	sshrl.u32 s29, $0x2  }
0xb6: {  	s1 =	sand.u32 $0x1, s29;
	s2 =	sand.u32 $0x4000, s30;
	s0 =	sadd.s32 s31, s28  }
0xb7: {  	s1 =	sor.u32 s2, s1;
	s0 =	sshll.u32 s0, $0x11  }
0xb8: {  	s0 =	sor.u32 s0, s1  }
0xb9: {  	s0 =	sadd.s32 $0x8F2B, s0  }
0xba: {  	[sflag:s0] =	ssyncadd.remote.s32 $0x1  }
0xbb: {  	_ =	sfence.sel $0xFFFF  }
0xbc: {  	[dreg:$0x0] =	wrdreg $0xFFFFFFFF;
	(pc) =	sbr.abs _section_cstart, $3  }
0xbd: {  	[dreg:$0x1] =	wrdreg $0xFFFFFFFF  }
0xbe: {  	_ =	task.clear_ibuf [dreg:s4], $0x2FFFF;
	_ =	strace $0x9FFFFFFF  }
0xbf: {  	(tm) =	ssettm $0x7FFFFFFF  }
tec
execute0_lowered:
.L_overlay_start_1:
0x0: {  	(tag) =	ssettag $0x1  }
0x1: {  	s8 =	rddreg [dreg:$0x0];
	_ =	strace $0x8000004A;
	s11 =	simm.s32 $0x1  }
0x2: {  	v0 =	vimm.s32 $0x0;
	[sflag:s11] =	ssyncpa.u1 $0x0  }
0x3: {  	[tilespmem:$0x28] =	vst v0  }
0x4: {  	[tilespmem:$0x38] =	vst v0  }
0x5: {  	[tilespmem:$0x48] =	vst v0  }
0x6: {  	[tilespmem:$0x58] =	vst v0  }
0x7: {  	[tilespmem:$0x68] =	vst v0  }
0x8: {  	[tilespmem:$0x78] =	vst v0  }
0x9: {  	[tilespmem:$0x88] =	vst v0  }
0xa: {  	[tilespmem:$0x98] =	vst v0  }
0xb: {  	[tilespmem:$0xA8] =	vst v0  }
0xc: {  	[tilespmem:$0xB8] =	vst v0  }
0xd: {  	[tilespmem:$0xC8] =	vst v0  }
0xe: {  	[tilespmem:$0xD8] =	vst v0  }
0xf: {  	[tilespmem:$0xE8] =	vst v0  }
0x10: {  	[tilespmem:$0xF8] =	vst v0  }
0x11: {  	[tilespmem:$0x108] =	vst v0  }
0x12: {  	[tilespmem:$0x118] =	vst v0  }
0x13: {  	[tilespmem:$0x128] =	vst v0  }
0x14: {  	[tilespmem:$0x138] =	vst v0  }
0x15: {  	[tilespmem:$0x148] =	vst v0  }
0x16: {  	[tilespmem:$0x158] =	vst v0  }
0x17: {  	[tilespmem:$0x168] =	vst v0  }
0x18: {  	[tilespmem:$0x178] =	vst v0  }
0x19: {  	[tilespmem:$0x188] =	vst v0  }
0x1a: {  	[tilespmem:$0x198] =	vst v0  }
0x1b: {  	[tilespmem:$0x1A8] =	vst v0  }
0x1c: {  	[tilespmem:$0x1B8] =	vst v0  }
0x1d: {  	[tilespmem:$0x1C8] =	vst v0  }
0x1e: {  	[tilespmem:$0x1D8] =	vst v0  }
0x1f: {  	[tilespmem:$0x1E8] =	vst v0  }
0x20: {  	[tilespmem:$0x1F8] =	vst v0  }
0x21: {  	[tilespmem:$0x208] =	vst v0  }
0x22: {  	[tilespmem:$0x218] =	vst v0  }
0x23: {  	[tilespmem:$0x228] =	vst v0  }
0x24: {  	[tilespmem:$0x238] =	vst v0  }
0x25: {  	[tilespmem:$0x248] =	vst v0  }
0x26: {  	[tilespmem:$0x258] =	vst v0  }
0x27: {  	[tilespmem:$0x268] =	vst v0  }
0x28: {  	[tilespmem:$0x278] =	vst v0  }
0x29: {  	[tilespmem:$0x288] =	vst v0  }
0x2a: {  	[tilespmem:$0x298] =	vst v0  }
0x2b: {  	[tilespmem:$0x2A8] =	vst v0  }
0x2c: {  	[tilespmem:$0x2B8] =	vst v0  }
0x2d: {  	[tilespmem:$0x2C8] =	vst v0  }
0x2e: {  	[tilespmem:$0x2D8] =	vst v0  }
0x2f: {  	[tilespmem:$0x2E8] =	vst v0  }
0x30: {  	[tilespmem:$0x2F8] =	vst v0  }
0x31: {  	[tilespmem:$0x308] =	vst v0  }
0x32: {  	[tilespmem:$0x318] =	vst v0  }
0x33: {  	[tilespmem:$0x328] =	vst v0  }
0x34: {  	[tilespmem:$0x338] =	vst v0  }
0x35: {  	[tilespmem:$0x348] =	vst v0  }
0x36: {  	[tilespmem:$0x358] =	vst v0  }
0x37: {  	[tilespmem:$0x368] =	vst v0  }
0x38: {  	[tilespmem:$0x378] =	vst v0  }
0x39: {  	[tilespmem:$0x388] =	vst v0  }
0x3a: {  	[tilespmem:$0x398] =	vst v0  }
0x3b: {  	[tilespmem:$0x3A8] =	vst v0  }
0x3c: {  	[tilespmem:$0x3B8] =	vst v0  }
0x3d: {  	[tilespmem:$0x3C8] =	vst v0  }
0x3e: {  	[tilespmem:$0x3D8] =	vst v0  }
0x3f: {  	[tilespmem:$0x3E8] =	vst v0  }
0x40: {  	[tilespmem:$0x3F8] =	vst v0  }
0x41: {  	[tilespmem:$0x408] =	vst v0  }
0x42: {  	[tilespmem:$0x418] =	vst v0  }
0x43: {  	[tilespmem:$0x428] =	vst v0  }
0x44: {  	[tilespmem:$0x438] =	vst v0  }
0x45: {  	[tilespmem:$0x448] =	vst v0  }
0x46: {  	[tilespmem:$0x458] =	vst v0  }
0x47: {  	[tilespmem:$0x468] =	vst v0  }
0x48: {  	[tilespmem:$0x478] =	vst v0  }
0x49: {  	[tilespmem:$0x488] =	vst v0  }
0x4a: {  	[tilespmem:$0x498] =	vst v0  }
0x4b: {  	[tilespmem:$0x4A8] =	vst v0  }
0x4c: {  	[tilespmem:$0x4B8] =	vst v0  }
0x4d: {  	[tilespmem:$0x4C8] =	vst v0  }
0x4e: {  	[tilespmem:$0x4D8] =	vst v0  }
0x4f: {  	[tilespmem:$0x4E8] =	vst v0  }
0x50: {  	[tilespmem:$0x4F8] =	vst v0  }
0x51: {  	[tilespmem:$0x508] =	vst v0  }
0x52: {  	[tilespmem:$0x518] =	vst v0  }
0x53: {  	[tilespmem:$0x528] =	vst v0  }
0x54: {  	[tilespmem:$0x538] =	vst v0  }
0x55: {  	[tilespmem:$0x548] =	vst v0  }
0x56: {  	[tilespmem:$0x558] =	vst v0  }
0x57: {  	[tilespmem:$0x568] =	vst v0  }
0x58: {  	[tilespmem:$0x578] =	vst v0  }
0x59: {  	[tilespmem:$0x588] =	vst v0  }
0x5a: {  	[tilespmem:$0x598] =	vst v0  }
0x5b: {  	[tilespmem:$0x5A8] =	vst v0  }
0x5c: {  	[tilespmem:$0x5B8] =	vst v0  }
0x5d: {  	[tilespmem:$0x5C8] =	vst v0  }
0x5e: {  	[tilespmem:$0x5D8] =	vst v0  }
0x5f: {  	[tilespmem:$0x5E8] =	vst v0  }
0x60: {  	[tilespmem:$0x5F8] =	vst v0  }
0x61: {  	[tilespmem:$0x608] =	vst v0  }
0x62: {  	[tilespmem:$0x618] =	vst v0  }
0x63: {  	[tilespmem:$0x628] =	vst v0  }
0x64: {  	[tilespmem:$0x638] =	vst v0  }
0x65: {  	[tilespmem:$0x648] =	vst v0  }
0x66: {  	[tilespmem:$0x658] =	vst v0  }
0x67: {  	[tilespmem:$0x668] =	vst v0  }
0x68: {  	[tilespmem:$0x678] =	vst v0  }
0x69: {  	[tilespmem:$0x688] =	vst v0  }
0x6a: {  	[tilespmem:$0x698] =	vst v0  }
0x6b: {  	[tilespmem:$0x6A8] =	vst v0  }
0x6c: {  	[tilespmem:$0x6B8] =	vst v0  }
0x6d: {  	[tilespmem:$0x6C8] =	vst v0  }
0x6e: {  	[tilespmem:$0x6D8] =	vst v0  }
0x6f: {  	[tilespmem:$0x6E8] =	vst v0  }
0x70: {  	[tilespmem:$0x6F8] =	vst v0  }
0x71: {  	[tilespmem:$0x708] =	vst v0  }
0x72: {  	[tilespmem:$0x718] =	vst v0  }
0x73: {  	[tilespmem:$0x728] =	vst v0  }
0x74: {  	[tilespmem:$0x738] =	vst v0  }
0x75: {  	[tilespmem:$0x748] =	vst v0  }
0x76: {  	[tilespmem:$0x758] =	vst v0  }
0x77: {  	[tilespmem:$0x768] =	vst v0  }
0x78: {  	[tilespmem:$0x778] =	vst v0  }
0x79: {  	[tilespmem:$0x788] =	vst v0  }
0x7a: {  	[tilespmem:$0x798] =	vst v0  }
0x7b: {  	[tilespmem:$0x7A8] =	vst v0  }
0x7c: {  	[tilespmem:$0x7B8] =	vst v0  }
0x7d: {  	[tilespmem:$0x7C8] =	vst v0  }
0x7e: {  	[tilespmem:$0x7D8] =	vst v0  }
0x7f: {  	[tilespmem:$0x7E8] =	vst v0  }
0x80: {  	[tilespmem:$0x7F8] =	vst v0  }
0x81: {  	[tilespmem:$0x808] =	vst v0  }
0x82: {  	[tilespmem:$0x818] =	vst v0  }
0x83: {  	[tilespmem:$0x828] =	vst v0  }
0x84: {  	[tilespmem:$0x838] =	vst v0  }
0x85: {  	[tilespmem:$0x848] =	vst v0  }
0x86: {  	[tilespmem:$0x858] =	vst v0  }
0x87: {  	[tilespmem:$0x868] =	vst v0  }
0x88: {  	[tilespmem:$0x878] =	vst v0  }
0x89: {  	[tilespmem:$0x888] =	vst v0  }
0x8a: {  	[tilespmem:$0x898] =	vst v0  }
0x8b: {  	[tilespmem:$0x8A8] =	vst v0  }
0x8c: {  	[tilespmem:$0x8B8] =	vst v0  }
0x8d: {  	[tilespmem:$0x8C8] =	vst v0  }
0x8e: {  	[tilespmem:$0x8D8] =	vst v0  }
0x8f: {  	[tilespmem:$0x8E8] =	vst v0  }
0x90: {  	[tilespmem:$0x8F8] =	vst v0  }
0x91: {  	[tilespmem:$0x908] =	vst v0  }
0x92: {  	[tilespmem:$0x918] =	vst v0  }
0x93: {  	[tilespmem:$0x928] =	vst v0  }
0x94: {  	[tilespmem:$0x938] =	vst v0  }
0x95: {  	[tilespmem:$0x948] =	vst v0  }
0x96: {  	[tilespmem:$0x958] =	vst v0  }
0x97: {  	[tilespmem:$0x968] =	vst v0  }
0x98: {  	[tilespmem:$0x978] =	vst v0  }
0x99: {  	[tilespmem:$0x988] =	vst v0  }
0x9a: {  	[tilespmem:$0x998] =	vst v0  }
0x9b: {  	[tilespmem:$0x9A8] =	vst v0  }
0x9c: {  	[tilespmem:$0x9B8] =	vst v0  }
0x9d: {  	[tilespmem:$0x9C8] =	vst v0  }
0x9e: {  	[tilespmem:$0x9D8] =	vst v0  }
0x9f: {  	[tilespmem:$0x9E8] =	vst v0  }
0xa0: {  	[tilespmem:$0x9F8] =	vst v0  }
0xa1: {  	[tilespmem:$0xA08] =	vst v0  }
0xa2: {  	[tilespmem:$0xA18] =	vst v0  }
0xa3: {  	[tilespmem:$0xA28] =	vst v0  }
0xa4: {  	[tilespmem:$0xA38] =	vst v0  }
0xa5: {  	[tilespmem:$0xA48] =	vst v0  }
0xa6: {  	[tilespmem:$0xA58] =	vst v0  }
0xa7: {  	[tilespmem:$0xA68] =	vst v0  }
0xa8: {  	[tilespmem:$0xA78] =	vst v0  }
0xa9: {  	[tilespmem:$0xA88] =	vst v0  }
0xaa: {  	[tilespmem:$0xA98] =	vst v0  }
0xab: {  	[tilespmem:$0xAA8] =	vst v0  }
0xac: {  	[tilespmem:$0xAB8] =	vst v0  }
0xad: {  	[tilespmem:$0xAC8] =	vst v0  }
0xae: {  	[tilespmem:$0xAD8] =	vst v0  }
0xaf: {  	[tilespmem:$0xAE8] =	vst v0  }
0xb0: {  	[tilespmem:$0xAF8] =	vst v0  }
0xb1: {  	[tilespmem:$0xB08] =	vst v0  }
0xb2: {  	[tilespmem:$0xB18] =	vst v0  }
0xb3: {  	[tilespmem:$0xB28] =	vst v0  }
0xb4: {  	[tilespmem:$0xB38] =	vst v0  }
0xb5: {  	[tilespmem:$0xB48] =	vst v0  }
0xb6: {  	[tilespmem:$0xB58] =	vst v0  }
0xb7: {  	[tilespmem:$0xB68] =	vst v0  }
0xb8: {  	[tilespmem:$0xB78] =	vst v0  }
0xb9: {  	[tilespmem:$0xB88] =	vst v0  }
0xba: {  	[tilespmem:$0xB98] =	vst v0  }
0xbb: {  	[tilespmem:$0xBA8] =	vst v0  }
0xbc: {  	[tilespmem:$0xBB8] =	vst v0  }
0xbd: {  	[tilespmem:$0xBC8] =	vst v0  }
0xbe: {  	[tilespmem:$0xBD8] =	vst v0  }
0xbf: {  	[tilespmem:$0xBE8] =	vst v0  }
0xc0: {  	[tilespmem:$0xBF8] =	vst v0  }
0xc1: {  	[tilespmem:$0xC08] =	vst v0  }
0xc2: {  	[tilespmem:$0xC18] =	vst v0  }
0xc3: {  	[tilespmem:$0xC28] =	vst v0  }
0xc4: {  	[tilespmem:$0xC38] =	vst v0  }
0xc5: {  	[tilespmem:$0xC48] =	vst v0  }
0xc6: {  	[tilespmem:$0xC58] =	vst v0  }
0xc7: {  	[tilespmem:$0xC68] =	vst v0  }
0xc8: {  	[tilespmem:$0xC78] =	vst v0  }
0xc9: {  	[tilespmem:$0xC88] =	vst v0  }
0xca: {  	[tilespmem:$0xC98] =	vst v0  }
0xcb: {  	[tilespmem:$0xCA8] =	vst v0  }
0xcc: {  	[tilespmem:$0xCB8] =	vst v0  }
0xcd: {  	[tilespmem:$0xCC8] =	vst v0  }
0xce: {  	[tilespmem:$0xCD8] =	vst v0  }
0xcf: {  	[tilespmem:$0xCE8] =	vst v0  }
0xd0: {  	[tilespmem:$0xCF8] =	vst v0  }
0xd1: {  	[tilespmem:$0xD08] =	vst v0  }
0xd2: {  	[tilespmem:$0xD18] =	vst v0  }
0xd3: {  	[tilespmem:$0xD28] =	vst v0  }
0xd4: {  	[tilespmem:$0xD38] =	vst v0  }
0xd5: {  	[tilespmem:$0xD48] =	vst v0  }
0xd6: {  	[tilespmem:$0xD58] =	vst v0  }
0xd7: {  	[tilespmem:$0xD68] =	vst v0  }
0xd8: {  	[tilespmem:$0xD78] =	vst v0  }
0xd9: {  	[tilespmem:$0xD88] =	vst v0  }
0xda: {  	[tilespmem:$0xD98] =	vst v0  }
0xdb: {  	[tilespmem:$0xDA8] =	vst v0  }
0xdc: {  	[tilespmem:$0xDB8] =	vst v0  }
0xdd: {  	[tilespmem:$0xDC8] =	vst v0  }
0xde: {  	[tilespmem:$0xDD8] =	vst v0  }
0xdf: {  	[tilespmem:$0xDE8] =	vst v0  }
0xe0: {  	[tilespmem:$0xDF8] =	vst v0  }
0xe1: {  	[tilespmem:$0xE08] =	vst v0  }
0xe2: {  	[tilespmem:$0xE18] =	vst v0  }
0xe3: {  	[tilespmem:$0xE28] =	vst v0  }
0xe4: {  	[tilespmem:$0xE38] =	vst v0  }
0xe5: {  	[tilespmem:$0xE48] =	vst v0  }
0xe6: {  	[tilespmem:$0xE58] =	vst v0  }
0xe7: {  	[tilespmem:$0xE68] =	vst v0  }
0xe8: {  	[tilespmem:$0xE78] =	vst v0  }
0xe9: {  	[tilespmem:$0xE88] =	vst v0  }
0xea: {  	[tilespmem:$0xE98] =	vst v0  }
0xeb: {  	[tilespmem:$0xEA8] =	vst v0  }
0xec: {  	[tilespmem:$0xEB8] =	vst v0  }
0xed: {  	[tilespmem:$0xEC8] =	vst v0  }
0xee: {  	[tilespmem:$0xED8] =	vst v0  }
0xef: {  	[tilespmem:$0xEE8] =	vst v0  }
0xf0: {  	[tilespmem:$0xEF8] =	vst v0  }
0xf1: {  	[tilespmem:$0xF08] =	vst v0  }
0xf2: {  	[tilespmem:$0xF18] =	vst v0  }
0xf3: {  	[tilespmem:$0xF28] =	vst v0  }
0xf4: {  	[tilespmem:$0xF38] =	vst v0  }
0xf5: {  	[tilespmem:$0xF48] =	vst v0  }
0xf6: {  	[tilespmem:$0xF58] =	vst v0  }
0xf7: {  	[tilespmem:$0xF68] =	vst v0  }
0xf8: {  	[tilespmem:$0xF78] =	vst v0  }
0xf9: {  	[tilespmem:$0xF88] =	vst v0  }
0xfa: {  	[tilespmem:$0xF98] =	vst v0  }
0xfb: {  	[tilespmem:$0xFA8] =	vst v0  }
0xfc: {  	[tilespmem:$0xFB8] =	vst v0  }
0xfd: {  	[tilespmem:$0xFC8] =	vst v0  }
0xfe: {  	[tilespmem:$0xFD8] =	vst v0  }
0xff: {  	[tilespmem:$0xFE8] =	vst v0  }
0x100: {  	[tilespmem:$0xFF8] =	vst v0  }
0x101: {  	[tilespmem:$0x1018] =	vst v0  }
0x102: {  	[tilespmem:$0x1098] =	vst v0  }
0x103: {  	[tilespmem:$0x1B28] =	vst v0  }
0x104: {  	[tilespmem:$0x1B18] =	vst v0  }
0x105: {  	[tilespmem:$0x1B08] =	vst v0  }
0x106: {  	[tilespmem:$0x1AF8] =	vst v0  }
0x107: {  	[tilespmem:$0x1AE8] =	vst v0  }
0x108: {  	[tilespmem:$0x1AD8] =	vst v0  }
0x109: {  	[tilespmem:$0x1AC8] =	vst v0  }
0x10a: {  	[tilespmem:$0x1AB8] =	vst v0  }
0x10b: {  	[tilespmem:$0x1AA8] =	vst v0  }
0x10c: {  	[tilespmem:$0x1A98] =	vst v0  }
0x10d: {  	[tilespmem:$0x1A88] =	vst v0  }
0x10e: {  	[tilespmem:$0x1A78] =	vst v0  }
0x10f: {  	[tilespmem:$0x1A68] =	vst v0  }
0x110: {  	[tilespmem:$0x1A58] =	vst v0  }
0x111: {  	[tilespmem:$0x1A48] =	vst v0  }
0x112: {  	[tilespmem:$0x1A38] =	vst v0  }
0x113: {  	[tilespmem:$0x1A28] =	vst v0  }
0x114: {  	[tilespmem:$0x1A18] =	vst v0  }
0x115: {  	[tilespmem:$0x1A08] =	vst v0  }
0x116: {  	[tilespmem:$0x19F8] =	vst v0  }
0x117: {  	[tilespmem:$0x19E8] =	vst v0  }
0x118: {  	[tilespmem:$0x19D8] =	vst v0  }
0x119: {  	[tilespmem:$0x19C8] =	vst v0  }
0x11a: {  	[tilespmem:$0x19B8] =	vst v0  }
0x11b: {  	[tilespmem:$0x19A8] =	vst v0  }
0x11c: {  	[tilespmem:$0x1998] =	vst v0  }
0x11d: {  	[tilespmem:$0x1988] =	vst v0  }
0x11e: {  	[tilespmem:$0x1978] =	vst v0  }
0x11f: {  	[tilespmem:$0x1968] =	vst v0  }
0x120: {  	[tilespmem:$0x1958] =	vst v0  }
0x121: {  	[tilespmem:$0x1948] =	vst v0  }
0x122: {  	[tilespmem:$0x1938] =	vst v0  }
0x123: {  	[tilespmem:$0x1928] =	vst v0  }
0x124: {  	[tilespmem:$0x1918] =	vst v0  }
0x125: {  	[tilespmem:$0x1908] =	vst v0  }
0x126: {  	[tilespmem:$0x18F8] =	vst v0  }
0x127: {  	[tilespmem:$0x18E8] =	vst v0  }
0x128: {  	[tilespmem:$0x18D8] =	vst v0  }
0x129: {  	[tilespmem:$0x18C8] =	vst v0  }
0x12a: {  	[tilespmem:$0x18B8] =	vst v0  }
0x12b: {  	[tilespmem:$0x18A8] =	vst v0  }
0x12c: {  	[tilespmem:$0x1898] =	vst v0  }
0x12d: {  	[tilespmem:$0x1888] =	vst v0  }
0x12e: {  	[tilespmem:$0x1878] =	vst v0  }
0x12f: {  	[tilespmem:$0x1868] =	vst v0  }
0x130: {  	[tilespmem:$0x1858] =	vst v0  }
0x131: {  	[tilespmem:$0x1848] =	vst v0  }
0x132: {  	[tilespmem:$0x1838] =	vst v0  }
0x133: {  	[tilespmem:$0x1828] =	vst v0  }
0x134: {  	[tilespmem:$0x1818] =	vst v0  }
0x135: {  	[tilespmem:$0x1808] =	vst v0  }
0x136: {  	[tilespmem:$0x17F8] =	vst v0  }
0x137: {  	[tilespmem:$0x17E8] =	vst v0  }
0x138: {  	[tilespmem:$0x17D8] =	vst v0  }
0x139: {  	[tilespmem:$0x17C8] =	vst v0  }
0x13a: {  	[tilespmem:$0x17B8] =	vst v0  }
0x13b: {  	[tilespmem:$0x17A8] =	vst v0  }
0x13c: {  	[tilespmem:$0x1798] =	vst v0  }
0x13d: {  	[tilespmem:$0x1788] =	vst v0  }
0x13e: {  	[tilespmem:$0x1778] =	vst v0  }
0x13f: {  	[tilespmem:$0x1768] =	vst v0  }
0x140: {  	[tilespmem:$0x1758] =	vst v0  }
0x141: {  	[tilespmem:$0x1748] =	vst v0  }
0x142: {  	[tilespmem:$0x1738] =	vst v0  }
0x143: {  	[tilespmem:$0x1728] =	vst v0  }
0x144: {  	[tilespmem:$0x1718] =	vst v0  }
0x145: {  	[tilespmem:$0x1708] =	vst v0  }
0x146: {  	[tilespmem:$0x16F8] =	vst v0  }
0x147: {  	[tilespmem:$0x16E8] =	vst v0  }
0x148: {  	[tilespmem:$0x16D8] =	vst v0  }
0x149: {  	[tilespmem:$0x16C8] =	vst v0  }
0x14a: {  	[tilespmem:$0x16B8] =	vst v0  }
0x14b: {  	[tilespmem:$0x16A8] =	vst v0  }
0x14c: {  	[tilespmem:$0x1698] =	vst v0  }
0x14d: {  	[tilespmem:$0x1688] =	vst v0  }
0x14e: {  	[tilespmem:$0x1678] =	vst v0  }
0x14f: {  	[tilespmem:$0x1668] =	vst v0  }
0x150: {  	[tilespmem:$0x1658] =	vst v0  }
0x151: {  	[tilespmem:$0x1648] =	vst v0  }
0x152: {  	[tilespmem:$0x1638] =	vst v0  }
0x153: {  	[tilespmem:$0x1628] =	vst v0  }
0x154: {  	[tilespmem:$0x1618] =	vst v0  }
0x155: {  	[tilespmem:$0x1608] =	vst v0  }
0x156: {  	[tilespmem:$0x15F8] =	vst v0  }
0x157: {  	[tilespmem:$0x15E8] =	vst v0  }
0x158: {  	[tilespmem:$0x15D8] =	vst v0  }
0x159: {  	[tilespmem:$0x15C8] =	vst v0  }
0x15a: {  	[tilespmem:$0x15B8] =	vst v0  }
0x15b: {  	[tilespmem:$0x15A8] =	vst v0  }
0x15c: {  	[tilespmem:$0x1598] =	vst v0  }
0x15d: {  	[tilespmem:$0x1588] =	vst v0  }
0x15e: {  	[tilespmem:$0x1578] =	vst v0  }
0x15f: {  	[tilespmem:$0x1568] =	vst v0  }
0x160: {  	[tilespmem:$0x1558] =	vst v0  }
0x161: {  	[tilespmem:$0x1548] =	vst v0  }
0x162: {  	[tilespmem:$0x1538] =	vst v0  }
0x163: {  	[tilespmem:$0x1528] =	vst v0  }
0x164: {  	[tilespmem:$0x1518] =	vst v0  }
0x165: {  	[tilespmem:$0x1508] =	vst v0  }
0x166: {  	[tilespmem:$0x14F8] =	vst v0  }
0x167: {  	[tilespmem:$0x14E8] =	vst v0  }
0x168: {  	[tilespmem:$0x14D8] =	vst v0  }
0x169: {  	[tilespmem:$0x14C8] =	vst v0  }
0x16a: {  	[tilespmem:$0x14B8] =	vst v0  }
0x16b: {  	[tilespmem:$0x14A8] =	vst v0  }
0x16c: {  	[tilespmem:$0x1498] =	vst v0  }
0x16d: {  	[tilespmem:$0x1488] =	vst v0  }
0x16e: {  	[tilespmem:$0x1478] =	vst v0  }
0x16f: {  	[tilespmem:$0x1468] =	vst v0  }
0x170: {  	[tilespmem:$0x1458] =	vst v0  }
0x171: {  	[tilespmem:$0x1448] =	vst v0  }
0x172: {  	[tilespmem:$0x1438] =	vst v0  }
0x173: {  	[tilespmem:$0x1428] =	vst v0  }
0x174: {  	[tilespmem:$0x1418] =	vst v0  }
0x175: {  	[tilespmem:$0x1408] =	vst v0  }
0x176: {  	[tilespmem:$0x13F8] =	vst v0  }
0x177: {  	[tilespmem:$0x13E8] =	vst v0  }
0x178: {  	[tilespmem:$0x13D8] =	vst v0  }
0x179: {  	[tilespmem:$0x13C8] =	vst v0  }
0x17a: {  	[tilespmem:$0x13B8] =	vst v0  }
0x17b: {  	[tilespmem:$0x13A8] =	vst v0  }
0x17c: {  	[tilespmem:$0x1398] =	vst v0  }
0x17d: {  	[tilespmem:$0x1388] =	vst v0  }
0x17e: {  	[tilespmem:$0x1378] =	vst v0  }
0x17f: {  	[tilespmem:$0x1368] =	vst v0  }
0x180: {  	[tilespmem:$0x1358] =	vst v0  }
0x181: {  	[tilespmem:$0x1348] =	vst v0  }
0x182: {  	[tilespmem:$0x1338] =	vst v0  }
0x183: {  	[tilespmem:$0x1328] =	vst v0  }
0x184: {  	[tilespmem:$0x1318] =	vst v0  }
0x185: {  	[tilespmem:$0x1308] =	vst v0  }
0x186: {  	[tilespmem:$0x12F8] =	vst v0  }
0x187: {  	[tilespmem:$0x12E8] =	vst v0  }
0x188: {  	[tilespmem:$0x12D8] =	vst v0  }
0x189: {  	[tilespmem:$0x12C8] =	vst v0  }
0x18a: {  	[tilespmem:$0x12B8] =	vst v0  }
0x18b: {  	[tilespmem:$0x12A8] =	vst v0  }
0x18c: {  	[tilespmem:$0x1298] =	vst v0  }
0x18d: {  	[tilespmem:$0x1288] =	vst v0  }
0x18e: {  	[tilespmem:$0x1278] =	vst v0  }
0x18f: {  	[tilespmem:$0x1268] =	vst v0  }
0x190: {  	[tilespmem:$0x1258] =	vst v0  }
0x191: {  	[tilespmem:$0x1248] =	vst v0  }
0x192: {  	[tilespmem:$0x1238] =	vst v0  }
0x193: {  	[tilespmem:$0x1228] =	vst v0  }
0x194: {  	[tilespmem:$0x1218] =	vst v0  }
0x195: {  	[tilespmem:$0x1208] =	vst v0  }
0x196: {  	[tilespmem:$0x11F8] =	vst v0  }
0x197: {  	[tilespmem:$0x11E8] =	vst v0  }
0x198: {  	[tilespmem:$0x11D8] =	vst v0  }
0x199: {  	[tilespmem:$0x11C8] =	vst v0  }
0x19a: {  	[tilespmem:$0x11B8] =	vst v0  }
0x19b: {  	[tilespmem:$0x11A8] =	vst v0  }
0x19c: {  	[tilespmem:$0x1198] =	vst v0  }
0x19d: {  	[tilespmem:$0x1188] =	vst v0  }
0x19e: {  	[tilespmem:$0x1178] =	vst v0  }
0x19f: {  	[tilespmem:$0x1168] =	vst v0  }
0x1a0: {  	[tilespmem:$0x1158] =	vst v0  }
0x1a1: {  	[tilespmem:$0x1148] =	vst v0  }
0x1a2: {  	[tilespmem:$0x1138] =	vst v0  }
0x1a3: {  	[tilespmem:$0x1128] =	vst v0  }
0x1a4: {  	[tilespmem:$0x1118] =	vst v0  }
0x1a5: {  	[tilespmem:$0x1108] =	vst v0  }
0x1a6: {  	[tilespmem:$0x10F8] =	vst v0  }
0x1a7: {  	s2 =	stileid.u32;
	[tilespmem:$0x10E8] =	vst v0  }
0x1a8: {  	s3 =	smul.u32 $0xCF90, s2;
	[tilespmem:$0x10D8] =	vst v0  }
0x1a9: {  	[tilespmem:$0x10C8] =	vst v0  }
0x1aa: {  	[tilespmem:$0x10B8] =	vst v0;
	s0 =	smin.u32 s3, $0xC28C0  }
0x1ab: {  	[tilespmem:$0x10A8] =	vst v0;
	s4 =	sadd.s32 $0xCF90, s0  }
0x1ac: {  	s5 =	simm.s32 $0x2;
	[tilespmem:$0x1028] =	vst v0;
	s0 =	ssub.s32 s4, s3  }
0x1ad: {  	s29 =	simm.s32 $0x7;
	s13 =	simm.s32 $0x8;
	[tilespmem:$0x1088] =	vst v0;
	p0 =	sgt.s32 s0, $0x0  }
0x1ae: {  	s30 =	simm.s32 $0x9;
	p4 =	por $0x0, $0x0;
	[tilespmem:$0x1078] =	vst v0;
	s0 =	simm.s32 @!p0 $0x0  }
0x1af: {  	s14 =	simm.s32 $0xA;
	s18 =	simm.s32 $0x0;
	[tilespmem:$0x1068] =	vst v0;
	s12 =	smulhi.u32 $0x97B426, s0  }
0x1b0: {  	s15 =	simm.s32 $0x0;
	s17 =	simm.s32 $0x0;
	s1 =	sadd.s32 $0x17EA00, s8;
	[tilespmem:$0x1058] =	vst v0  }
0x1b1: {  	s6 =	sadd.s32 $0x53200, s8;
	s7 =	sadd.s32 $0xF3A600, s8;
	[tilespmem:$0x1048] =	vst v0;
	s10 =	smul.u32 $0x1B0, s12  }
.Ltmp0:
0x1b2: {  	s8 =	sadd.s32 $0x6D200, s8;
	s31 =	sshll.u32 s2, $0x5;
	[tilespmem:$0x1038] =	vst v0;
	(pc) =	sbr.rel .LBB2_1-.Ltmp0, $4  }
0x1b3: {  	[tilespmem:$0x1008] =	vst v0;
	[sflag:s5] =	ssyncpa.u1 $0x0;
	v0 =	vimm.s32 $0xFFFFFFFF;
	[dreg:$0x2] =	wrdreg s31;
	p0 =	sne.s32 s0, s10  }
0x1b4: {  	[tilespmem:$0x3648] =	vst v0;
	[sflag:s29] =	ssyncpa.u1 $0x0;
	s16 =	smov.u32 s3;
	s11 =	simm.s32 @!p0 $0x0  }
0x1b5: {  	[sflag:s13] =	ssyncpa.u1 $0x0;
	s13 =	simm.s32 $0x0;
	s11 =	sadd.s32 s11, s12  }
0x1b6: {  	v0 =	vlaneseq.u32;
	[sflag:s30] =	ssyncpa.u1 $0x0;
	p0 =	por $0x1, $0x1;
	s12 =	sadd.s32 $0x1, s11  }
.LBB2_18:
0x1b7: {  	s0 =	simm.s32 $0x2  }
0x1b8: {  	_ =	swait.ge [sflag:s0], $0x0  }
0x1b9: {  	[sflag:s0] =	ssyncset.done $0x0;
	s0 =	simm.s32 $0x0  }
.LBB2_19:
0x1ba: {  	_ =	swait.ge [sflag:s14], s0  }
0x1bb: {  	s31 =	ssub.s32 $0x0, s0;
	v1 =	vmov s20;
	vm0 =	veq.s32 v0, $0x0;
	[sflag:s14] =	ssyncset.done $0x0  }
0x1bc: {  	vm15 =	veq.s32 v0, $0x2;
	v1 =	vsel vm0, s24, v1;
	[sflag:s14] =	ssyncadd.s32 s31  }
0x1bd: {  	v1 =	vsel vm15, s18, v1;
	[sflag:s14] =	ssyncpa.u1 $0x1  }
0x1be: {  	[tilespmem:$0x3648] =	vst v1  }
.LBB2_20:
0x1bf: {  	s0 =	sadd.s32 $0x1B0, s16  }
0x1c0: {  	s2 =	smov.u32 s3;
	p1 =	slt.s32 s0, s4  }
0x1c1: {  	s2 =	smov.u32 @p1 s0;
	p1 =	sne.s32 s17, s12  }
.Ltmp1:
0x1c2: {  	_ = 	snop;
	(pc) =	sbr.rel @!p1 .LBB2_21-.Ltmp1, $4  }
0x1c3: {  	_ = 	snop  }
0x1c4: {  	s18 =	smov.u32 s15  }
0x1c5: {  	s31 =	sadd.s32 $0x1, s17;
	s15 =	smov.u32 s16;
	p0 =	por !p0, !p0  }
0x1c6: {  	p4 =	por !p4, !p4;
	s17 =	smov.u32 s31;
	s16 =	smov.u32 s2  }
.LBB2_1:
0x1c7: {  	p2 =	sge.u32 s17, s11  }
0x1c8: {  	s0 =	smulhi.u32 @!p2 $0xAAAAAAAB, s17  }
0x1c9: {  	s19 =	smov.u32 s16;
	p3 =	sgt.s32 @!p2 s16, $0xCF6A0  }
0x1ca: {  	s20 =	sshra.s32 @!p2 s16, $0x1F;
	p3 =	por !p3, p2;
	s0 =	sshrl.u32 @!p2 s0, $0x1  }
0x1cb: {  	s20 =	sand.u32 @!p2 s20, s16;
	s19 =	simm.s32 @p3 $0xCF6A0;
	s0 =	smul.u32 @!p2 $0x3, s0  }
0x1cc: {  	s19 =	ssub.s32 @!p2 s19, s20  }
0x1cd: {  	s19 =	sadd.s32 @!p2 $0xFFF30960, s19;
	s0 =	ssub.s32 @!p2 s17, s0  }
0x1ce: {  	s20 =	sshll.u32 @!p2 s19, $0x2;
	p3 =	sgt.s32 @!p2 s19, $0x1AF;
	s0 =	smul.u32 @!p2 $0x6C0, s0  }
0x1cf: {  	s21 =	sand.u32 @!p2 $0x7, s16;
	s19 =	ssub.s32 @!p2 $0x6C0, s20;
	p3 =	por !p3, p2  }
0x1d0: {  	s20 =	sshrl.u32 @!p2 s16, $0x3;
	s19 =	sshrl.u32 @!p2 s19, $0x2;
	s0 =	sshrl.u32 @!p2 s0, $0x2  }
0x1d1: {  	s20 =	sadd.s32 @!p2 s8, s20;
	s19 =	simm.s32 @!p3 $0x0;
	s0 =	sadd.s32 @!p2 $0x3878, s0  }
0x1d2: {  	[tilespmem:s0], [sflag:$0x8] =	stream.linear.gather @!p2 [hbm4b:s20+s21], s19, $0x38;
	[tilespmem:$0x1F0E8] =	vst v63  }
0x1d3: {  	s20 =	sadd.s32 $0xFFFFFFFF, s17  }
0x1d4: {  	p2 =	sge.u32 s20, s11  }
0x1d5: {  	p3 =	sgt.s32 @!p2 s15, $0xCF6A0  }
0x1d6: {  	s0 =	smov.u32 s15;
	s19 =	sshra.s32 @!p2 s15, $0x1F;
	p3 =	por !p3, p2  }
0x1d7: {  	s19 =	sand.u32 @!p2 s19, s15;
	s0 =	simm.s32 @p3 $0xCF6A0  }
0x1d8: {  	s0 =	ssub.s32 @!p2 s0, s19  }
0x1d9: {  	s0 =	sadd.s32 @!p2 $0xFFF30960, s0  }
0x1da: {  	s19 =	sshll.u32 @!p2 s0, $0x2  }
0x1db: {  	p3 =	sgt.s32 @!p2 s0, $0x1AF;
	s0 =	ssub.s32 @!p2 $0x6C0, s19  }
0x1dc: {  	p3 =	por !p3, p2;
	s0 =	sshrl.u32 @!p2 s0, $0x2  }
0x1dd: {  	s21 =	simm.s32 @!p2 $0x8;
	s19 =	sand.u32 @!p2 $0x1, s20;
	s0 =	simm.s32 @!p3 $0x0  }
0x1de: {  	s19 =	smul.u32 @!p2 $0x6C0, s19;
	_ =	swait.ge @!p2 [sflag:s21], s0  }
0x1df: {  	s22 =	ssub.s32 @!p2 $0x0, s0;
	[sflag:s21] =	ssyncset.done @!p2 $0x0  }
0x1e0: {  	s19 =	sshrl.u32 @!p2 s19, $0x2;
	[sflag:s21] =	ssyncadd.s32 @!p2 s22;
	s21 =	sshrl.u32 @!p2 s15, $0x3  }
0x1e1: {  	s19 =	sadd.s32 @!p2 $0x3D88, s19;
	s22 =	sand.u32 @!p2 $0x7, s15;
	s21 =	sadd.s32 @!p2 s6, s21  }
0x1e2: {  	[tilespmem:s19], [sflag:$0x9] =	stream.linear.gather @!p2 [hbm4b:s21+s22], s0, $0x38;
	[tilespmem:$0x1F0E8] =	vst v63  }
0x1e3: {  	s19 =	ssub.s32 @!p2 $0xCF850, s15  }
0x1e4: {  	p3 =	slt.s32 @!p2 s19, $0x1  }
0x1e5: {  	p3 =	por p2, p3  }
.Ltmp2:
0x1e6: {  	_ = 	snop;
	(pc) =	sbr.rel @p3 .LBB2_7-.Ltmp2, $1  }
0x1e7: {  	_ =	sdelay $0x3  }
0x1e8: {  	s0 =	smulhi.u32 $0xAAAAAAAB, s20;
	_ =	sdelay $0x1  }
0x1e9: {  	s0 =	sshrl.u32 s0, $0x1  }
0x1ea: {  	s0 =	smul.u32 $0x3, s0;
	_ =	sdelay $0x1  }
0x1eb: {  	s0 =	ssub.s32 s20, s0  }
0x1ec: {  	s21 =	simm.s32 $0x1;
	s0 =	smul.u32 $0x6C0, s0  }
.Ltmp3:
0x1ed: {  	s21 =	simm.s32 @!p0 $0x0;
	(pc) =	sbr.rel .LBB2_4-.Ltmp3, $4  }
0x1ee: {  	s31 =	smul.u32 $0x36000, s21  }
0x1ef: {  	p3 =	slt.s32 @!p2 s19, $0x1B0;
	s0 =	sshrl.u32 s0, $0x2  }
0x1f0: {  	p2 =	por !p3, p2;
	s20 =	sshrl.u32 s31, $0x2;
	s0 =	sadd.s32 $0x3878, s0  }
0x1f1: {  	s19 =	simm.s32 @p2 $0x1B0;
	s21 =	simm.s32 $0x0;
	s20 =	sadd.s32 $0x40E8, s20;
	v1 =	vmov s0  }
.LBB2_3:
0x1f2: {  	p2 =	sge.s32 s21, s19  }
.Ltmp4:
0x1f3: {  	_ = 	snop;
	(pc) =	sbr.rel @p2 .LBB2_7-.Ltmp4, $2  }
0x1f4: {  	_ =	sdelay $0x2  }
0x1f5: {  	s20 =	sadd.s32 $0x800, s20  }
.LBB2_4:
0x1f6: {  	p2 =	sle.s32 s19, s21  }
.Ltmp5:
0x1f7: {  	_ = 	snop;
	(pc) =	sbr.rel @p2 .LBB2_3-.Ltmp5, $2  }
0x1f8: {  	_ =	sdelay $0x2  }
0x1f9: {  	s22 =	smov.u32 s21;
	s21 =	sadd.s32 $0x10, s21  }
0x1fa: {  	s0 =	ssub.s32 s19, s22  }
0x1fb: {  	p2 =	slt.s32 s0, $0x10  }
0x1fc: {  	s0 =	simm.s32 @!p2 $0x10  }
0x1fd: {  	v2 =	vmov s0  }
0x1fe: {  	vm0 =	vgt.s32 v2, v0;
	_ =	sdelay $0x5  }
0x1ff: {  	v2 =	vld.idx.msk [tilespmem:v1+s22+$0x0 ss:$0x1], vm0;
	_ =	sdelay $0x2  }
0x200: {  	s23 =	smov.u32 s19;
	p2 =	slt.s32 s21, s19  }
0x201: {  	s24 =	smov.u32 s20;
	s25 =	simm.s32 $0x0;
	s23 =	smov.u32 @p2 s21  }
.LBB2_6:
0x202: {  	(v2sf) =	vpush v2, s25;
	_ =	sdelay $0xc  }
0x203: {  	s25 =	sadd.s32 $0x1, s25  }
0x204: {  	s31 =	sadd.s32 s25, s22  }
0x205: {  	p2 =	slt.s32 s31, s23;
	s0 =	spop (v2sf)  }
.Ltmp6:
0x206: {  	s0 =	sshll.u32 s0, $0x4;
	(pc) =	sbr.rel @p2 .LBB2_6-.Ltmp6, $4  }
0x207: {  	s0 =	sand.u32 $0x1FFFFFF0, s0  }
0x208: {  	s0 =	sadd.s32 s7, s0  }
0x209: {  	[tilespmem:s24], [sflag:$0x7] =	stream.linear.gather [hbm4b:s0+s13], $0x2, $0x38;
	[tilespmem:$0x1F0E8] =	vst v63  }
0x20a: {  	s24 =	sadd.s32 $0x80, s24  }
.Ltmp7:
0x20b: {  	_ = 	snop;
	(pc) =	sbr.rel .LBB2_3-.Ltmp7, $1  }
0x20c: {  	_ =	sdelay $0x3  }
.LBB2_7:
0x20d: {  	p2 =	slt.u32 s17, $0x2  }
.Ltmp8:
0x20e: {  	_ = 	snop;
	(pc) =	sbr.rel @p2 .LBB2_20-.Ltmp8, $1  }
0x20f: {  	_ =	sdelay $0x3  }
0x210: {  	p2 =	sgt.s32 s18, $0xCF6A0;
	s0 =	smov.u32 s18  }
0x211: {  	s19 =	sshra.s32 s18, $0x1F;
	s20 =	ssub.s32 $0xCF850, s18;
	s0 =	simm.s32 @!p2 $0xCF6A0  }
0x212: {  	s19 =	sand.u32 s19, s18;
	p2 =	slt.s32 s20, $0x1B0;
	s21 =	smov.u32 s20  }
0x213: {  	s0 =	ssub.s32 s0, s19;
	s21 =	simm.s32 @!p2 $0x1B0  }
0x214: {  	s0 =	sadd.s32 $0xFFF30960, s0;
	s26 =	sshll.u32 s21, $0x1  }
0x215: {  	s2 =	simm.s32 $0x7;
	s28 =	sshll.u32 s0, $0x2;
	s19 =	sand.u32 $0x3FFFFFFE, s26  }
0x216: {  	p2 =	sgt.s32 s0, $0x1AF;
	s29 =	ssub.s32 $0x6C0, s28;
	_ =	swait.ge [sflag:s2], s19  }
0x217: {  	s19 =	ssub.s32 $0x0, s19;
	[sflag:s2] =	ssyncset.done $0x0;
	s0 =	sshrl.u32 s29, $0x2  }
0x218: {  	s30 =	simm.s32 $0x9;
	[sflag:s2] =	ssyncadd.s32 s19;
	s0 =	simm.s32 @p2 $0x0  }
0x219: {  	_ =	swait.ge [sflag:s30], s0  }
0x21a: {  	s0 =	ssub.s32 $0x0, s0;
	[sflag:s30] =	ssyncset.done $0x0  }
0x21b: {  	[sflag:s30] =	ssyncadd.s32 s0  }
0x21c: {  	v1 =	vld [tilespmem:$0x3648];
	_ =	sdelay $0x4  }
0x21d: {  	(v2sf) =	vpush v1, $0x0  }
0x21e: {  	(v2sf) =	vpush v1, $0x1  }
0x21f: {  	(v2sf) =	vpush v1, $0x2;
	_ =	sdelay $0x3  }
0x220: {  	s0 =	sadd.s32 $0x1B0, s18  }
0x221: {  	p2 =	slt.s32 s4, s0  }
0x222: {  	s0 =	smov.u32 @p2 s4;
	p2 =	sgt.s32 s20, $0x0  }
0x223: {  	s22 =	ssub.s32 s0, s18;
	s20 =	simm.s32 @!p2 $0x0  }
0x224: {  	p2 =	slt.s32 s20, s22  }
0x225: {  	s22 =	smov.u32 @p2 s20  }
0x226: {  	s21 =	simm.s32 $0x1;
	p2 =	slt.s32 s22, $0x1  }
.Ltmp9:
0x227: {  	s21 =	simm.s32 @!p4 $0x0;
	(pc) =	sbr.rel @p2 .LBB2_12-.Ltmp9, $4  }
0x228: {  	s31 =	smul.u32 $0x6C0, s21  }
0x229: {  	s23 =	spop (v2sf)  }
0x22a: {  	s0 =	sshrl.u32 s31, $0x2;
	s25 =	spop (v2sf)  }
0x22b: {  	s19 =	sadd.s32 $0x3D88, s0;
	s18 =	spop (v2sf)  }
0x22c: {  	s0 =	smin.u32 s22, $0x10  }
0x22d: {  	v1 =	vmov s0  }
0x22e: {  	p3 =	sgt.s32 s22, $0x10;
	vm1 =	vgt.u32 v1, v0  }
.Ltmp10:
0x22f: {  	_ = 	snop;
	(pc) =	sbr.rel @!p3 .LBB2_11-.Ltmp10, $2  }
0x230: {  	_ =	sdelay $0x2  }
0x231: {  	s24 =	simm.s32 $0x10;
	s26 =	sadd.s32 $0xFFFFFFF0, s22;
	s20 =	smov.u32 s19;
	vm0 =	vmmov vm1  }
.LBB2_10:
0x232: {  	s0 =	smin.u32 s26, $0x10;
	s24 =	sadd.s32 $0x10, s24;
	v1 =	vld.msk [tilespmem:s20+$0x0 ss:$0x1], vm1  }
0x233: {  	v2 =	vmov s0;
	p3 =	slt.s32 s24, s22  }
0x234: {  	vm1 =	vgt.u32 v2, v0  }
.Ltmp11:
0x235: {  	(pc) =	sbr.rel @p3 .LBB2_10-.Ltmp11, $3  }
0x236: {  	_ =	sdelay $0x1  }
0x237: {  	v1 =	vshll.u32 v1, $0x4  }
0x238: {  	s26 =	sadd.s32 $0xFFFFFFF0, s26;
	[tilespmem:s20+$0x0] =	vst.msk vm0, v1;
	s20 =	sadd.s32 $0x10, s20;
	vm0 =	vmmov vm1  }
.LBB2_11:
0x239: {  	_ =	sdelay $0x4  }
0x23a: {  	v1 =	vld.msk [tilespmem:s20+$0x0 ss:$0x1], vm1;
	_ =	sdelay $0x4  }
0x23b: {  	v1 =	vshll.u32 v1, $0x4  }
0x23c: {  	[tilespmem:s20+$0x0] =	vst.msk vm0, v1  }
.LBB2_12:
0x23d: {  	s0 =	sand.u32 $0x1, s17  }
0x23e: {  	s20 =	smul.u32 $0x1B0, s0  }
0x23f: {  	p3 =	sne.s32 s25, $0xFFFFFFFF  }
0x240: {  	v1 =	vld.msk @!p3 [tilespmem:s20+$0x3D88], $0x1;
	_ =	sdelay $0x4  }
0x241: {  	(v2sf) =	vpush @!p3 v1, $0x0;
	_ =	sdelay $0x9  }
0x242: {  	s0 =	smul.u32 $0xD800, s0;
	_ =	sdelay $0x1  }
0x243: {  	v1 =	vld.msk @!p3 [tilespmem:s0+$0x40E8], $0x3  }
.Ltmp12:
0x244: {  	_ = 	snop;
	(pc) =	sbr.rel @p2 .LBB2_18-.Ltmp12, $4  }
0x245: {  	_ = 	snop  }
0x246: {  	s24 =	spop @!p3 (v2sf)  }
0x247: {  	s18 =	simm.s32 @!p3 $0x0;
	s0 =	simm.s32 @!p3 $0x28;
	s20 =	smov.u32 s24  }
0x248: {  	[tilespmem:s0+$0x0] =	vst.msk @!p3 $0x3, v1;
	[sflag:s14] =	ssyncpa.u1 $0x0;
	s24 =	smov.u32 @p3 s23;
	s20 =	smov.u32 @p3 s25  }
0x249: {  	v1 =	vld.msk [tilespmem:s19+$0x0], $0x1;
	_ =	sdelay $0x4  }
0x24a: {  	(v2sf) =	vpush v1, $0x0;
	_ =	sdelay $0xd  }
0x24b: {  	s0 =	simm.s32 @!p4 $0x0  }
0x24c: {  	s26 =	smul.u32 $0x36000, s21;
	s25 =	ssub.s32 $0x0, s22;
	s28 =	spop (v2sf)  }
0x24d: {  	s0 =	simm.s32 @p4 $0x1;
	s23 =	sadd.s32 $0x1, s25;
	p2 =	seq.s32 s24, s28  }
0x24e: {  	[smem:$0x7FD] =	sst s0;
	s0 =	sshrl.u32 s26, $0x2;
	p3 =	sgt.s32 @!p2 s24, $0x0  }
0x24f: {  	s21 =	sadd.s32 $0x40E8, s0;
	s0 =	smov.u32 s24;
	p3 =	por !p3, p2  }
0x250: {  	s0 =	simm.s32 @p3 $0x0;
	p3 =	seq.s32 s23, $0x0  }
.Ltmp13:
0x251: {  	_ = 	snop;
	(pc) =	sbr.rel @p3 .LBB2_15-.Ltmp13, $4  }
0x252: {  	_ = 	snop  }
0x253: {  	s22 =	simm.s32 $0x0;
	s29 =	simm.s32 @!p2 $0x1;
	s0 =	smin.u32 @!p2 s0, $0xC34FF  }
0x254: {  	s30 =	simm.s32 @!p2 $0x1B38;
	s29 =	smov.u32 @p2 s22;
	s26 =	sand.u32 @!p2 $0xFFFF8, s0  }
0x255: {  	s31 =	sand.u32 @!p2 $0x7, s0;
	s0 =	sadd.s32 @!p2 s1, s26;
	s26 =	sadd.s32 $0x1, s19  }
.LBB2_14:
0x256: {  	s2 =	smov.u32 s29  }
0x257: {  	[tilespmem:s30], [sflag:$0x2] =	stream.linear.gather @!p2 [hbm4b:s0+s31], $0x2, $0x38;
	[tilespmem:$0x1F0E8] =	vst v63  }
0x258: {  	s23 =	sadd.s32 $0x1, s23;
	s0 =	smov.u32 s28;
	v1 =	vld.msk [tilespmem:s26+$0x0], $0x1  }
0x259: {  	p3 =	seq.s32 s23, $0x0;
	_ =	sdelay $0x3  }
0x25a: {  	(v2sf) =	vpush v1, $0x0;
	_ =	sdelay $0xe  }
0x25b: {  	s28 =	spop (v2sf)  }
0x25c: {  	p2 =	seq.s32 s0, s28  }
0x25d: {  	p4 =	sgt.s32 @!p2 s0, $0x0;
	s30 =	sshll.u32 @!p2 s29, $0x6;
	s29 =	sadd.s32 @!p2 $0x1, s29  }
.Ltmp14:
0x25e: {  	p4 =	por !p4, p2;
	s30 =	sshra.s32 @!p2 s30, $0x2;
	(pc) =	sbr.rel @!p3 .LBB2_14-.Ltmp14, $4  }
0x25f: {  	s29 =	smov.u32 @p2 s2;
	s0 =	simm.s32 @p4 $0x0;
	s30 =	sadd.s32 @!p2 $0x1B38, s30  }
0x260: {  	s0 =	smin.u32 @!p2 s0, $0xC34FF  }
0x261: {  	s2 =	sand.u32 @!p2 $0xFFFF8, s0;
	s31 =	sand.u32 @!p2 $0x7, s0  }
0x262: {  	s26 =	sadd.s32 $0x1, s26;
	s0 =	sadd.s32 @!p2 s1, s2  }
.LBB2_15:
0x263: {  	[tilespmem:s30], [sflag:$0x2] =	stream.linear.gather @!p2 [hbm4b:s0+s31], $0x2, $0x38;
	[tilespmem:$0x1F0E8] =	vst v63  }
0x264: {  	s31 =	sshll.u32 s29, $0x1  }
0x265: {  	s2 =	simm.s32 $0x2;
	s0 =	sand.u32 $0x3FFFFFFE, s31  }
0x266: {  	_ =	swait.ge [sflag:s2], s0  }
0x267: {  	s0 =	ssub.s32 $0x0, s0;
	[sflag:s2] =	ssyncset.done $0x0  }
0x268: {  	[sflag:s2] =	ssyncadd.s32 s0  }
0x269: {  	v1 =	vld.msk [tilespmem:s19+$0x0], $0x1;
	_ =	sdelay $0x4  }
0x26a: {  	(v2sf) =	vpush v1, $0x0;
	_ =	sdelay $0xe  }
0x26b: {  	s23 =	spop (v2sf)  }
0x26c: {  	p2 =	sne.s32 s24, s23  }
0x26d: {  	p4 =	sne.s32 @p2 s24, s20  }
0x26e: {  	p3 =	por !p4, !p2  }
0x26f: {  	s0 =	sshll.u32 @!p3 s18, $0x6;
	s2 =	simm.s32 @!p3 $0x0  }
0x270: {  	s0 =	sshra.s32 @!p3 s0, $0x2;
	v1 =	vld.msk @!p3 [tilespmem:s2+$0x1B38], $0x3  }
0x271: {  	v2 =	vld.msk @!p3 [tilespmem:s0+$0x28], $0x3;
	_ =	sdelay $0x1  }
0x272: {  	p5 =	sgt.u32 @!p3 s24, $0xC34FF  }
0x273: {  	p6 =	por @p2 p5, !p4  }
0x274: {  	p1 =	por p6, !p2;
	p6 =	por p4, !p2  }
0x275: {  	s26 =	sadd.s32 @!p3 $0x28, s0;
	s2 =	sand.u32 @!p1 $0xFFFF8, s24;
	s28 =	sshll.u32 @!p6 s18, $0x6;
	v1 =	vmax.f32 @!p3 v1, v2  }
0x276: {  	s24 =	sand.u32 @!p1 $0x7, s24;
	s2 =	sadd.s32 @!p1 s1, s2;
	[tilespmem:s0+$0x28] =	vst.msk @!p3 $0x3, v1;
	s0 =	sshra.s32 @!p6 s28, $0x2  }
0x277: {  	[hbm4b:s2+s24] =	stream.linear.scatter @!p1 [tilespmem:s26], [sflag:$0xA], $0x2, $0x38;
	[tilespmem:$0x1F0E8] =	vst v63  }
0x278: {  	s29 =	rddreg [dreg:$0x2];
	s0 =	sadd.s32 @!p6 $0x28, s0;
	s2 =	simm.s32 @!p6 $0x1  }
0x279: {  	[spmem:s29] =	stream.linear.scatter @!p6 [tilespmem:s0], [sflag:$0x1], $0x2, $0x38;
	[tilespmem:$0x1F0E8] =	vst v63  }
0x27a: {  	s0 =	sadd.s32 @p2 $0x1, s18;
	_ =	swait.ge @!p6 [sflag:s2], $0x2  }
0x27b: {  	s24 =	sshrl.u32 @p2 s0, $0x4;
	[sflag:s2] =	ssyncset.done @!p6 $0x0  }
0x27c: {  	s26 =	smulhi.u32 @p2 $0x97B425F, s24;
	[sflag:s2] =	ssyncadd.s32 @!p6 $0xFFFFFFFE  }
0x27d: {  	v1 =	vld.msk @p2 [tilespmem:s21+$0x0], $0x3  }
0x27e: {  	p1 =	por @p2 !p5, !p4;
	s24 =	sadd.s32 $0x1, s25;
	s2 =	smul.u32 @p2 $0x1B0, s26  }
0x27f: {  	p1 =	por !p1, !p2;
	p6 =	seq.s32 s24, $0x0  }
.Ltmp15:
0x280: {  	s26 =	simm.s32 @!p3 $0x0;
	s0 =	ssub.s32 @p2 s0, s2;
	(pc) =	sbr.rel @p6 .LBB2_17-.Ltmp15, $4  }
0x281: {  	s26 =	simm.s32 @!p1 $0x8;
	s28 =	sshll.u32 @p2 s0, $0x4  }
0x282: {  	s29 =	simm.s32 @p2 $0x1;
	s2 =	sshll.u32 @!p2 s18, $0x6;
	s26 =	sadd.s32 @!p3 $0x0, s26;
	[tilespmem:s28+$0x28] =	vst.msk @p2 $0x3, v1  }
0x283: {  	s25 =	simm.s32 $0x0;
	s26 =	smov.u32 @p3 s22;
	s28 =	sshra.s32 @!p2 s2, $0x2;
	v1 =	vld.msk @!p2 [tilespmem:s21+$0x0], $0x3  }
0x284: {  	s25 =	smov.u32 @p2 s29;
	s18 =	smov.u32 @p2 s0;
	s22 =	smov.u32 @p2 s26;
	v2 =	vld.msk @!p2 [tilespmem:s28+$0x28], $0x3  }
.LBB2_16:
0x285: {  	_ =	sdelay $0x3  }
0x286: {  	v1 =	vmax.f32 @!p2 v1, v2  }
0x287: {  	s19 =	sadd.s32 $0x1, s19;
	[tilespmem:s28+$0x28] =	vst.msk @!p2 $0x3, v1  }
0x288: {  	v1 =	vld.msk [tilespmem:s19+$0x0], $0x1;
	_ =	sdelay $0x4  }
0x289: {  	(v2sf) =	vpush v1, $0x0;
	_ =	sdelay $0xe  }
0x28a: {  	s26 =	smov.u32 s23;
	s23 =	spop (v2sf)  }
0x28b: {  	p2 =	sne.s32 s26, s23  }
0x28c: {  	p5 =	sne.s32 @p2 s26, s20  }
0x28d: {  	s0 =	sadd.s32 @p2 $0x1, s18;
	p4 =	por !p5, !p2  }
0x28e: {  	s28 =	sshll.u32 @!p2 s18, $0x6;
	s29 =	sadd.s32 @p2 $0x1, s25;
	s30 =	sshll.u32 @!p4 s25, $0x6  }
0x28f: {  	s2 =	sshrl.u32 @p2 s0, $0x4;
	s31 =	sshll.u32 @!p4 s18, $0x6;
	s30 =	sshra.s32 @!p4 s30, $0x2  }
0x290: {  	p1 =	sgt.u32 @!p4 s26, $0xC34FF;
	s2 =	smulhi.u32 @p2 $0x97B425F, s2;
	s31 =	sshra.s32 @!p4 s31, $0x2;
	v1 =	vld.msk @!p4 [tilespmem:s30+$0x1B38], $0x3  }
0x291: {  	s5 =	simm.s32 @!p4 $0x0;
	s25 =	smov.u32 @p2 s29;
	s29 =	rddreg [dreg:$0x2];
	v2 =	vld.msk @!p4 [tilespmem:s31+$0x28], $0x3  }
0x292: {  	p6 =	por @p2 p1, !p5;
	p1 =	por @p2 !p1, !p5;
	p5 =	por p5, !p2  }
0x293: {  	s30 =	sadd.s32 @!p4 $0x28, s31;
	p6 =	por p6, !p2;
	p1 =	por !p1, !p2  }
0x294: {  	s2 =	smul.u32 @p2 $0x1B0, s2;
	s10 =	sshll.u32 @!p5 s18, $0x6;
	s5 =	simm.s32 @!p1 $0x8  }
0x295: {  	s9 =	sand.u32 @!p6 $0xFFFF8, s26;
	s26 =	sand.u32 @!p6 $0x7, s26;
	s5 =	sadd.s32 @!p4 s5, s22  }
0x296: {  	s9 =	sadd.s32 @!p6 s1, s9;
	s0 =	ssub.s32 @p2 s0, s2;
	s5 =	smov.u32 @p4 s22;
	v1 =	vmax.f32 @!p4 v1, v2  }
0x297: {  	s2 =	sshll.u32 @p2 s0, $0x4;
	s22 =	smov.u32 @p2 s5;
	s5 =	sshra.s32 @!p5 s10, $0x2;
	[tilespmem:s31+$0x28] =	vst.msk @!p4 $0x3, v1  }
0x298: {  	[hbm4b:s9+s26] =	stream.linear.scatter @!p6 [tilespmem:s30], [sflag:$0xA], $0x2, $0x38;
	[tilespmem:$0x1F0E8] =	vst v63  }
0x299: {  	s18 =	smov.u32 @p2 s0;
	s0 =	sadd.s32 @!p5 $0x28, s5;
	s5 =	simm.s32 @!p5 $0x1  }
0x29a: {  	[spmem:s29] =	stream.linear.scatter @!p5 [tilespmem:s0], [sflag:$0x1], $0x2, $0x38;
	[tilespmem:$0x1F0E8] =	vst v63  }
0x29b: {  	_ =	swait.ge @!p5 [sflag:s5], $0x2  }
0x29c: {  	[sflag:s5] =	ssyncset.done @!p5 $0x0  }
0x29d: {  	s21 =	sadd.s32 $0x80, s21;
	[sflag:s5] =	ssyncadd.s32 @!p5 $0xFFFFFFFE  }
0x29e: {  	v1 =	vld.msk @p2 [tilespmem:s21+$0x0], $0x3  }
0x29f: {  	s24 =	sadd.s32 $0x1, s24  }
0x2a0: {  	p3 =	seq.s32 s24, $0x0  }
.Ltmp16:
0x2a1: {  	_ = 	snop;
	(pc) =	sbr.rel @!p3 .LBB2_16-.Ltmp16, $4  }
0x2a2: {  	_ = 	snop  }
0x2a3: {  	[tilespmem:s2+$0x28] =	vst.msk @p2 $0x3, v1  }
0x2a4: {  	s28 =	sshra.s32 @!p2 s28, $0x2;
	v1 =	vld.msk @!p2 [tilespmem:s21+$0x0], $0x3  }
0x2a5: {  	v2 =	vld.msk @!p2 [tilespmem:s28+$0x28], $0x3  }
.LBB2_17:
0x2a6: {  	_ = 	snop  }
.Ltmp17:
0x2a7: {  	_ = 	snop;
	(pc) =	sbr.rel .LBB2_19-.Ltmp17, $3  }
0x2a8: {  	s2 =	sld [smem:$0x7FD];
	_ =	sdelay $0x1  }
0x2a9: {  	v1 =	vmax.f32 @!p2 v1, v2  }
0x2aa: {  	s0 =	sshrl.u32 s22, $0x2;
	s24 =	smov.u32 s23;
	p4 =	seq.s32 s2, $0x1;
	[tilespmem:s28+$0x28] =	vst.msk @!p2 $0x3, v1  }
.LBB2_21:
0x2ab: {  	_ =	sfence.sel $0x180000  }
0x2ac: {  	s0 =	simm.s32 $0x7;
	[bflag:$0x0] =	sbarrier.arrive $0xFFFF  }
0x2ad: {  	s25 =	simm.s32 $0x8;
	[sflag:s0] =	ssyncpa.u1 $0x1  }
0x2ae: {  	s26 =	simm.s32 $0x9;
	[sflag:s25] =	ssyncpa.u1 $0x1  }
0x2af: {  	s28 =	simm.s32 $0x2;
	[sflag:s26] =	ssyncpa.u1 $0x1  }
0x2b0: {  	[sflag:s28] =	ssyncpa.u1 $0x1  }
0x2b1: {  	v0 =	vld [tilespmem:$0x3648];
	_ =	sdelay $0x4  }
0x2b2: {  	(v2sf) =	vpush v0, $0x0  }
0x2b3: {  	(v2sf) =	vpush v0, $0x1;
	_ =	sdelay $0x1  }
0x2b4: {  	(v2sf) =	vpush v0, $0x2;
	_ =	sdelay $0xb  }
0x2b5: {  	s0 =	spop (v2sf)  }
0x2b6: {  	s2 =	spop (v2sf)  }
0x2b7: {  	s3 =	smov.u32 s0;
	p0 =	sne.s32 s0, s2  }
0x2b8: {  	s4 =	spop (v2sf);
	s3 =	simm.s32 @!p0 $0xFFFFFFFF  }
0x2b9: {  	v2 =	vimm.s32 $0x1;
	v3 =	vlaneseq.u32;
	p0 =	seq.s32 s4, $0xFFFFFFFF;
	v1 =	vmov s3  }
0x2ba: {  	s7 =	stileid.u32;
	v0 =	vperm.xlane v0, v2;
	p1 =	sne.s32 @!p0 s0, s2;
	v1 =	vperm.xlane v1, v3  }
0x2bb: {  	vm0 =	vcmask $0x3F04;
	s6 =	simm.s32 $0x3648;
	s0 =	simm.s32 @!p0 $0x1;
	p1 =	por !p1, p0  }
0x2bc: {  	s3 =	sshll.u32 s7, $0x1;
	s2 =	sshll.u32 @!p0 s4, $0x6;
	s0 =	simm.s32 @p1 $0x0;
	v0 =	vsel vm0, v1, v0  }
0x2bd: {  	s5 =	sor.u32 $0x200, s3;
	s2 =	sshra.s32 @!p0 s2, $0x2;
	s0 =	sor.u32 @!p0 s0, s3;
	[tilespmem:$0x3648] =	vst v0  }
0x2be: {  	[spmem:s5] =	stream.linear.scatter [tilespmem:s6], [sflag:$0x1], $0x2, $0x38;
	[tilespmem:$0x1F0E8] =	vst v63  }
0x2bf: {  	s2 =	sadd.s32 @!p0 $0x28, s2;
	s0 =	sshll.u32 @!p0 s0, $0x4  }
0x2c0: {  	[spmem:s0] =	stream.linear.scatter @!p0 [tilespmem:s2], [sflag:$0x1], $0x10, $0x38;
	[tilespmem:$0x1F0E8] =	vst v63  }
0x2c1: {  	s0 =	simm.s32 @!p0 $0x12  }
0x2c2: {  	s3 =	simm.s32 $0x1;
	s0 =	simm.s32 @p0 $0x2  }
0x2c3: {  	_ =	swait.ge [sflag:s3], s0  }
0x2c4: {  	s0 =	ssub.s32 $0x0, s0;
	[sflag:s3] =	ssyncset.done $0x0  }
0x2c5: {  	[sflag:s3] =	ssyncadd.s32 s0  }
0x2c6: {  	_ =	sfence.stream.spmem  }
0x2c7: {  	s29 =	simm.s32 $0x3;
	[bflag:$0x0] =	sbarrier.arrive $0xFFFF  }
0x2c8: {  	s30 =	simm.s32 $0x4;
	[sflag:s29] =	ssyncpa.u1 $0x1  }
0x2c9: {  	s31 =	simm.s32 $0x3C;
	[sflag:s30] =	ssyncpa.u1 $0x1  }
0x2ca: {  	p0 =	sne.s32 s7, $0x0;
	[sflag:s31] =	ssyncpa.u1 $0x1  }
0x2cb: {  	_ =	sfence @p0  }
0x2cc: {  	[sflag:s3] =	ssyncpa.u1 @p0 $0x1  }
0x2cd: {  	_ =	strace @p0 $0x9000004A  }
0x2ce: {  	[bflag:$0x2] =	sbarrier.arrive @p0 $0xFFFF  }
0x2cf: {  	_ =	shalt @p0  }
.LBB2_22:
0x2d0: {  	_ =	sfence.stream.spmem;
	s0 =	simm.s32 $0x5  }
0x2d1: {  	s2 =	simm.s32 $0x200;
	s3 =	simm.s32 $0x3658;
	[sflag:s0] =	ssyncpa.u1 $0x0  }
0x2d2: {  	[tilespmem:s3], [sflag:$0x5] =	stream.linear.gather [spmem:s2], $0x20, $0x38;
	[tilespmem:$0x1F0E8] =	vst v63  }
0x2d3: {  	s30 =	simm.s32 $0x3678;
	s2 =	simm.s32 $0x0  }
0x2d4: {  	[tilespmem:s30], [sflag:$0x5] =	stream.linear.gather [spmem:s2], $0x200, $0x38;
	[tilespmem:$0x1F0E8] =	vst v63  }
.Ltmp18:
0x2d5: {  	_ = 	snop;
	(pc) =	sbr.rel .LBB2_23-.Ltmp18, $4  }
0x2d6: {  	_ =	swait.ge [sflag:s0], $0x220  }
0x2d7: {  	[sflag:s0] =	ssyncset.done $0x0  }
0x2d8: {  	s31 =	simm.s32 $0x6;
	[sflag:s0] =	ssyncadd.s32 $0xFFFFFDE0  }
0x2d9: {  	s3 =	simm.s32 $0x0;
	[sflag:s31] =	ssyncpa.u1 $0x0  }
.LBB2_28:
0x2da: {  	p0 =	slt.u32 s4, $0xC3500  }
0x2db: {  	s0 =	sand.u32 @p0 $0xFFFF8, s4  }
0x2dc: {  	s4 =	sand.u32 @p0 $0x7, s4;
	s5 =	simm.s32 @p0 $0x3638;
	s0 =	sadd.s32 @p0 s1, s0  }
0x2dd: {  	[tilespmem:s5], [sflag:$0x6] =	stream.linear.gather @p0 [hbm4b:s0+s4], $0x2, $0x38;
	[tilespmem:$0x1F0E8] =	vst v63  }
0x2de: {  	s0 =	simm.s32 @p0 $0x6  }
0x2df: {  	_ =	swait.ge @p0 [sflag:s0], $0x2  }
0x2e0: {  	[sflag:s0] =	ssyncset.done @p0 $0x0  }
0x2e1: {  	[sflag:s0] =	ssyncadd.s32 @p0 $0xFFFFFFFE;
	s0 =	sshll.u32 @p0 s3, $0x6  }
0x2e2: {  	v1 =	vld @p0 [tilespmem:$0x3638];
	s4 =	sshrl.u32 @p0 s0, $0x2  }
0x2e3: {  	v2 =	vld @p0 [tilespmem:s4+$0x3678];
	_ =	sdelay $0x4  }
0x2e4: {  	s5 =	sshll.u32 @!p0 s3, $0x6;
	v1 =	vmax.f32 @p0 v1, v2  }
0x2e5: {  	s5 =	smov.u32 @p0 s0;
	[tilespmem:s4+$0x3678] =	vst @p0 v1  }
0x2e6: {  	s0 =	sshrl.u32 s5, $0x2;
	[tilespmem:s2+$0x3658] =	vst.msk $0x1, v0  }
0x2e7: {  	v0 =	vld [tilespmem:s0+$0x3678];
	_ =	sdelay $0x2  }
0x2e8: {  	s31 =	sshll.u32 s2, $0x6  }
0x2e9: {  	s0 =	sshra.s32 s31, $0x2  }
0x2ea: {  	s2 =	sadd.s32 $0x1, s2;
	[tilespmem:s0+$0x3678] =	vst v0  }
.LBB2_30:
0x2eb: {  	s3 =	sadd.s32 $0x1, s3  }
0x2ec: {  	p0 =	sne.s32 s3, $0x20  }
.Ltmp19:
0x2ed: {  	_ = 	snop;
	(pc) =	sbr.rel @!p0 .LBB2_31-.Ltmp19, $1  }
0x2ee: {  	_ =	sdelay $0x3  }
.LBB2_23:
0x2ef: {  	v0 =	vld.msk [tilespmem:s3+$0x3658], $0x1;
	_ =	sdelay $0x4  }
0x2f0: {  	(v2sf) =	vpush v0, $0x0;
	_ =	sdelay $0xe  }
0x2f1: {  	s4 =	spop (v2sf)  }
0x2f2: {  	p0 =	seq.s32 s4, $0xFFFFFFFF  }
.Ltmp20:
0x2f3: {  	_ = 	snop;
	(pc) =	sbr.rel @p0 .LBB2_30-.Ltmp20, $1  }
0x2f4: {  	_ =	sdelay $0x3  }
0x2f5: {  	p0 =	slt.s32 s2, $0x1  }
.Ltmp21:
0x2f6: {  	_ = 	snop;
	(pc) =	sbr.rel @p0 .LBB2_28-.Ltmp21, $1  }
0x2f7: {  	_ =	sdelay $0x3  }
0x2f8: {  	s5 =	simm.s32 $0x3658;
	p0 =	por $0x0, $0x0  }
0x2f9: {  	v1 =	vld.msk @!p0 [tilespmem:s5+$0x0], $0x1;
	_ =	sdelay $0x4  }
0x2fa: {  	(v2sf) =	vpush @!p0 v1, $0x0;
	_ =	sdelay $0xd  }
0x2fb: {  	p2 =	sne.s32 s2, $0x1  }
.Ltmp22:
0x2fc: {  	s0 =	spop @!p0 (v2sf);
	(pc) =	sbr.rel @!p2 .LBB2_27-.Ltmp22, $4  }
0x2fd: {  	p1 =	seq.s32 @!p0 s4, s0  }
0x2fe: {  	s6 =	simm.s32 $0x0;
	p1 =	por !p1, p0  }
0x2ff: {  	s0 =	simm.s32 $0xFFFFFFFF;
	s6 =	simm.s32 @p1 $0xFFFFFFFF  }
0x300: {  	s7 =	simm.s32 $0x1;
	s6 =	smov.u32 @p0 s0  }
.LBB2_26:
0x301: {  	s0 =	smov.u32 s6;
	p0 =	sne.s32 s6, $0xFFFFFFFF  }
0x302: {  	s5 =	sadd.s32 $0x1, s5;
	s6 =	smov.u32 s7;
	s7 =	sadd.s32 $0x1, s7  }
0x303: {  	p1 =	sne.s32 s2, s7;
	v1 =	vld.msk @!p0 [tilespmem:s5+$0x0], $0x1;
	_ =	sdelay $0x4  }
0x304: {  	(v2sf) =	vpush @!p0 v1, $0x0;
	_ =	sdelay $0xe  }
.Ltmp23:
0x305: {  	s8 =	spop @!p0 (v2sf);
	(pc) =	sbr.rel @p1 .LBB2_26-.Ltmp23, $4  }
0x306: {  	p2 =	seq.s32 @!p0 s4, s8  }
0x307: {  	p2 =	por !p2, p0  }
0x308: {  	s6 =	simm.s32 @p2 $0xFFFFFFFF  }
0x309: {  	s6 =	smov.u32 @p0 s0  }
.LBB2_27:
0x30a: {  	p0 =	sne.s32 s6, $0xFFFFFFFF  }
.Ltmp24:
0x30b: {  	_ = 	snop;
	(pc) =	sbr.rel @!p0 .LBB2_28-.Ltmp24, $1  }
0x30c: {  	_ =	sdelay $0x3  }
0x30d: {  	s0 =	sshll.u32 s3, $0x4  }
0x30e: {  	s4 =	sshll.u32 s6, $0x6;
	s0 =	sand.u32 $0x3FFFFFF0, s0  }
0x30f: {  	s31 =	sshra.s32 s4, $0x2;
	v0 =	vld [tilespmem:s0+$0x3678]  }
0x310: {  	v1 =	vld [tilespmem:s31+$0x3678];
	_ =	sdelay $0x1  }
.Ltmp25:
0x311: {  	_ = 	snop;
	(pc) =	sbr.rel .LBB2_30-.Ltmp25, $3  }
0x312: {  	_ =	sdelay $0x1  }
0x313: {  	v0 =	vmax.f32 v0, v1  }
0x314: {  	[tilespmem:s31+$0x3678] =	vst v0  }
.LBB2_31:
0x315: {  	p0 =	slt.s32 s2, $0x1  }
.Ltmp26:
0x316: {  	_ = 	snop;
	(pc) =	sbr.rel @p0 .LBB2_35-.Ltmp26, $3  }
0x317: {  	_ =	sdelay $0x1  }
0x318: {  	s0 =	simm.s32 $0x6  }
0x319: {  	s3 =	simm.s32 $0x0;
	[sflag:s0] =	ssyncpa.u1 $0x1  }
0x31a: {  	s0 =	simm.s32 $0x3658  }
0x31b: {  	v0 =	vld.msk [tilespmem:s0+$0x0], $0x1;
	_ =	sdelay $0x4  }
0x31c: {  	(v2sf) =	vpush v0, $0x0;
	_ =	sdelay $0xd  }
0x31d: {  	s2 =	sadd.s32 $0xFFFFFFFF, s2  }
0x31e: {  	p1 =	sne.s32 s2, $0x0;
	s0 =	spop (v2sf)  }
.Ltmp27:
0x31f: {  	p0 =	sgt.u32 s0, $0xC34FF;
	(pc) =	sbr.rel @!p1 .LBB2_34-.Ltmp27, $4  }
0x320: {  	s4 =	simm.s32 $0x3678;
	s5 =	sand.u32 @!p0 $0xFFFF8, s0  }
0x321: {  	s6 =	simm.s32 $0x0;
	s0 =	sand.u32 @!p0 $0x7, s0;
	s5 =	sadd.s32 @!p0 s1, s5  }
0x322: {  	[hbm4b:s5+s0] =	stream.linear.scatter @!p0 [tilespmem:s4], [sflag:$0x5], $0x2, $0x38;
	[tilespmem:$0x1F0E8] =	vst v63  }
0x323: {  	s6 =	simm.s32 @!p0 $0x8;
	s5 =	simm.s32 $0x3659  }
.LBB2_33:
0x324: {  	v0 =	vld.msk [tilespmem:s5+$0x0], $0x1;
	s2 =	sadd.s32 $0xFFFFFFFF, s2;
	s3 =	sadd.s32 s3, s6  }
0x325: {  	p0 =	sne.s32 s2, $0x0;
	_ =	sdelay $0x3  }
0x326: {  	(v2sf) =	vpush v0, $0x0;
	_ =	sdelay $0xe  }
.Ltmp28:
0x327: {  	s0 =	spop (v2sf);
	(pc) =	sbr.rel @p0 .LBB2_33-.Ltmp28, $4  }
0x328: {  	s6 =	simm.s32 $0x0;
	p1 =	sgt.u32 s0, $0xC34FF  }
0x329: {  	s4 =	sadd.s32 $0x10, s4;
	s6 =	simm.s32 @!p1 $0x8;
	s7 =	sand.u32 @!p1 $0xFFFF8, s0  }
0x32a: {  	s5 =	sadd.s32 $0x1, s5;
	s0 =	sand.u32 @!p1 $0x7, s0;
	s7 =	sadd.s32 @!p1 s1, s7  }
0x32b: {  	[hbm4b:s7+s0] =	stream.linear.scatter @!p1 [tilespmem:s4], [sflag:$0x5], $0x2, $0x38;
	[tilespmem:$0x1F0E8] =	vst v63  }
.LBB2_34:
0x32c: {  	s0 =	sadd.s32 s3, s6  }
0x32d: {  	s3 =	sshrl.u32 s0, $0x2  }
.LBB2_35:
0x32e: {  	s0 =	simm.s32 $0x5  }
0x32f: {  	_ =	swait.ge [sflag:s0], s3  }
0x330: {  	s1 =	ssub.s32 $0x0, s3;
	[sflag:s0] =	ssyncset.done $0x0  }
0x331: {  	[sflag:s0] =	ssyncadd.s32 s1  }
0x332: {  	[sflag:s0] =	ssyncpa.u1 $0x1  }
0x333: {  	s30 =	simm.s32 $0x1;
	_ =	sfence  }
0x334: {  	[sflag:s30] =	ssyncpa.u1 $0x1  }
0x335: {  	_ =	strace $0x9000004A  }
0x336: {  	[bflag:$0x2] =	sbarrier.arrive $0xFFFF  }
0x337: {  	s31 =	rddreg [dreg:$0x1]  }
0x338: {  	s0 =	sadd.s32 $0x100000, s31  }
0x339: {  	[sflag:s0] =	ssyncadd.tile.s32 $0x1;
	_ =	shalt  }
.Lfunc_end2:
_tile_overlayer_lowered:
.L_overlay_start_2:
0x33a: {  	(tag) =	ssettag $0x2  }
0x33b: {  	s0 =	rddreg [dreg:$0x0];
	s2 =	stileid.u32  }
0x33c: {  	s1 =	rddreg [dreg:$0x1];
	p0 =	sne.s32 s2, $0x0  }
0x33d: {  	s3 =	rddreg [dreg:$0x2];
	[bflag:$0x3] =	sbarrier.arrive $0xFFFF;
	s2 =	simm.s32 @!p0 $0x1C01  }
0x33e: {  	[timem:s3], [sflag:s2] =	dma.local @!p0 [hbm:s0], s1  }
0x33f: {  	s0 =	simm.s32 @!p0 $0x1  }
0x340: {  	_ =	swait.ge @!p0 [sflag:s0], s1  }
0x341: {  	s1 =	ssub.s32 @!p0 $0x0, s1;
	[sflag:s0] =	ssyncset.done @!p0 $0x0  }
0x342: {  	[sflag:s0] =	ssyncadd.s32 @!p0 s1  }
0x343: {  	[bflag:$0x3] =	sbarrier.arrive $0xFFFF  }
0x344: {  	_ =	shalt  }

</sc_bundles>
